<compile_context>
chip_gen: v7x
topology: tpu7x:2x2x1
jax: 0.10.2.dev20260603
libtpu: 0.0.44.dev20260713+nightly
codegen_flags: <defaults>
</compile_context>

<pallas_src>
import functools

import jax
import jax.numpy as jnp
from jax import lax
from jax.experimental import pallas as pl
from jax.experimental.pallas import tpu as pltpu
from jax.experimental.pallas import tpu_sc as plsc

N = 10000
E = 320000
F_IN = 128
H = 128
OUT = 16
B = 64

NC = 2
NS = 16
NW = NC * NS
EP = E // NW
CH = 40
NCH = EP // CH
DEG_P = 10240
RPT = 624
TAIL = N - NS * RPT


NBUF = 5


def _make_sc_edge(with_deg):
  mesh = plsc.VectorSubcoreMesh(core_axis_name="c", subcore_axis_name="s")
  out_type = [jax.ShapeDtypeStruct((NC, N, H), jnp.float32)]
  scratch = [
      pltpu.VMEM((EP,), jnp.int32),
      pltpu.VMEM((NBUF, CH), jnp.int32),
      pltpu.VMEM_SHARED((N, H), jnp.float32),
  ]
  scratch += [pltpu.VMEM((CH, H), jnp.float32) for _ in range(NBUF)]
  scratch += [pltpu.SemaphoreType.DMA for _ in range(2 * NBUF)]
  if with_deg:
    out_type.append(jax.ShapeDtypeStruct((NC * N,), jnp.float32))
    scratch += [
        pltpu.VMEM((CH,), jnp.float32),
        pltpu.VMEM((208,), jnp.float32),
        pltpu.VMEM((RPT,), jnp.float32),
        pltpu.VMEM_SHARED((N,), jnp.float32),
    ]

  def body(y_hbm, src_hbm, dst_hbm, *rest):
    if with_deg:
      (acc_out, deg_out, sidx_all, didx_ring, acc_sh, *bufs) = rest
      rows = bufs[:NBUF]
      sems = bufs[NBUF:2 * NBUF]
      dsems = bufs[2 * NBUF:3 * NBUF]
      ones_v, zer_v, deg_buf, deg_sh = bufs[3 * NBUF:]
    else:
      (acc_out, sidx_all, didx_ring, acc_sh, *bufs) = rest
      rows = bufs[:NBUF]
      sems = bufs[NBUF:2 * NBUF]
      dsems = bufs[2 * NBUF:3 * NBUF]
    c = lax.axis_index("c")
    s = lax.axis_index("s")
    wid = s * NC + c

    zero16 = jnp.zeros((16,), jnp.float32)

    def zrow(r, carry):
      for k in range(H // 16):
        rows[0][r, pl.ds(k * 16, 16)] = zero16
      return carry
    lax.fori_loop(0, CH, zrow, 0)

    pltpu.sync_copy(src_hbm.at[pl.ds(wid * EP, EP)], sidx_all)

    base_r = s * RPT
    for k in range(RPT // CH):
      pltpu.sync_copy(rows[0], acc_sh.at[pl.ds(base_r + k * CH, CH)])
    rem = RPT % CH
    if rem:
      pltpu.sync_copy(rows[0].at[pl.ds(0, rem)],
                      acc_sh.at[pl.ds(base_r + (RPT // CH) * CH, rem)])

    @pl.when(s == 0)
    def _():
      pltpu.sync_copy(rows[0].at[pl.ds(0, TAIL)],
                      acc_sh.at[pl.ds(NS * RPT, TAIL)])

    if with_deg:
      ones16 = jnp.ones((16,), jnp.float32)
      ones_v[pl.ds(0, 16)] = ones16
      ones_v[pl.ds(16, 16)] = ones16
      ones_v[pl.ds(CH - 16, 16)] = ones16
      for k in range(208 // 16):
        zer_v[pl.ds(k * 16, 16)] = zero16
      for k in range(3):
        pltpu.sync_copy(zer_v, deg_sh.at[pl.ds(s * RPT + k * 208, 208)])

      @pl.when(s == 0)
      def _():
        pltpu.sync_copy(zer_v.at[pl.ds(0, TAIL)],
                        deg_sh.at[pl.ds(NS * RPT, TAIL)])

    plsc.subcore_barrier()

    def start_fetch(j, b):
      off = pl.multiple_of(j * CH, 8)
      pltpu.async_copy(y_hbm.at[sidx_all.at[pl.ds(off, CH)]],
                       rows[b], sems[b])
      pltpu.async_copy(dst_hbm.at[wid, j, 0], didx_ring.at[b], dsems[b])

    for b in range(NBUF):
      start_fetch(b, b)

    @pl.loop(0, NCH, step=NBUF)
    def _(j0):
      for b in range(NBUF):
        j = j0 + b
        pltpu.make_async_copy(y_hbm.at[sidx_all.at[pl.ds(0, CH)]],
                              rows[b], sems[b]).wait()
        pltpu.make_async_copy(dst_hbm.at[wid, 0, 0], didx_ring.at[b],
                              dsems[b]).wait()
        dj = didx_ring.at[b]
        pltpu.sync_copy(rows[b], acc_sh.at[dj], add=True)
        if with_deg:
          pltpu.sync_copy(ones_v, deg_sh.at[dj], add=True)

        @pl.when(j + NBUF < NCH)
        def _():
          start_fetch(j + NBUF, b)

    plsc.subcore_barrier()
    if with_deg:
      pltpu.sync_copy(deg_sh.at[pl.ds(s * RPT, RPT)], deg_buf)
      pltpu.sync_copy(deg_buf, deg_out.at[pl.ds(c * N + s * RPT, RPT)])

      @pl.when(s == 0)
      def _():
        pltpu.sync_copy(deg_sh.at[pl.ds(NS * RPT, TAIL)],
                        deg_buf.at[pl.ds(0, TAIL)])
        pltpu.sync_copy(deg_buf.at[pl.ds(0, TAIL)],
                        deg_out.at[pl.ds(c * N + NS * RPT, TAIL)])

    pltpu.sync_copy(acc_sh.at[pl.ds(base_r, RPT)],
                    acc_out.at[c, pl.ds(base_r, RPT)])

    @pl.when(s == 0)
    def _():
      pltpu.sync_copy(acc_sh.at[pl.ds(NS * RPT, TAIL)],
                      acc_out.at[c, pl.ds(NS * RPT, TAIL)])

  return pl.kernel(body, out_type=out_type, mesh=mesh, scratch_types=scratch)


_sc_edge_deg = _make_sc_edge(True)
_sc_edge = _make_sc_edge(False)

BLK = 1000
NB = N // BLK


def _dot_t(a, w):
  return lax.dot_general(a, w, (((1,), (1,)), ((), ())),
                         preferred_element_type=jnp.float32)


def _degsum_body(dp_ref, out_ref):
  out_ref[...] = jnp.sum(dp_ref[...], axis=0, keepdims=True)


def _degsum(degp):
  return pl.pallas_call(
      _degsum_body,
      grid=(1,),
      in_specs=[pl.BlockSpec((NC, N), lambda i: (0, 0))],
      out_specs=pl.BlockSpec((1, N), lambda i: (0, 0)),
      out_shape=jax.ShapeDtypeStruct((1, N), jnp.float32),
  )(degp)


def _pre_body(x_ref, wl_ref, wr_ref, y_ref, r_ref):
  xb = x_ref[...]
  y_ref[...] = _dot_t(xb, wl_ref[...])
  r_ref[...] = _dot_t(xb, wr_ref[...])


def _pre(x, Wl, Wr):
  return pl.pallas_call(
      _pre_body,
      grid=(NB,),
      in_specs=[
          pl.BlockSpec((BLK, F_IN), lambda i: (i, 0)),
          pl.BlockSpec((H, F_IN), lambda i: (0, 0)),
          pl.BlockSpec((H, F_IN), lambda i: (0, 0)),
      ],
      out_specs=[pl.BlockSpec((BLK, H), lambda i: (i, 0))] * 2,
      out_shape=[jax.ShapeDtypeStruct((N, H), jnp.float32)] * 2,
  )(x, Wl, Wr)


def _mid_body(a0, a1, d, r1, bl, wl_ref, wr_ref, y_ref, r_ref):
  deg = jnp.maximum(d[...], 1.0)
  h = jnp.maximum((a0[...] + a1[...]) / deg + bl[...] + r1[...], 0.0)
  y_ref[...] = _dot_t(h, wl_ref[...])
  r_ref[...] = _dot_t(h, wr_ref[...])


def _mid(a0, a1, d, r1, bl, Wl, Wr):
  row = pl.BlockSpec((BLK, H), lambda i: (i, 0))
  col = pl.BlockSpec((BLK, 1), lambda i: (i, 0))
  return pl.pallas_call(
      _mid_body,
      grid=(NB,),
      in_specs=[row, row, col, row,
                pl.BlockSpec((1, H), lambda i: (0, 0)),
                pl.BlockSpec((H, H), lambda i: (0, 0)),
                pl.BlockSpec((H, H), lambda i: (0, 0))],
      out_specs=[row, row],
      out_shape=[jax.ShapeDtypeStruct((N, H), jnp.float32)] * 2,
  )(a0, a1, d, r1, bl, Wl, Wr)


def _post_body(batch_smem, a0, a1, d, r2, bl, bcol, wlin, blin,
               out_ref, pool):
  i = pl.program_id(0)
  deg = jnp.maximum(d[...], 1.0)
  h = jnp.maximum((a0[...] + a1[...]) / deg + bl[...] + r2[...], 0.0)

  @pl.when(i == 0)
  def _():
    pool[...] = jnp.full((B, H), -jnp.inf, jnp.float32)

  g_lo = batch_smem[i * BLK]
  g_hi = batch_smem[i * BLK + BLK - 1]
  bc = bcol[...]
  for g in range(B):
    @pl.when((g >= g_lo) & (g <= g_hi))
    def _():
      red = jnp.max(jnp.where(bc == g, h, -jnp.inf), axis=0, keepdims=True)
      pool[pl.ds(g, 1), :] = jnp.maximum(pool[pl.ds(g, 1), :], red)

  @pl.when(i == NB - 1)
  def _():
    out_ref[...] = _dot_t(pool[...], wlin[...]) + blin[...]


def _post(batch, a0, a1, d, r2, bl, bcol, Wlin, blin):
  row = pl.BlockSpec((BLK, H), lambda i, b_s: (i, 0))
  col = pl.BlockSpec((BLK, 1), lambda i, b_s: (i, 0))
  grid_spec = pltpu.PrefetchScalarGridSpec(
      num_scalar_prefetch=1,
      grid=(NB,),
      in_specs=[row, row, col, row,
                pl.BlockSpec((1, H), lambda i, b_s: (0, 0)),
                col,
                pl.BlockSpec((OUT, H), lambda i, b_s: (0, 0)),
                pl.BlockSpec((1, OUT), lambda i, b_s: (0, 0))],
      out_specs=pl.BlockSpec((B, OUT), lambda i, b_s: (0, 0)),
      scratch_shapes=[pltpu.VMEM((B, H), jnp.float32)],
  )
  return pl.pallas_call(
      _post_body,
      grid_spec=grid_spec,
      out_shape=jax.ShapeDtypeStruct((B, OUT), jnp.float32),
  )(batch, a0, a1, d, r2, bl, bcol, Wlin, blin)


def kernel(x, edge_index, batch, W1l, b1l, W1r, W2l, b2l, W2r, Wlin, blin):
  src = edge_index[0]
  dst = edge_index[1]

  dst = dst.reshape(NW, NCH, 1, CH)
  y1, r1 = _pre(x, W1l, W1r)
  acc1, degp = _sc_edge_deg(y1, src, dst)
  deg = _degsum(degp.reshape(NC, N)).reshape(N, 1)
  y2, r2 = _mid(acc1[0], acc1[1], deg, r1, b1l.reshape(1, H), W2l, W2r)
  (acc2,) = _sc_edge(y2, src, dst)
  return _post(batch, acc2[0], acc2[1], deg, r2, b2l.reshape(1, H),
               batch.reshape(N, 1), Wlin, blin.reshape(1, OUT))

# --- scband reference (transcript-rebuilt; emitter-appended) ---
"""Pipeline reference for scband-my-gcn-33191507264279 (READ-ONLY COPY).

The authoritative reference and input builder live on the scoring server;
editing this copy changes nothing except your own understanding.
"""

import jax, jax.numpy as jnp
import numpy as np

N = 10000
E = 320000
F_IN = 128
H = 128
OUT = 16
B = 64


def setup_inputs(seed: int = 0) -> dict:
    key = jax.random.key(seed)
    ks = jax.random.split(key, 12)
    x = jax.random.normal(ks[0], (N, F_IN), dtype=jnp.float32)
    edge_index = jax.random.randint(ks[1], (2, E), 0, N, dtype=jnp.int32)
    batch = jnp.sort(jax.random.randint(ks[2], (N,), 0, B, dtype=jnp.int32))
    s_in = 1.0 / np.sqrt(F_IN)
    s_h = 1.0 / np.sqrt(H)
    # SAGEConv 1: lin_l (on aggregated neighbors, with bias), lin_r (on root, no bias)
    W1l = jax.random.normal(ks[3], (H, F_IN), dtype=jnp.float32) * s_in
    b1l = jax.random.normal(ks[4], (H,), dtype=jnp.float32) * s_in
    W1r = jax.random.normal(ks[5], (H, F_IN), dtype=jnp.float32) * s_in
    # SAGEConv 2
    W2l = jax.random.normal(ks[6], (H, H), dtype=jnp.float32) * s_h
    b2l = jax.random.normal(ks[7], (H,), dtype=jnp.float32) * s_h
    W2r = jax.random.normal(ks[8], (H, H), dtype=jnp.float32) * s_h
    # linear2
    Wlin = jax.random.normal(ks[9], (OUT, H), dtype=jnp.float32) * s_h
    blin = jax.random.normal(ks[10], (OUT,), dtype=jnp.float32) * s_h
    return {"x": x, "edge_index": edge_index, "batch": batch,
            "W1l": W1l, "b1l": b1l, "W1r": W1r,
            "W2l": W2l, "b2l": b2l, "W2r": W2r,
            "Wlin": Wlin, "blin": blin}


def _sage_conv(x, src, dst, Wl, bl, Wr):
    # PyG SAGEConv (aggr='mean'): out = lin_l(mean_{j in N(i)} x_j) + lin_r(x_i)
    msg = jnp.take(x, src, axis=0)
    agg = jax.ops.segment_sum(msg, dst, num_segments=N)
    deg = jax.ops.segment_sum(jnp.ones((src.shape[0], 1), dtype=x.dtype), dst, num_segments=N)
    agg = agg / jnp.maximum(deg, 1.0)
    return agg @ Wl.T + bl + x @ Wr.T


def reference(x, edge_index, batch, W1l, b1l, W1r, W2l, b2l, W2r, Wlin, blin):
    src = edge_index[0]
    dst = edge_index[1]
    h = _sage_conv(x, src, dst, W1l, b1l, W1r)
    h = jax.nn.relu(h)
    # dropout is identity in eval mode
    h = _sage_conv(h, src, dst, W2l, b2l, W2r)
    h = jax.nn.relu(h)
    # pool == 'max': global_max_pool over graph ids
    pooled = jax.ops.segment_max(h, batch, num_segments=B)
    out = pooled @ Wlin.T + blin
    return out

if __name__ == "__main__":
    import jax
    _d = setup_inputs()
    print(jax.jit(kernel)(*tuple(_d.values())))

</pallas_src>

<mosaic_0001>
#map = affine_map<(d0, d1) -> (0, 0)>
#map1 = affine_map<(d0, d1) -> (0)>
#map2 = affine_map<(d0, d1) -> (0, 0, 0, 0)>
#map3 = affine_map<(d0, d1) -> (0, 0, 0)>
module attributes {stable_mosaic.version = 14 : i64} {
  func.func @body(%arg0: i32, %arg1: i32, %arg2: memref<10000x128xf32, #tpu.memory_space<hbm>>, %arg3: memref<320000xi32, #tpu.memory_space<hbm>>, %arg4: memref<32x250x1x40xi32, #tpu.memory_space<hbm>>, %arg5: memref<2x10000x128xf32, #tpu.memory_space<hbm>>, %arg6: memref<10000xi32, #tpu.memory_space<vmem>>, %arg7: memref<5x40xi32, #tpu.memory_space<vmem>>, %arg8: memref<10000x128xf32, #tpu.memory_space<vmem_shared>>, %arg9: memref<40x128xf32, #tpu.memory_space<vmem>>, %arg10: memref<40x128xf32, #tpu.memory_space<vmem>>, %arg11: memref<40x128xf32, #tpu.memory_space<vmem>>, %arg12: memref<40x128xf32, #tpu.memory_space<vmem>>, %arg13: memref<40x128xf32, #tpu.memory_space<vmem>>, %arg14: memref<!tpu.dma_semaphore, #tpu.memory_space<semaphore_mem>>, %arg15: memref<!tpu.dma_semaphore, #tpu.memory_space<semaphore_mem>>, %arg16: memref<!tpu.dma_semaphore, #tpu.memory_space<semaphore_mem>>, %arg17: memref<!tpu.dma_semaphore, #tpu.memory_space<semaphore_mem>>, %arg18: memref<!tpu.dma_semaphore, #tpu.memory_space<semaphore_mem>>, %arg19: memref<!tpu.dma_semaphore, #tpu.memory_space<semaphore_mem>>, %arg20: memref<!tpu.dma_semaphore, #tpu.memory_space<semaphore_mem>>, %arg21: memref<!tpu.dma_semaphore, #tpu.memory_space<semaphore_mem>>, %arg22: memref<!tpu.dma_semaphore, #tpu.memory_space<semaphore_mem>>, %arg23: memref<!tpu.dma_semaphore, #tpu.memory_space<semaphore_mem>>) attributes {dimension_semantics = [#tpu.dimension_semantics<core_parallel>, #tpu.dimension_semantics<subcore_parallel>], iteration_bounds = array<i64: 2, 16>, scalar_prefetch = 0 : i64, scratch_operands = 18 : i64, tpu.core_type = #tpu.core_type<sc_vector_subcore>, window_params = [{transform_indices = #map}, {transform_indices = #map1}, {transform_indices = #map2}, {transform_indices = #map3}]} {
    %mul3A = arith.constant 2 : i32
    %mul3A_0 = arith.muli %arg1, %mul3A : i32
    %add3A = arith.addi %mul3A_0, %arg0 : i32
    %broadcast_in_dim3A = arith.constant 0.000000e+00 : f32
    %broadcast_in_dim3A_1 = vector.broadcast %broadcast_in_dim3A : f32 to vector<16xf32>
    %scan3A = arith.constant 0 : i32
    %scan3A_2 = arith.constant 0 : i32
    %scan3A_3 = arith.constant 40 : i32
    %scan3A_4 = arith.addi %scan3A_2, %scan3A_3 : i32
    %scan3A_5 = arith.constant 1 : i32
    scf.for %scan3A_159 = %scan3A_2 to %scan3A_4 step %scan3A_5  : i32 {
      %swap3A = arith.index_cast %scan3A_159 : i32 to index
      %swap3A_160 = arith.constant 0 : index
      %swap3A_161 = tpu.vector_load %arg9[%swap3A, %swap3A_160] {strides = array<i32>} : memref<40x128xf32, #tpu.memory_space<vmem>>, vector<1x16xf32>,
      %swap3A_162 = vector.shape_cast %swap3A_161 : vector<1x16xf32> to vector<16xf32>
      %swap3A_163 = vector.shape_cast %broadcast_in_dim3A_1 : vector<16xf32> to vector<1x16xf32>
      tpu.vector_store %arg9[%swap3A, %swap3A_160], %swap3A_163 {strides = array<i32>} : memref<40x128xf32, #tpu.memory_space<vmem>>, vector<1x16xf32>,
      %swap3A_164 = arith.index_cast %scan3A_159 : i32 to index
      %swap3A_165 = arith.constant 16 : index
      %swap3A_166 = tpu.vector_load %arg9[%swap3A_164, %swap3A_165] {strides = array<i32>} : memref<40x128xf32, #tpu.memory_space<vmem>>, vector<1x16xf32>,
      %swap3A_167 = vector.shape_cast %swap3A_166 : vector<1x16xf32> to vector<16xf32>
      %swap3A_168 = vector.shape_cast %broadcast_in_dim3A_1 : vector<16xf32> to vector<1x16xf32>
      tpu.vector_store %arg9[%swap3A_164, %swap3A_165], %swap3A_168 {strides = array<i32>} : memref<40x128xf32, #tpu.memory_space<vmem>>, vector<1x16xf32>,
      %swap3A_169 = arith.index_cast %scan3A_159 : i32 to index
      %swap3A_170 = arith.constant 32 : index
      %swap3A_171 = tpu.vector_load %arg9[%swap3A_169, %swap3A_170] {strides = array<i32>} : memref<40x128xf32, #tpu.memory_space<vmem>>, vector<1x16xf32>,
      %swap3A_172 = vector.shape_cast %swap3A_171 : vector<1x16xf32> to vector<16xf32>
      %swap3A_173 = vector.shape_cast %broadcast_in_dim3A_1 : vector<16xf32> to vector<1x16xf32>
      tpu.vector_store %arg9[%swap3A_169, %swap3A_170], %swap3A_173 {strides = array<i32>} : memref<40x128xf32, #tpu.memory_space<vmem>>, vector<1x16xf32>,
      %swap3A_174 = arith.index_cast %scan3A_159 : i32 to index
      %swap3A_175 = arith.constant 48 : index
      %swap3A_176 = tpu.vector_load %arg9[%swap3A_174, %swap3A_175] {strides = array<i32>} : memref<40x128xf32, #tpu.memory_space<vmem>>, vector<1x16xf32>,
      %swap3A_177 = vector.shape_cast %swap3A_176 : vector<1x16xf32> to vector<16xf32>
      %swap3A_178 = vector.shape_cast %broadcast_in_dim3A_1 : vector<16xf32> to vector<1x16xf32>
      tpu.vector_store %arg9[%swap3A_174, %swap3A_175], %swap3A_178 {strides = array<i32>} : memref<40x128xf32, #tpu.memory_space<vmem>>, vector<1x16xf32>,
      %swap3A_179 = arith.index_cast %scan3A_159 : i32 to index
      %swap3A_180 = arith.constant 64 : index
      %swap3A_181 = tpu.vector_load %arg9[%swap3A_179, %swap3A_180] {strides = array<i32>} : memref<40x128xf32, #tpu.memory_space<vmem>>, vector<1x16xf32>,
      %swap3A_182 = vector.shape_cast %swap3A_181 : vector<1x16xf32> to vector<16xf32>
      %swap3A_183 = vector.shape_cast %broadcast_in_dim3A_1 : vector<16xf32> to vector<1x16xf32>
      tpu.vector_store %arg9[%swap3A_179, %swap3A_180], %swap3A_183 {strides = array<i32>} : memref<40x128xf32, #tpu.memory_space<vmem>>, vector<1x16xf32>,
      %swap3A_184 = arith.index_cast %scan3A_159 : i32 to index
      %swap3A_185 = arith.constant 80 : index
      %swap3A_186 = tpu.vector_load %arg9[%swap3A_184, %swap3A_185] {strides = array<i32>} : memref<40x128xf32, #tpu.memory_space<vmem>>, vector<1x16xf32>,
      %swap3A_187 = vector.shape_cast %swap3A_186 : vector<1x16xf32> to vector<16xf32>
      %swap3A_188 = vector.shape_cast %broadcast_in_dim3A_1 : vector<16xf32> to vector<1x16xf32>
      tpu.vector_store %arg9[%swap3A_184, %swap3A_185], %swap3A_188 {strides = array<i32>} : memref<40x128xf32, #tpu.memory_space<vmem>>, vector<1x16xf32>,
      %swap3A_189 = arith.index_cast %scan3A_159 : i32 to index
      %swap3A_190 = arith.constant 96 : index
      %swap3A_191 = tpu.vector_load %arg9[%swap3A_189, %swap3A_190] {strides = array<i32>} : memref<40x128xf32, #tpu.memory_space<vmem>>, vector<1x16xf32>,
      %swap3A_192 = vector.shape_cast %swap3A_191 : vector<1x16xf32> to vector<16xf32>
      %swap3A_193 = vector.shape_cast %broadcast_in_dim3A_1 : vector<16xf32> to vector<1x16xf32>
      tpu.vector_store %arg9[%swap3A_189, %swap3A_190], %swap3A_193 {strides = array<i32>} : memref<40x128xf32, #tpu.memory_space<vmem>>, vector<1x16xf32>,
      %swap3A_194 = arith.index_cast %scan3A_159 : i32 to index
      %swap3A_195 = arith.constant 112 : index
      %swap3A_196 = tpu.vector_load %arg9[%swap3A_194, %swap3A_195] {strides = array<i32>} : memref<40x128xf32, #tpu.memory_space<vmem>>, vector<1x16xf32>,
      %swap3A_197 = vector.shape_cast %swap3A_196 : vector<1x16xf32> to vector<16xf32>
      %swap3A_198 = vector.shape_cast %broadcast_in_dim3A_1 : vector<16xf32> to vector<1x16xf32>
      tpu.vector_store %arg9[%swap3A_194, %swap3A_195], %swap3A_198 {strides = array<i32>} : memref<40x128xf32, #tpu.memory_space<vmem>>, vector<1x16xf32>,
    }
    %scan3A_6 = arith.constant 40 : i32
    %mul3A_7 = arith.constant 10000 : i32
    %mul3A_8 = arith.muli %add3A, %mul3A_7 : i32
    "tpu.region"() ({
      %run_scoped3A = tpu.sem_alloc : memref<!tpu.dma_semaphore, #tpu.memory_space<semaphore_mem>>
      %dma_start3A_159 = tpu.memref_slice %arg3[%mul3A_8] : memref<320000xi32, #tpu.memory_space<hbm>> -> memref<10000xi32, #tpu.memory_space<hbm>>
      %dma_start3A_160 = tpu.memref_slice %arg3[%mul3A_8] : memref<320000xi32, #tpu.memory_space<hbm>> -> memref<10000xi32, #tpu.memory_space<hbm>>
      tpu.enqueue_dma source(%dma_start3A_160 : memref<10000xi32, #tpu.memory_space<hbm>>) target(%arg6 : memref<10000xi32, #tpu.memory_space<vmem>>) target_semaphore(%run_scoped3A : memref<!tpu.dma_semaphore, #tpu.memory_space<semaphore_mem>>)
      %dma_wait3A = tpu.memref_slice %arg3[%mul3A_8] : memref<320000xi32, #tpu.memory_space<hbm>> -> memref<10000xi32, #tpu.memory_space<hbm>>
      %dma_wait3A_161 = tpu.memref_slice %arg3[%mul3A_8] : memref<320000xi32, #tpu.memory_space<hbm>> -> memref<10000xi32, #tpu.memory_space<hbm>>
      tpu.wait_dma2 semaphore(%run_scoped3A : memref<!tpu.dma_semaphore, #tpu.memory_space<semaphore_mem>>) src(%dma_wait3A_161 : memref<10000xi32, #tpu.memory_space<hbm>>) dst(%arg6 : memref<10000xi32, #tpu.memory_space<vmem>>)
      tpu.yield
    }) : () -> ()
    %mul3A_9 = arith.constant 624 : i32
    %mul3A_10 = arith.muli %arg1, %mul3A_9 : i32
    %add3A_11 = arith.constant 0 : i32
    %add3A_12 = arith.addi %mul3A_10, %add3A_11 : i32
    "tpu.region"() ({
      %run_scoped3A = tpu.sem_alloc : memref<!tpu.dma_semaphore, #tpu.memory_space<semaphore_mem>>
      %dma_start3A_159 = arith.constant 0 : i32
      %dma_start3A_160 = tpu.memref_slice %arg8[%add3A_12, %dma_start3A_159] : memref<10000x128xf32, #tpu.memory_space<vmem_shared>> -> memref<40x128xf32, #tpu.memory_space<vmem_shared>>
      %dma_start3A_161 = arith.constant 0 : i32
      %dma_start3A_162 = tpu.memref_slice %arg8[%add3A_12, %dma_start3A_161] : memref<10000x128xf32, #tpu.memory_space<vmem_shared>> -> memref<40x128xf32, #tpu.memory_space<vmem_shared>>
      tpu.enqueue_dma source(%arg9 : memref<40x128xf32, #tpu.memory_space<vmem>>) target(%dma_start3A_162 : memref<40x128xf32, #tpu.memory_space<vmem_shared>>) target_semaphore(%run_scoped3A : memref<!tpu.dma_semaphore, #tpu.memory_space<semaphore_mem>>)
      %dma_wait3A = arith.constant 0 : i32
      %dma_wait3A_163 = tpu.memref_slice %arg8[%add3A_12, %dma_wait3A] : memref<10000x128xf32, #tpu.memory_space<vmem_shared>> -> memref<40x128xf32, #tpu.memory_space<vmem_shared>>
      %dma_wait3A_164 = arith.constant 0 : i32
      %dma_wait3A_165 = tpu.memref_slice %arg8[%add3A_12, %dma_wait3A_164] : memref<10000x128xf32, #tpu.memory_space<vmem_shared>> -> memref<40x128xf32, #tpu.memory_space<vmem_shared>>
      tpu.wait_dma2 semaphore(%run_scoped3A : memref<!tpu.dma_semaphore, #tpu.memory_space<semaphore_mem>>) src(%arg9 : memref<40x128xf32, #tpu.memory_space<vmem>>) dst(%dma_wait3A_165 : memref<40x128xf32, #tpu.memory_space<vmem_shared>>)
      tpu.yield
    }) : () -> ()
    %add3A_13 = arith.constant 40 : i32
    %add3A_14 = arith.addi %mul3A_10, %add3A_13 : i32
    "tpu.region"() ({
      %run_scoped3A = tpu.sem_alloc : memref<!tpu.dma_semaphore, #tpu.memory_space<semaphore_mem>>
      %dma_start3A_159 = arith.constant 0 : i32
      %dma_start3A_160 = tpu.memref_slice %arg8[%add3A_14, %dma_start3A_159] : memref<10000x128xf32, #tpu.memory_space<vmem_shared>> -> memref<40x128xf32, #tpu.memory_space<vmem_shared>>
      %dma_start3A_161 = arith.constant 0 : i32
      %dma_start3A_162 = tpu.memref_slice %arg8[%add3A_14, %dma_start3A_161] : memref<10000x128xf32, #tpu.memory_space<vmem_shared>> -> memref<40x128xf32, #tpu.memory_space<vmem_shared>>
      tpu.enqueue_dma source(%arg9 : memref<40x128xf32, #tpu.memory_space<vmem>>) target(%dma_start3A_162 : memref<40x128xf32, #tpu.memory_space<vmem_shared>>) target_semaphore(%run_scoped3A : memref<!tpu.dma_semaphore, #tpu.memory_space<semaphore_mem>>)
      %dma_wait3A = arith.constant 0 : i32
      %dma_wait3A_163 = tpu.memref_slice %arg8[%add3A_14, %dma_wait3A] : memref<10000x128xf32, #tpu.memory_space<vmem_shared>> -> memref<40x128xf32, #tpu.memory_space<vmem_shared>>
      %dma_wait3A_164 = arith.constant 0 : i32
      %dma_wait3A_165 = tpu.memref_slice %arg8[%add3A_14, %dma_wait3A_164] : memref<10000x128xf32, #tpu.memory_space<vmem_shared>> -> memref<40x128xf32, #tpu.memory_space<vmem_shared>>
      tpu.wait_dma2 semaphore(%run_scoped3A : memref<!tpu.dma_semaphore, #tpu.memory_space<semaphore_mem>>) src(%arg9 : memref<40x128xf32, #tpu.memory_space<vmem>>) dst(%dma_wait3A_165 : memref<40x128xf32, #tpu.memory_space<vmem_shared>>)
      tpu.yield
    }) : () -> ()
    %add3A_15 = arith.constant 80 : i32
    %add3A_16 = arith.addi %mul3A_10, %add3A_15 : i32
    "tpu.region"() ({
      %run_scoped3A = tpu.sem_alloc : memref<!tpu.dma_semaphore, #tpu.memory_space<semaphore_mem>>
      %dma_start3A_159 = arith.constant 0 : i32
      %dma_start3A_160 = tpu.memref_slice %arg8[%add3A_16, %dma_start3A_159] : memref<10000x128xf32, #tpu.memory_space<vmem_shared>> -> memref<40x128xf32, #tpu.memory_space<vmem_shared>>
      %dma_start3A_161 = arith.constant 0 : i32
      %dma_start3A_162 = tpu.memref_slice %arg8[%add3A_16, %dma_start3A_161] : memref<10000x128xf32, #tpu.memory_space<vmem_shared>> -> memref<40x128xf32, #tpu.memory_space<vmem_shared>>
      tpu.enqueue_dma source(%arg9 : memref<40x128xf32, #tpu.memory_space<vmem>>) target(%dma_start3A_162 : memref<40x128xf32, #tpu.memory_space<vmem_shared>>) target_semaphore(%run_scoped3A : memref<!tpu.dma_semaphore, #tpu.memory_space<semaphore_mem>>)
      %dma_wait3A = arith.constant 0 : i32
      %dma_wait3A_163 = tpu.memref_slice %arg8[%add3A_16, %dma_wait3A] : memref<10000x128xf32, #tpu.memory_space<vmem_shared>> -> memref<40x128xf32, #tpu.memory_space<vmem_shared>>
      %dma_wait3A_164 = arith.constant 0 : i32
      %dma_wait3A_165 = tpu.memref_slice %arg8[%add3A_16, %dma_wait3A_164] : memref<10000x128xf32, #tpu.memory_space<vmem_shared>> -> memref<40x128xf32, #tpu.memory_space<vmem_shared>>
      tpu.wait_dma2 semaphore(%run_scoped3A : memref<!tpu.dma_semaphore, #tpu.memory_space<semaphore_mem>>) src(%arg9 : memref<40x128xf32, #tpu.memory_space<vmem>>) dst(%dma_wait3A_165 : memref<40x128xf32, #tpu.memory_space<vmem_shared>>)
      tpu.yield
    }) : () -> ()
    %add3A_17 = arith.constant 120 : i32
    %add3A_18 = arith.addi %mul3A_10, %add3A_17 : i32
    "tpu.region"() ({
      %run_scoped3A = tpu.sem_alloc : memref<!tpu.dma_semaphore, #tpu.memory_space<semaphore_mem>>
      %dma_start3A_159 = arith.constant 0 : i32
      %dma_start3A_160 = tpu.memref_slice %arg8[%add3A_18, %dma_start3A_159] : memref<10000x128xf32, #tpu.memory_space<vmem_shared>> -> memref<40x128xf32, #tpu.memory_space<vmem_shared>>
      %dma_start3A_161 = arith.constant 0 : i32
      %dma_start3A_162 = tpu.memref_slice %arg8[%add3A_18, %dma_start3A_161] : memref<10000x128xf32, #tpu.memory_space<vmem_shared>> -> memref<40x128xf32, #tpu.memory_space<vmem_shared>>
      tpu.enqueue_dma source(%arg9 : memref<40x128xf32, #tpu.memory_space<vmem>>) target(%dma_start3A_162 : memref<40x128xf32, #tpu.memory_space<vmem_shared>>) target_semaphore(%run_scoped3A : memref<!tpu.dma_semaphore, #tpu.memory_space<semaphore_mem>>)
      %dma_wait3A = arith.constant 0 : i32
      %dma_wait3A_163 = tpu.memref_slice %arg8[%add3A_18, %dma_wait3A] : memref<10000x128xf32, #tpu.memory_space<vmem_shared>> -> memref<40x128xf32, #tpu.memory_space<vmem_shared>>
      %dma_wait3A_164 = arith.constant 0 : i32
      %dma_wait3A_165 = tpu.memref_slice %arg8[%add3A_18, %dma_wait3A_164] : memref<10000x128xf32, #tpu.memory_space<vmem_shared>> -> memref<40x128xf32, #tpu.memory_space<vmem_shared>>
      tpu.wait_dma2 semaphore(%run_scoped3A : memref<!tpu.dma_semaphore, #tpu.memory_space<semaphore_mem>>) src(%arg9 : memref<40x128xf32, #tpu.memory_space<vmem>>) dst(%dma_wait3A_165 : memref<40x128xf32, #tpu.memory_space<vmem_shared>>)
      tpu.yield
    }) : () -> ()
    %add3A_19 = arith.constant 160 : i32
    %add3A_20 = arith.addi %mul3A_10, %add3A_19 : i32
    "tpu.region"() ({
      %run_scoped3A = tpu.sem_alloc : memref<!tpu.dma_semaphore, #tpu.memory_space<semaphore_mem>>
      %dma_start3A_159 = arith.constant 0 : i32
      %dma_start3A_160 = tpu.memref_slice %arg8[%add3A_20, %dma_start3A_159] : memref<10000x128xf32, #tpu.memory_space<vmem_shared>> -> memref<40x128xf32, #tpu.memory_space<vmem_shared>>
      %dma_start3A_161 = arith.constant 0 : i32
      %dma_start3A_162 = tpu.memref_slice %arg8[%add3A_20, %dma_start3A_161] : memref<10000x128xf32, #tpu.memory_space<vmem_shared>> -> memref<40x128xf32, #tpu.memory_space<vmem_shared>>
      tpu.enqueue_dma source(%arg9 : memref<40x128xf32, #tpu.memory_space<vmem>>) target(%dma_start3A_162 : memref<40x128xf32, #tpu.memory_space<vmem_shared>>) target_semaphore(%run_scoped3A : memref<!tpu.dma_semaphore, #tpu.memory_space<semaphore_mem>>)
      %dma_wait3A = arith.constant 0 : i32
      %dma_wait3A_163 = tpu.memref_slice %arg8[%add3A_20, %dma_wait3A] : memref<10000x128xf32, #tpu.memory_space<vmem_shared>> -> memref<40x128xf32, #tpu.memory_space<vmem_shared>>
      %dma_wait3A_164 = arith.constant 0 : i32
      %dma_wait3A_165 = tpu.memref_slice %arg8[%add3A_20, %dma_wait3A_164] : memref<10000x128xf32, #tpu.memory_space<vmem_shared>> -> memref<40x128xf32, #tpu.memory_space<vmem_shared>>
      tpu.wait_dma2 semaphore(%run_scoped3A : memref<!tpu.dma_semaphore, #tpu.memory_space<semaphore_mem>>) src(%arg9 : memref<40x128xf32, #tpu.memory_space<vmem>>) dst(%dma_wait3A_165 : memref<40x128xf32, #tpu.memory_space<vmem_shared>>)
      tpu.yield
    }) : () -> ()
    %add3A_21 = arith.constant 200 : i32
    %add3A_22 = arith.addi %mul3A_10, %add3A_21 : i32
    "tpu.region"() ({
      %run_scoped3A = tpu.sem_alloc : memref<!tpu.dma_semaphore, #tpu.memory_space<semaphore_mem>>
      %dma_start3A_159 = arith.constant 0 : i32
      %dma_start3A_160 = tpu.memref_slice %arg8[%add3A_22, %dma_start3A_159] : memref<10000x128xf32, #tpu.memory_space<vmem_shared>> -> memref<40x128xf32, #tpu.memory_space<vmem_shared>>
      %dma_start3A_161 = arith.constant 0 : i32
      %dma_start3A_162 = tpu.memref_slice %arg8[%add3A_22, %dma_start3A_161] : memref<10000x128xf32, #tpu.memory_space<vmem_shared>> -> memref<40x128xf32, #tpu.memory_space<vmem_shared>>
      tpu.enqueue_dma source(%arg9 : memref<40x128xf32, #tpu.memory_space<vmem>>) target(%dma_start3A_162 : memref<40x128xf32, #tpu.memory_space<vmem_shared>>) target_semaphore(%run_scoped3A : memref<!tpu.dma_semaphore, #tpu.memory_space<semaphore_mem>>)
      %dma_wait3A = arith.constant 0 : i32
      %dma_wait3A_163 = tpu.memref_slice %arg8[%add3A_22, %dma_wait3A] : memref<10000x128xf32, #tpu.memory_space<vmem_shared>> -> memref<40x128xf32, #tpu.memory_space<vmem_shared>>
      %dma_wait3A_164 = arith.constant 0 : i32
      %dma_wait3A_165 = tpu.memref_slice %arg8[%add3A_22, %dma_wait3A_164] : memref<10000x128xf32, #tpu.memory_space<vmem_shared>> -> memref<40x128xf32, #tpu.memory_space<vmem_shared>>
      tpu.wait_dma2 semaphore(%run_scoped3A : memref<!tpu.dma_semaphore, #tpu.memory_space<semaphore_mem>>) src(%arg9 : memref<40x128xf32, #tpu.memory_space<vmem>>) dst(%dma_wait3A_165 : memref<40x128xf32, #tpu.memory_space<vmem_shared>>)
      tpu.yield
    }) : () -> ()
    %add3A_23 = arith.constant 240 : i32
    %add3A_24 = arith.addi %mul3A_10, %add3A_23 : i32
    "tpu.region"() ({
      %run_scoped3A = tpu.sem_alloc : memref<!tpu.dma_semaphore, #tpu.memory_space<semaphore_mem>>
      %dma_start3A_159 = arith.constant 0 : i32
      %dma_start3A_160 = tpu.memref_slice %arg8[%add3A_24, %dma_start3A_159] : memref<10000x128xf32, #tpu.memory_space<vmem_shared>> -> memref<40x128xf32, #tpu.memory_space<vmem_shared>>
      %dma_start3A_161 = arith.constant 0 : i32
      %dma_start3A_162 = tpu.memref_slice %arg8[%add3A_24, %dma_start3A_161] : memref<10000x128xf32, #tpu.memory_space<vmem_shared>> -> memref<40x128xf32, #tpu.memory_space<vmem_shared>>
      tpu.enqueue_dma source(%arg9 : memref<40x128xf32, #tpu.memory_space<vmem>>) target(%dma_start3A_162 : memref<40x128xf32, #tpu.memory_space<vmem_shared>>) target_semaphore(%run_scoped3A : memref<!tpu.dma_semaphore, #tpu.memory_space<semaphore_mem>>)
      %dma_wait3A = arith.constant 0 : i32
      %dma_wait3A_163 = tpu.memref_slice %arg8[%add3A_24, %dma_wait3A] : memref<10000x128xf32, #tpu.memory_space<vmem_shared>> -> memref<40x128xf32, #tpu.memory_space<vmem_shared>>
      %dma_wait3A_164 = arith.constant 0 : i32
      %dma_wait3A_165 = tpu.memref_slice %arg8[%add3A_24, %dma_wait3A_164] : memref<10000x128xf32, #tpu.memory_space<vmem_shared>> -> memref<40x128xf32, #tpu.memory_space<vmem_shared>>
      tpu.wait_dma2 semaphore(%run_scoped3A : memref<!tpu.dma_semaphore, #tpu.memory_space<semaphore_mem>>) src(%arg9 : memref<40x128xf32, #tpu.memory_space<vmem>>) dst(%dma_wait3A_165 : memref<40x128xf32, #tpu.memory_space<vmem_shared>>)
      tpu.yield
    }) : () -> ()
    %add3A_25 = arith.constant 280 : i32
    %add3A_26 = arith.addi %mul3A_10, %add3A_25 : i32
    "tpu.region"() ({
      %run_scoped3A = tpu.sem_alloc : memref<!tpu.dma_semaphore, #tpu.memory_space<semaphore_mem>>
      %dma_start3A_159 = arith.constant 0 : i32
      %dma_start3A_160 = tpu.memref_slice %arg8[%add3A_26, %dma_start3A_159] : memref<10000x128xf32, #tpu.memory_space<vmem_shared>> -> memref<40x128xf32, #tpu.memory_space<vmem_shared>>
      %dma_start3A_161 = arith.constant 0 : i32
      %dma_start3A_162 = tpu.memref_slice %arg8[%add3A_26, %dma_start3A_161] : memref<10000x128xf32, #tpu.memory_space<vmem_shared>> -> memref<40x128xf32, #tpu.memory_space<vmem_shared>>
      tpu.enqueue_dma source(%arg9 : memref<40x128xf32, #tpu.memory_space<vmem>>) target(%dma_start3A_162 : memref<40x128xf32, #tpu.memory_space<vmem_shared>>) target_semaphore(%run_scoped3A : memref<!tpu.dma_semaphore, #tpu.memory_space<semaphore_mem>>)
      %dma_wait3A = arith.constant 0 : i32
      %dma_wait3A_163 = tpu.memref_slice %arg8[%add3A_26, %dma_wait3A] : memref<10000x128xf32, #tpu.memory_space<vmem_shared>> -> memref<40x128xf32, #tpu.memory_space<vmem_shared>>
      %dma_wait3A_164 = arith.constant 0 : i32
      %dma_wait3A_165 = tpu.memref_slice %arg8[%add3A_26, %dma_wait3A_164] : memref<10000x128xf32, #tpu.memory_space<vmem_shared>> -> memref<40x128xf32, #tpu.memory_space<vmem_shared>>
      tpu.wait_dma2 semaphore(%run_scoped3A : memref<!tpu.dma_semaphore, #tpu.memory_space<semaphore_mem>>) src(%arg9 : memref<40x128xf32, #tpu.memory_space<vmem>>) dst(%dma_wait3A_165 : memref<40x128xf32, #tpu.memory_space<vmem_shared>>)
      tpu.yield
    }) : () -> ()
    %add3A_27 = arith.constant 320 : i32
    %add3A_28 = arith.addi %mul3A_10, %add3A_27 : i32
    "tpu.region"() ({
      %run_scoped3A = tpu.sem_alloc : memref<!tpu.dma_semaphore, #tpu.memory_space<semaphore_mem>>
      %dma_start3A_159 = arith.constant 0 : i32
      %dma_start3A_160 = tpu.memref_slice %arg8[%add3A_28, %dma_start3A_159] : memref<10000x128xf32, #tpu.memory_space<vmem_shared>> -> memref<40x128xf32, #tpu.memory_space<vmem_shared>>
      %dma_start3A_161 = arith.constant 0 : i32
      %dma_start3A_162 = tpu.memref_slice %arg8[%add3A_28, %dma_start3A_161] : memref<10000x128xf32, #tpu.memory_space<vmem_shared>> -> memref<40x128xf32, #tpu.memory_space<vmem_shared>>
      tpu.enqueue_dma source(%arg9 : memref<40x128xf32, #tpu.memory_space<vmem>>) target(%dma_start3A_162 : memref<40x128xf32, #tpu.memory_space<vmem_shared>>) target_semaphore(%run_scoped3A : memref<!tpu.dma_semaphore, #tpu.memory_space<semaphore_mem>>)
      %dma_wait3A = arith.constant 0 : i32
      %dma_wait3A_163 = tpu.memref_slice %arg8[%add3A_28, %dma_wait3A] : memref<10000x128xf32, #tpu.memory_space<vmem_shared>> -> memref<40x128xf32, #tpu.memory_space<vmem_shared>>
      %dma_wait3A_164 = arith.constant 0 : i32
      %dma_wait3A_165 = tpu.memref_slice %arg8[%add3A_28, %dma_wait3A_164] : memref<10000x128xf32, #tpu.memory_space<vmem_shared>> -> memref<40x128xf32, #tpu.memory_space<vmem_shared>>
      tpu.wait_dma2 semaphore(%run_scoped3A : memref<!tpu.dma_semaphore, #tpu.memory_space<semaphore_mem>>) src(%arg9 : memref<40x128xf32, #tpu.memory_space<vmem>>) dst(%dma_wait3A_165 : memref<40x128xf32, #tpu.memory_space<vmem_shared>>)
      tpu.yield
    }) : () -> ()
    %add3A_29 = arith.constant 360 : i32
    %add3A_30 = arith.addi %mul3A_10, %add3A_29 : i32
    "tpu.region"() ({
      %run_scoped3A = tpu.sem_alloc : memref<!tpu.dma_semaphore, #tpu.memory_space<semaphore_mem>>
      %dma_start3A_159 = arith.constant 0 : i32
      %dma_start3A_160 = tpu.memref_slice %arg8[%add3A_30, %dma_start3A_159] : memref<10000x128xf32, #tpu.memory_space<vmem_shared>> -> memref<40x128xf32, #tpu.memory_space<vmem_shared>>
      %dma_start3A_161 = arith.constant 0 : i32
      %dma_start3A_162 = tpu.memref_slice %arg8[%add3A_30, %dma_start3A_161] : memref<10000x128xf32, #tpu.memory_space<vmem_shared>> -> memref<40x128xf32, #tpu.memory_space<vmem_shared>>
      tpu.enqueue_dma source(%arg9 : memref<40x128xf32, #tpu.memory_space<vmem>>) target(%dma_start3A_162 : memref<40x128xf32, #tpu.memory_space<vmem_shared>>) target_semaphore(%run_scoped3A : memref<!tpu.dma_semaphore, #tpu.memory_space<semaphore_mem>>)
      %dma_wait3A = arith.constant 0 : i32
      %dma_wait3A_163 = tpu.memref_slice %arg8[%add3A_30, %dma_wait3A] : memref<10000x128xf32, #tpu.memory_space<vmem_shared>> -> memref<40x128xf32, #tpu.memory_space<vmem_shared>>
      %dma_wait3A_164 = arith.constant 0 : i32
      %dma_wait3A_165 = tpu.memref_slice %arg8[%add3A_30, %dma_wait3A_164] : memref<10000x128xf32, #tpu.memory_space<vmem_shared>> -> memref<40x128xf32, #tpu.memory_space<vmem_shared>>
      tpu.wait_dma2 semaphore(%run_scoped3A : memref<!tpu.dma_semaphore, #tpu.memory_space<semaphore_mem>>) src(%arg9 : memref<40x128xf32, #tpu.memory_space<vmem>>) dst(%dma_wait3A_165 : memref<40x128xf32, #tpu.memory_space<vmem_shared>>)
      tpu.yield
    }) : () -> ()
    %add3A_31 = arith.constant 400 : i32
    %add3A_32 = arith.addi %mul3A_10, %add3A_31 : i32
    "tpu.region"() ({
      %run_scoped3A = tpu.sem_alloc : memref<!tpu.dma_semaphore, #tpu.memory_space<semaphore_mem>>
      %dma_start3A_159 = arith.constant 0 : i32
      %dma_start3A_160 = tpu.memref_slice %arg8[%add3A_32, %dma_start3A_159] : memref<10000x128xf32, #tpu.memory_space<vmem_shared>> -> memref<40x128xf32, #tpu.memory_space<vmem_shared>>
      %dma_start3A_161 = arith.constant 0 : i32
      %dma_start3A_162 = tpu.memref_slice %arg8[%add3A_32, %dma_start3A_161] : memref<10000x128xf32, #tpu.memory_space<vmem_shared>> -> memref<40x128xf32, #tpu.memory_space<vmem_shared>>
      tpu.enqueue_dma source(%arg9 : memref<40x128xf32, #tpu.memory_space<vmem>>) target(%dma_start3A_162 : memref<40x128xf32, #tpu.memory_space<vmem_shared>>) target_semaphore(%run_scoped3A : memref<!tpu.dma_semaphore, #tpu.memory_space<semaphore_mem>>)
      %dma_wait3A = arith.constant 0 : i32
      %dma_wait3A_163 = tpu.memref_slice %arg8[%add3A_32, %dma_wait3A] : memref<10000x128xf32, #tpu.memory_space<vmem_shared>> -> memref<40x128xf32, #tpu.memory_space<vmem_shared>>
      %dma_wait3A_164 = arith.constant 0 : i32
      %dma_wait3A_165 = tpu.memref_slice %arg8[%add3A_32, %dma_wait3A_164] : memref<10000x128xf32, #tpu.memory_space<vmem_shared>> -> memref<40x128xf32, #tpu.memory_space<vmem_shared>>
      tpu.wait_dma2 semaphore(%run_scoped3A : memref<!tpu.dma_semaphore, #tpu.memory_space<semaphore_mem>>) src(%arg9 : memref<40x128xf32, #tpu.memory_space<vmem>>) dst(%dma_wait3A_165 : memref<40x128xf32, #tpu.memory_space<vmem_shared>>)
      tpu.yield
    }) : () -> ()
    %add3A_33 = arith.constant 440 : i32
    %add3A_34 = arith.addi %mul3A_10, %add3A_33 : i32
    "tpu.region"() ({
      %run_scoped3A = tpu.sem_alloc : memref<!tpu.dma_semaphore, #tpu.memory_space<semaphore_mem>>
      %dma_start3A_159 = arith.constant 0 : i32
      %dma_start3A_160 = tpu.memref_slice %arg8[%add3A_34, %dma_start3A_159] : memref<10000x128xf32, #tpu.memory_space<vmem_shared>> -> memref<40x128xf32, #tpu.memory_space<vmem_shared>>
      %dma_start3A_161 = arith.constant 0 : i32
      %dma_start3A_162 = tpu.memref_slice %arg8[%add3A_34, %dma_start3A_161] : memref<10000x128xf32, #tpu.memory_space<vmem_shared>> -> memref<40x128xf32, #tpu.memory_space<vmem_shared>>
      tpu.enqueue_dma source(%arg9 : memref<40x128xf32, #tpu.memory_space<vmem>>) target(%dma_start3A_162 : memref<40x128xf32, #tpu.memory_space<vmem_shared>>) target_semaphore(%run_scoped3A : memref<!tpu.dma_semaphore, #tpu.memory_space<semaphore_mem>>)
      %dma_wait3A = arith.constant 0 : i32
      %dma_wait3A_163 = tpu.memref_slice %arg8[%add3A_34, %dma_wait3A] : memref<10000x128xf32, #tpu.memory_space<vmem_shared>> -> memref<40x128xf32, #tpu.memory_space<vmem_shared>>
      %dma_wait3A_164 = arith.constant 0 : i32
      %dma_wait3A_165 = tpu.memref_slice %arg8[%add3A_34, %dma_wait3A_164] : memref<10000x128xf32, #tpu.memory_space<vmem_shared>> -> memref<40x128xf32, #tpu.memory_space<vmem_shared>>
      tpu.wait_dma2 semaphore(%run_scoped3A : memref<!tpu.dma_semaphore, #tpu.memory_space<semaphore_mem>>) src(%arg9 : memref<40x128xf32, #tpu.memory_space<vmem>>) dst(%dma_wait3A_165 : memref<40x128xf32, #tpu.memory_space<vmem_shared>>)
      tpu.yield
    }) : () -> ()
    %add3A_35 = arith.constant 480 : i32
    %add3A_36 = arith.addi %mul3A_10, %add3A_35 : i32
    "tpu.region"() ({
      %run_scoped3A = tpu.sem_alloc : memref<!tpu.dma_semaphore, #tpu.memory_space<semaphore_mem>>
      %dma_start3A_159 = arith.constant 0 : i32
      %dma_start3A_160 = tpu.memref_slice %arg8[%add3A_36, %dma_start3A_159] : memref<10000x128xf32, #tpu.memory_space<vmem_shared>> -> memref<40x128xf32, #tpu.memory_space<vmem_shared>>
      %dma_start3A_161 = arith.constant 0 : i32
      %dma_start3A_162 = tpu.memref_slice %arg8[%add3A_36, %dma_start3A_161] : memref<10000x128xf32, #tpu.memory_space<vmem_shared>> -> memref<40x128xf32, #tpu.memory_space<vmem_shared>>
      tpu.enqueue_dma source(%arg9 : memref<40x128xf32, #tpu.memory_space<vmem>>) target(%dma_start3A_162 : memref<40x128xf32, #tpu.memory_space<vmem_shared>>) target_semaphore(%run_scoped3A : memref<!tpu.dma_semaphore, #tpu.memory_space<semaphore_mem>>)
      %dma_wait3A = arith.constant 0 : i32
      %dma_wait3A_163 = tpu.memref_slice %arg8[%add3A_36, %dma_wait3A] : memref<10000x128xf32, #tpu.memory_space<vmem_shared>> -> memref<40x128xf32, #tpu.memory_space<vmem_shared>>
      %dma_wait3A_164 = arith.constant 0 : i32
      %dma_wait3A_165 = tpu.memref_slice %arg8[%add3A_36, %dma_wait3A_164] : memref<10000x128xf32, #tpu.memory_space<vmem_shared>> -> memref<40x128xf32, #tpu.memory_space<vmem_shared>>
      tpu.wait_dma2 semaphore(%run_scoped3A : memref<!tpu.dma_semaphore, #tpu.memory_space<semaphore_mem>>) src(%arg9 : memref<40x128xf32, #tpu.memory_space<vmem>>) dst(%dma_wait3A_165 : memref<40x128xf32, #tpu.memory_space<vmem_shared>>)
      tpu.yield
    }) : () -> ()
    %add3A_37 = arith.constant 520 : i32
    %add3A_38 = arith.addi %mul3A_10, %add3A_37 : i32
    "tpu.region"() ({
      %run_scoped3A = tpu.sem_alloc : memref<!tpu.dma_semaphore, #tpu.memory_space<semaphore_mem>>
      %dma_start3A_159 = arith.constant 0 : i32
      %dma_start3A_160 = tpu.memref_slice %arg8[%add3A_38, %dma_start3A_159] : memref<10000x128xf32, #tpu.memory_space<vmem_shared>> -> memref<40x128xf32, #tpu.memory_space<vmem_shared>>
      %dma_start3A_161 = arith.constant 0 : i32
      %dma_start3A_162 = tpu.memref_slice %arg8[%add3A_38, %dma_start3A_161] : memref<10000x128xf32, #tpu.memory_space<vmem_shared>> -> memref<40x128xf32, #tpu.memory_space<vmem_shared>>
      tpu.enqueue_dma source(%arg9 : memref<40x128xf32, #tpu.memory_space<vmem>>) target(%dma_start3A_162 : memref<40x128xf32, #tpu.memory_space<vmem_shared>>) target_semaphore(%run_scoped3A : memref<!tpu.dma_semaphore, #tpu.memory_space<semaphore_mem>>)
      %dma_wait3A = arith.constant 0 : i32
      %dma_wait3A_163 = tpu.memref_slice %arg8[%add3A_38, %dma_wait3A] : memref<10000x128xf32, #tpu.memory_space<vmem_shared>> -> memref<40x128xf32, #tpu.memory_space<vmem_shared>>
      %dma_wait3A_164 = arith.constant 0 : i32
      %dma_wait3A_165 = tpu.memref_slice %arg8[%add3A_38, %dma_wait3A_164] : memref<10000x128xf32, #tpu.memory_space<vmem_shared>> -> memref<40x128xf32, #tpu.memory_space<vmem_shared>>
      tpu.wait_dma2 semaphore(%run_scoped3A : memref<!tpu.dma_semaphore, #tpu.memory_space<semaphore_mem>>) src(%arg9 : memref<40x128xf32, #tpu.memory_space<vmem>>) dst(%dma_wait3A_165 : memref<40x128xf32, #tpu.memory_space<vmem_shared>>)
      tpu.yield
    }) : () -> ()
    %add3A_39 = arith.constant 560 : i32
    %add3A_40 = arith.addi %mul3A_10, %add3A_39 : i32
    "tpu.region"() ({
      %run_scoped3A = tpu.sem_alloc : memref<!tpu.dma_semaphore, #tpu.memory_space<semaphore_mem>>
      %dma_start3A_159 = arith.constant 0 : i32
      %dma_start3A_160 = tpu.memref_slice %arg8[%add3A_40, %dma_start3A_159] : memref<10000x128xf32, #tpu.memory_space<vmem_shared>> -> memref<40x128xf32, #tpu.memory_space<vmem_shared>>
      %dma_start3A_161 = arith.constant 0 : i32
      %dma_start3A_162 = tpu.memref_slice %arg8[%add3A_40, %dma_start3A_161] : memref<10000x128xf32, #tpu.memory_space<vmem_shared>> -> memref<40x128xf32, #tpu.memory_space<vmem_shared>>
      tpu.enqueue_dma source(%arg9 : memref<40x128xf32, #tpu.memory_space<vmem>>) target(%dma_start3A_162 : memref<40x128xf32, #tpu.memory_space<vmem_shared>>) target_semaphore(%run_scoped3A : memref<!tpu.dma_semaphore, #tpu.memory_space<semaphore_mem>>)
      %dma_wait3A = arith.constant 0 : i32
      %dma_wait3A_163 = tpu.memref_slice %arg8[%add3A_40, %dma_wait3A] : memref<10000x128xf32, #tpu.memory_space<vmem_shared>> -> memref<40x128xf32, #tpu.memory_space<vmem_shared>>
      %dma_wait3A_164 = arith.constant 0 : i32
      %dma_wait3A_165 = tpu.memref_slice %arg8[%add3A_40, %dma_wait3A_164] : memref<10000x128xf32, #tpu.memory_space<vmem_shared>> -> memref<40x128xf32, #tpu.memory_space<vmem_shared>>
      tpu.wait_dma2 semaphore(%run_scoped3A : memref<!tpu.dma_semaphore, #tpu.memory_space<semaphore_mem>>) src(%arg9 : memref<40x128xf32, #tpu.memory_space<vmem>>) dst(%dma_wait3A_165 : memref<40x128xf32, #tpu.memory_space<vmem_shared>>)
      tpu.yield
    }) : () -> ()
    %add3A_41 = arith.constant 600 : i32
    %add3A_42 = arith.addi %mul3A_10, %add3A_41 : i32
    "tpu.region"() ({
      %run_scoped3A = tpu.sem_alloc : memref<!tpu.dma_semaphore, #tpu.memory_space<semaphore_mem>>
      %dma_start3A_159 = arith.constant 0 : i32
      %dma_start3A_160 = arith.constant 0 : i32
      %dma_start3A_161 = tpu.memref_slice %arg9[%dma_start3A_159, %dma_start3A_160] : memref<40x128xf32, #tpu.memory_space<vmem>> -> memref<24x128xf32, #tpu.memory_space<vmem>>
      %dma_start3A_162 = arith.constant 0 : i32
      %dma_start3A_163 = tpu.memref_slice %arg8[%add3A_42, %dma_start3A_162] : memref<10000x128xf32, #tpu.memory_space<vmem_shared>> -> memref<24x128xf32, #tpu.memory_space<vmem_shared>>
      %dma_start3A_164 = arith.constant 0 : i32
      %dma_start3A_165 = tpu.memref_slice %arg8[%add3A_42, %dma_start3A_164] : memref<10000x128xf32, #tpu.memory_space<vmem_shared>> -> memref<24x128xf32, #tpu.memory_space<vmem_shared>>
      %dma_start3A_166 = arith.constant 0 : i32
      %dma_start3A_167 = arith.constant 0 : i32
      %dma_start3A_168 = tpu.memref_slice %arg9[%dma_start3A_166, %dma_start3A_167] : memref<40x128xf32, #tpu.memory_space<vmem>> -> memref<24x128xf32, #tpu.memory_space<vmem>>
      tpu.enqueue_dma source(%dma_start3A_168 : memref<24x128xf32, #tpu.memory_space<vmem>>) target(%dma_start3A_165 : memref<24x128xf32, #tpu.memory_space<vmem_shared>>) target_semaphore(%run_scoped3A : memref<!tpu.dma_semaphore, #tpu.memory_space<semaphore_mem>>)
      %dma_wait3A = arith.constant 0 : i32
      %dma_wait3A_169 = arith.constant 0 : i32
      %dma_wait3A_170 = tpu.memref_slice %arg9[%dma_wait3A, %dma_wait3A_169] : memref<40x128xf32, #tpu.memory_space<vmem>> -> memref<24x128xf32, #tpu.memory_space<vmem>>
      %dma_wait3A_171 = arith.constant 0 : i32
      %dma_wait3A_172 = tpu.memref_slice %arg8[%add3A_42, %dma_wait3A_171] : memref<10000x128xf32, #tpu.memory_space<vmem_shared>> -> memref<24x128xf32, #tpu.memory_space<vmem_shared>>
      %dma_wait3A_173 = arith.constant 0 : i32
      %dma_wait3A_174 = tpu.memref_slice %arg8[%add3A_42, %dma_wait3A_173] : memref<10000x128xf32, #tpu.memory_space<vmem_shared>> -> memref<24x128xf32, #tpu.memory_space<vmem_shared>>
      %dma_wait3A_175 = arith.constant 0 : i32
      %dma_wait3A_176 = arith.constant 0 : i32
      %dma_wait3A_177 = tpu.memref_slice %arg9[%dma_wait3A_175, %dma_wait3A_176] : memref<40x128xf32, #tpu.memory_space<vmem>> -> memref<24x128xf32, #tpu.memory_space<vmem>>
      tpu.wait_dma2 semaphore(%run_scoped3A : memref<!tpu.dma_semaphore, #tpu.memory_space<semaphore_mem>>) src(%dma_wait3A_177 : memref<24x128xf32, #tpu.memory_space<vmem>>) dst(%dma_wait3A_174 : memref<24x128xf32, #tpu.memory_space<vmem_shared>>)
      tpu.yield
    }) : () -> ()
    %eq3A = arith.constant 0 : i32
    %eq3A_43 = arith.cmpi eq, %arg1, %eq3A : i32
    %convert_element_type3A = arith.extui %eq3A_43 : i1 to i32
    %cond3A = arith.constant 0 : i32
    %cond3A_44 = arith.cmpi ne, %convert_element_type3A, %cond3A : i32
    scf.if %cond3A_44 {
      "tpu.region"() ({
        %run_scoped3A = tpu.sem_alloc : memref<!tpu.dma_semaphore, #tpu.memory_space<semaphore_mem>>
        %dma_start3A_159 = arith.constant 0 : i32
        %dma_start3A_160 = arith.constant 0 : i32
        %dma_start3A_161 = tpu.memref_slice %arg9[%dma_start3A_159, %dma_start3A_160] : memref<40x128xf32, #tpu.memory_space<vmem>> -> memref<16x128xf32, #tpu.memory_space<vmem>>
        %dma_start3A_162 = arith.constant 9984 : i32
        %dma_start3A_163 = arith.constant 0 : i32
        %dma_start3A_164 = tpu.memref_slice %arg8[%dma_start3A_162, %dma_start3A_163] : memref<10000x128xf32, #tpu.memory_space<vmem_shared>> -> memref<16x128xf32, #tpu.memory_space<vmem_shared>>
        %dma_start3A_165 = arith.constant 9984 : i32
        %dma_start3A_166 = arith.constant 0 : i32
        %dma_start3A_167 = tpu.memref_slice %arg8[%dma_start3A_165, %dma_start3A_166] : memref<10000x128xf32, #tpu.memory_space<vmem_shared>> -> memref<16x128xf32, #tpu.memory_space<vmem_shared>>
        %dma_start3A_168 = arith.constant 0 : i32
        %dma_start3A_169 = arith.constant 0 : i32
        %dma_start3A_170 = tpu.memref_slice %arg9[%dma_start3A_168, %dma_start3A_169] : memref<40x128xf32, #tpu.memory_space<vmem>> -> memref<16x128xf32, #tpu.memory_space<vmem>>
        tpu.enqueue_dma source(%dma_start3A_170 : memref<16x128xf32, #tpu.memory_space<vmem>>) target(%dma_start3A_167 : memref<16x128xf32, #tpu.memory_space<vmem_shared>>) target_semaphore(%run_scoped3A : memref<!tpu.dma_semaphore, #tpu.memory_space<semaphore_mem>>)
        %dma_wait3A = arith.constant 0 : i32
        %dma_wait3A_171 = arith.constant 0 : i32
        %dma_wait3A_172 = tpu.memref_slice %arg9[%dma_wait3A, %dma_wait3A_171] : memref<40x128xf32, #tpu.memory_space<vmem>> -> memref<16x128xf32, #tpu.memory_space<vmem>>
        %dma_wait3A_173 = arith.constant 9984 : i32
        %dma_wait3A_174 = arith.constant 0 : i32
        %dma_wait3A_175 = tpu.memref_slice %arg8[%dma_wait3A_173, %dma_wait3A_174] : memref<10000x128xf32, #tpu.memory_space<vmem_shared>> -> memref<16x128xf32, #tpu.memory_space<vmem_shared>>
        %dma_wait3A_176 = arith.constant 9984 : i32
        %dma_wait3A_177 = arith.constant 0 : i32
        %dma_wait3A_178 = tpu.memref_slice %arg8[%dma_wait3A_176, %dma_wait3A_177] : memref<10000x128xf32, #tpu.memory_space<vmem_shared>> -> memref<16x128xf32, #tpu.memory_space<vmem_shared>>
        %dma_wait3A_179 = arith.constant 0 : i32
        %dma_wait3A_180 = arith.constant 0 : i32
        %dma_wait3A_181 = tpu.memref_slice %arg9[%dma_wait3A_179, %dma_wait3A_180] : memref<40x128xf32, #tpu.memory_space<vmem>> -> memref<16x128xf32, #tpu.memory_space<vmem>>
        tpu.wait_dma2 semaphore(%run_scoped3A : memref<!tpu.dma_semaphore, #tpu.memory_space<semaphore_mem>>) src(%dma_wait3A_181 : memref<16x128xf32, #tpu.memory_space<vmem>>) dst(%dma_wait3A_178 : memref<16x128xf32, #tpu.memory_space<vmem_shared>>)
        tpu.yield
      }) : () -> ()
    } else {
    }
    %barrier3A = arith.constant 0 : index
    tpu.barrier barrier_id(%barrier3A)
    %multiple_of3A = arith.constant 0 : i32
    %multiple_of3A_45 = tpu.assume_multiple %multiple_of3A, 8 : i32
    %dma_start3A = tpu.memref_slice %arg6[%multiple_of3A_45] : memref<10000xi32, #tpu.memory_space<vmem>> -> memref<40xi32, #tpu.memory_space<vmem>>
    %dma_start3A_46 = arith.constant 0 : i32
    %dma_start3A_47 = arith.constant 0 : i32
    %dma_start3A_48 = tpu.memref_slice %arg2[%dma_start3A_46, %dma_start3A_47] : memref<10000x128xf32, #tpu.memory_space<hbm>> -> memref<10000x128xf32, #tpu.memory_space<hbm>>
    tpu.enqueue_indirect_dma source(%dma_start3A_48 : memref<10000x128xf32, #tpu.memory_space<hbm>>) target(%arg9 : memref<40x128xf32, #tpu.memory_space<vmem>>) offsets(%dma_start3A : memref<40xi32, #tpu.memory_space<vmem>>) semaphore(%arg14 : memref<!tpu.dma_semaphore, #tpu.memory_space<semaphore_mem>>)
    %dma_start3A_49 = arith.constant 0 : i32
    %dma_start3A_50 = arith.constant 0 : i32
    %dma_start3A_51 = arith.constant 0 : i32
    %dma_start3A_52 = arith.constant 0 : i32
    %dma_start3A_53 = tpu.memref_slice %arg7[%dma_start3A_51, %dma_start3A_52] : memref<5x40xi32, #tpu.memory_space<vmem>> -> memref<1x40xi32, #tpu.memory_space<vmem>>
    %dma_start3A_54 = tpu.memref_squeeze %dma_start3A_53 : memref<1x40xi32, #tpu.memory_space<vmem>> -> memref<40xi32, #tpu.memory_space<vmem>>
    %dma_start3A_55 = arith.constant 0 : i32
    %dma_start3A_56 = tpu.memref_slice %arg4[%add3A, %dma_start3A_49, %dma_start3A_50, %dma_start3A_55] : memref<32x250x1x40xi32, #tpu.memory_space<hbm>> -> memref<1x1x1x40xi32, #tpu.memory_space<hbm>>
    %dma_start3A_57 = tpu.memref_squeeze %dma_start3A_56 : memref<1x1x1x40xi32, #tpu.memory_space<hbm>> -> memref<40xi32, #tpu.memory_space<hbm>>
    %dma_start3A_58 = arith.constant 0 : i32
    %dma_start3A_59 = tpu.memref_slice %arg7[%dma_start3A_51, %dma_start3A_58] : memref<5x40xi32, #tpu.memory_space<vmem>> -> memref<1x40xi32, #tpu.memory_space<vmem>>
    %dma_start3A_60 = tpu.memref_squeeze %dma_start3A_59 : memref<1x40xi32, #tpu.memory_space<vmem>> -> memref<40xi32, #tpu.memory_space<vmem>>
    %dma_start3A_61 = arith.constant 0 : i32
    %dma_start3A_62 = tpu.memref_slice %arg4[%add3A, %dma_start3A_49, %dma_start3A_50, %dma_start3A_61] : memref<32x250x1x40xi32, #tpu.memory_space<hbm>> -> memref<1x1x1x40xi32, #tpu.memory_space<hbm>>
    %dma_start3A_63 = tpu.memref_squeeze %dma_start3A_62 : memref<1x1x1x40xi32, #tpu.memory_space<hbm>> -> memref<40xi32, #tpu.memory_space<hbm>>
    tpu.enqueue_dma source(%dma_start3A_63 : memref<40xi32, #tpu.memory_space<hbm>>) target(%dma_start3A_60 : memref<40xi32, #tpu.memory_space<vmem>>) target_semaphore(%arg19 : memref<!tpu.dma_semaphore, #tpu.memory_space<semaphore_mem>>)
    %multiple_of3A_64 = arith.constant 40 : i32
    %multiple_of3A_65 = tpu.assume_multiple %multiple_of3A_64, 8 : i32
    %dma_start3A_66 = tpu.memref_slice %arg6[%multiple_of3A_65] : memref<10000xi32, #tpu.memory_space<vmem>> -> memref<40xi32, #tpu.memory_space<vmem>>
    %dma_start3A_67 = arith.constant 0 : i32
    %dma_start3A_68 = arith.constant 0 : i32
    %dma_start3A_69 = tpu.memref_slice %arg2[%dma_start3A_67, %dma_start3A_68] : memref<10000x128xf32, #tpu.memory_space<hbm>> -> memref<10000x128xf32, #tpu.memory_space<hbm>>
    tpu.enqueue_indirect_dma source(%dma_start3A_69 : memref<10000x128xf32, #tpu.memory_space<hbm>>) target(%arg10 : memref<40x128xf32, #tpu.memory_space<vmem>>) offsets(%dma_start3A_66 : memref<40xi32, #tpu.memory_space<vmem>>) semaphore(%arg15 : memref<!tpu.dma_semaphore, #tpu.memory_space<semaphore_mem>>)
    %dma_start3A_70 = arith.constant 1 : i32
    %dma_start3A_71 = arith.constant 0 : i32
    %dma_start3A_72 = arith.constant 1 : i32
    %dma_start3A_73 = arith.constant 0 : i32
    %dma_start3A_74 = tpu.memref_slice %arg7[%dma_start3A_72, %dma_start3A_73] : memref<5x40xi32, #tpu.memory_space<vmem>> -> memref<1x40xi32, #tpu.memory_space<vmem>>
    %dma_start3A_75 = tpu.memref_squeeze %dma_start3A_74 : memref<1x40xi32, #tpu.memory_space<vmem>> -> memref<40xi32, #tpu.memory_space<vmem>>
    %dma_start3A_76 = arith.constant 0 : i32
    %dma_start3A_77 = tpu.memref_slice %arg4[%add3A, %dma_start3A_70, %dma_start3A_71, %dma_start3A_76] : memref<32x250x1x40xi32, #tpu.memory_space<hbm>> -> memref<1x1x1x40xi32, #tpu.memory_space<hbm>>
    %dma_start3A_78 = tpu.memref_squeeze %dma_start3A_77 : memref<1x1x1x40xi32, #tpu.memory_space<hbm>> -> memref<40xi32, #tpu.memory_space<hbm>>
    %dma_start3A_79 = arith.constant 0 : i32
    %dma_start3A_80 = tpu.memref_slice %arg7[%dma_start3A_72, %dma_start3A_79] : memref<5x40xi32, #tpu.memory_space<vmem>> -> memref<1x40xi32, #tpu.memory_space<vmem>>
    %dma_start3A_81 = tpu.memref_squeeze %dma_start3A_80 : memref<1x40xi32, #tpu.memory_space<vmem>> -> memref<40xi32, #tpu.memory_space<vmem>>
    %dma_start3A_82 = arith.constant 0 : i32
    %dma_start3A_83 = tpu.memref_slice %arg4[%add3A, %dma_start3A_70, %dma_start3A_71, %dma_start3A_82] : memref<32x250x1x40xi32, #tpu.memory_space<hbm>> -> memref<1x1x1x40xi32, #tpu.memory_space<hbm>>
    %dma_start3A_84 = tpu.memref_squeeze %dma_start3A_83 : memref<1x1x1x40xi32, #tpu.memory_space<hbm>> -> memref<40xi32, #tpu.memory_space<hbm>>
    tpu.enqueue_dma source(%dma_start3A_84 : memref<40xi32, #tpu.memory_space<hbm>>) target(%dma_start3A_81 : memref<40xi32, #tpu.memory_space<vmem>>) target_semaphore(%arg20 : memref<!tpu.dma_semaphore, #tpu.memory_space<semaphore_mem>>)
    %multiple_of3A_85 = arith.constant 80 : i32
    %multiple_of3A_86 = tpu.assume_multiple %multiple_of3A_85, 8 : i32
    %dma_start3A_87 = tpu.memref_slice %arg6[%multiple_of3A_86] : memref<10000xi32, #tpu.memory_space<vmem>> -> memref<40xi32, #tpu.memory_space<vmem>>
    %dma_start3A_88 = arith.constant 0 : i32
    %dma_start3A_89 = arith.constant 0 : i32
    %dma_start3A_90 = tpu.memref_slice %arg2[%dma_start3A_88, %dma_start3A_89] : memref<10000x128xf32, #tpu.memory_space<hbm>> -> memref<10000x128xf32, #tpu.memory_space<hbm>>
    tpu.enqueue_indirect_dma source(%dma_start3A_90 : memref<10000x128xf32, #tpu.memory_space<hbm>>) target(%arg11 : memref<40x128xf32, #tpu.memory_space<vmem>>) offsets(%dma_start3A_87 : memref<40xi32, #tpu.memory_space<vmem>>) semaphore(%arg16 : memref<!tpu.dma_semaphore, #tpu.memory_space<semaphore_mem>>)
    %dma_start3A_91 = arith.constant 2 : i32
    %dma_start3A_92 = arith.constant 0 : i32
    %dma_start3A_93 = arith.constant 2 : i32
    %dma_start3A_94 = arith.constant 0 : i32
    %dma_start3A_95 = tpu.memref_slice %arg7[%dma_start3A_93, %dma_start3A_94] : memref<5x40xi32, #tpu.memory_space<vmem>> -> memref<1x40xi32, #tpu.memory_space<vmem>>
    %dma_start3A_96 = tpu.memref_squeeze %dma_start3A_95 : memref<1x40xi32, #tpu.memory_space<vmem>> -> memref<40xi32, #tpu.memory_space<vmem>>
    %dma_start3A_97 = arith.constant 0 : i32
    %dma_start3A_98 = tpu.memref_slice %arg4[%add3A, %dma_start3A_91, %dma_start3A_92, %dma_start3A_97] : memref<32x250x1x40xi32, #tpu.memory_space<hbm>> -> memref<1x1x1x40xi32, #tpu.memory_space<hbm>>
    %dma_start3A_99 = tpu.memref_squeeze %dma_start3A_98 : memref<1x1x1x40xi32, #tpu.memory_space<hbm>> -> memref<40xi32, #tpu.memory_space<hbm>>
    %dma_start3A_100 = arith.constant 0 : i32
    %dma_start3A_101 = tpu.memref_slice %arg7[%dma_start3A_93, %dma_start3A_100] : memref<5x40xi32, #tpu.memory_space<vmem>> -> memref<1x40xi32, #tpu.memory_space<vmem>>
    %dma_start3A_102 = tpu.memref_squeeze %dma_start3A_101 : memref<1x40xi32, #tpu.memory_space<vmem>> -> memref<40xi32, #tpu.memory_space<vmem>>
    %dma_start3A_103 = arith.constant 0 : i32
    %dma_start3A_104 = tpu.memref_slice %arg4[%add3A, %dma_start3A_91, %dma_start3A_92, %dma_start3A_103] : memref<32x250x1x40xi32, #tpu.memory_space<hbm>> -> memref<1x1x1x40xi32, #tpu.memory_space<hbm>>
    %dma_start3A_105 = tpu.memref_squeeze %dma_start3A_104 : memref<1x1x1x40xi32, #tpu.memory_space<hbm>> -> memref<40xi32, #tpu.memory_space<hbm>>
    tpu.enqueue_dma source(%dma_start3A_105 : memref<40xi32, #tpu.memory_space<hbm>>) target(%dma_start3A_102 : memref<40xi32, #tpu.memory_space<vmem>>) target_semaphore(%arg21 : memref<!tpu.dma_semaphore, #tpu.memory_space<semaphore_mem>>)
    %multiple_of3A_106 = arith.constant 120 : i32
    %multiple_of3A_107 = tpu.assume_multiple %multiple_of3A_106, 8 : i32
    %dma_start3A_108 = tpu.memref_slice %arg6[%multiple_of3A_107] : memref<10000xi32, #tpu.memory_space<vmem>> -> memref<40xi32, #tpu.memory_space<vmem>>
    %dma_start3A_109 = arith.constant 0 : i32
    %dma_start3A_110 = arith.constant 0 : i32
    %dma_start3A_111 = tpu.memref_slice %arg2[%dma_start3A_109, %dma_start3A_110] : memref<10000x128xf32, #tpu.memory_space<hbm>> -> memref<10000x128xf32, #tpu.memory_space<hbm>>
    tpu.enqueue_indirect_dma source(%dma_start3A_111 : memref<10000x128xf32, #tpu.memory_space<hbm>>) target(%arg12 : memref<40x128xf32, #tpu.memory_space<vmem>>) offsets(%dma_start3A_108 : memref<40xi32, #tpu.memory_space<vmem>>) semaphore(%arg17 : memref<!tpu.dma_semaphore, #tpu.memory_space<semaphore_mem>>)
    %dma_start3A_112 = arith.constant 3 : i32
    %dma_start3A_113 = arith.constant 0 : i32
    %dma_start3A_114 = arith.constant 3 : i32
    %dma_start3A_115 = arith.constant 0 : i32
    %dma_start3A_116 = tpu.memref_slice %arg7[%dma_start3A_114, %dma_start3A_115] : memref<5x40xi32, #tpu.memory_space<vmem>> -> memref<1x40xi32, #tpu.memory_space<vmem>>
    %dma_start3A_117 = tpu.memref_squeeze %dma_start3A_116 : memref<1x40xi32, #tpu.memory_space<vmem>> -> memref<40xi32, #tpu.memory_space<vmem>>
    %dma_start3A_118 = arith.constant 0 : i32
    %dma_start3A_119 = tpu.memref_slice %arg4[%add3A, %dma_start3A_112, %dma_start3A_113, %dma_start3A_118] : memref<32x250x1x40xi32, #tpu.memory_space<hbm>> -> memref<1x1x1x40xi32, #tpu.memory_space<hbm>>
    %dma_start3A_120 = tpu.memref_squeeze %dma_start3A_119 : memref<1x1x1x40xi32, #tpu.memory_space<hbm>> -> memref<40xi32, #tpu.memory_space<hbm>>
    %dma_start3A_121 = arith.constant 0 : i32
    %dma_start3A_122 = tpu.memref_slice %arg7[%dma_start3A_114, %dma_start3A_121] : memref<5x40xi32, #tpu.memory_space<vmem>> -> memref<1x40xi32, #tpu.memory_space<vmem>>
    %dma_start3A_123 = tpu.memref_squeeze %dma_start3A_122 : memref<1x40xi32, #tpu.memory_space<vmem>> -> memref<40xi32, #tpu.memory_space<vmem>>
    %dma_start3A_124 = arith.constant 0 : i32
    %dma_start3A_125 = tpu.memref_slice %arg4[%add3A, %dma_start3A_112, %dma_start3A_113, %dma_start3A_124] : memref<32x250x1x40xi32, #tpu.memory_space<hbm>> -> memref<1x1x1x40xi32, #tpu.memory_space<hbm>>
    %dma_start3A_126 = tpu.memref_squeeze %dma_start3A_125 : memref<1x1x1x40xi32, #tpu.memory_space<hbm>> -> memref<40xi32, #tpu.memory_space<hbm>>
    tpu.enqueue_dma source(%dma_start3A_126 : memref<40xi32, #tpu.memory_space<hbm>>) target(%dma_start3A_123 : memref<40xi32, #tpu.memory_space<vmem>>) target_semaphore(%arg22 : memref<!tpu.dma_semaphore, #tpu.memory_space<semaphore_mem>>)
    %multiple_of3A_127 = arith.constant 160 : i32
    %multiple_of3A_128 = tpu.assume_multiple %multiple_of3A_127, 8 : i32
    %dma_start3A_129 = tpu.memref_slice %arg6[%multiple_of3A_128] : memref<10000xi32, #tpu.memory_space<vmem>> -> memref<40xi32, #tpu.memory_space<vmem>>
    %dma_start3A_130 = arith.constant 0 : i32
    %dma_start3A_131 = arith.constant 0 : i32
    %dma_start3A_132 = tpu.memref_slice %arg2[%dma_start3A_130, %dma_start3A_131] : memref<10000x128xf32, #tpu.memory_space<hbm>> -> memref<10000x128xf32, #tpu.memory_space<hbm>>
    tpu.enqueue_indirect_dma source(%dma_start3A_132 : memref<10000x128xf32, #tpu.memory_space<hbm>>) target(%arg13 : memref<40x128xf32, #tpu.memory_space<vmem>>) offsets(%dma_start3A_129 : memref<40xi32, #tpu.memory_space<vmem>>) semaphore(%arg18 : memref<!tpu.dma_semaphore, #tpu.memory_space<semaphore_mem>>)
    %dma_start3A_133 = arith.constant 4 : i32
    %dma_start3A_134 = arith.constant 0 : i32
    %dma_start3A_135 = arith.constant 4 : i32
    %dma_start3A_136 = arith.constant 0 : i32
    %dma_start3A_137 = tpu.memref_slice %arg7[%dma_start3A_135, %dma_start3A_136] : memref<5x40xi32, #tpu.memory_space<vmem>> -> memref<1x40xi32, #tpu.memory_space<vmem>>
    %dma_start3A_138 = tpu.memref_squeeze %dma_start3A_137 : memref<1x40xi32, #tpu.memory_space<vmem>> -> memref<40xi32, #tpu.memory_space<vmem>>
    %dma_start3A_139 = arith.constant 0 : i32
    %dma_start3A_140 = tpu.memref_slice %arg4[%add3A, %dma_start3A_133, %dma_start3A_134, %dma_start3A_139] : memref<32x250x1x40xi32, #tpu.memory_space<hbm>> -> memref<1x1x1x40xi32, #tpu.memory_space<hbm>>
    %dma_start3A_141 = tpu.memref_squeeze %dma_start3A_140 : memref<1x1x1x40xi32, #tpu.memory_space<hbm>> -> memref<40xi32, #tpu.memory_space<hbm>>
    %dma_start3A_142 = arith.constant 0 : i32
    %dma_start3A_143 = tpu.memref_slice %arg7[%dma_start3A_135, %dma_start3A_142] : memref<5x40xi32, #tpu.memory_space<vmem>> -> memref<1x40xi32, #tpu.memory_space<vmem>>
    %dma_start3A_144 = tpu.memref_squeeze %dma_start3A_143 : memref<1x40xi32, #tpu.memory_space<vmem>> -> memref<40xi32, #tpu.memory_space<vmem>>
    %dma_start3A_145 = arith.constant 0 : i32
    %dma_start3A_146 = tpu.memref_slice %arg4[%add3A, %dma_start3A_133, %dma_start3A_134, %dma_start3A_145] : memref<32x250x1x40xi32, #tpu.memory_space<hbm>> -> memref<1x1x1x40xi32, #tpu.memory_space<hbm>>
    %dma_start3A_147 = tpu.memref_squeeze %dma_start3A_146 : memref<1x1x1x40xi32, #tpu.memory_space<hbm>> -> memref<40xi32, #tpu.memory_space<hbm>>
    tpu.enqueue_dma source(%dma_start3A_147 : memref<40xi32, #tpu.memory_space<hbm>>) target(%dma_start3A_144 : memref<40xi32, #tpu.memory_space<vmem>>) target_semaphore(%arg23 : memref<!tpu.dma_semaphore, #tpu.memory_space<semaphore_mem>>)
    %scan3A_148 = arith.constant 0 : i32
    %scan3A_149 = arith.constant 50 : i32
    %scan3A_150 = arith.addi %scan3A_148, %scan3A_149 : i32
    %scan3A_151 = arith.constant 1 : i32
    scf.for %scan3A_159 = %scan3A_148 to %scan3A_150 step %scan3A_151  : i32 {
      %mul3A_160 = arith.constant 5 : i32
      %mul3A_161 = arith.muli %scan3A_159, %mul3A_160 : i32
      %add3A_162 = arith.constant 0 : i32
      %add3A_163 = arith.addi %add3A_162, %mul3A_161 : i32
      %add3A_164 = arith.constant 0 : i32
      %add3A_165 = arith.addi %add3A_163, %add3A_164 : i32
      %dma_wait3A = arith.constant 0 : i32
      %dma_wait3A_166 = tpu.memref_slice %arg6[%dma_wait3A] : memref<10000xi32, #tpu.memory_space<vmem>> -> memref<40xi32, #tpu.memory_space<vmem>>
      %dma_wait3A_167 = arith.constant 0 : i32
      %dma_wait3A_168 = arith.constant 0 : i32
      %dma_wait3A_169 = tpu.memref_slice %arg2[%dma_wait3A_167, %dma_wait3A_168] : memref<10000x128xf32, #tpu.memory_space<hbm>> -> memref<10000x128xf32, #tpu.memory_space<hbm>>
      tpu.wait_indirect_dma semaphore(%arg14 : memref<!tpu.dma_semaphore, #tpu.memory_space<semaphore_mem>>) src(%dma_wait3A_169 : memref<10000x128xf32, #tpu.memory_space<hbm>>) dst(%arg9 : memref<40x128xf32, #tpu.memory_space<vmem>>)
      %dma_wait3A_170 = arith.constant 0 : i32
      %dma_wait3A_171 = arith.constant 0 : i32
      %dma_wait3A_172 = arith.constant 0 : i32
      %dma_wait3A_173 = arith.constant 0 : i32
      %dma_wait3A_174 = tpu.memref_slice %arg7[%dma_wait3A_172, %dma_wait3A_173] : memref<5x40xi32, #tpu.memory_space<vmem>> -> memref<1x40xi32, #tpu.memory_space<vmem>>
      %dma_wait3A_175 = tpu.memref_squeeze %dma_wait3A_174 : memref<1x40xi32, #tpu.memory_space<vmem>> -> memref<40xi32, #tpu.memory_space<vmem>>
      %dma_wait3A_176 = arith.constant 0 : i32
      %dma_wait3A_177 = tpu.memref_slice %arg4[%add3A, %dma_wait3A_170, %dma_wait3A_171, %dma_wait3A_176] : memref<32x250x1x40xi32, #tpu.memory_space<hbm>> -> memref<1x1x1x40xi32, #tpu.memory_space<hbm>>
      %dma_wait3A_178 = tpu.memref_squeeze %dma_wait3A_177 : memref<1x1x1x40xi32, #tpu.memory_space<hbm>> -> memref<40xi32, #tpu.memory_space<hbm>>
      %dma_wait3A_179 = arith.constant 0 : i32
      %dma_wait3A_180 = tpu.memref_slice %arg7[%dma_wait3A_172, %dma_wait3A_179] : memref<5x40xi32, #tpu.memory_space<vmem>> -> memref<1x40xi32, #tpu.memory_space<vmem>>
      %dma_wait3A_181 = tpu.memref_squeeze %dma_wait3A_180 : memref<1x40xi32, #tpu.memory_space<vmem>> -> memref<40xi32, #tpu.memory_space<vmem>>
      %dma_wait3A_182 = arith.constant 0 : i32
      %dma_wait3A_183 = tpu.memref_slice %arg4[%add3A, %dma_wait3A_170, %dma_wait3A_171, %dma_wait3A_182] : memref<32x250x1x40xi32, #tpu.memory_space<hbm>> -> memref<1x1x1x40xi32, #tpu.memory_space<hbm>>
      %dma_wait3A_184 = tpu.memref_squeeze %dma_wait3A_183 : memref<1x1x1x40xi32, #tpu.memory_space<hbm>> -> memref<40xi32, #tpu.memory_space<hbm>>
      tpu.wait_dma2 semaphore(%arg19 : memref<!tpu.dma_semaphore, #tpu.memory_space<semaphore_mem>>) src(%dma_wait3A_184 : memref<40xi32, #tpu.memory_space<hbm>>) dst(%dma_wait3A_181 : memref<40xi32, #tpu.memory_space<vmem>>)
      %run_scoped3A = arith.constant 0 : i32
      "tpu.region"() ({
        %run_scoped3A_311 = tpu.sem_alloc : memref<!tpu.dma_semaphore, #tpu.memory_space<semaphore_mem>>
        %dma_start3A_312 = arith.constant 0 : i32
        %dma_start3A_313 = tpu.memref_slice %arg7[%run_scoped3A, %dma_start3A_312] : memref<5x40xi32, #tpu.memory_space<vmem>> -> memref<1x40xi32, #tpu.memory_space<vmem>>
        %dma_start3A_314 = tpu.memref_squeeze %dma_start3A_313 : memref<1x40xi32, #tpu.memory_space<vmem>> -> memref<40xi32, #tpu.memory_space<vmem>>
        %dma_start3A_315 = arith.constant 0 : i32
        %dma_start3A_316 = arith.constant 0 : i32
        %dma_start3A_317 = tpu.memref_slice %arg8[%dma_start3A_315, %dma_start3A_316] : memref<10000x128xf32, #tpu.memory_space<vmem_shared>> -> memref<10000x128xf32, #tpu.memory_space<vmem_shared>>
        tpu.enqueue_indirect_dma source(%arg9 : memref<40x128xf32, #tpu.memory_space<vmem>>) target(%dma_start3A_317 : memref<10000x128xf32, #tpu.memory_space<vmem_shared>>) offsets(%dma_start3A_314 : memref<40xi32, #tpu.memory_space<vmem>>) semaphore(%run_scoped3A_311 : memref<!tpu.dma_semaphore, #tpu.memory_space<semaphore_mem>>) {add = true}
        %dma_wait3A_318 = arith.constant 0 : i32
        %dma_wait3A_319 = tpu.memref_slice %arg7[%run_scoped3A, %dma_wait3A_318] : memref<5x40xi32, #tpu.memory_space<vmem>> -> memref<1x40xi32, #tpu.memory_space<vmem>>
        %dma_wait3A_320 = tpu.memref_squeeze %dma_wait3A_319 : memref<1x40xi32, #tpu.memory_space<vmem>> -> memref<40xi32, #tpu.memory_space<vmem>>
        %dma_wait3A_321 = arith.constant 0 : i32
        %dma_wait3A_322 = arith.constant 0 : i32
        %dma_wait3A_323 = tpu.memref_slice %arg8[%dma_wait3A_321, %dma_wait3A_322] : memref<10000x128xf32, #tpu.memory_space<vmem_shared>> -> memref<10000x128xf32, #tpu.memory_space<vmem_shared>>
        tpu.wait_indirect_dma semaphore(%run_scoped3A_311 : memref<!tpu.dma_semaphore, #tpu.memory_space<semaphore_mem>>) src(%arg9 : memref<40x128xf32, #tpu.memory_space<vmem>>) dst(%dma_wait3A_323 : memref<10000x128xf32, #tpu.memory_space<vmem_shared>>)
        tpu.yield
      }) : () -> ()
      %add3A_185 = arith.constant 5 : i32
      %add3A_186 = arith.addi %add3A_165, %add3A_185 : i32
      %lt3A = arith.constant 250 : i32
      %lt3A_187 = arith.cmpi slt, %add3A_186, %lt3A : i32
      %convert_element_type3A_188 = arith.extui %lt3A_187 : i1 to i32
      %cond3A_189 = arith.constant 0 : i32
      %cond3A_190 = arith.cmpi ne, %convert_element_type3A_188, %cond3A_189 : i32
      scf.if %cond3A_190 {
        %add3A_311 = arith.constant 5 : i32
        %add3A_312 = arith.addi %add3A_165, %add3A_311 : i32
        %mul3A_313 = arith.constant 40 : i32
        %mul3A_314 = arith.muli %add3A_312, %mul3A_313 : i32
        %multiple_of3A_315 = tpu.assume_multiple %mul3A_314, 8 : i32
        %dma_start3A_316 = tpu.memref_slice %arg6[%multiple_of3A_315] : memref<10000xi32, #tpu.memory_space<vmem>> -> memref<40xi32, #tpu.memory_space<vmem>>
        %dma_start3A_317 = arith.constant 0 : i32
        %dma_start3A_318 = arith.constant 0 : i32
        %dma_start3A_319 = tpu.memref_slice %arg2[%dma_start3A_317, %dma_start3A_318] : memref<10000x128xf32, #tpu.memory_space<hbm>> -> memref<10000x128xf32, #tpu.memory_space<hbm>>
        tpu.enqueue_indirect_dma source(%dma_start3A_319 : memref<10000x128xf32, #tpu.memory_space<hbm>>) target(%arg9 : memref<40x128xf32, #tpu.memory_space<vmem>>) offsets(%dma_start3A_316 : memref<40xi32, #tpu.memory_space<vmem>>) semaphore(%arg14 : memref<!tpu.dma_semaphore, #tpu.memory_space<semaphore_mem>>)
        %dma_start3A_320 = arith.constant 0 : i32
        %dma_start3A_321 = arith.constant 0 : i32
        %dma_start3A_322 = arith.constant 0 : i32
        %dma_start3A_323 = tpu.memref_slice %arg7[%dma_start3A_321, %dma_start3A_322] : memref<5x40xi32, #tpu.memory_space<vmem>> -> memref<1x40xi32, #tpu.memory_space<vmem>>
        %dma_start3A_324 = tpu.memref_squeeze %dma_start3A_323 : memref<1x40xi32, #tpu.memory_space<vmem>> -> memref<40xi32, #tpu.memory_space<vmem>>
        %dma_start3A_325 = arith.constant 0 : i32
        %dma_start3A_326 = tpu.memref_slice %arg4[%add3A, %add3A_312, %dma_start3A_320, %dma_start3A_325] : memref<32x250x1x40xi32, #tpu.memory_space<hbm>> -> memref<1x1x1x40xi32, #tpu.memory_space<hbm>>
        %dma_start3A_327 = tpu.memref_squeeze %dma_start3A_326 : memref<1x1x1x40xi32, #tpu.memory_space<hbm>> -> memref<40xi32, #tpu.memory_space<hbm>>
        %dma_start3A_328 = arith.constant 0 : i32
        %dma_start3A_329 = tpu.memref_slice %arg7[%dma_start3A_321, %dma_start3A_328] : memref<5x40xi32, #tpu.memory_space<vmem>> -> memref<1x40xi32, #tpu.memory_space<vmem>>
        %dma_start3A_330 = tpu.memref_squeeze %dma_start3A_329 : memref<1x40xi32, #tpu.memory_space<vmem>> -> memref<40xi32, #tpu.memory_space<vmem>>
        %dma_start3A_331 = arith.constant 0 : i32
        %dma_start3A_332 = tpu.memref_slice %arg4[%add3A, %add3A_312, %dma_start3A_320, %dma_start3A_331] : memref<32x250x1x40xi32, #tpu.memory_space<hbm>> -> memref<1x1x1x40xi32, #tpu.memory_space<hbm>>
        %dma_start3A_333 = tpu.memref_squeeze %dma_start3A_332 : memref<1x1x1x40xi32, #tpu.memory_space<hbm>> -> memref<40xi32, #tpu.memory_space<hbm>>
        tpu.enqueue_dma source(%dma_start3A_333 : memref<40xi32, #tpu.memory_space<hbm>>) target(%dma_start3A_330 : memref<40xi32, #tpu.memory_space<vmem>>) target_semaphore(%arg19 : memref<!tpu.dma_semaphore, #tpu.memory_space<semaphore_mem>>)
      } else {
      }
      %add3A_191 = arith.constant 1 : i32
      %add3A_192 = arith.addi %add3A_163, %add3A_191 : i32
      %dma_wait3A_193 = arith.constant 0 : i32
      %dma_wait3A_194 = tpu.memref_slice %arg6[%dma_wait3A_193] : memref<10000xi32, #tpu.memory_space<vmem>> -> memref<40xi32, #tpu.memory_space<vmem>>
      %dma_wait3A_195 = arith.constant 0 : i32
      %dma_wait3A_196 = arith.constant 0 : i32
      %dma_wait3A_197 = tpu.memref_slice %arg2[%dma_wait3A_195, %dma_wait3A_196] : memref<10000x128xf32, #tpu.memory_space<hbm>> -> memref<10000x128xf32, #tpu.memory_space<hbm>>
      tpu.wait_indirect_dma semaphore(%arg15 : memref<!tpu.dma_semaphore, #tpu.memory_space<semaphore_mem>>) src(%dma_wait3A_197 : memref<10000x128xf32, #tpu.memory_space<hbm>>) dst(%arg10 : memref<40x128xf32, #tpu.memory_space<vmem>>)
      %dma_wait3A_198 = arith.constant 0 : i32
      %dma_wait3A_199 = arith.constant 0 : i32
      %dma_wait3A_200 = arith.constant 1 : i32
      %dma_wait3A_201 = arith.constant 0 : i32
      %dma_wait3A_202 = tpu.memref_slice %arg7[%dma_wait3A_200, %dma_wait3A_201] : memref<5x40xi32, #tpu.memory_space<vmem>> -> memref<1x40xi32, #tpu.memory_space<vmem>>
      %dma_wait3A_203 = tpu.memref_squeeze %dma_wait3A_202 : memref<1x40xi32, #tpu.memory_space<vmem>> -> memref<40xi32, #tpu.memory_space<vmem>>
      %dma_wait3A_204 = arith.constant 0 : i32
      %dma_wait3A_205 = tpu.memref_slice %arg4[%add3A, %dma_wait3A_198, %dma_wait3A_199, %dma_wait3A_204] : memref<32x250x1x40xi32, #tpu.memory_space<hbm>> -> memref<1x1x1x40xi32, #tpu.memory_space<hbm>>
      %dma_wait3A_206 = tpu.memref_squeeze %dma_wait3A_205 : memref<1x1x1x40xi32, #tpu.memory_space<hbm>> -> memref<40xi32, #tpu.memory_space<hbm>>
      %dma_wait3A_207 = arith.constant 0 : i32
      %dma_wait3A_208 = tpu.memref_slice %arg7[%dma_wait3A_200, %dma_wait3A_207] : memref<5x40xi32, #tpu.memory_space<vmem>> -> memref<1x40xi32, #tpu.memory_space<vmem>>
      %dma_wait3A_209 = tpu.memref_squeeze %dma_wait3A_208 : memref<1x40xi32, #tpu.memory_space<vmem>> -> memref<40xi32, #tpu.memory_space<vmem>>
      %dma_wait3A_210 = arith.constant 0 : i32
      %dma_wait3A_211 = tpu.memref_slice %arg4[%add3A, %dma_wait3A_198, %dma_wait3A_199, %dma_wait3A_210] : memref<32x250x1x40xi32, #tpu.memory_space<hbm>> -> memref<1x1x1x40xi32, #tpu.memory_space<hbm>>
      %dma_wait3A_212 = tpu.memref_squeeze %dma_wait3A_211 : memref<1x1x1x40xi32, #tpu.memory_space<hbm>> -> memref<40xi32, #tpu.memory_space<hbm>>
      tpu.wait_dma2 semaphore(%arg20 : memref<!tpu.dma_semaphore, #tpu.memory_space<semaphore_mem>>) src(%dma_wait3A_212 : memref<40xi32, #tpu.memory_space<hbm>>) dst(%dma_wait3A_209 : memref<40xi32, #tpu.memory_space<vmem>>)
      %run_scoped3A_213 = arith.constant 1 : i32
      "tpu.region"() ({
        %run_scoped3A_311 = tpu.sem_alloc : memref<!tpu.dma_semaphore, #tpu.memory_space<semaphore_mem>>
        %dma_start3A_312 = arith.constant 0 : i32
        %dma_start3A_313 = tpu.memref_slice %arg7[%run_scoped3A_213, %dma_start3A_312] : memref<5x40xi32, #tpu.memory_space<vmem>> -> memref<1x40xi32, #tpu.memory_space<vmem>>
        %dma_start3A_314 = tpu.memref_squeeze %dma_start3A_313 : memref<1x40xi32, #tpu.memory_space<vmem>> -> memref<40xi32, #tpu.memory_space<vmem>>
        %dma_start3A_315 = arith.constant 0 : i32
        %dma_start3A_316 = arith.constant 0 : i32
        %dma_start3A_317 = tpu.memref_slice %arg8[%dma_start3A_315, %dma_start3A_316] : memref<10000x128xf32, #tpu.memory_space<vmem_shared>> -> memref<10000x128xf32, #tpu.memory_space<vmem_shared>>
        tpu.enqueue_indirect_dma source(%arg10 : memref<40x128xf32, #tpu.memory_space<vmem>>) target(%dma_start3A_317 : memref<10000x128xf32, #tpu.memory_space<vmem_shared>>) offsets(%dma_start3A_314 : memref<40xi32, #tpu.memory_space<vmem>>) semaphore(%run_scoped3A_311 : memref<!tpu.dma_semaphore, #tpu.memory_space<semaphore_mem>>) {add = true}
        %dma_wait3A_318 = arith.constant 0 : i32
        %dma_wait3A_319 = tpu.memref_slice %arg7[%run_scoped3A_213, %dma_wait3A_318] : memref<5x40xi32, #tpu.memory_space<vmem>> -> memref<1x40xi32, #tpu.memory_space<vmem>>
        %dma_wait3A_320 = tpu.memref_squeeze %dma_wait3A_319 : memref<1x40xi32, #tpu.memory_space<vmem>> -> memref<40xi32, #tpu.memory_space<vmem>>
        %dma_wait3A_321 = arith.constant 0 : i32
        %dma_wait3A_322 = arith.constant 0 : i32
        %dma_wait3A_323 = tpu.memref_slice %arg8[%dma_wait3A_321, %dma_wait3A_322] : memref<10000x128xf32, #tpu.memory_space<vmem_shared>> -> memref<10000x128xf32, #tpu.memory_space<vmem_shared>>
        tpu.wait_indirect_dma semaphore(%run_scoped3A_311 : memref<!tpu.dma_semaphore, #tpu.memory_space<semaphore_mem>>) src(%arg10 : memref<40x128xf32, #tpu.memory_space<vmem>>) dst(%dma_wait3A_323 : memref<10000x128xf32, #tpu.memory_space<vmem_shared>>)
        tpu.yield
      }) : () -> ()
      %add3A_214 = arith.constant 5 : i32
      %add3A_215 = arith.addi %add3A_192, %add3A_214 : i32
      %lt3A_216 = arith.constant 250 : i32
      %lt3A_217 = arith.cmpi slt, %add3A_215, %lt3A_216 : i32
      %convert_element_type3A_218 = arith.extui %lt3A_217 : i1 to i32
      %cond3A_219 = arith.constant 0 : i32
      %cond3A_220 = arith.cmpi ne, %convert_element_type3A_218, %cond3A_219 : i32
      scf.if %cond3A_220 {
        %add3A_311 = arith.constant 5 : i32
        %add3A_312 = arith.addi %add3A_192, %add3A_311 : i32
        %mul3A_313 = arith.constant 40 : i32
        %mul3A_314 = arith.muli %add3A_312, %mul3A_313 : i32
        %multiple_of3A_315 = tpu.assume_multiple %mul3A_314, 8 : i32
        %dma_start3A_316 = tpu.memref_slice %arg6[%multiple_of3A_315] : memref<10000xi32, #tpu.memory_space<vmem>> -> memref<40xi32, #tpu.memory_space<vmem>>
        %dma_start3A_317 = arith.constant 0 : i32
        %dma_start3A_318 = arith.constant 0 : i32
        %dma_start3A_319 = tpu.memref_slice %arg2[%dma_start3A_317, %dma_start3A_318] : memref<10000x128xf32, #tpu.memory_space<hbm>> -> memref<10000x128xf32, #tpu.memory_space<hbm>>
        tpu.enqueue_indirect_dma source(%dma_start3A_319 : memref<10000x128xf32, #tpu.memory_space<hbm>>) target(%arg10 : memref<40x128xf32, #tpu.memory_space<vmem>>) offsets(%dma_start3A_316 : memref<40xi32, #tpu.memory_space<vmem>>) semaphore(%arg15 : memref<!tpu.dma_semaphore, #tpu.memory_space<semaphore_mem>>)
        %dma_start3A_320 = arith.constant 0 : i32
        %dma_start3A_321 = arith.constant 1 : i32
        %dma_start3A_322 = arith.constant 0 : i32
        %dma_start3A_323 = tpu.memref_slice %arg7[%dma_start3A_321, %dma_start3A_322] : memref<5x40xi32, #tpu.memory_space<vmem>> -> memref<1x40xi32, #tpu.memory_space<vmem>>
        %dma_start3A_324 = tpu.memref_squeeze %dma_start3A_323 : memref<1x40xi32, #tpu.memory_space<vmem>> -> memref<40xi32, #tpu.memory_space<vmem>>
        %dma_start3A_325 = arith.constant 0 : i32
        %dma_start3A_326 = tpu.memref_slice %arg4[%add3A, %add3A_312, %dma_start3A_320, %dma_start3A_325] : memref<32x250x1x40xi32, #tpu.memory_space<hbm>> -> memref<1x1x1x40xi32, #tpu.memory_space<hbm>>
        %dma_start3A_327 = tpu.memref_squeeze %dma_start3A_326 : memref<1x1x1x40xi32, #tpu.memory_space<hbm>> -> memref<40xi32, #tpu.memory_space<hbm>>
        %dma_start3A_328 = arith.constant 0 : i32
        %dma_start3A_329 = tpu.memref_slice %arg7[%dma_start3A_321, %dma_start3A_328] : memref<5x40xi32, #tpu.memory_space<vmem>> -> memref<1x40xi32, #tpu.memory_space<vmem>>
        %dma_start3A_330 = tpu.memref_squeeze %dma_start3A_329 : memref<1x40xi32, #tpu.memory_space<vmem>> -> memref<40xi32, #tpu.memory_space<vmem>>
        %dma_start3A_331 = arith.constant 0 : i32
        %dma_start3A_332 = tpu.memref_slice %arg4[%add3A, %add3A_312, %dma_start3A_320, %dma_start3A_331] : memref<32x250x1x40xi32, #tpu.memory_space<hbm>> -> memref<1x1x1x40xi32, #tpu.memory_space<hbm>>
        %dma_start3A_333 = tpu.memref_squeeze %dma_start3A_332 : memref<1x1x1x40xi32, #tpu.memory_space<hbm>> -> memref<40xi32, #tpu.memory_space<hbm>>
        tpu.enqueue_dma source(%dma_start3A_333 : memref<40xi32, #tpu.memory_space<hbm>>) target(%dma_start3A_330 : memref<40xi32, #tpu.memory_space<vmem>>) target_semaphore(%arg20 : memref<!tpu.dma_semaphore, #tpu.memory_space<semaphore_mem>>)
      } else {
      }
      %add3A_221 = arith.constant 2 : i32
      %add3A_222 = arith.addi %add3A_163, %add3A_221 : i32
      %dma_wait3A_223 = arith.constant 0 : i32
      %dma_wait3A_224 = tpu.memref_slice %arg6[%dma_wait3A_223] : memref<10000xi32, #tpu.memory_space<vmem>> -> memref<40xi32, #tpu.memory_space<vmem>>
      %dma_wait3A_225 = arith.constant 0 : i32
      %dma_wait3A_226 = arith.constant 0 : i32
      %dma_wait3A_227 = tpu.memref_slice %arg2[%dma_wait3A_225, %dma_wait3A_226] : memref<10000x128xf32, #tpu.memory_space<hbm>> -> memref<10000x128xf32, #tpu.memory_space<hbm>>
      tpu.wait_indirect_dma semaphore(%arg16 : memref<!tpu.dma_semaphore, #tpu.memory_space<semaphore_mem>>) src(%dma_wait3A_227 : memref<10000x128xf32, #tpu.memory_space<hbm>>) dst(%arg11 : memref<40x128xf32, #tpu.memory_space<vmem>>)
      %dma_wait3A_228 = arith.constant 0 : i32
      %dma_wait3A_229 = arith.constant 0 : i32
      %dma_wait3A_230 = arith.constant 2 : i32
      %dma_wait3A_231 = arith.constant 0 : i32
      %dma_wait3A_232 = tpu.memref_slice %arg7[%dma_wait3A_230, %dma_wait3A_231] : memref<5x40xi32, #tpu.memory_space<vmem>> -> memref<1x40xi32, #tpu.memory_space<vmem>>
      %dma_wait3A_233 = tpu.memref_squeeze %dma_wait3A_232 : memref<1x40xi32, #tpu.memory_space<vmem>> -> memref<40xi32, #tpu.memory_space<vmem>>
      %dma_wait3A_234 = arith.constant 0 : i32
      %dma_wait3A_235 = tpu.memref_slice %arg4[%add3A, %dma_wait3A_228, %dma_wait3A_229, %dma_wait3A_234] : memref<32x250x1x40xi32, #tpu.memory_space<hbm>> -> memref<1x1x1x40xi32, #tpu.memory_space<hbm>>
      %dma_wait3A_236 = tpu.memref_squeeze %dma_wait3A_235 : memref<1x1x1x40xi32, #tpu.memory_space<hbm>> -> memref<40xi32, #tpu.memory_space<hbm>>
      %dma_wait3A_237 = arith.constant 0 : i32
      %dma_wait3A_238 = tpu.memref_slice %arg7[%dma_wait3A_230, %dma_wait3A_237] : memref<5x40xi32, #tpu.memory_space<vmem>> -> memref<1x40xi32, #tpu.memory_space<vmem>>
      %dma_wait3A_239 = tpu.memref_squeeze %dma_wait3A_238 : memref<1x40xi32, #tpu.memory_space<vmem>> -> memref<40xi32, #tpu.memory_space<vmem>>
      %dma_wait3A_240 = arith.constant 0 : i32
      %dma_wait3A_241 = tpu.memref_slice %arg4[%add3A, %dma_wait3A_228, %dma_wait3A_229, %dma_wait3A_240] : memref<32x250x1x40xi32, #tpu.memory_space<hbm>> -> memref<1x1x1x40xi32, #tpu.memory_space<hbm>>
      %dma_wait3A_242 = tpu.memref_squeeze %dma_wait3A_241 : memref<1x1x1x40xi32, #tpu.memory_space<hbm>> -> memref<40xi32, #tpu.memory_space<hbm>>
      tpu.wait_dma2 semaphore(%arg21 : memref<!tpu.dma_semaphore, #tpu.memory_space<semaphore_mem>>) src(%dma_wait3A_242 : memref<40xi32, #tpu.memory_space<hbm>>) dst(%dma_wait3A_239 : memref<40xi32, #tpu.memory_space<vmem>>)
      %run_scoped3A_243 = arith.constant 2 : i32
      "tpu.region"() ({
        %run_scoped3A_311 = tpu.sem_alloc : memref<!tpu.dma_semaphore, #tpu.memory_space<semaphore_mem>>
        %dma_start3A_312 = arith.constant 0 : i32
        %dma_start3A_313 = tpu.memref_slice %arg7[%run_scoped3A_243, %dma_start3A_312] : memref<5x40xi32, #tpu.memory_space<vmem>> -> memref<1x40xi32, #tpu.memory_space<vmem>>
        %dma_start3A_314 = tpu.memref_squeeze %dma_start3A_313 : memref<1x40xi32, #tpu.memory_space<vmem>> -> memref<40xi32, #tpu.memory_space<vmem>>
        %dma_start3A_315 = arith.constant 0 : i32
        %dma_start3A_316 = arith.constant 0 : i32
        %dma_start3A_317 = tpu.memref_slice %arg8[%dma_start3A_315, %dma_start3A_316] : memref<10000x128xf32, #tpu.memory_space<vmem_shared>> -> memref<10000x128xf32, #tpu.memory_space<vmem_shared>>
        tpu.enqueue_indirect_dma source(%arg11 : memref<40x128xf32, #tpu.memory_space<vmem>>) target(%dma_start3A_317 : memref<10000x128xf32, #tpu.memory_space<vmem_shared>>) offsets(%dma_start3A_314 : memref<40xi32, #tpu.memory_space<vmem>>) semaphore(%run_scoped3A_311 : memref<!tpu.dma_semaphore, #tpu.memory_space<semaphore_mem>>) {add = true}
        %dma_wait3A_318 = arith.constant 0 : i32
        %dma_wait3A_319 = tpu.memref_slice %arg7[%run_scoped3A_243, %dma_wait3A_318] : memref<5x40xi32, #tpu.memory_space<vmem>> -> memref<1x40xi32, #tpu.memory_space<vmem>>
        %dma_wait3A_320 = tpu.memref_squeeze %dma_wait3A_319 : memref<1x40xi32, #tpu.memory_space<vmem>> -> memref<40xi32, #tpu.memory_space<vmem>>
        %dma_wait3A_321 = arith.constant 0 : i32
        %dma_wait3A_322 = arith.constant 0 : i32
        %dma_wait3A_323 = tpu.memref_slice %arg8[%dma_wait3A_321, %dma_wait3A_322] : memref<10000x128xf32, #tpu.memory_space<vmem_shared>> -> memref<10000x128xf32, #tpu.memory_space<vmem_shared>>
        tpu.wait_indirect_dma semaphore(%run_scoped3A_311 : memref<!tpu.dma_semaphore, #tpu.memory_space<semaphore_mem>>) src(%arg11 : memref<40x128xf32, #tpu.memory_space<vmem>>) dst(%dma_wait3A_323 : memref<10000x128xf32, #tpu.memory_space<vmem_shared>>)
        tpu.yield
      }) : () -> ()
      %add3A_244 = arith.constant 5 : i32
      %add3A_245 = arith.addi %add3A_222, %add3A_244 : i32
      %lt3A_246 = arith.constant 250 : i32
      %lt3A_247 = arith.cmpi slt, %add3A_245, %lt3A_246 : i32
      %convert_element_type3A_248 = arith.extui %lt3A_247 : i1 to i32
      %cond3A_249 = arith.constant 0 : i32
      %cond3A_250 = arith.cmpi ne, %convert_element_type3A_248, %cond3A_249 : i32
      scf.if %cond3A_250 {
        %add3A_311 = arith.constant 5 : i32
        %add3A_312 = arith.addi %add3A_222, %add3A_311 : i32
        %mul3A_313 = arith.constant 40 : i32
        %mul3A_314 = arith.muli %add3A_312, %mul3A_313 : i32
        %multiple_of3A_315 = tpu.assume_multiple %mul3A_314, 8 : i32
        %dma_start3A_316 = tpu.memref_slice %arg6[%multiple_of3A_315] : memref<10000xi32, #tpu.memory_space<vmem>> -> memref<40xi32, #tpu.memory_space<vmem>>
        %dma_start3A_317 = arith.constant 0 : i32
        %dma_start3A_318 = arith.constant 0 : i32
        %dma_start3A_319 = tpu.memref_slice %arg2[%dma_start3A_317, %dma_start3A_318] : memref<10000x128xf32, #tpu.memory_space<hbm>> -> memref<10000x128xf32, #tpu.memory_space<hbm>>
        tpu.enqueue_indirect_dma source(%dma_start3A_319 : memref<10000x128xf32, #tpu.memory_space<hbm>>) target(%arg11 : memref<40x128xf32, #tpu.memory_space<vmem>>) offsets(%dma_start3A_316 : memref<40xi32, #tpu.memory_space<vmem>>) semaphore(%arg16 : memref<!tpu.dma_semaphore, #tpu.memory_space<semaphore_mem>>)
        %dma_start3A_320 = arith.constant 0 : i32
        %dma_start3A_321 = arith.constant 2 : i32
        %dma_start3A_322 = arith.constant 0 : i32
        %dma_start3A_323 = tpu.memref_slice %arg7[%dma_start3A_321, %dma_start3A_322] : memref<5x40xi32, #tpu.memory_space<vmem>> -> memref<1x40xi32, #tpu.memory_space<vmem>>
        %dma_start3A_324 = tpu.memref_squeeze %dma_start3A_323 : memref<1x40xi32, #tpu.memory_space<vmem>> -> memref<40xi32, #tpu.memory_space<vmem>>
        %dma_start3A_325 = arith.constant 0 : i32
        %dma_start3A_326 = tpu.memref_slice %arg4[%add3A, %add3A_312, %dma_start3A_320, %dma_start3A_325] : memref<32x250x1x40xi32, #tpu.memory_space<hbm>> -> memref<1x1x1x40xi32, #tpu.memory_space<hbm>>
        %dma_start3A_327 = tpu.memref_squeeze %dma_start3A_326 : memref<1x1x1x40xi32, #tpu.memory_space<hbm>> -> memref<40xi32, #tpu.memory_space<hbm>>
        %dma_start3A_328 = arith.constant 0 : i32
        %dma_start3A_329 = tpu.memref_slice %arg7[%dma_start3A_321, %dma_start3A_328] : memref<5x40xi32, #tpu.memory_space<vmem>> -> memref<1x40xi32, #tpu.memory_space<vmem>>
        %dma_start3A_330 = tpu.memref_squeeze %dma_start3A_329 : memref<1x40xi32, #tpu.memory_space<vmem>> -> memref<40xi32, #tpu.memory_space<vmem>>
        %dma_start3A_331 = arith.constant 0 : i32
        %dma_start3A_332 = tpu.memref_slice %arg4[%add3A, %add3A_312, %dma_start3A_320, %dma_start3A_331] : memref<32x250x1x40xi32, #tpu.memory_space<hbm>> -> memref<1x1x1x40xi32, #tpu.memory_space<hbm>>
        %dma_start3A_333 = tpu.memref_squeeze %dma_start3A_332 : memref<1x1x1x40xi32, #tpu.memory_space<hbm>> -> memref<40xi32, #tpu.memory_space<hbm>>
        tpu.enqueue_dma source(%dma_start3A_333 : memref<40xi32, #tpu.memory_space<hbm>>) target(%dma_start3A_330 : memref<40xi32, #tpu.memory_space<vmem>>) target_semaphore(%arg21 : memref<!tpu.dma_semaphore, #tpu.memory_space<semaphore_mem>>)
      } else {
      }
      %add3A_251 = arith.constant 3 : i32
      %add3A_252 = arith.addi %add3A_163, %add3A_251 : i32
      %dma_wait3A_253 = arith.constant 0 : i32
      %dma_wait3A_254 = tpu.memref_slice %arg6[%dma_wait3A_253] : memref<10000xi32, #tpu.memory_space<vmem>> -> memref<40xi32, #tpu.memory_space<vmem>>
      %dma_wait3A_255 = arith.constant 0 : i32
      %dma_wait3A_256 = arith.constant 0 : i32
      %dma_wait3A_257 = tpu.memref_slice %arg2[%dma_wait3A_255, %dma_wait3A_256] : memref<10000x128xf32, #tpu.memory_space<hbm>> -> memref<10000x128xf32, #tpu.memory_space<hbm>>
      tpu.wait_indirect_dma semaphore(%arg17 : memref<!tpu.dma_semaphore, #tpu.memory_space<semaphore_mem>>) src(%dma_wait3A_257 : memref<10000x128xf32, #tpu.memory_space<hbm>>) dst(%arg12 : memref<40x128xf32, #tpu.memory_space<vmem>>)
      %dma_wait3A_258 = arith.constant 0 : i32
      %dma_wait3A_259 = arith.constant 0 : i32
      %dma_wait3A_260 = arith.constant 3 : i32
      %dma_wait3A_261 = arith.constant 0 : i32
      %dma_wait3A_262 = tpu.memref_slice %arg7[%dma_wait3A_260, %dma_wait3A_261] : memref<5x40xi32, #tpu.memory_space<vmem>> -> memref<1x40xi32, #tpu.memory_space<vmem>>
      %dma_wait3A_263 = tpu.memref_squeeze %dma_wait3A_262 : memref<1x40xi32, #tpu.memory_space<vmem>> -> memref<40xi32, #tpu.memory_space<vmem>>
      %dma_wait3A_264 = arith.constant 0 : i32
      %dma_wait3A_265 = tpu.memref_slice %arg4[%add3A, %dma_wait3A_258, %dma_wait3A_259, %dma_wait3A_264] : memref<32x250x1x40xi32, #tpu.memory_space<hbm>> -> memref<1x1x1x40xi32, #tpu.memory_space<hbm>>
      %dma_wait3A_266 = tpu.memref_squeeze %dma_wait3A_265 : memref<1x1x1x40xi32, #tpu.memory_space<hbm>> -> memref<40xi32, #tpu.memory_space<hbm>>
      %dma_wait3A_267 = arith.constant 0 : i32
      %dma_wait3A_268 = tpu.memref_slice %arg7[%dma_wait3A_260, %dma_wait3A_267] : memref<5x40xi32, #tpu.memory_space<vmem>> -> memref<1x40xi32, #tpu.memory_space<vmem>>
      %dma_wait3A_269 = tpu.memref_squeeze %dma_wait3A_268 : memref<1x40xi32, #tpu.memory_space<vmem>> -> memref<40xi32, #tpu.memory_space<vmem>>
      %dma_wait3A_270 = arith.constant 0 : i32
      %dma_wait3A_271 = tpu.memref_slice %arg4[%add3A, %dma_wait3A_258, %dma_wait3A_259, %dma_wait3A_270] : memref<32x250x1x40xi32, #tpu.memory_space<hbm>> -> memref<1x1x1x40xi32, #tpu.memory_space<hbm>>
      %dma_wait3A_272 = tpu.memref_squeeze %dma_wait3A_271 : memref<1x1x1x40xi32, #tpu.memory_space<hbm>> -> memref<40xi32, #tpu.memory_space<hbm>>
      tpu.wait_dma2 semaphore(%arg22 : memref<!tpu.dma_semaphore, #tpu.memory_space<semaphore_mem>>) src(%dma_wait3A_272 : memref<40xi32, #tpu.memory_space<hbm>>) dst(%dma_wait3A_269 : memref<40xi32, #tpu.memory_space<vmem>>)
      %run_scoped3A_273 = arith.constant 3 : i32
      "tpu.region"() ({
        %run_scoped3A_311 = tpu.sem_alloc : memref<!tpu.dma_semaphore, #tpu.memory_space<semaphore_mem>>
        %dma_start3A_312 = arith.constant 0 : i32
        %dma_start3A_313 = tpu.memref_slice %arg7[%run_scoped3A_273, %dma_start3A_312] : memref<5x40xi32, #tpu.memory_space<vmem>> -> memref<1x40xi32, #tpu.memory_space<vmem>>
        %dma_start3A_314 = tpu.memref_squeeze %dma_start3A_313 : memref<1x40xi32, #tpu.memory_space<vmem>> -> memref<40xi32, #tpu.memory_space<vmem>>
        %dma_start3A_315 = arith.constant 0 : i32
        %dma_start3A_316 = arith.constant 0 : i32
        %dma_start3A_317 = tpu.memref_slice %arg8[%dma_start3A_315, %dma_start3A_316] : memref<10000x128xf32, #tpu.memory_space<vmem_shared>> -> memref<10000x128xf32, #tpu.memory_space<vmem_shared>>
        tpu.enqueue_indirect_dma source(%arg12 : memref<40x128xf32, #tpu.memory_space<vmem>>) target(%dma_start3A_317 : memref<10000x128xf32, #tpu.memory_space<vmem_shared>>) offsets(%dma_start3A_314 : memref<40xi32, #tpu.memory_space<vmem>>) semaphore(%run_scoped3A_311 : memref<!tpu.dma_semaphore, #tpu.memory_space<semaphore_mem>>) {add = true}
        %dma_wait3A_318 = arith.constant 0 : i32
        %dma_wait3A_319 = tpu.memref_slice %arg7[%run_scoped3A_273, %dma_wait3A_318] : memref<5x40xi32, #tpu.memory_space<vmem>> -> memref<1x40xi32, #tpu.memory_space<vmem>>
        %dma_wait3A_320 = tpu.memref_squeeze %dma_wait3A_319 : memref<1x40xi32, #tpu.memory_space<vmem>> -> memref<40xi32, #tpu.memory_space<vmem>>
        %dma_wait3A_321 = arith.constant 0 : i32
        %dma_wait3A_322 = arith.constant 0 : i32
        %dma_wait3A_323 = tpu.memref_slice %arg8[%dma_wait3A_321, %dma_wait3A_322] : memref<10000x128xf32, #tpu.memory_space<vmem_shared>> -> memref<10000x128xf32, #tpu.memory_space<vmem_shared>>
        tpu.wait_indirect_dma semaphore(%run_scoped3A_311 : memref<!tpu.dma_semaphore, #tpu.memory_space<semaphore_mem>>) src(%arg12 : memref<40x128xf32, #tpu.memory_space<vmem>>) dst(%dma_wait3A_323 : memref<10000x128xf32, #tpu.memory_space<vmem_shared>>)
        tpu.yield
      }) : () -> ()
      %add3A_274 = arith.constant 5 : i32
      %add3A_275 = arith.addi %add3A_252, %add3A_274 : i32
      %lt3A_276 = arith.constant 250 : i32
      %lt3A_277 = arith.cmpi slt, %add3A_275, %lt3A_276 : i32
      %convert_element_type3A_278 = arith.extui %lt3A_277 : i1 to i32
      %cond3A_279 = arith.constant 0 : i32
      %cond3A_280 = arith.cmpi ne, %convert_element_type3A_278, %cond3A_279 : i32
      scf.if %cond3A_280 {
        %add3A_311 = arith.constant 5 : i32
        %add3A_312 = arith.addi %add3A_252, %add3A_311 : i32
        %mul3A_313 = arith.constant 40 : i32
        %mul3A_314 = arith.muli %add3A_312, %mul3A_313 : i32
        %multiple_of3A_315 = tpu.assume_multiple %mul3A_314, 8 : i32
        %dma_start3A_316 = tpu.memref_slice %arg6[%multiple_of3A_315] : memref<10000xi32, #tpu.memory_space<vmem>> -> memref<40xi32, #tpu.memory_space<vmem>>
        %dma_start3A_317 = arith.constant 0 : i32
        %dma_start3A_318 = arith.constant 0 : i32
        %dma_start3A_319 = tpu.memref_slice %arg2[%dma_start3A_317, %dma_start3A_318] : memref<10000x128xf32, #tpu.memory_space<hbm>> -> memref<10000x128xf32, #tpu.memory_space<hbm>>
        tpu.enqueue_indirect_dma source(%dma_start3A_319 : memref<10000x128xf32, #tpu.memory_space<hbm>>) target(%arg12 : memref<40x128xf32, #tpu.memory_space<vmem>>) offsets(%dma_start3A_316 : memref<40xi32, #tpu.memory_space<vmem>>) semaphore(%arg17 : memref<!tpu.dma_semaphore, #tpu.memory_space<semaphore_mem>>)
        %dma_start3A_320 = arith.constant 0 : i32
        %dma_start3A_321 = arith.constant 3 : i32
        %dma_start3A_322 = arith.constant 0 : i32
        %dma_start3A_323 = tpu.memref_slice %arg7[%dma_start3A_321, %dma_start3A_322] : memref<5x40xi32, #tpu.memory_space<vmem>> -> memref<1x40xi32, #tpu.memory_space<vmem>>
        %dma_start3A_324 = tpu.memref_squeeze %dma_start3A_323 : memref<1x40xi32, #tpu.memory_space<vmem>> -> memref<40xi32, #tpu.memory_space<vmem>>
        %dma_start3A_325 = arith.constant 0 : i32
        %dma_start3A_326 = tpu.memref_slice %arg4[%add3A, %add3A_312, %dma_start3A_320, %dma_start3A_325] : memref<32x250x1x40xi32, #tpu.memory_space<hbm>> -> memref<1x1x1x40xi32, #tpu.memory_space<hbm>>
        %dma_start3A_327 = tpu.memref_squeeze %dma_start3A_326 : memref<1x1x1x40xi32, #tpu.memory_space<hbm>> -> memref<40xi32, #tpu.memory_space<hbm>>
        %dma_start3A_328 = arith.constant 0 : i32
        %dma_start3A_329 = tpu.memref_slice %arg7[%dma_start3A_321, %dma_start3A_328] : memref<5x40xi32, #tpu.memory_space<vmem>> -> memref<1x40xi32, #tpu.memory_space<vmem>>
        %dma_start3A_330 = tpu.memref_squeeze %dma_start3A_329 : memref<1x40xi32, #tpu.memory_space<vmem>> -> memref<40xi32, #tpu.memory_space<vmem>>
        %dma_start3A_331 = arith.constant 0 : i32
        %dma_start3A_332 = tpu.memref_slice %arg4[%add3A, %add3A_312, %dma_start3A_320, %dma_start3A_331] : memref<32x250x1x40xi32, #tpu.memory_space<hbm>> -> memref<1x1x1x40xi32, #tpu.memory_space<hbm>>
        %dma_start3A_333 = tpu.memref_squeeze %dma_start3A_332 : memref<1x1x1x40xi32, #tpu.memory_space<hbm>> -> memref<40xi32, #tpu.memory_space<hbm>>
        tpu.enqueue_dma source(%dma_start3A_333 : memref<40xi32, #tpu.memory_space<hbm>>) target(%dma_start3A_330 : memref<40xi32, #tpu.memory_space<vmem>>) target_semaphore(%arg22 : memref<!tpu.dma_semaphore, #tpu.memory_space<semaphore_mem>>)
      } else {
      }
      %add3A_281 = arith.constant 4 : i32
      %add3A_282 = arith.addi %add3A_163, %add3A_281 : i32
      %dma_wait3A_283 = arith.constant 0 : i32
      %dma_wait3A_284 = tpu.memref_slice %arg6[%dma_wait3A_283] : memref<10000xi32, #tpu.memory_space<vmem>> -> memref<40xi32, #tpu.memory_space<vmem>>
      %dma_wait3A_285 = arith.constant 0 : i32
      %dma_wait3A_286 = arith.constant 0 : i32
      %dma_wait3A_287 = tpu.memref_slice %arg2[%dma_wait3A_285, %dma_wait3A_286] : memref<10000x128xf32, #tpu.memory_space<hbm>> -> memref<10000x128xf32, #tpu.memory_space<hbm>>
      tpu.wait_indirect_dma semaphore(%arg18 : memref<!tpu.dma_semaphore, #tpu.memory_space<semaphore_mem>>) src(%dma_wait3A_287 : memref<10000x128xf32, #tpu.memory_space<hbm>>) dst(%arg13 : memref<40x128xf32, #tpu.memory_space<vmem>>)
      %dma_wait3A_288 = arith.constant 0 : i32
      %dma_wait3A_289 = arith.constant 0 : i32
      %dma_wait3A_290 = arith.constant 4 : i32
      %dma_wait3A_291 = arith.constant 0 : i32
      %dma_wait3A_292 = tpu.memref_slice %arg7[%dma_wait3A_290, %dma_wait3A_291] : memref<5x40xi32, #tpu.memory_space<vmem>> -> memref<1x40xi32, #tpu.memory_space<vmem>>
      %dma_wait3A_293 = tpu.memref_squeeze %dma_wait3A_292 : memref<1x40xi32, #tpu.memory_space<vmem>> -> memref<40xi32, #tpu.memory_space<vmem>>
      %dma_wait3A_294 = arith.constant 0 : i32
      %dma_wait3A_295 = tpu.memref_slice %arg4[%add3A, %dma_wait3A_288, %dma_wait3A_289, %dma_wait3A_294] : memref<32x250x1x40xi32, #tpu.memory_space<hbm>> -> memref<1x1x1x40xi32, #tpu.memory_space<hbm>>
      %dma_wait3A_296 = tpu.memref_squeeze %dma_wait3A_295 : memref<1x1x1x40xi32, #tpu.memory_space<hbm>> -> memref<40xi32, #tpu.memory_space<hbm>>
      %dma_wait3A_297 = arith.constant 0 : i32
      %dma_wait3A_298 = tpu.memref_slice %arg7[%dma_wait3A_290, %dma_wait3A_297] : memref<5x40xi32, #tpu.memory_space<vmem>> -> memref<1x40xi32, #tpu.memory_space<vmem>>
      %dma_wait3A_299 = tpu.memref_squeeze %dma_wait3A_298 : memref<1x40xi32, #tpu.memory_space<vmem>> -> memref<40xi32, #tpu.memory_space<vmem>>
      %dma_wait3A_300 = arith.constant 0 : i32
      %dma_wait3A_301 = tpu.memref_slice %arg4[%add3A, %dma_wait3A_288, %dma_wait3A_289, %dma_wait3A_300] : memref<32x250x1x40xi32, #tpu.memory_space<hbm>> -> memref<1x1x1x40xi32, #tpu.memory_space<hbm>>
      %dma_wait3A_302 = tpu.memref_squeeze %dma_wait3A_301 : memref<1x1x1x40xi32, #tpu.memory_space<hbm>> -> memref<40xi32, #tpu.memory_space<hbm>>
      tpu.wait_dma2 semaphore(%arg23 : memref<!tpu.dma_semaphore, #tpu.memory_space<semaphore_mem>>) src(%dma_wait3A_302 : memref<40xi32, #tpu.memory_space<hbm>>) dst(%dma_wait3A_299 : memref<40xi32, #tpu.memory_space<vmem>>)
      %run_scoped3A_303 = arith.constant 4 : i32
      "tpu.region"() ({
        %run_scoped3A_311 = tpu.sem_alloc : memref<!tpu.dma_semaphore, #tpu.memory_space<semaphore_mem>>
        %dma_start3A_312 = arith.constant 0 : i32
        %dma_start3A_313 = tpu.memref_slice %arg7[%run_scoped3A_303, %dma_start3A_312] : memref<5x40xi32, #tpu.memory_space<vmem>> -> memref<1x40xi32, #tpu.memory_space<vmem>>
        %dma_start3A_314 = tpu.memref_squeeze %dma_start3A_313 : memref<1x40xi32, #tpu.memory_space<vmem>> -> memref<40xi32, #tpu.memory_space<vmem>>
        %dma_start3A_315 = arith.constant 0 : i32
        %dma_start3A_316 = arith.constant 0 : i32
        %dma_start3A_317 = tpu.memref_slice %arg8[%dma_start3A_315, %dma_start3A_316] : memref<10000x128xf32, #tpu.memory_space<vmem_shared>> -> memref<10000x128xf32, #tpu.memory_space<vmem_shared>>
        tpu.enqueue_indirect_dma source(%arg13 : memref<40x128xf32, #tpu.memory_space<vmem>>) target(%dma_start3A_317 : memref<10000x128xf32, #tpu.memory_space<vmem_shared>>) offsets(%dma_start3A_314 : memref<40xi32, #tpu.memory_space<vmem>>) semaphore(%run_scoped3A_311 : memref<!tpu.dma_semaphore, #tpu.memory_space<semaphore_mem>>) {add = true}
        %dma_wait3A_318 = arith.constant 0 : i32
        %dma_wait3A_319 = tpu.memref_slice %arg7[%run_scoped3A_303, %dma_wait3A_318] : memref<5x40xi32, #tpu.memory_space<vmem>> -> memref<1x40xi32, #tpu.memory_space<vmem>>
        %dma_wait3A_320 = tpu.memref_squeeze %dma_wait3A_319 : memref<1x40xi32, #tpu.memory_space<vmem>> -> memref<40xi32, #tpu.memory_space<vmem>>
        %dma_wait3A_321 = arith.constant 0 : i32
        %dma_wait3A_322 = arith.constant 0 : i32
        %dma_wait3A_323 = tpu.memref_slice %arg8[%dma_wait3A_321, %dma_wait3A_322] : memref<10000x128xf32, #tpu.memory_space<vmem_shared>> -> memref<10000x128xf32, #tpu.memory_space<vmem_shared>>
        tpu.wait_indirect_dma semaphore(%run_scoped3A_311 : memref<!tpu.dma_semaphore, #tpu.memory_space<semaphore_mem>>) src(%arg13 : memref<40x128xf32, #tpu.memory_space<vmem>>) dst(%dma_wait3A_323 : memref<10000x128xf32, #tpu.memory_space<vmem_shared>>)
        tpu.yield
      }) : () -> ()
      %add3A_304 = arith.constant 5 : i32
      %add3A_305 = arith.addi %add3A_282, %add3A_304 : i32
      %lt3A_306 = arith.constant 250 : i32
      %lt3A_307 = arith.cmpi slt, %add3A_305, %lt3A_306 : i32
      %convert_element_type3A_308 = arith.extui %lt3A_307 : i1 to i32
      %cond3A_309 = arith.constant 0 : i32
      %cond3A_310 = arith.cmpi ne, %convert_element_type3A_308, %cond3A_309 : i32
      scf.if %cond3A_310 {
        %add3A_311 = arith.constant 5 : i32
        %add3A_312 = arith.addi %add3A_282, %add3A_311 : i32
        %mul3A_313 = arith.constant 40 : i32
        %mul3A_314 = arith.muli %add3A_312, %mul3A_313 : i32
        %multiple_of3A_315 = tpu.assume_multiple %mul3A_314, 8 : i32
        %dma_start3A_316 = tpu.memref_slice %arg6[%multiple_of3A_315] : memref<10000xi32, #tpu.memory_space<vmem>> -> memref<40xi32, #tpu.memory_space<vmem>>
        %dma_start3A_317 = arith.constant 0 : i32
        %dma_start3A_318 = arith.constant 0 : i32
        %dma_start3A_319 = tpu.memref_slice %arg2[%dma_start3A_317, %dma_start3A_318] : memref<10000x128xf32, #tpu.memory_space<hbm>> -> memref<10000x128xf32, #tpu.memory_space<hbm>>
        tpu.enqueue_indirect_dma source(%dma_start3A_319 : memref<10000x128xf32, #tpu.memory_space<hbm>>) target(%arg13 : memref<40x128xf32, #tpu.memory_space<vmem>>) offsets(%dma_start3A_316 : memref<40xi32, #tpu.memory_space<vmem>>) semaphore(%arg18 : memref<!tpu.dma_semaphore, #tpu.memory_space<semaphore_mem>>)
        %dma_start3A_320 = arith.constant 0 : i32
        %dma_start3A_321 = arith.constant 4 : i32
        %dma_start3A_322 = arith.constant 0 : i32
        %dma_start3A_323 = tpu.memref_slice %arg7[%dma_start3A_321, %dma_start3A_322] : memref<5x40xi32, #tpu.memory_space<vmem>> -> memref<1x40xi32, #tpu.memory_space<vmem>>
        %dma_start3A_324 = tpu.memref_squeeze %dma_start3A_323 : memref<1x40xi32, #tpu.memory_space<vmem>> -> memref<40xi32, #tpu.memory_space<vmem>>
        %dma_start3A_325 = arith.constant 0 : i32
        %dma_start3A_326 = tpu.memref_slice %arg4[%add3A, %add3A_312, %dma_start3A_320, %dma_start3A_325] : memref<32x250x1x40xi32, #tpu.memory_space<hbm>> -> memref<1x1x1x40xi32, #tpu.memory_space<hbm>>
        %dma_start3A_327 = tpu.memref_squeeze %dma_start3A_326 : memref<1x1x1x40xi32, #tpu.memory_space<hbm>> -> memref<40xi32, #tpu.memory_space<hbm>>
        %dma_start3A_328 = arith.constant 0 : i32
        %dma_start3A_329 = tpu.memref_slice %arg7[%dma_start3A_321, %dma_start3A_328] : memref<5x40xi32, #tpu.memory_space<vmem>> -> memref<1x40xi32, #tpu.memory_space<vmem>>
        %dma_start3A_330 = tpu.memref_squeeze %dma_start3A_329 : memref<1x40xi32, #tpu.memory_space<vmem>> -> memref<40xi32, #tpu.memory_space<vmem>>
        %dma_start3A_331 = arith.constant 0 : i32
        %dma_start3A_332 = tpu.memref_slice %arg4[%add3A, %add3A_312, %dma_start3A_320, %dma_start3A_331] : memref<32x250x1x40xi32, #tpu.memory_space<hbm>> -> memref<1x1x1x40xi32, #tpu.memory_space<hbm>>
        %dma_start3A_333 = tpu.memref_squeeze %dma_start3A_332 : memref<1x1x1x40xi32, #tpu.memory_space<hbm>> -> memref<40xi32, #tpu.memory_space<hbm>>
        tpu.enqueue_dma source(%dma_start3A_333 : memref<40xi32, #tpu.memory_space<hbm>>) target(%dma_start3A_330 : memref<40xi32, #tpu.memory_space<vmem>>) target_semaphore(%arg23 : memref<!tpu.dma_semaphore, #tpu.memory_space<semaphore_mem>>)
      } else {
      }
    }
    %scan3A_152 = arith.constant 50 : i32
    %barrier3A_153 = arith.constant 0 : index
    tpu.barrier barrier_id(%barrier3A_153)
    "tpu.region"() ({
      %run_scoped3A = tpu.sem_alloc : memref<!tpu.dma_semaphore, #tpu.memory_space<semaphore_mem>>
      %dma_start3A_159 = arith.constant 0 : i32
      %dma_start3A_160 = tpu.memref_slice %arg5[%arg0, %mul3A_10, %dma_start3A_159] : memref<2x10000x128xf32, #tpu.memory_space<hbm>> -> memref<1x624x128xf32, #tpu.memory_space<hbm>>
      %dma_start3A_161 = tpu.memref_squeeze %dma_start3A_160 : memref<1x624x128xf32, #tpu.memory_space<hbm>> -> memref<624x128xf32, #tpu.memory_space<hbm>>
      %dma_start3A_162 = arith.constant 0 : i32
      %dma_start3A_163 = tpu.memref_slice %arg8[%mul3A_10, %dma_start3A_162] : memref<10000x128xf32, #tpu.memory_space<vmem_shared>> -> memref<624x128xf32, #tpu.memory_space<vmem_shared>>
      tpu.enqueue_dma source(%dma_start3A_163 : memref<624x128xf32, #tpu.memory_space<vmem_shared>>) target(%dma_start3A_161 : memref<624x128xf32, #tpu.memory_space<hbm>>) target_semaphore(%run_scoped3A : memref<!tpu.dma_semaphore, #tpu.memory_space<semaphore_mem>>)
      %dma_wait3A = arith.constant 0 : i32
      %dma_wait3A_164 = tpu.memref_slice %arg5[%arg0, %mul3A_10, %dma_wait3A] : memref<2x10000x128xf32, #tpu.memory_space<hbm>> -> memref<1x624x128xf32, #tpu.memory_space<hbm>>
      %dma_wait3A_165 = tpu.memref_squeeze %dma_wait3A_164 : memref<1x624x128xf32, #tpu.memory_space<hbm>> -> memref<624x128xf32, #tpu.memory_space<hbm>>
      %dma_wait3A_166 = arith.constant 0 : i32
      %dma_wait3A_167 = tpu.memref_slice %arg8[%mul3A_10, %dma_wait3A_166] : memref<10000x128xf32, #tpu.memory_space<vmem_shared>> -> memref<624x128xf32, #tpu.memory_space<vmem_shared>>
      tpu.wait_dma2 semaphore(%run_scoped3A : memref<!tpu.dma_semaphore, #tpu.memory_space<semaphore_mem>>) src(%dma_wait3A_167 : memref<624x128xf32, #tpu.memory_space<vmem_shared>>) dst(%dma_wait3A_165 : memref<624x128xf32, #tpu.memory_space<hbm>>)
      tpu.yield
    }) : () -> ()
    %eq3A_154 = arith.constant 0 : i32
    %eq3A_155 = arith.cmpi eq, %arg1, %eq3A_154 : i32
    %convert_element_type3A_156 = arith.extui %eq3A_155 : i1 to i32
    %cond3A_157 = arith.constant 0 : i32
    %cond3A_158 = arith.cmpi ne, %convert_element_type3A_156, %cond3A_157 : i32
    scf.if %cond3A_158 {
      "tpu.region"() ({
        %run_scoped3A = tpu.sem_alloc : memref<!tpu.dma_semaphore, #tpu.memory_space<semaphore_mem>>
        %dma_start3A_159 = arith.constant 9984 : i32
        %dma_start3A_160 = arith.constant 0 : i32
        %dma_start3A_161 = tpu.memref_slice %arg5[%arg0, %dma_start3A_159, %dma_start3A_160] : memref<2x10000x128xf32, #tpu.memory_space<hbm>> -> memref<1x16x128xf32, #tpu.memory_space<hbm>>
        %dma_start3A_162 = tpu.memref_squeeze %dma_start3A_161 : memref<1x16x128xf32, #tpu.memory_space<hbm>> -> memref<16x128xf32, #tpu.memory_space<hbm>>
        %dma_start3A_163 = arith.constant 9984 : i32
        %dma_start3A_164 = arith.constant 0 : i32
        %dma_start3A_165 = tpu.memref_slice %arg8[%dma_start3A_163, %dma_start3A_164] : memref<10000x128xf32, #tpu.memory_space<vmem_shared>> -> memref<16x128xf32, #tpu.memory_space<vmem_shared>>
        tpu.enqueue_dma source(%dma_start3A_165 : memref<16x128xf32, #tpu.memory_space<vmem_shared>>) target(%dma_start3A_162 : memref<16x128xf32, #tpu.memory_space<hbm>>) target_semaphore(%run_scoped3A : memref<!tpu.dma_semaphore, #tpu.memory_space<semaphore_mem>>)
        %dma_wait3A = arith.constant 9984 : i32
        %dma_wait3A_166 = arith.constant 0 : i32
        %dma_wait3A_167 = tpu.memref_slice %arg5[%arg0, %dma_wait3A, %dma_wait3A_166] : memref<2x10000x128xf32, #tpu.memory_space<hbm>> -> memref<1x16x128xf32, #tpu.memory_space<hbm>>
        %dma_wait3A_168 = tpu.memref_squeeze %dma_wait3A_167 : memref<1x16x128xf32, #tpu.memory_space<hbm>> -> memref<16x128xf32, #tpu.memory_space<hbm>>
        %dma_wait3A_169 = arith.constant 9984 : i32
        %dma_wait3A_170 = arith.constant 0 : i32
        %dma_wait3A_171 = tpu.memref_slice %arg8[%dma_wait3A_169, %dma_wait3A_170] : memref<10000x128xf32, #tpu.memory_space<vmem_shared>> -> memref<16x128xf32, #tpu.memory_space<vmem_shared>>
        tpu.wait_dma2 semaphore(%run_scoped3A : memref<!tpu.dma_semaphore, #tpu.memory_space<semaphore_mem>>) src(%dma_wait3A_171 : memref<16x128xf32, #tpu.memory_space<vmem_shared>>) dst(%dma_wait3A_168 : memref<16x128xf32, #tpu.memory_space<hbm>>)
        tpu.yield
      }) : () -> ()
    } else {
    }
    return
  }
}

#map = affine_map<(d0, d1) -> (0, 0)>
#map1 = affine_map<(d0, d1) -> (0)>
#map2 = affine_map<(d0, d1) -> (0, 0, 0, 0)>
#map3 = affine_map<(d0, d1) -> (0, 0, 0)>
module attributes {stable_mosaic.version = 14 : i64} {
  func.func @body(%arg0: i32, %arg1: i32, %arg2: memref<10000x128xf32, #tpu.memory_space<hbm>>, %arg3: memref<320000xi32, #tpu.memory_space<hbm>>, %arg4: memref<32x250x1x40xi32, #tpu.memory_space<hbm>>, %arg5: memref<2x10000x128xf32, #tpu.memory_space<hbm>>, %arg6: memref<20000xf32, #tpu.memory_space<hbm>>, %arg7: memref<10000xi32, #tpu.memory_space<vmem>>, %arg8: memref<5x40xi32, #tpu.memory_space<vmem>>, %arg9: memref<10000x128xf32, #tpu.memory_space<vmem_shared>>, %arg10: memref<40x128xf32, #tpu.memory_space<vmem>>, %arg11: memref<40x128xf32, #tpu.memory_space<vmem>>, %arg12: memref<40x128xf32, #tpu.memory_space<vmem>>, %arg13: memref<40x128xf32, #tpu.memory_space<vmem>>, %arg14: memref<40x128xf32, #tpu.memory_space<vmem>>, %arg15: memref<!tpu.dma_semaphore, #tpu.memory_space<semaphore_mem>>, %arg16: memref<!tpu.dma_semaphore, #tpu.memory_space<semaphore_mem>>, %arg17: memref<!tpu.dma_semaphore, #tpu.memory_space<semaphore_mem>>, %arg18: memref<!tpu.dma_semaphore, #tpu.memory_space<semaphore_mem>>, %arg19: memref<!tpu.dma_semaphore, #tpu.memory_space<semaphore_mem>>, %arg20: memref<!tpu.dma_semaphore, #tpu.memory_space<semaphore_mem>>, %arg21: memref<!tpu.dma_semaphore, #tpu.memory_space<semaphore_mem>>, %arg22: memref<!tpu.dma_semaphore, #tpu.memory_space<semaphore_mem>>, %arg23: memref<!tpu.dma_semaphore, #tpu.memory_space<semaphore_mem>>, %arg24: memref<!tpu.dma_semaphore, #tpu.memory_space<semaphore_mem>>, %arg25: memref<40xf32, #tpu.memory_space<vmem>>, %arg26: memref<208xf32, #tpu.memory_space<vmem>>, %arg27: memref<624xf32, #tpu.memory_space<vmem>>, %arg28: memref<10000xf32, #tpu.memory_space<vmem_shared>>) attributes {dimension_semantics = [#tpu.dimension_semantics<core_parallel>, #tpu.dimension_semantics<subcore_parallel>], iteration_bounds = array<i64: 2, 16>, scalar_prefetch = 0 : i64, scratch_operands = 22 : i64, tpu.core_type = #tpu.core_type<sc_vector_subcore>, window_params = [{transform_indices = #map}, {transform_indices = #map1}, {transform_indices = #map2}, {transform_indices = #map3}, {transform_indices = #map1}]} {
    %mul3A = arith.constant 2 : i32
    %mul3A_0 = arith.muli %arg1, %mul3A : i32
    %add3A = arith.addi %mul3A_0, %arg0 : i32
    %broadcast_in_dim3A = arith.constant 0.000000e+00 : f32
    %broadcast_in_dim3A_1 = vector.broadcast %broadcast_in_dim3A : f32 to vector<16xf32>
    %scan3A = arith.constant 0 : i32
    %scan3A_2 = arith.constant 0 : i32
    %scan3A_3 = arith.constant 40 : i32
    %scan3A_4 = arith.addi %scan3A_2, %scan3A_3 : i32
    %scan3A_5 = arith.constant 1 : i32
    scf.for %scan3A_253 = %scan3A_2 to %scan3A_4 step %scan3A_5  : i32 {
      %swap3A_254 = arith.index_cast %scan3A_253 : i32 to index
      %swap3A_255 = arith.constant 0 : index
      %swap3A_256 = tpu.vector_load %arg10[%swap3A_254, %swap3A_255] {strides = array<i32>} : memref<40x128xf32, #tpu.memory_space<vmem>>, vector<1x16xf32>,
      %swap3A_257 = vector.shape_cast %swap3A_256 : vector<1x16xf32> to vector<16xf32>
      %swap3A_258 = vector.shape_cast %broadcast_in_dim3A_1 : vector<16xf32> to vector<1x16xf32>
      tpu.vector_store %arg10[%swap3A_254, %swap3A_255], %swap3A_258 {strides = array<i32>} : memref<40x128xf32, #tpu.memory_space<vmem>>, vector<1x16xf32>,
      %swap3A_259 = arith.index_cast %scan3A_253 : i32 to index
      %swap3A_260 = arith.constant 16 : index
      %swap3A_261 = tpu.vector_load %arg10[%swap3A_259, %swap3A_260] {strides = array<i32>} : memref<40x128xf32, #tpu.memory_space<vmem>>, vector<1x16xf32>,
      %swap3A_262 = vector.shape_cast %swap3A_261 : vector<1x16xf32> to vector<16xf32>
      %swap3A_263 = vector.shape_cast %broadcast_in_dim3A_1 : vector<16xf32> to vector<1x16xf32>
      tpu.vector_store %arg10[%swap3A_259, %swap3A_260], %swap3A_263 {strides = array<i32>} : memref<40x128xf32, #tpu.memory_space<vmem>>, vector<1x16xf32>,
      %swap3A_264 = arith.index_cast %scan3A_253 : i32 to index
      %swap3A_265 = arith.constant 32 : index
      %swap3A_266 = tpu.vector_load %arg10[%swap3A_264, %swap3A_265] {strides = array<i32>} : memref<40x128xf32, #tpu.memory_space<vmem>>, vector<1x16xf32>,
      %swap3A_267 = vector.shape_cast %swap3A_266 : vector<1x16xf32> to vector<16xf32>
      %swap3A_268 = vector.shape_cast %broadcast_in_dim3A_1 : vector<16xf32> to vector<1x16xf32>
      tpu.vector_store %arg10[%swap3A_264, %swap3A_265], %swap3A_268 {strides = array<i32>} : memref<40x128xf32, #tpu.memory_space<vmem>>, vector<1x16xf32>,
      %swap3A_269 = arith.index_cast %scan3A_253 : i32 to index
      %swap3A_270 = arith.constant 48 : index
      %swap3A_271 = tpu.vector_load %arg10[%swap3A_269, %swap3A_270] {strides = array<i32>} : memref<40x128xf32, #tpu.memory_space<vmem>>, vector<1x16xf32>,
      %swap3A_272 = vector.shape_cast %swap3A_271 : vector<1x16xf32> to vector<16xf32>
      %swap3A_273 = vector.shape_cast %broadcast_in_dim3A_1 : vector<16xf32> to vector<1x16xf32>
      tpu.vector_store %arg10[%swap3A_269, %swap3A_270], %swap3A_273 {strides = array<i32>} : memref<40x128xf32, #tpu.memory_space<vmem>>, vector<1x16xf32>,
      %swap3A_274 = arith.index_cast %scan3A_253 : i32 to index
      %swap3A_275 = arith.constant 64 : index
      %swap3A_276 = tpu.vector_load %arg10[%swap3A_274, %swap3A_275] {strides = array<i32>} : memref<40x128xf32, #tpu.memory_space<vmem>>, vector<1x16xf32>,
      %swap3A_277 = vector.shape_cast %swap3A_276 : vector<1x16xf32> to vector<16xf32>
      %swap3A_278 = vector.shape_cast %broadcast_in_dim3A_1 : vector<16xf32> to vector<1x16xf32>
      tpu.vector_store %arg10[%swap3A_274, %swap3A_275], %swap3A_278 {strides = array<i32>} : memref<40x128xf32, #tpu.memory_space<vmem>>, vector<1x16xf32>,
      %swap3A_279 = arith.index_cast %scan3A_253 : i32 to index
      %swap3A_280 = arith.constant 80 : index
      %swap3A_281 = tpu.vector_load %arg10[%swap3A_279, %swap3A_280] {strides = array<i32>} : memref<40x128xf32, #tpu.memory_space<vmem>>, vector<1x16xf32>,
      %swap3A_282 = vector.shape_cast %swap3A_281 : vector<1x16xf32> to vector<16xf32>
      %swap3A_283 = vector.shape_cast %broadcast_in_dim3A_1 : vector<16xf32> to vector<1x16xf32>
      tpu.vector_store %arg10[%swap3A_279, %swap3A_280], %swap3A_283 {strides = array<i32>} : memref<40x128xf32, #tpu.memory_space<vmem>>, vector<1x16xf32>,
      %swap3A_284 = arith.index_cast %scan3A_253 : i32 to index
      %swap3A_285 = arith.constant 96 : index
      %swap3A_286 = tpu.vector_load %arg10[%swap3A_284, %swap3A_285] {strides = array<i32>} : memref<40x128xf32, #tpu.memory_space<vmem>>, vector<1x16xf32>,
      %swap3A_287 = vector.shape_cast %swap3A_286 : vector<1x16xf32> to vector<16xf32>
      %swap3A_288 = vector.shape_cast %broadcast_in_dim3A_1 : vector<16xf32> to vector<1x16xf32>
      tpu.vector_store %arg10[%swap3A_284, %swap3A_285], %swap3A_288 {strides = array<i32>} : memref<40x128xf32, #tpu.memory_space<vmem>>, vector<1x16xf32>,
      %swap3A_289 = arith.index_cast %scan3A_253 : i32 to index
      %swap3A_290 = arith.constant 112 : index
      %swap3A_291 = tpu.vector_load %arg10[%swap3A_289, %swap3A_290] {strides = array<i32>} : memref<40x128xf32, #tpu.memory_space<vmem>>, vector<1x16xf32>,
      %swap3A_292 = vector.shape_cast %swap3A_291 : vector<1x16xf32> to vector<16xf32>
      %swap3A_293 = vector.shape_cast %broadcast_in_dim3A_1 : vector<16xf32> to vector<1x16xf32>
      tpu.vector_store %arg10[%swap3A_289, %swap3A_290], %swap3A_293 {strides = array<i32>} : memref<40x128xf32, #tpu.memory_space<vmem>>, vector<1x16xf32>,
    }
    %scan3A_6 = arith.constant 40 : i32
    %mul3A_7 = arith.constant 10000 : i32
    %mul3A_8 = arith.muli %add3A, %mul3A_7 : i32
    "tpu.region"() ({
      %run_scoped3A = tpu.sem_alloc : memref<!tpu.dma_semaphore, #tpu.memory_space<semaphore_mem>>
      %dma_start3A_253 = tpu.memref_slice %arg3[%mul3A_8] : memref<320000xi32, #tpu.memory_space<hbm>> -> memref<10000xi32, #tpu.memory_space<hbm>>
      %dma_start3A_254 = tpu.memref_slice %arg3[%mul3A_8] : memref<320000xi32, #tpu.memory_space<hbm>> -> memref<10000xi32, #tpu.memory_space<hbm>>
      tpu.enqueue_dma source(%dma_start3A_254 : memref<10000xi32, #tpu.memory_space<hbm>>) target(%arg7 : memref<10000xi32, #tpu.memory_space<vmem>>) target_semaphore(%run_scoped3A : memref<!tpu.dma_semaphore, #tpu.memory_space<semaphore_mem>>)
      %dma_wait3A = tpu.memref_slice %arg3[%mul3A_8] : memref<320000xi32, #tpu.memory_space<hbm>> -> memref<10000xi32, #tpu.memory_space<hbm>>
      %dma_wait3A_255 = tpu.memref_slice %arg3[%mul3A_8] : memref<320000xi32, #tpu.memory_space<hbm>> -> memref<10000xi32, #tpu.memory_space<hbm>>
      tpu.wait_dma2 semaphore(%run_scoped3A : memref<!tpu.dma_semaphore, #tpu.memory_space<semaphore_mem>>) src(%dma_wait3A_255 : memref<10000xi32, #tpu.memory_space<hbm>>) dst(%arg7 : memref<10000xi32, #tpu.memory_space<vmem>>)
      tpu.yield
    }) : () -> ()
    %mul3A_9 = arith.constant 624 : i32
    %mul3A_10 = arith.muli %arg1, %mul3A_9 : i32
    %add3A_11 = arith.constant 0 : i32
    %add3A_12 = arith.addi %mul3A_10, %add3A_11 : i32
    "tpu.region"() ({
      %run_scoped3A = tpu.sem_alloc : memref<!tpu.dma_semaphore, #tpu.memory_space<semaphore_mem>>
      %dma_start3A_253 = arith.constant 0 : i32
      %dma_start3A_254 = tpu.memref_slice %arg9[%add3A_12, %dma_start3A_253] : memref<10000x128xf32, #tpu.memory_space<vmem_shared>> -> memref<40x128xf32, #tpu.memory_space<vmem_shared>>
      %dma_start3A_255 = arith.constant 0 : i32
      %dma_start3A_256 = tpu.memref_slice %arg9[%add3A_12, %dma_start3A_255] : memref<10000x128xf32, #tpu.memory_space<vmem_shared>> -> memref<40x128xf32, #tpu.memory_space<vmem_shared>>
      tpu.enqueue_dma source(%arg10 : memref<40x128xf32, #tpu.memory_space<vmem>>) target(%dma_start3A_256 : memref<40x128xf32, #tpu.memory_space<vmem_shared>>) target_semaphore(%run_scoped3A : memref<!tpu.dma_semaphore, #tpu.memory_space<semaphore_mem>>)
      %dma_wait3A = arith.constant 0 : i32
      %dma_wait3A_257 = tpu.memref_slice %arg9[%add3A_12, %dma_wait3A] : memref<10000x128xf32, #tpu.memory_space<vmem_shared>> -> memref<40x128xf32, #tpu.memory_space<vmem_shared>>
      %dma_wait3A_258 = arith.constant 0 : i32
      %dma_wait3A_259 = tpu.memref_slice %arg9[%add3A_12, %dma_wait3A_258] : memref<10000x128xf32, #tpu.memory_space<vmem_shared>> -> memref<40x128xf32, #tpu.memory_space<vmem_shared>>
      tpu.wait_dma2 semaphore(%run_scoped3A : memref<!tpu.dma_semaphore, #tpu.memory_space<semaphore_mem>>) src(%arg10 : memref<40x128xf32, #tpu.memory_space<vmem>>) dst(%dma_wait3A_259 : memref<40x128xf32, #tpu.memory_space<vmem_shared>>)
      tpu.yield
    }) : () -> ()
    %add3A_13 = arith.constant 40 : i32
    %add3A_14 = arith.addi %mul3A_10, %add3A_13 : i32
    "tpu.region"() ({
      %run_scoped3A = tpu.sem_alloc : memref<!tpu.dma_semaphore, #tpu.memory_space<semaphore_mem>>
      %dma_start3A_253 = arith.constant 0 : i32
      %dma_start3A_254 = tpu.memref_slice %arg9[%add3A_14, %dma_start3A_253] : memref<10000x128xf32, #tpu.memory_space<vmem_shared>> -> memref<40x128xf32, #tpu.memory_space<vmem_shared>>
      %dma_start3A_255 = arith.constant 0 : i32
      %dma_start3A_256 = tpu.memref_slice %arg9[%add3A_14, %dma_start3A_255] : memref<10000x128xf32, #tpu.memory_space<vmem_shared>> -> memref<40x128xf32, #tpu.memory_space<vmem_shared>>
      tpu.enqueue_dma source(%arg10 : memref<40x128xf32, #tpu.memory_space<vmem>>) target(%dma_start3A_256 : memref<40x128xf32, #tpu.memory_space<vmem_shared>>) target_semaphore(%run_scoped3A : memref<!tpu.dma_semaphore, #tpu.memory_space<semaphore_mem>>)
      %dma_wait3A = arith.constant 0 : i32
      %dma_wait3A_257 = tpu.memref_slice %arg9[%add3A_14, %dma_wait3A] : memref<10000x128xf32, #tpu.memory_space<vmem_shared>> -> memref<40x128xf32, #tpu.memory_space<vmem_shared>>
      %dma_wait3A_258 = arith.constant 0 : i32
      %dma_wait3A_259 = tpu.memref_slice %arg9[%add3A_14, %dma_wait3A_258] : memref<10000x128xf32, #tpu.memory_space<vmem_shared>> -> memref<40x128xf32, #tpu.memory_space<vmem_shared>>
      tpu.wait_dma2 semaphore(%run_scoped3A : memref<!tpu.dma_semaphore, #tpu.memory_space<semaphore_mem>>) src(%arg10 : memref<40x128xf32, #tpu.memory_space<vmem>>) dst(%dma_wait3A_259 : memref<40x128xf32, #tpu.memory_space<vmem_shared>>)
      tpu.yield
    }) : () -> ()
    %add3A_15 = arith.constant 80 : i32
    %add3A_16 = arith.addi %mul3A_10, %add3A_15 : i32
    "tpu.region"() ({
      %run_scoped3A = tpu.sem_alloc : memref<!tpu.dma_semaphore, #tpu.memory_space<semaphore_mem>>
      %dma_start3A_253 = arith.constant 0 : i32
      %dma_start3A_254 = tpu.memref_slice %arg9[%add3A_16, %dma_start3A_253] : memref<10000x128xf32, #tpu.memory_space<vmem_shared>> -> memref<40x128xf32, #tpu.memory_space<vmem_shared>>
      %dma_start3A_255 = arith.constant 0 : i32
      %dma_start3A_256 = tpu.memref_slice %arg9[%add3A_16, %dma_start3A_255] : memref<10000x128xf32, #tpu.memory_space<vmem_shared>> -> memref<40x128xf32, #tpu.memory_space<vmem_shared>>
      tpu.enqueue_dma source(%arg10 : memref<40x128xf32, #tpu.memory_space<vmem>>) target(%dma_start3A_256 : memref<40x128xf32, #tpu.memory_space<vmem_shared>>) target_semaphore(%run_scoped3A : memref<!tpu.dma_semaphore, #tpu.memory_space<semaphore_mem>>)
      %dma_wait3A = arith.constant 0 : i32
      %dma_wait3A_257 = tpu.memref_slice %arg9[%add3A_16, %dma_wait3A] : memref<10000x128xf32, #tpu.memory_space<vmem_shared>> -> memref<40x128xf32, #tpu.memory_space<vmem_shared>>
      %dma_wait3A_258 = arith.constant 0 : i32
      %dma_wait3A_259 = tpu.memref_slice %arg9[%add3A_16, %dma_wait3A_258] : memref<10000x128xf32, #tpu.memory_space<vmem_shared>> -> memref<40x128xf32, #tpu.memory_space<vmem_shared>>
      tpu.wait_dma2 semaphore(%run_scoped3A : memref<!tpu.dma_semaphore, #tpu.memory_space<semaphore_mem>>) src(%arg10 : memref<40x128xf32, #tpu.memory_space<vmem>>) dst(%dma_wait3A_259 : memref<40x128xf32, #tpu.memory_space<vmem_shared>>)
      tpu.yield
    }) : () -> ()
    %add3A_17 = arith.constant 120 : i32
    %add3A_18 = arith.addi %mul3A_10, %add3A_17 : i32
    "tpu.region"() ({
      %run_scoped3A = tpu.sem_alloc : memref<!tpu.dma_semaphore, #tpu.memory_space<semaphore_mem>>
      %dma_start3A_253 = arith.constant 0 : i32
      %dma_start3A_254 = tpu.memref_slice %arg9[%add3A_18, %dma_start3A_253] : memref<10000x128xf32, #tpu.memory_space<vmem_shared>> -> memref<40x128xf32, #tpu.memory_space<vmem_shared>>
      %dma_start3A_255 = arith.constant 0 : i32
      %dma_start3A_256 = tpu.memref_slice %arg9[%add3A_18, %dma_start3A_255] : memref<10000x128xf32, #tpu.memory_space<vmem_shared>> -> memref<40x128xf32, #tpu.memory_space<vmem_shared>>
      tpu.enqueue_dma source(%arg10 : memref<40x128xf32, #tpu.memory_space<vmem>>) target(%dma_start3A_256 : memref<40x128xf32, #tpu.memory_space<vmem_shared>>) target_semaphore(%run_scoped3A : memref<!tpu.dma_semaphore, #tpu.memory_space<semaphore_mem>>)
      %dma_wait3A = arith.constant 0 : i32
      %dma_wait3A_257 = tpu.memref_slice %arg9[%add3A_18, %dma_wait3A] : memref<10000x128xf32, #tpu.memory_space<vmem_shared>> -> memref<40x128xf32, #tpu.memory_space<vmem_shared>>
      %dma_wait3A_258 = arith.constant 0 : i32
      %dma_wait3A_259 = tpu.memref_slice %arg9[%add3A_18, %dma_wait3A_258] : memref<10000x128xf32, #tpu.memory_space<vmem_shared>> -> memref<40x128xf32, #tpu.memory_space<vmem_shared>>
      tpu.wait_dma2 semaphore(%run_scoped3A : memref<!tpu.dma_semaphore, #tpu.memory_space<semaphore_mem>>) src(%arg10 : memref<40x128xf32, #tpu.memory_space<vmem>>) dst(%dma_wait3A_259 : memref<40x128xf32, #tpu.memory_space<vmem_shared>>)
      tpu.yield
    }) : () -> ()
    %add3A_19 = arith.constant 160 : i32
    %add3A_20 = arith.addi %mul3A_10, %add3A_19 : i32
    "tpu.region"() ({
      %run_scoped3A = tpu.sem_alloc : memref<!tpu.dma_semaphore, #tpu.memory_space<semaphore_mem>>
      %dma_start3A_253 = arith.constant 0 : i32
      %dma_start3A_254 = tpu.memref_slice %arg9[%add3A_20, %dma_start3A_253] : memref<10000x128xf32, #tpu.memory_space<vmem_shared>> -> memref<40x128xf32, #tpu.memory_space<vmem_shared>>
      %dma_start3A_255 = arith.constant 0 : i32
      %dma_start3A_256 = tpu.memref_slice %arg9[%add3A_20, %dma_start3A_255] : memref<10000x128xf32, #tpu.memory_space<vmem_shared>> -> memref<40x128xf32, #tpu.memory_space<vmem_shared>>
      tpu.enqueue_dma source(%arg10 : memref<40x128xf32, #tpu.memory_space<vmem>>) target(%dma_start3A_256 : memref<40x128xf32, #tpu.memory_space<vmem_shared>>) target_semaphore(%run_scoped3A : memref<!tpu.dma_semaphore, #tpu.memory_space<semaphore_mem>>)
      %dma_wait3A = arith.constant 0 : i32
      %dma_wait3A_257 = tpu.memref_slice %arg9[%add3A_20, %dma_wait3A] : memref<10000x128xf32, #tpu.memory_space<vmem_shared>> -> memref<40x128xf32, #tpu.memory_space<vmem_shared>>
      %dma_wait3A_258 = arith.constant 0 : i32
      %dma_wait3A_259 = tpu.memref_slice %arg9[%add3A_20, %dma_wait3A_258] : memref<10000x128xf32, #tpu.memory_space<vmem_shared>> -> memref<40x128xf32, #tpu.memory_space<vmem_shared>>
      tpu.wait_dma2 semaphore(%run_scoped3A : memref<!tpu.dma_semaphore, #tpu.memory_space<semaphore_mem>>) src(%arg10 : memref<40x128xf32, #tpu.memory_space<vmem>>) dst(%dma_wait3A_259 : memref<40x128xf32, #tpu.memory_space<vmem_shared>>)
      tpu.yield
    }) : () -> ()
    %add3A_21 = arith.constant 200 : i32
    %add3A_22 = arith.addi %mul3A_10, %add3A_21 : i32
    "tpu.region"() ({
      %run_scoped3A = tpu.sem_alloc : memref<!tpu.dma_semaphore, #tpu.memory_space<semaphore_mem>>
      %dma_start3A_253 = arith.constant 0 : i32
      %dma_start3A_254 = tpu.memref_slice %arg9[%add3A_22, %dma_start3A_253] : memref<10000x128xf32, #tpu.memory_space<vmem_shared>> -> memref<40x128xf32, #tpu.memory_space<vmem_shared>>
      %dma_start3A_255 = arith.constant 0 : i32
      %dma_start3A_256 = tpu.memref_slice %arg9[%add3A_22, %dma_start3A_255] : memref<10000x128xf32, #tpu.memory_space<vmem_shared>> -> memref<40x128xf32, #tpu.memory_space<vmem_shared>>
      tpu.enqueue_dma source(%arg10 : memref<40x128xf32, #tpu.memory_space<vmem>>) target(%dma_start3A_256 : memref<40x128xf32, #tpu.memory_space<vmem_shared>>) target_semaphore(%run_scoped3A : memref<!tpu.dma_semaphore, #tpu.memory_space<semaphore_mem>>)
      %dma_wait3A = arith.constant 0 : i32
      %dma_wait3A_257 = tpu.memref_slice %arg9[%add3A_22, %dma_wait3A] : memref<10000x128xf32, #tpu.memory_space<vmem_shared>> -> memref<40x128xf32, #tpu.memory_space<vmem_shared>>
      %dma_wait3A_258 = arith.constant 0 : i32
      %dma_wait3A_259 = tpu.memref_slice %arg9[%add3A_22, %dma_wait3A_258] : memref<10000x128xf32, #tpu.memory_space<vmem_shared>> -> memref<40x128xf32, #tpu.memory_space<vmem_shared>>
      tpu.wait_dma2 semaphore(%run_scoped3A : memref<!tpu.dma_semaphore, #tpu.memory_space<semaphore_mem>>) src(%arg10 : memref<40x128xf32, #tpu.memory_space<vmem>>) dst(%dma_wait3A_259 : memref<40x128xf32, #tpu.memory_space<vmem_shared>>)
      tpu.yield
    }) : () -> ()
    %add3A_23 = arith.constant 240 : i32
    %add3A_24 = arith.addi %mul3A_10, %add3A_23 : i32
    "tpu.region"() ({
      %run_scoped3A = tpu.sem_alloc : memref<!tpu.dma_semaphore, #tpu.memory_space<semaphore_mem>>
      %dma_start3A_253 = arith.constant 0 : i32
      %dma_start3A_254 = tpu.memref_slice %arg9[%add3A_24, %dma_start3A_253] : memref<10000x128xf32, #tpu.memory_space<vmem_shared>> -> memref<40x128xf32, #tpu.memory_space<vmem_shared>>
      %dma_start3A_255 = arith.constant 0 : i32
      %dma_start3A_256 = tpu.memref_slice %arg9[%add3A_24, %dma_start3A_255] : memref<10000x128xf32, #tpu.memory_space<vmem_shared>> -> memref<40x128xf32, #tpu.memory_space<vmem_shared>>
      tpu.enqueue_dma source(%arg10 : memref<40x128xf32, #tpu.memory_space<vmem>>) target(%dma_start3A_256 : memref<40x128xf32, #tpu.memory_space<vmem_shared>>) target_semaphore(%run_scoped3A : memref<!tpu.dma_semaphore, #tpu.memory_space<semaphore_mem>>)
      %dma_wait3A = arith.constant 0 : i32
      %dma_wait3A_257 = tpu.memref_slice %arg9[%add3A_24, %dma_wait3A] : memref<10000x128xf32, #tpu.memory_space<vmem_shared>> -> memref<40x128xf32, #tpu.memory_space<vmem_shared>>
      %dma_wait3A_258 = arith.constant 0 : i32
      %dma_wait3A_259 = tpu.memref_slice %arg9[%add3A_24, %dma_wait3A_258] : memref<10000x128xf32, #tpu.memory_space<vmem_shared>> -> memref<40x128xf32, #tpu.memory_space<vmem_shared>>
      tpu.wait_dma2 semaphore(%run_scoped3A : memref<!tpu.dma_semaphore, #tpu.memory_space<semaphore_mem>>) src(%arg10 : memref<40x128xf32, #tpu.memory_space<vmem>>) dst(%dma_wait3A_259 : memref<40x128xf32, #tpu.memory_space<vmem_shared>>)
      tpu.yield
    }) : () -> ()
    %add3A_25 = arith.constant 280 : i32
    %add3A_26 = arith.addi %mul3A_10, %add3A_25 : i32
    "tpu.region"() ({
      %run_scoped3A = tpu.sem_alloc : memref<!tpu.dma_semaphore, #tpu.memory_space<semaphore_mem>>
      %dma_start3A_253 = arith.constant 0 : i32
      %dma_start3A_254 = tpu.memref_slice %arg9[%add3A_26, %dma_start3A_253] : memref<10000x128xf32, #tpu.memory_space<vmem_shared>> -> memref<40x128xf32, #tpu.memory_space<vmem_shared>>
      %dma_start3A_255 = arith.constant 0 : i32
      %dma_start3A_256 = tpu.memref_slice %arg9[%add3A_26, %dma_start3A_255] : memref<10000x128xf32, #tpu.memory_space<vmem_shared>> -> memref<40x128xf32, #tpu.memory_space<vmem_shared>>
      tpu.enqueue_dma source(%arg10 : memref<40x128xf32, #tpu.memory_space<vmem>>) target(%dma_start3A_256 : memref<40x128xf32, #tpu.memory_space<vmem_shared>>) target_semaphore(%run_scoped3A : memref<!tpu.dma_semaphore, #tpu.memory_space<semaphore_mem>>)
      %dma_wait3A = arith.constant 0 : i32
      %dma_wait3A_257 = tpu.memref_slice %arg9[%add3A_26, %dma_wait3A] : memref<10000x128xf32, #tpu.memory_space<vmem_shared>> -> memref<40x128xf32, #tpu.memory_space<vmem_shared>>
      %dma_wait3A_258 = arith.constant 0 : i32
      %dma_wait3A_259 = tpu.memref_slice %arg9[%add3A_26, %dma_wait3A_258] : memref<10000x128xf32, #tpu.memory_space<vmem_shared>> -> memref<40x128xf32, #tpu.memory_space<vmem_shared>>
      tpu.wait_dma2 semaphore(%run_scoped3A : memref<!tpu.dma_semaphore, #tpu.memory_space<semaphore_mem>>) src(%arg10 : memref<40x128xf32, #tpu.memory_space<vmem>>) dst(%dma_wait3A_259 : memref<40x128xf32, #tpu.memory_space<vmem_shared>>)
      tpu.yield
    }) : () -> ()
    %add3A_27 = arith.constant 320 : i32
    %add3A_28 = arith.addi %mul3A_10, %add3A_27 : i32
    "tpu.region"() ({
      %run_scoped3A = tpu.sem_alloc : memref<!tpu.dma_semaphore, #tpu.memory_space<semaphore_mem>>
      %dma_start3A_253 = arith.constant 0 : i32
      %dma_start3A_254 = tpu.memref_slice %arg9[%add3A_28, %dma_start3A_253] : memref<10000x128xf32, #tpu.memory_space<vmem_shared>> -> memref<40x128xf32, #tpu.memory_space<vmem_shared>>
      %dma_start3A_255 = arith.constant 0 : i32
      %dma_start3A_256 = tpu.memref_slice %arg9[%add3A_28, %dma_start3A_255] : memref<10000x128xf32, #tpu.memory_space<vmem_shared>> -> memref<40x128xf32, #tpu.memory_space<vmem_shared>>
      tpu.enqueue_dma source(%arg10 : memref<40x128xf32, #tpu.memory_space<vmem>>) target(%dma_start3A_256 : memref<40x128xf32, #tpu.memory_space<vmem_shared>>) target_semaphore(%run_scoped3A : memref<!tpu.dma_semaphore, #tpu.memory_space<semaphore_mem>>)
      %dma_wait3A = arith.constant 0 : i32
      %dma_wait3A_257 = tpu.memref_slice %arg9[%add3A_28, %dma_wait3A] : memref<10000x128xf32, #tpu.memory_space<vmem_shared>> -> memref<40x128xf32, #tpu.memory_space<vmem_shared>>
      %dma_wait3A_258 = arith.constant 0 : i32
      %dma_wait3A_259 = tpu.memref_slice %arg9[%add3A_28, %dma_wait3A_258] : memref<10000x128xf32, #tpu.memory_space<vmem_shared>> -> memref<40x128xf32, #tpu.memory_space<vmem_shared>>
      tpu.wait_dma2 semaphore(%run_scoped3A : memref<!tpu.dma_semaphore, #tpu.memory_space<semaphore_mem>>) src(%arg10 : memref<40x128xf32, #tpu.memory_space<vmem>>) dst(%dma_wait3A_259 : memref<40x128xf32, #tpu.memory_space<vmem_shared>>)
      tpu.yield
    }) : () -> ()
    %add3A_29 = arith.constant 360 : i32
    %add3A_30 = arith.addi %mul3A_10, %add3A_29 : i32
    "tpu.region"() ({
      %run_scoped3A = tpu.sem_alloc : memref<!tpu.dma_semaphore, #tpu.memory_space<semaphore_mem>>
      %dma_start3A_253 = arith.constant 0 : i32
      %dma_start3A_254 = tpu.memref_slice %arg9[%add3A_30, %dma_start3A_253] : memref<10000x128xf32, #tpu.memory_space<vmem_shared>> -> memref<40x128xf32, #tpu.memory_space<vmem_shared>>
      %dma_start3A_255 = arith.constant 0 : i32
      %dma_start3A_256 = tpu.memref_slice %arg9[%add3A_30, %dma_start3A_255] : memref<10000x128xf32, #tpu.memory_space<vmem_shared>> -> memref<40x128xf32, #tpu.memory_space<vmem_shared>>
      tpu.enqueue_dma source(%arg10 : memref<40x128xf32, #tpu.memory_space<vmem>>) target(%dma_start3A_256 : memref<40x128xf32, #tpu.memory_space<vmem_shared>>) target_semaphore(%run_scoped3A : memref<!tpu.dma_semaphore, #tpu.memory_space<semaphore_mem>>)
      %dma_wait3A = arith.constant 0 : i32
      %dma_wait3A_257 = tpu.memref_slice %arg9[%add3A_30, %dma_wait3A] : memref<10000x128xf32, #tpu.memory_space<vmem_shared>> -> memref<40x128xf32, #tpu.memory_space<vmem_shared>>
      %dma_wait3A_258 = arith.constant 0 : i32
      %dma_wait3A_259 = tpu.memref_slice %arg9[%add3A_30, %dma_wait3A_258] : memref<10000x128xf32, #tpu.memory_space<vmem_shared>> -> memref<40x128xf32, #tpu.memory_space<vmem_shared>>
      tpu.wait_dma2 semaphore(%run_scoped3A : memref<!tpu.dma_semaphore, #tpu.memory_space<semaphore_mem>>) src(%arg10 : memref<40x128xf32, #tpu.memory_space<vmem>>) dst(%dma_wait3A_259 : memref<40x128xf32, #tpu.memory_space<vmem_shared>>)
      tpu.yield
    }) : () -> ()
    %add3A_31 = arith.constant 400 : i32
    %add3A_32 = arith.addi %mul3A_10, %add3A_31 : i32
    "tpu.region"() ({
      %run_scoped3A = tpu.sem_alloc : memref<!tpu.dma_semaphore, #tpu.memory_space<semaphore_mem>>
      %dma_start3A_253 = arith.constant 0 : i32
      %dma_start3A_254 = tpu.memref_slice %arg9[%add3A_32, %dma_start3A_253] : memref<10000x128xf32, #tpu.memory_space<vmem_shared>> -> memref<40x128xf32, #tpu.memory_space<vmem_shared>>
      %dma_start3A_255 = arith.constant 0 : i32
      %dma_start3A_256 = tpu.memref_slice %arg9[%add3A_32, %dma_start3A_255] : memref<10000x128xf32, #tpu.memory_space<vmem_shared>> -> memref<40x128xf32, #tpu.memory_space<vmem_shared>>
      tpu.enqueue_dma source(%arg10 : memref<40x128xf32, #tpu.memory_space<vmem>>) target(%dma_start3A_256 : memref<40x128xf32, #tpu.memory_space<vmem_shared>>) target_semaphore(%run_scoped3A : memref<!tpu.dma_semaphore, #tpu.memory_space<semaphore_mem>>)
      %dma_wait3A = arith.constant 0 : i32
      %dma_wait3A_257 = tpu.memref_slice %arg9[%add3A_32, %dma_wait3A] : memref<10000x128xf32, #tpu.memory_space<vmem_shared>> -> memref<40x128xf32, #tpu.memory_space<vmem_shared>>
      %dma_wait3A_258 = arith.constant 0 : i32
      %dma_wait3A_259 = tpu.memref_slice %arg9[%add3A_32, %dma_wait3A_258] : memref<10000x128xf32, #tpu.memory_space<vmem_shared>> -> memref<40x128xf32, #tpu.memory_space<vmem_shared>>
      tpu.wait_dma2 semaphore(%run_scoped3A : memref<!tpu.dma_semaphore, #tpu.memory_space<semaphore_mem>>) src(%arg10 : memref<40x128xf32, #tpu.memory_space<vmem>>) dst(%dma_wait3A_259 : memref<40x128xf32, #tpu.memory_space<vmem_shared>>)
      tpu.yield
    }) : () -> ()
    %add3A_33 = arith.constant 440 : i32
    %add3A_34 = arith.addi %mul3A_10, %add3A_33 : i32
    "tpu.region"() ({
      %run_scoped3A = tpu.sem_alloc : memref<!tpu.dma_semaphore, #tpu.memory_space<semaphore_mem>>
      %dma_start3A_253 = arith.constant 0 : i32
      %dma_start3A_254 = tpu.memref_slice %arg9[%add3A_34, %dma_start3A_253] : memref<10000x128xf32, #tpu.memory_space<vmem_shared>> -> memref<40x128xf32, #tpu.memory_space<vmem_shared>>
      %dma_start3A_255 = arith.constant 0 : i32
      %dma_start3A_256 = tpu.memref_slice %arg9[%add3A_34, %dma_start3A_255] : memref<10000x128xf32, #tpu.memory_space<vmem_shared>> -> memref<40x128xf32, #tpu.memory_space<vmem_shared>>
      tpu.enqueue_dma source(%arg10 : memref<40x128xf32, #tpu.memory_space<vmem>>) target(%dma_start3A_256 : memref<40x128xf32, #tpu.memory_space<vmem_shared>>) target_semaphore(%run_scoped3A : memref<!tpu.dma_semaphore, #tpu.memory_space<semaphore_mem>>)
      %dma_wait3A = arith.constant 0 : i32
      %dma_wait3A_257 = tpu.memref_slice %arg9[%add3A_34, %dma_wait3A] : memref<10000x128xf32, #tpu.memory_space<vmem_shared>> -> memref<40x128xf32, #tpu.memory_space<vmem_shared>>
      %dma_wait3A_258 = arith.constant 0 : i32
      %dma_wait3A_259 = tpu.memref_slice %arg9[%add3A_34, %dma_wait3A_258] : memref<10000x128xf32, #tpu.memory_space<vmem_shared>> -> memref<40x128xf32, #tpu.memory_space<vmem_shared>>
      tpu.wait_dma2 semaphore(%run_scoped3A : memref<!tpu.dma_semaphore, #tpu.memory_space<semaphore_mem>>) src(%arg10 : memref<40x128xf32, #tpu.memory_space<vmem>>) dst(%dma_wait3A_259 : memref<40x128xf32, #tpu.memory_space<vmem_shared>>)
      tpu.yield
    }) : () -> ()
    %add3A_35 = arith.constant 480 : i32
    %add3A_36 = arith.addi %mul3A_10, %add3A_35 : i32
    "tpu.region"() ({
      %run_scoped3A = tpu.sem_alloc : memref<!tpu.dma_semaphore, #tpu.memory_space<semaphore_mem>>
      %dma_start3A_253 = arith.constant 0 : i32
      %dma_start3A_254 = tpu.memref_slice %arg9[%add3A_36, %dma_start3A_253] : memref<10000x128xf32, #tpu.memory_space<vmem_shared>> -> memref<40x128xf32, #tpu.memory_space<vmem_shared>>
      %dma_start3A_255 = arith.constant 0 : i32
      %dma_start3A_256 = tpu.memref_slice %arg9[%add3A_36, %dma_start3A_255] : memref<10000x128xf32, #tpu.memory_space<vmem_shared>> -> memref<40x128xf32, #tpu.memory_space<vmem_shared>>
      tpu.enqueue_dma source(%arg10 : memref<40x128xf32, #tpu.memory_space<vmem>>) target(%dma_start3A_256 : memref<40x128xf32, #tpu.memory_space<vmem_shared>>) target_semaphore(%run_scoped3A : memref<!tpu.dma_semaphore, #tpu.memory_space<semaphore_mem>>)
      %dma_wait3A = arith.constant 0 : i32
      %dma_wait3A_257 = tpu.memref_slice %arg9[%add3A_36, %dma_wait3A] : memref<10000x128xf32, #tpu.memory_space<vmem_shared>> -> memref<40x128xf32, #tpu.memory_space<vmem_shared>>
      %dma_wait3A_258 = arith.constant 0 : i32
      %dma_wait3A_259 = tpu.memref_slice %arg9[%add3A_36, %dma_wait3A_258] : memref<10000x128xf32, #tpu.memory_space<vmem_shared>> -> memref<40x128xf32, #tpu.memory_space<vmem_shared>>
      tpu.wait_dma2 semaphore(%run_scoped3A : memref<!tpu.dma_semaphore, #tpu.memory_space<semaphore_mem>>) src(%arg10 : memref<40x128xf32, #tpu.memory_space<vmem>>) dst(%dma_wait3A_259 : memref<40x128xf32, #tpu.memory_space<vmem_shared>>)
      tpu.yield
    }) : () -> ()
    %add3A_37 = arith.constant 520 : i32
    %add3A_38 = arith.addi %mul3A_10, %add3A_37 : i32
    "tpu.region"() ({
      %run_scoped3A = tpu.sem_alloc : memref<!tpu.dma_semaphore, #tpu.memory_space<semaphore_mem>>
      %dma_start3A_253 = arith.constant 0 : i32
      %dma_start3A_254 = tpu.memref_slice %arg9[%add3A_38, %dma_start3A_253] : memref<10000x128xf32, #tpu.memory_space<vmem_shared>> -> memref<40x128xf32, #tpu.memory_space<vmem_shared>>
      %dma_start3A_255 = arith.constant 0 : i32
      %dma_start3A_256 = tpu.memref_slice %arg9[%add3A_38, %dma_start3A_255] : memref<10000x128xf32, #tpu.memory_space<vmem_shared>> -> memref<40x128xf32, #tpu.memory_space<vmem_shared>>
      tpu.enqueue_dma source(%arg10 : memref<40x128xf32, #tpu.memory_space<vmem>>) target(%dma_start3A_256 : memref<40x128xf32, #tpu.memory_space<vmem_shared>>) target_semaphore(%run_scoped3A : memref<!tpu.dma_semaphore, #tpu.memory_space<semaphore_mem>>)
      %dma_wait3A = arith.constant 0 : i32
      %dma_wait3A_257 = tpu.memref_slice %arg9[%add3A_38, %dma_wait3A] : memref<10000x128xf32, #tpu.memory_space<vmem_shared>> -> memref<40x128xf32, #tpu.memory_space<vmem_shared>>
      %dma_wait3A_258 = arith.constant 0 : i32
      %dma_wait3A_259 = tpu.memref_slice %arg9[%add3A_38, %dma_wait3A_258] : memref<10000x128xf32, #tpu.memory_space<vmem_shared>> -> memref<40x128xf32, #tpu.memory_space<vmem_shared>>
      tpu.wait_dma2 semaphore(%run_scoped3A : memref<!tpu.dma_semaphore, #tpu.memory_space<semaphore_mem>>) src(%arg10 : memref<40x128xf32, #tpu.memory_space<vmem>>) dst(%dma_wait3A_259 : memref<40x128xf32, #tpu.memory_space<vmem_shared>>)
      tpu.yield
    }) : () -> ()
    %add3A_39 = arith.constant 560 : i32
    %add3A_40 = arith.addi %mul3A_10, %add3A_39 : i32
    "tpu.region"() ({
      %run_scoped3A = tpu.sem_alloc : memref<!tpu.dma_semaphore, #tpu.memory_space<semaphore_mem>>
      %dma_start3A_253 = arith.constant 0 : i32
      %dma_start3A_254 = tpu.memref_slice %arg9[%add3A_40, %dma_start3A_253] : memref<10000x128xf32, #tpu.memory_space<vmem_shared>> -> memref<40x128xf32, #tpu.memory_space<vmem_shared>>
      %dma_start3A_255 = arith.constant 0 : i32
      %dma_start3A_256 = tpu.memref_slice %arg9[%add3A_40, %dma_start3A_255] : memref<10000x128xf32, #tpu.memory_space<vmem_shared>> -> memref<40x128xf32, #tpu.memory_space<vmem_shared>>
      tpu.enqueue_dma source(%arg10 : memref<40x128xf32, #tpu.memory_space<vmem>>) target(%dma_start3A_256 : memref<40x128xf32, #tpu.memory_space<vmem_shared>>) target_semaphore(%run_scoped3A : memref<!tpu.dma_semaphore, #tpu.memory_space<semaphore_mem>>)
      %dma_wait3A = arith.constant 0 : i32
      %dma_wait3A_257 = tpu.memref_slice %arg9[%add3A_40, %dma_wait3A] : memref<10000x128xf32, #tpu.memory_space<vmem_shared>> -> memref<40x128xf32, #tpu.memory_space<vmem_shared>>
      %dma_wait3A_258 = arith.constant 0 : i32
      %dma_wait3A_259 = tpu.memref_slice %arg9[%add3A_40, %dma_wait3A_258] : memref<10000x128xf32, #tpu.memory_space<vmem_shared>> -> memref<40x128xf32, #tpu.memory_space<vmem_shared>>
      tpu.wait_dma2 semaphore(%run_scoped3A : memref<!tpu.dma_semaphore, #tpu.memory_space<semaphore_mem>>) src(%arg10 : memref<40x128xf32, #tpu.memory_space<vmem>>) dst(%dma_wait3A_259 : memref<40x128xf32, #tpu.memory_space<vmem_shared>>)
      tpu.yield
    }) : () -> ()
    %add3A_41 = arith.constant 600 : i32
    %add3A_42 = arith.addi %mul3A_10, %add3A_41 : i32
    "tpu.region"() ({
      %run_scoped3A = tpu.sem_alloc : memref<!tpu.dma_semaphore, #tpu.memory_space<semaphore_mem>>
      %dma_start3A_253 = arith.constant 0 : i32
      %dma_start3A_254 = arith.constant 0 : i32
      %dma_start3A_255 = tpu.memref_slice %arg10[%dma_start3A_253, %dma_start3A_254] : memref<40x128xf32, #tpu.memory_space<vmem>> -> memref<24x128xf32, #tpu.memory_space<vmem>>
      %dma_start3A_256 = arith.constant 0 : i32
      %dma_start3A_257 = tpu.memref_slice %arg9[%add3A_42, %dma_start3A_256] : memref<10000x128xf32, #tpu.memory_space<vmem_shared>> -> memref<24x128xf32, #tpu.memory_space<vmem_shared>>
      %dma_start3A_258 = arith.constant 0 : i32
      %dma_start3A_259 = tpu.memref_slice %arg9[%add3A_42, %dma_start3A_258] : memref<10000x128xf32, #tpu.memory_space<vmem_shared>> -> memref<24x128xf32, #tpu.memory_space<vmem_shared>>
      %dma_start3A_260 = arith.constant 0 : i32
      %dma_start3A_261 = arith.constant 0 : i32
      %dma_start3A_262 = tpu.memref_slice %arg10[%dma_start3A_260, %dma_start3A_261] : memref<40x128xf32, #tpu.memory_space<vmem>> -> memref<24x128xf32, #tpu.memory_space<vmem>>
      tpu.enqueue_dma source(%dma_start3A_262 : memref<24x128xf32, #tpu.memory_space<vmem>>) target(%dma_start3A_259 : memref<24x128xf32, #tpu.memory_space<vmem_shared>>) target_semaphore(%run_scoped3A : memref<!tpu.dma_semaphore, #tpu.memory_space<semaphore_mem>>)
      %dma_wait3A = arith.constant 0 : i32
      %dma_wait3A_263 = arith.constant 0 : i32
      %dma_wait3A_264 = tpu.memref_slice %arg10[%dma_wait3A, %dma_wait3A_263] : memref<40x128xf32, #tpu.memory_space<vmem>> -> memref<24x128xf32, #tpu.memory_space<vmem>>
      %dma_wait3A_265 = arith.constant 0 : i32
      %dma_wait3A_266 = tpu.memref_slice %arg9[%add3A_42, %dma_wait3A_265] : memref<10000x128xf32, #tpu.memory_space<vmem_shared>> -> memref<24x128xf32, #tpu.memory_space<vmem_shared>>
      %dma_wait3A_267 = arith.constant 0 : i32
      %dma_wait3A_268 = tpu.memref_slice %arg9[%add3A_42, %dma_wait3A_267] : memref<10000x128xf32, #tpu.memory_space<vmem_shared>> -> memref<24x128xf32, #tpu.memory_space<vmem_shared>>
      %dma_wait3A_269 = arith.constant 0 : i32
      %dma_wait3A_270 = arith.constant 0 : i32
      %dma_wait3A_271 = tpu.memref_slice %arg10[%dma_wait3A_269, %dma_wait3A_270] : memref<40x128xf32, #tpu.memory_space<vmem>> -> memref<24x128xf32, #tpu.memory_space<vmem>>
      tpu.wait_dma2 semaphore(%run_scoped3A : memref<!tpu.dma_semaphore, #tpu.memory_space<semaphore_mem>>) src(%dma_wait3A_271 : memref<24x128xf32, #tpu.memory_space<vmem>>) dst(%dma_wait3A_268 : memref<24x128xf32, #tpu.memory_space<vmem_shared>>)
      tpu.yield
    }) : () -> ()
    %eq3A = arith.constant 0 : i32
    %eq3A_43 = arith.cmpi eq, %arg1, %eq3A : i32
    %convert_element_type3A = arith.extui %eq3A_43 : i1 to i32
    %cond3A = arith.constant 0 : i32
    %cond3A_44 = arith.cmpi ne, %convert_element_type3A, %cond3A : i32
    scf.if %cond3A_44 {
      "tpu.region"() ({
        %run_scoped3A = tpu.sem_alloc : memref<!tpu.dma_semaphore, #tpu.memory_space<semaphore_mem>>
        %dma_start3A_253 = arith.constant 0 : i32
        %dma_start3A_254 = arith.constant 0 : i32
        %dma_start3A_255 = tpu.memref_slice %arg10[%dma_start3A_253, %dma_start3A_254] : memref<40x128xf32, #tpu.memory_space<vmem>> -> memref<16x128xf32, #tpu.memory_space<vmem>>
        %dma_start3A_256 = arith.constant 9984 : i32
        %dma_start3A_257 = arith.constant 0 : i32
        %dma_start3A_258 = tpu.memref_slice %arg9[%dma_start3A_256, %dma_start3A_257] : memref<10000x128xf32, #tpu.memory_space<vmem_shared>> -> memref<16x128xf32, #tpu.memory_space<vmem_shared>>
        %dma_start3A_259 = arith.constant 9984 : i32
        %dma_start3A_260 = arith.constant 0 : i32
        %dma_start3A_261 = tpu.memref_slice %arg9[%dma_start3A_259, %dma_start3A_260] : memref<10000x128xf32, #tpu.memory_space<vmem_shared>> -> memref<16x128xf32, #tpu.memory_space<vmem_shared>>
        %dma_start3A_262 = arith.constant 0 : i32
        %dma_start3A_263 = arith.constant 0 : i32
        %dma_start3A_264 = tpu.memref_slice %arg10[%dma_start3A_262, %dma_start3A_263] : memref<40x128xf32, #tpu.memory_space<vmem>> -> memref<16x128xf32, #tpu.memory_space<vmem>>
        tpu.enqueue_dma source(%dma_start3A_264 : memref<16x128xf32, #tpu.memory_space<vmem>>) target(%dma_start3A_261 : memref<16x128xf32, #tpu.memory_space<vmem_shared>>) target_semaphore(%run_scoped3A : memref<!tpu.dma_semaphore, #tpu.memory_space<semaphore_mem>>)
        %dma_wait3A = arith.constant 0 : i32
        %dma_wait3A_265 = arith.constant 0 : i32
        %dma_wait3A_266 = tpu.memref_slice %arg10[%dma_wait3A, %dma_wait3A_265] : memref<40x128xf32, #tpu.memory_space<vmem>> -> memref<16x128xf32, #tpu.memory_space<vmem>>
        %dma_wait3A_267 = arith.constant 9984 : i32
        %dma_wait3A_268 = arith.constant 0 : i32
        %dma_wait3A_269 = tpu.memref_slice %arg9[%dma_wait3A_267, %dma_wait3A_268] : memref<10000x128xf32, #tpu.memory_space<vmem_shared>> -> memref<16x128xf32, #tpu.memory_space<vmem_shared>>
        %dma_wait3A_270 = arith.constant 9984 : i32
        %dma_wait3A_271 = arith.constant 0 : i32
        %dma_wait3A_272 = tpu.memref_slice %arg9[%dma_wait3A_270, %dma_wait3A_271] : memref<10000x128xf32, #tpu.memory_space<vmem_shared>> -> memref<16x128xf32, #tpu.memory_space<vmem_shared>>
        %dma_wait3A_273 = arith.constant 0 : i32
        %dma_wait3A_274 = arith.constant 0 : i32
        %dma_wait3A_275 = tpu.memref_slice %arg10[%dma_wait3A_273, %dma_wait3A_274] : memref<40x128xf32, #tpu.memory_space<vmem>> -> memref<16x128xf32, #tpu.memory_space<vmem>>
        tpu.wait_dma2 semaphore(%run_scoped3A : memref<!tpu.dma_semaphore, #tpu.memory_space<semaphore_mem>>) src(%dma_wait3A_275 : memref<16x128xf32, #tpu.memory_space<vmem>>) dst(%dma_wait3A_272 : memref<16x128xf32, #tpu.memory_space<vmem_shared>>)
        tpu.yield
      }) : () -> ()
    } else {
    }
    %broadcast_in_dim3A_45 = arith.constant 1.000000e+00 : f32
    %broadcast_in_dim3A_46 = vector.broadcast %broadcast_in_dim3A_45 : f32 to vector<16xf32>
    %swap3A = arith.constant 0 : index
    %swap3A_47 = tpu.vector_load %arg25[%swap3A] {strides = array<i32>} : memref<40xf32, #tpu.memory_space<vmem>>, vector<16xf32>,
    %swap3A_48 = vector.shape_cast %swap3A_47 : vector<16xf32> to vector<16xf32>
    %swap3A_49 = vector.shape_cast %broadcast_in_dim3A_46 : vector<16xf32> to vector<16xf32>
    tpu.vector_store %arg25[%swap3A], %swap3A_49 {strides = array<i32>} : memref<40xf32, #tpu.memory_space<vmem>>, vector<16xf32>,
    %swap3A_50 = arith.constant 16 : index
    %swap3A_51 = tpu.vector_load %arg25[%swap3A_50] {strides = array<i32>} : memref<40xf32, #tpu.memory_space<vmem>>, vector<16xf32>,
    %swap3A_52 = vector.shape_cast %swap3A_51 : vector<16xf32> to vector<16xf32>
    %swap3A_53 = vector.shape_cast %broadcast_in_dim3A_46 : vector<16xf32> to vector<16xf32>
    tpu.vector_store %arg25[%swap3A_50], %swap3A_53 {strides = array<i32>} : memref<40xf32, #tpu.memory_space<vmem>>, vector<16xf32>,
    %swap3A_54 = arith.constant 24 : index
    %swap3A_55 = tpu.vector_load %arg25[%swap3A_54] {strides = array<i32>} : memref<40xf32, #tpu.memory_space<vmem>>, vector<16xf32>,
    %swap3A_56 = vector.shape_cast %swap3A_55 : vector<16xf32> to vector<16xf32>
    %swap3A_57 = vector.shape_cast %broadcast_in_dim3A_46 : vector<16xf32> to vector<16xf32>
    tpu.vector_store %arg25[%swap3A_54], %swap3A_57 {strides = array<i32>} : memref<40xf32, #tpu.memory_space<vmem>>, vector<16xf32>,
    %swap3A_58 = arith.constant 0 : index
    %swap3A_59 = tpu.vector_load %arg26[%swap3A_58] {strides = array<i32>} : memref<208xf32, #tpu.memory_space<vmem>>, vector<16xf32>,
    %swap3A_60 = vector.shape_cast %swap3A_59 : vector<16xf32> to vector<16xf32>
    %swap3A_61 = vector.shape_cast %broadcast_in_dim3A_1 : vector<16xf32> to vector<16xf32>
    tpu.vector_store %arg26[%swap3A_58], %swap3A_61 {strides = array<i32>} : memref<208xf32, #tpu.memory_space<vmem>>, vector<16xf32>,
    %swap3A_62 = arith.constant 16 : index
    %swap3A_63 = tpu.vector_load %arg26[%swap3A_62] {strides = array<i32>} : memref<208xf32, #tpu.memory_space<vmem>>, vector<16xf32>,
    %swap3A_64 = vector.shape_cast %swap3A_63 : vector<16xf32> to vector<16xf32>
    %swap3A_65 = vector.shape_cast %broadcast_in_dim3A_1 : vector<16xf32> to vector<16xf32>
    tpu.vector_store %arg26[%swap3A_62], %swap3A_65 {strides = array<i32>} : memref<208xf32, #tpu.memory_space<vmem>>, vector<16xf32>,
    %swap3A_66 = arith.constant 32 : index
    %swap3A_67 = tpu.vector_load %arg26[%swap3A_66] {strides = array<i32>} : memref<208xf32, #tpu.memory_space<vmem>>, vector<16xf32>,
    %swap3A_68 = vector.shape_cast %swap3A_67 : vector<16xf32> to vector<16xf32>
    %swap3A_69 = vector.shape_cast %broadcast_in_dim3A_1 : vector<16xf32> to vector<16xf32>
    tpu.vector_store %arg26[%swap3A_66], %swap3A_69 {strides = array<i32>} : memref<208xf32, #tpu.memory_space<vmem>>, vector<16xf32>,
    %swap3A_70 = arith.constant 48 : index
    %swap3A_71 = tpu.vector_load %arg26[%swap3A_70] {strides = array<i32>} : memref<208xf32, #tpu.memory_space<vmem>>, vector<16xf32>,
    %swap3A_72 = vector.shape_cast %swap3A_71 : vector<16xf32> to vector<16xf32>
    %swap3A_73 = vector.shape_cast %broadcast_in_dim3A_1 : vector<16xf32> to vector<16xf32>
    tpu.vector_store %arg26[%swap3A_70], %swap3A_73 {strides = array<i32>} : memref<208xf32, #tpu.memory_space<vmem>>, vector<16xf32>,
    %swap3A_74 = arith.constant 64 : index
    %swap3A_75 = tpu.vector_load %arg26[%swap3A_74] {strides = array<i32>} : memref<208xf32, #tpu.memory_space<vmem>>, vector<16xf32>,
    %swap3A_76 = vector.shape_cast %swap3A_75 : vector<16xf32> to vector<16xf32>
    %swap3A_77 = vector.shape_cast %broadcast_in_dim3A_1 : vector<16xf32> to vector<16xf32>
    tpu.vector_store %arg26[%swap3A_74], %swap3A_77 {strides = array<i32>} : memref<208xf32, #tpu.memory_space<vmem>>, vector<16xf32>,
    %swap3A_78 = arith.constant 80 : index
    %swap3A_79 = tpu.vector_load %arg26[%swap3A_78] {strides = array<i32>} : memref<208xf32, #tpu.memory_space<vmem>>, vector<16xf32>,
    %swap3A_80 = vector.shape_cast %swap3A_79 : vector<16xf32> to vector<16xf32>
    %swap3A_81 = vector.shape_cast %broadcast_in_dim3A_1 : vector<16xf32> to vector<16xf32>
    tpu.vector_store %arg26[%swap3A_78], %swap3A_81 {strides = array<i32>} : memref<208xf32, #tpu.memory_space<vmem>>, vector<16xf32>,
    %swap3A_82 = arith.constant 96 : index
    %swap3A_83 = tpu.vector_load %arg26[%swap3A_82] {strides = array<i32>} : memref<208xf32, #tpu.memory_space<vmem>>, vector<16xf32>,
    %swap3A_84 = vector.shape_cast %swap3A_83 : vector<16xf32> to vector<16xf32>
    %swap3A_85 = vector.shape_cast %broadcast_in_dim3A_1 : vector<16xf32> to vector<16xf32>
    tpu.vector_store %arg26[%swap3A_82], %swap3A_85 {strides = array<i32>} : memref<208xf32, #tpu.memory_space<vmem>>, vector<16xf32>,
    %swap3A_86 = arith.constant 112 : index
    %swap3A_87 = tpu.vector_load %arg26[%swap3A_86] {strides = array<i32>} : memref<208xf32, #tpu.memory_space<vmem>>, vector<16xf32>,
    %swap3A_88 = vector.shape_cast %swap3A_87 : vector<16xf32> to vector<16xf32>
    %swap3A_89 = vector.shape_cast %broadcast_in_dim3A_1 : vector<16xf32> to vector<16xf32>
    tpu.vector_store %arg26[%swap3A_86], %swap3A_89 {strides = array<i32>} : memref<208xf32, #tpu.memory_space<vmem>>, vector<16xf32>,
    %swap3A_90 = arith.constant 128 : index
    %swap3A_91 = tpu.vector_load %arg26[%swap3A_90] {strides = array<i32>} : memref<208xf32, #tpu.memory_space<vmem>>, vector<16xf32>,
    %swap3A_92 = vector.shape_cast %swap3A_91 : vector<16xf32> to vector<16xf32>
    %swap3A_93 = vector.shape_cast %broadcast_in_dim3A_1 : vector<16xf32> to vector<16xf32>
    tpu.vector_store %arg26[%swap3A_90], %swap3A_93 {strides = array<i32>} : memref<208xf32, #tpu.memory_space<vmem>>, vector<16xf32>,
    %swap3A_94 = arith.constant 144 : index
    %swap3A_95 = tpu.vector_load %arg26[%swap3A_94] {strides = array<i32>} : memref<208xf32, #tpu.memory_space<vmem>>, vector<16xf32>,
    %swap3A_96 = vector.shape_cast %swap3A_95 : vector<16xf32> to vector<16xf32>
    %swap3A_97 = vector.shape_cast %broadcast_in_dim3A_1 : vector<16xf32> to vector<16xf32>
    tpu.vector_store %arg26[%swap3A_94], %swap3A_97 {strides = array<i32>} : memref<208xf32, #tpu.memory_space<vmem>>, vector<16xf32>,
    %swap3A_98 = arith.constant 160 : index
    %swap3A_99 = tpu.vector_load %arg26[%swap3A_98] {strides = array<i32>} : memref<208xf32, #tpu.memory_space<vmem>>, vector<16xf32>,
    %swap3A_100 = vector.shape_cast %swap3A_99 : vector<16xf32> to vector<16xf32>
    %swap3A_101 = vector.shape_cast %broadcast_in_dim3A_1 : vector<16xf32> to vector<16xf32>
    tpu.vector_store %arg26[%swap3A_98], %swap3A_101 {strides = array<i32>} : memref<208xf32, #tpu.memory_space<vmem>>, vector<16xf32>,
    %swap3A_102 = arith.constant 176 : index
    %swap3A_103 = tpu.vector_load %arg26[%swap3A_102] {strides = array<i32>} : memref<208xf32, #tpu.memory_space<vmem>>, vector<16xf32>,
    %swap3A_104 = vector.shape_cast %swap3A_103 : vector<16xf32> to vector<16xf32>
    %swap3A_105 = vector.shape_cast %broadcast_in_dim3A_1 : vector<16xf32> to vector<16xf32>
    tpu.vector_store %arg26[%swap3A_102], %swap3A_105 {strides = array<i32>} : memref<208xf32, #tpu.memory_space<vmem>>, vector<16xf32>,
    %swap3A_106 = arith.constant 192 : index
    %swap3A_107 = tpu.vector_load %arg26[%swap3A_106] {strides = array<i32>} : memref<208xf32, #tpu.memory_space<vmem>>, vector<16xf32>,
    %swap3A_108 = vector.shape_cast %swap3A_107 : vector<16xf32> to vector<16xf32>
    %swap3A_109 = vector.shape_cast %broadcast_in_dim3A_1 : vector<16xf32> to vector<16xf32>
    tpu.vector_store %arg26[%swap3A_106], %swap3A_109 {strides = array<i32>} : memref<208xf32, #tpu.memory_space<vmem>>, vector<16xf32>,
    %mul3A_110 = arith.constant 624 : i32
    %mul3A_111 = arith.muli %arg1, %mul3A_110 : i32
    %add3A_112 = arith.constant 0 : i32
    %add3A_113 = arith.addi %mul3A_111, %add3A_112 : i32
    "tpu.region"() ({
      %run_scoped3A = tpu.sem_alloc : memref<!tpu.dma_semaphore, #tpu.memory_space<semaphore_mem>>
      %dma_start3A_253 = tpu.memref_slice %arg28[%add3A_113] : memref<10000xf32, #tpu.memory_space<vmem_shared>> -> memref<208xf32, #tpu.memory_space<vmem_shared>>
      %dma_start3A_254 = tpu.memref_slice %arg28[%add3A_113] : memref<10000xf32, #tpu.memory_space<vmem_shared>> -> memref<208xf32, #tpu.memory_space<vmem_shared>>
      tpu.enqueue_dma source(%arg26 : memref<208xf32, #tpu.memory_space<vmem>>) target(%dma_start3A_254 : memref<208xf32, #tpu.memory_space<vmem_shared>>) target_semaphore(%run_scoped3A : memref<!tpu.dma_semaphore, #tpu.memory_space<semaphore_mem>>)
      %dma_wait3A = tpu.memref_slice %arg28[%add3A_113] : memref<10000xf32, #tpu.memory_space<vmem_shared>> -> memref<208xf32, #tpu.memory_space<vmem_shared>>
      %dma_wait3A_255 = tpu.memref_slice %arg28[%add3A_113] : memref<10000xf32, #tpu.memory_space<vmem_shared>> -> memref<208xf32, #tpu.memory_space<vmem_shared>>
      tpu.wait_dma2 semaphore(%run_scoped3A : memref<!tpu.dma_semaphore, #tpu.memory_space<semaphore_mem>>) src(%arg26 : memref<208xf32, #tpu.memory_space<vmem>>) dst(%dma_wait3A_255 : memref<208xf32, #tpu.memory_space<vmem_shared>>)
      tpu.yield
    }) : () -> ()
    %mul3A_114 = arith.constant 624 : i32
    %mul3A_115 = arith.muli %arg1, %mul3A_114 : i32
    %add3A_116 = arith.constant 208 : i32
    %add3A_117 = arith.addi %mul3A_115, %add3A_116 : i32
    "tpu.region"() ({
      %run_scoped3A = tpu.sem_alloc : memref<!tpu.dma_semaphore, #tpu.memory_space<semaphore_mem>>
      %dma_start3A_253 = tpu.memref_slice %arg28[%add3A_117] : memref<10000xf32, #tpu.memory_space<vmem_shared>> -> memref<208xf32, #tpu.memory_space<vmem_shared>>
      %dma_start3A_254 = tpu.memref_slice %arg28[%add3A_117] : memref<10000xf32, #tpu.memory_space<vmem_shared>> -> memref<208xf32, #tpu.memory_space<vmem_shared>>
      tpu.enqueue_dma source(%arg26 : memref<208xf32, #tpu.memory_space<vmem>>) target(%dma_start3A_254 : memref<208xf32, #tpu.memory_space<vmem_shared>>) target_semaphore(%run_scoped3A : memref<!tpu.dma_semaphore, #tpu.memory_space<semaphore_mem>>)
      %dma_wait3A = tpu.memref_slice %arg28[%add3A_117] : memref<10000xf32, #tpu.memory_space<vmem_shared>> -> memref<208xf32, #tpu.memory_space<vmem_shared>>
      %dma_wait3A_255 = tpu.memref_slice %arg28[%add3A_117] : memref<10000xf32, #tpu.memory_space<vmem_shared>> -> memref<208xf32, #tpu.memory_space<vmem_shared>>
      tpu.wait_dma2 semaphore(%run_scoped3A : memref<!tpu.dma_semaphore, #tpu.memory_space<semaphore_mem>>) src(%arg26 : memref<208xf32, #tpu.memory_space<vmem>>) dst(%dma_wait3A_255 : memref<208xf32, #tpu.memory_space<vmem_shared>>)
      tpu.yield
    }) : () -> ()
    %mul3A_118 = arith.constant 624 : i32
    %mul3A_119 = arith.muli %arg1, %mul3A_118 : i32
    %add3A_120 = arith.constant 416 : i32
    %add3A_121 = arith.addi %mul3A_119, %add3A_120 : i32
    "tpu.region"() ({
      %run_scoped3A = tpu.sem_alloc : memref<!tpu.dma_semaphore, #tpu.memory_space<semaphore_mem>>
      %dma_start3A_253 = tpu.memref_slice %arg28[%add3A_121] : memref<10000xf32, #tpu.memory_space<vmem_shared>> -> memref<208xf32, #tpu.memory_space<vmem_shared>>
      %dma_start3A_254 = tpu.memref_slice %arg28[%add3A_121] : memref<10000xf32, #tpu.memory_space<vmem_shared>> -> memref<208xf32, #tpu.memory_space<vmem_shared>>
      tpu.enqueue_dma source(%arg26 : memref<208xf32, #tpu.memory_space<vmem>>) target(%dma_start3A_254 : memref<208xf32, #tpu.memory_space<vmem_shared>>) target_semaphore(%run_scoped3A : memref<!tpu.dma_semaphore, #tpu.memory_space<semaphore_mem>>)
      %dma_wait3A = tpu.memref_slice %arg28[%add3A_121] : memref<10000xf32, #tpu.memory_space<vmem_shared>> -> memref<208xf32, #tpu.memory_space<vmem_shared>>
      %dma_wait3A_255 = tpu.memref_slice %arg28[%add3A_121] : memref<10000xf32, #tpu.memory_space<vmem_shared>> -> memref<208xf32, #tpu.memory_space<vmem_shared>>
      tpu.wait_dma2 semaphore(%run_scoped3A : memref<!tpu.dma_semaphore, #tpu.memory_space<semaphore_mem>>) src(%arg26 : memref<208xf32, #tpu.memory_space<vmem>>) dst(%dma_wait3A_255 : memref<208xf32, #tpu.memory_space<vmem_shared>>)
      tpu.yield
    }) : () -> ()
    %eq3A_122 = arith.constant 0 : i32
    %eq3A_123 = arith.cmpi eq, %arg1, %eq3A_122 : i32
    %convert_element_type3A_124 = arith.extui %eq3A_123 : i1 to i32
    %cond3A_125 = arith.constant 0 : i32
    %cond3A_126 = arith.cmpi ne, %convert_element_type3A_124, %cond3A_125 : i32
    scf.if %cond3A_126 {
      "tpu.region"() ({
        %run_scoped3A = tpu.sem_alloc : memref<!tpu.dma_semaphore, #tpu.memory_space<semaphore_mem>>
        %dma_start3A_253 = arith.constant 0 : i32
        %dma_start3A_254 = tpu.memref_slice %arg26[%dma_start3A_253] : memref<208xf32, #tpu.memory_space<vmem>> -> memref<16xf32, #tpu.memory_space<vmem>>
        %dma_start3A_255 = arith.constant 9984 : i32
        %dma_start3A_256 = tpu.memref_slice %arg28[%dma_start3A_255] : memref<10000xf32, #tpu.memory_space<vmem_shared>> -> memref<16xf32, #tpu.memory_space<vmem_shared>>
        %dma_start3A_257 = arith.constant 9984 : i32
        %dma_start3A_258 = tpu.memref_slice %arg28[%dma_start3A_257] : memref<10000xf32, #tpu.memory_space<vmem_shared>> -> memref<16xf32, #tpu.memory_space<vmem_shared>>
        %dma_start3A_259 = arith.constant 0 : i32
        %dma_start3A_260 = tpu.memref_slice %arg26[%dma_start3A_259] : memref<208xf32, #tpu.memory_space<vmem>> -> memref<16xf32, #tpu.memory_space<vmem>>
        tpu.enqueue_dma source(%dma_start3A_260 : memref<16xf32, #tpu.memory_space<vmem>>) target(%dma_start3A_258 : memref<16xf32, #tpu.memory_space<vmem_shared>>) target_semaphore(%run_scoped3A : memref<!tpu.dma_semaphore, #tpu.memory_space<semaphore_mem>>)
        %dma_wait3A = arith.constant 0 : i32
        %dma_wait3A_261 = tpu.memref_slice %arg26[%dma_wait3A] : memref<208xf32, #tpu.memory_space<vmem>> -> memref<16xf32, #tpu.memory_space<vmem>>
        %dma_wait3A_262 = arith.constant 9984 : i32
        %dma_wait3A_263 = tpu.memref_slice %arg28[%dma_wait3A_262] : memref<10000xf32, #tpu.memory_space<vmem_shared>> -> memref<16xf32, #tpu.memory_space<vmem_shared>>
        %dma_wait3A_264 = arith.constant 9984 : i32
        %dma_wait3A_265 = tpu.memref_slice %arg28[%dma_wait3A_264] : memref<10000xf32, #tpu.memory_space<vmem_shared>> -> memref<16xf32, #tpu.memory_space<vmem_shared>>
        %dma_wait3A_266 = arith.constant 0 : i32
        %dma_wait3A_267 = tpu.memref_slice %arg26[%dma_wait3A_266] : memref<208xf32, #tpu.memory_space<vmem>> -> memref<16xf32, #tpu.memory_space<vmem>>
        tpu.wait_dma2 semaphore(%run_scoped3A : memref<!tpu.dma_semaphore, #tpu.memory_space<semaphore_mem>>) src(%dma_wait3A_267 : memref<16xf32, #tpu.memory_space<vmem>>) dst(%dma_wait3A_265 : memref<16xf32, #tpu.memory_space<vmem_shared>>)
        tpu.yield
      }) : () -> ()
    } else {
    }
    %barrier3A = arith.constant 0 : index
    tpu.barrier barrier_id(%barrier3A)
    %multiple_of3A = arith.constant 0 : i32
    %multiple_of3A_127 = tpu.assume_multiple %multiple_of3A, 8 : i32
    %dma_start3A = tpu.memref_slice %arg7[%multiple_of3A_127] : memref<10000xi32, #tpu.memory_space<vmem>> -> memref<40xi32, #tpu.memory_space<vmem>>
    %dma_start3A_128 = arith.constant 0 : i32
    %dma_start3A_129 = arith.constant 0 : i32
    %dma_start3A_130 = tpu.memref_slice %arg2[%dma_start3A_128, %dma_start3A_129] : memref<10000x128xf32, #tpu.memory_space<hbm>> -> memref<10000x128xf32, #tpu.memory_space<hbm>>
    tpu.enqueue_indirect_dma source(%dma_start3A_130 : memref<10000x128xf32, #tpu.memory_space<hbm>>) target(%arg10 : memref<40x128xf32, #tpu.memory_space<vmem>>) offsets(%dma_start3A : memref<40xi32, #tpu.memory_space<vmem>>) semaphore(%arg15 : memref<!tpu.dma_semaphore, #tpu.memory_space<semaphore_mem>>)
    %dma_start3A_131 = arith.constant 0 : i32
    %dma_start3A_132 = arith.constant 0 : i32
    %dma_start3A_133 = arith.constant 0 : i32
    %dma_start3A_134 = arith.constant 0 : i32
    %dma_start3A_135 = tpu.memref_slice %arg8[%dma_start3A_133, %dma_start3A_134] : memref<5x40xi32, #tpu.memory_space<vmem>> -> memref<1x40xi32, #tpu.memory_space<vmem>>
    %dma_start3A_136 = tpu.memref_squeeze %dma_start3A_135 : memref<1x40xi32, #tpu.memory_space<vmem>> -> memref<40xi32, #tpu.memory_space<vmem>>
    %dma_start3A_137 = arith.constant 0 : i32
    %dma_start3A_138 = tpu.memref_slice %arg4[%add3A, %dma_start3A_131, %dma_start3A_132, %dma_start3A_137] : memref<32x250x1x40xi32, #tpu.memory_space<hbm>> -> memref<1x1x1x40xi32, #tpu.memory_space<hbm>>
    %dma_start3A_139 = tpu.memref_squeeze %dma_start3A_138 : memref<1x1x1x40xi32, #tpu.memory_space<hbm>> -> memref<40xi32, #tpu.memory_space<hbm>>
    %dma_start3A_140 = arith.constant 0 : i32
    %dma_start3A_141 = tpu.memref_slice %arg8[%dma_start3A_133, %dma_start3A_140] : memref<5x40xi32, #tpu.memory_space<vmem>> -> memref<1x40xi32, #tpu.memory_space<vmem>>
    %dma_start3A_142 = tpu.memref_squeeze %dma_start3A_141 : memref<1x40xi32, #tpu.memory_space<vmem>> -> memref<40xi32, #tpu.memory_space<vmem>>
    %dma_start3A_143 = arith.constant 0 : i32
    %dma_start3A_144 = tpu.memref_slice %arg4[%add3A, %dma_start3A_131, %dma_start3A_132, %dma_start3A_143] : memref<32x250x1x40xi32, #tpu.memory_space<hbm>> -> memref<1x1x1x40xi32, #tpu.memory_space<hbm>>
    %dma_start3A_145 = tpu.memref_squeeze %dma_start3A_144 : memref<1x1x1x40xi32, #tpu.memory_space<hbm>> -> memref<40xi32, #tpu.memory_space<hbm>>
    tpu.enqueue_dma source(%dma_start3A_145 : memref<40xi32, #tpu.memory_space<hbm>>) target(%dma_start3A_142 : memref<40xi32, #tpu.memory_space<vmem>>) target_semaphore(%arg20 : memref<!tpu.dma_semaphore, #tpu.memory_space<semaphore_mem>>)
    %multiple_of3A_146 = arith.constant 40 : i32
    %multiple_of3A_147 = tpu.assume_multiple %multiple_of3A_146, 8 : i32
    %dma_start3A_148 = tpu.memref_slice %arg7[%multiple_of3A_147] : memref<10000xi32, #tpu.memory_space<vmem>> -> memref<40xi32, #tpu.memory_space<vmem>>
    %dma_start3A_149 = arith.constant 0 : i32
    %dma_start3A_150 = arith.constant 0 : i32
    %dma_start3A_151 = tpu.memref_slice %arg2[%dma_start3A_149, %dma_start3A_150] : memref<10000x128xf32, #tpu.memory_space<hbm>> -> memref<10000x128xf32, #tpu.memory_space<hbm>>
    tpu.enqueue_indirect_dma source(%dma_start3A_151 : memref<10000x128xf32, #tpu.memory_space<hbm>>) target(%arg11 : memref<40x128xf32, #tpu.memory_space<vmem>>) offsets(%dma_start3A_148 : memref<40xi32, #tpu.memory_space<vmem>>) semaphore(%arg16 : memref<!tpu.dma_semaphore, #tpu.memory_space<semaphore_mem>>)
    %dma_start3A_152 = arith.constant 1 : i32
    %dma_start3A_153 = arith.constant 0 : i32
    %dma_start3A_154 = arith.constant 1 : i32
    %dma_start3A_155 = arith.constant 0 : i32
    %dma_start3A_156 = tpu.memref_slice %arg8[%dma_start3A_154, %dma_start3A_155] : memref<5x40xi32, #tpu.memory_space<vmem>> -> memref<1x40xi32, #tpu.memory_space<vmem>>
    %dma_start3A_157 = tpu.memref_squeeze %dma_start3A_156 : memref<1x40xi32, #tpu.memory_space<vmem>> -> memref<40xi32, #tpu.memory_space<vmem>>
    %dma_start3A_158 = arith.constant 0 : i32
    %dma_start3A_159 = tpu.memref_slice %arg4[%add3A, %dma_start3A_152, %dma_start3A_153, %dma_start3A_158] : memref<32x250x1x40xi32, #tpu.memory_space<hbm>> -> memref<1x1x1x40xi32, #tpu.memory_space<hbm>>
    %dma_start3A_160 = tpu.memref_squeeze %dma_start3A_159 : memref<1x1x1x40xi32, #tpu.memory_space<hbm>> -> memref<40xi32, #tpu.memory_space<hbm>>
    %dma_start3A_161 = arith.constant 0 : i32
    %dma_start3A_162 = tpu.memref_slice %arg8[%dma_start3A_154, %dma_start3A_161] : memref<5x40xi32, #tpu.memory_space<vmem>> -> memref<1x40xi32, #tpu.memory_space<vmem>>
    %dma_start3A_163 = tpu.memref_squeeze %dma_start3A_162 : memref<1x40xi32, #tpu.memory_space<vmem>> -> memref<40xi32, #tpu.memory_space<vmem>>
    %dma_start3A_164 = arith.constant 0 : i32
    %dma_start3A_165 = tpu.memref_slice %arg4[%add3A, %dma_start3A_152, %dma_start3A_153, %dma_start3A_164] : memref<32x250x1x40xi32, #tpu.memory_space<hbm>> -> memref<1x1x1x40xi32, #tpu.memory_space<hbm>>
    %dma_start3A_166 = tpu.memref_squeeze %dma_start3A_165 : memref<1x1x1x40xi32, #tpu.memory_space<hbm>> -> memref<40xi32, #tpu.memory_space<hbm>>
    tpu.enqueue_dma source(%dma_start3A_166 : memref<40xi32, #tpu.memory_space<hbm>>) target(%dma_start3A_163 : memref<40xi32, #tpu.memory_space<vmem>>) target_semaphore(%arg21 : memref<!tpu.dma_semaphore, #tpu.memory_space<semaphore_mem>>)
    %multiple_of3A_167 = arith.constant 80 : i32
    %multiple_of3A_168 = tpu.assume_multiple %multiple_of3A_167, 8 : i32
    %dma_start3A_169 = tpu.memref_slice %arg7[%multiple_of3A_168] : memref<10000xi32, #tpu.memory_space<vmem>> -> memref<40xi32, #tpu.memory_space<vmem>>
    %dma_start3A_170 = arith.constant 0 : i32
    %dma_start3A_171 = arith.constant 0 : i32
    %dma_start3A_172 = tpu.memref_slice %arg2[%dma_start3A_170, %dma_start3A_171] : memref<10000x128xf32, #tpu.memory_space<hbm>> -> memref<10000x128xf32, #tpu.memory_space<hbm>>
    tpu.enqueue_indirect_dma source(%dma_start3A_172 : memref<10000x128xf32, #tpu.memory_space<hbm>>) target(%arg12 : memref<40x128xf32, #tpu.memory_space<vmem>>) offsets(%dma_start3A_169 : memref<40xi32, #tpu.memory_space<vmem>>) semaphore(%arg17 : memref<!tpu.dma_semaphore, #tpu.memory_space<semaphore_mem>>)
    %dma_start3A_173 = arith.constant 2 : i32
    %dma_start3A_174 = arith.constant 0 : i32
    %dma_start3A_175 = arith.constant 2 : i32
    %dma_start3A_176 = arith.constant 0 : i32
    %dma_start3A_177 = tpu.memref_slice %arg8[%dma_start3A_175, %dma_start3A_176] : memref<5x40xi32, #tpu.memory_space<vmem>> -> memref<1x40xi32, #tpu.memory_space<vmem>>
    %dma_start3A_178 = tpu.memref_squeeze %dma_start3A_177 : memref<1x40xi32, #tpu.memory_space<vmem>> -> memref<40xi32, #tpu.memory_space<vmem>>
    %dma_start3A_179 = arith.constant 0 : i32
    %dma_start3A_180 = tpu.memref_slice %arg4[%add3A, %dma_start3A_173, %dma_start3A_174, %dma_start3A_179] : memref<32x250x1x40xi32, #tpu.memory_space<hbm>> -> memref<1x1x1x40xi32, #tpu.memory_space<hbm>>
    %dma_start3A_181 = tpu.memref_squeeze %dma_start3A_180 : memref<1x1x1x40xi32, #tpu.memory_space<hbm>> -> memref<40xi32, #tpu.memory_space<hbm>>
    %dma_start3A_182 = arith.constant 0 : i32
    %dma_start3A_183 = tpu.memref_slice %arg8[%dma_start3A_175, %dma_start3A_182] : memref<5x40xi32, #tpu.memory_space<vmem>> -> memref<1x40xi32, #tpu.memory_space<vmem>>
    %dma_start3A_184 = tpu.memref_squeeze %dma_start3A_183 : memref<1x40xi32, #tpu.memory_space<vmem>> -> memref<40xi32, #tpu.memory_space<vmem>>
    %dma_start3A_185 = arith.constant 0 : i32
    %dma_start3A_186 = tpu.memref_slice %arg4[%add3A, %dma_start3A_173, %dma_start3A_174, %dma_start3A_185] : memref<32x250x1x40xi32, #tpu.memory_space<hbm>> -> memref<1x1x1x40xi32, #tpu.memory_space<hbm>>
    %dma_start3A_187 = tpu.memref_squeeze %dma_start3A_186 : memref<1x1x1x40xi32, #tpu.memory_space<hbm>> -> memref<40xi32, #tpu.memory_space<hbm>>
    tpu.enqueue_dma source(%dma_start3A_187 : memref<40xi32, #tpu.memory_space<hbm>>) target(%dma_start3A_184 : memref<40xi32, #tpu.memory_space<vmem>>) target_semaphore(%arg22 : memref<!tpu.dma_semaphore, #tpu.memory_space<semaphore_mem>>)
    %multiple_of3A_188 = arith.constant 120 : i32
    %multiple_of3A_189 = tpu.assume_multiple %multiple_of3A_188, 8 : i32
    %dma_start3A_190 = tpu.memref_slice %arg7[%multiple_of3A_189] : memref<10000xi32, #tpu.memory_space<vmem>> -> memref<40xi32, #tpu.memory_space<vmem>>
    %dma_start3A_191 = arith.constant 0 : i32
    %dma_start3A_192 = arith.constant 0 : i32
    %dma_start3A_193 = tpu.memref_slice %arg2[%dma_start3A_191, %dma_start3A_192] : memref<10000x128xf32, #tpu.memory_space<hbm>> -> memref<10000x128xf32, #tpu.memory_space<hbm>>
    tpu.enqueue_indirect_dma source(%dma_start3A_193 : memref<10000x128xf32, #tpu.memory_space<hbm>>) target(%arg13 : memref<40x128xf32, #tpu.memory_space<vmem>>) offsets(%dma_start3A_190 : memref<40xi32, #tpu.memory_space<vmem>>) semaphore(%arg18 : memref<!tpu.dma_semaphore, #tpu.memory_space<semaphore_mem>>)
    %dma_start3A_194 = arith.constant 3 : i32
    %dma_start3A_195 = arith.constant 0 : i32
    %dma_start3A_196 = arith.constant 3 : i32
    %dma_start3A_197 = arith.constant 0 : i32
    %dma_start3A_198 = tpu.memref_slice %arg8[%dma_start3A_196, %dma_start3A_197] : memref<5x40xi32, #tpu.memory_space<vmem>> -> memref<1x40xi32, #tpu.memory_space<vmem>>
    %dma_start3A_199 = tpu.memref_squeeze %dma_start3A_198 : memref<1x40xi32, #tpu.memory_space<vmem>> -> memref<40xi32, #tpu.memory_space<vmem>>
    %dma_start3A_200 = arith.constant 0 : i32
    %dma_start3A_201 = tpu.memref_slice %arg4[%add3A, %dma_start3A_194, %dma_start3A_195, %dma_start3A_200] : memref<32x250x1x40xi32, #tpu.memory_space<hbm>> -> memref<1x1x1x40xi32, #tpu.memory_space<hbm>>
    %dma_start3A_202 = tpu.memref_squeeze %dma_start3A_201 : memref<1x1x1x40xi32, #tpu.memory_space<hbm>> -> memref<40xi32, #tpu.memory_space<hbm>>
    %dma_start3A_203 = arith.constant 0 : i32
    %dma_start3A_204 = tpu.memref_slice %arg8[%dma_start3A_196, %dma_start3A_203] : memref<5x40xi32, #tpu.memory_space<vmem>> -> memref<1x40xi32, #tpu.memory_space<vmem>>
    %dma_start3A_205 = tpu.memref_squeeze %dma_start3A_204 : memref<1x40xi32, #tpu.memory_space<vmem>> -> memref<40xi32, #tpu.memory_space<vmem>>
    %dma_start3A_206 = arith.constant 0 : i32
    %dma_start3A_207 = tpu.memref_slice %arg4[%add3A, %dma_start3A_194, %dma_start3A_195, %dma_start3A_206] : memref<32x250x1x40xi32, #tpu.memory_space<hbm>> -> memref<1x1x1x40xi32, #tpu.memory_space<hbm>>
    %dma_start3A_208 = tpu.memref_squeeze %dma_start3A_207 : memref<1x1x1x40xi32, #tpu.memory_space<hbm>> -> memref<40xi32, #tpu.memory_space<hbm>>
    tpu.enqueue_dma source(%dma_start3A_208 : memref<40xi32, #tpu.memory_space<hbm>>) target(%dma_start3A_205 : memref<40xi32, #tpu.memory_space<vmem>>) target_semaphore(%arg23 : memref<!tpu.dma_semaphore, #tpu.memory_space<semaphore_mem>>)
    %multiple_of3A_209 = arith.constant 160 : i32
    %multiple_of3A_210 = tpu.assume_multiple %multiple_of3A_209, 8 : i32
    %dma_start3A_211 = tpu.memref_slice %arg7[%multiple_of3A_210] : memref<10000xi32, #tpu.memory_space<vmem>> -> memref<40xi32, #tpu.memory_space<vmem>>
    %dma_start3A_212 = arith.constant 0 : i32
    %dma_start3A_213 = arith.constant 0 : i32
    %dma_start3A_214 = tpu.memref_slice %arg2[%dma_start3A_212, %dma_start3A_213] : memref<10000x128xf32, #tpu.memory_space<hbm>> -> memref<10000x128xf32, #tpu.memory_space<hbm>>
    tpu.enqueue_indirect_dma source(%dma_start3A_214 : memref<10000x128xf32, #tpu.memory_space<hbm>>) target(%arg14 : memref<40x128xf32, #tpu.memory_space<vmem>>) offsets(%dma_start3A_211 : memref<40xi32, #tpu.memory_space<vmem>>) semaphore(%arg19 : memref<!tpu.dma_semaphore, #tpu.memory_space<semaphore_mem>>)
    %dma_start3A_215 = arith.constant 4 : i32
    %dma_start3A_216 = arith.constant 0 : i32
    %dma_start3A_217 = arith.constant 4 : i32
    %dma_start3A_218 = arith.constant 0 : i32
    %dma_start3A_219 = tpu.memref_slice %arg8[%dma_start3A_217, %dma_start3A_218] : memref<5x40xi32, #tpu.memory_space<vmem>> -> memref<1x40xi32, #tpu.memory_space<vmem>>
    %dma_start3A_220 = tpu.memref_squeeze %dma_start3A_219 : memref<1x40xi32, #tpu.memory_space<vmem>> -> memref<40xi32, #tpu.memory_space<vmem>>
    %dma_start3A_221 = arith.constant 0 : i32
    %dma_start3A_222 = tpu.memref_slice %arg4[%add3A, %dma_start3A_215, %dma_start3A_216, %dma_start3A_221] : memref<32x250x1x40xi32, #tpu.memory_space<hbm>> -> memref<1x1x1x40xi32, #tpu.memory_space<hbm>>
    %dma_start3A_223 = tpu.memref_squeeze %dma_start3A_222 : memref<1x1x1x40xi32, #tpu.memory_space<hbm>> -> memref<40xi32, #tpu.memory_space<hbm>>
    %dma_start3A_224 = arith.constant 0 : i32
    %dma_start3A_225 = tpu.memref_slice %arg8[%dma_start3A_217, %dma_start3A_224] : memref<5x40xi32, #tpu.memory_space<vmem>> -> memref<1x40xi32, #tpu.memory_space<vmem>>
    %dma_start3A_226 = tpu.memref_squeeze %dma_start3A_225 : memref<1x40xi32, #tpu.memory_space<vmem>> -> memref<40xi32, #tpu.memory_space<vmem>>
    %dma_start3A_227 = arith.constant 0 : i32
    %dma_start3A_228 = tpu.memref_slice %arg4[%add3A, %dma_start3A_215, %dma_start3A_216, %dma_start3A_227] : memref<32x250x1x40xi32, #tpu.memory_space<hbm>> -> memref<1x1x1x40xi32, #tpu.memory_space<hbm>>
    %dma_start3A_229 = tpu.memref_squeeze %dma_start3A_228 : memref<1x1x1x40xi32, #tpu.memory_space<hbm>> -> memref<40xi32, #tpu.memory_space<hbm>>
    tpu.enqueue_dma source(%dma_start3A_229 : memref<40xi32, #tpu.memory_space<hbm>>) target(%dma_start3A_226 : memref<40xi32, #tpu.memory_space<vmem>>) target_semaphore(%arg24 : memref<!tpu.dma_semaphore, #tpu.memory_space<semaphore_mem>>)
    %scan3A_230 = arith.constant 0 : i32
    %scan3A_231 = arith.constant 50 : i32
    %scan3A_232 = arith.addi %scan3A_230, %scan3A_231 : i32
    %scan3A_233 = arith.constant 1 : i32
    scf.for %scan3A_253 = %scan3A_230 to %scan3A_232 step %scan3A_233  : i32 {
      %mul3A_254 = arith.constant 5 : i32
      %mul3A_255 = arith.muli %scan3A_253, %mul3A_254 : i32
      %add3A_256 = arith.constant 0 : i32
      %add3A_257 = arith.addi %add3A_256, %mul3A_255 : i32
      %add3A_258 = arith.constant 0 : i32
      %add3A_259 = arith.addi %add3A_257, %add3A_258 : i32
      %dma_wait3A = arith.constant 0 : i32
      %dma_wait3A_260 = tpu.memref_slice %arg7[%dma_wait3A] : memref<10000xi32, #tpu.memory_space<vmem>> -> memref<40xi32, #tpu.memory_space<vmem>>
      %dma_wait3A_261 = arith.constant 0 : i32
      %dma_wait3A_262 = arith.constant 0 : i32
      %dma_wait3A_263 = tpu.memref_slice %arg2[%dma_wait3A_261, %dma_wait3A_262] : memref<10000x128xf32, #tpu.memory_space<hbm>> -> memref<10000x128xf32, #tpu.memory_space<hbm>>
      tpu.wait_indirect_dma semaphore(%arg15 : memref<!tpu.dma_semaphore, #tpu.memory_space<semaphore_mem>>) src(%dma_wait3A_263 : memref<10000x128xf32, #tpu.memory_space<hbm>>) dst(%arg10 : memref<40x128xf32, #tpu.memory_space<vmem>>)
      %dma_wait3A_264 = arith.constant 0 : i32
      %dma_wait3A_265 = arith.constant 0 : i32
      %dma_wait3A_266 = arith.constant 0 : i32
      %dma_wait3A_267 = arith.constant 0 : i32
      %dma_wait3A_268 = tpu.memref_slice %arg8[%dma_wait3A_266, %dma_wait3A_267] : memref<5x40xi32, #tpu.memory_space<vmem>> -> memref<1x40xi32, #tpu.memory_space<vmem>>
      %dma_wait3A_269 = tpu.memref_squeeze %dma_wait3A_268 : memref<1x40xi32, #tpu.memory_space<vmem>> -> memref<40xi32, #tpu.memory_space<vmem>>
      %dma_wait3A_270 = arith.constant 0 : i32
      %dma_wait3A_271 = tpu.memref_slice %arg4[%add3A, %dma_wait3A_264, %dma_wait3A_265, %dma_wait3A_270] : memref<32x250x1x40xi32, #tpu.memory_space<hbm>> -> memref<1x1x1x40xi32, #tpu.memory_space<hbm>>
      %dma_wait3A_272 = tpu.memref_squeeze %dma_wait3A_271 : memref<1x1x1x40xi32, #tpu.memory_space<hbm>> -> memref<40xi32, #tpu.memory_space<hbm>>
      %dma_wait3A_273 = arith.constant 0 : i32
      %dma_wait3A_274 = tpu.memref_slice %arg8[%dma_wait3A_266, %dma_wait3A_273] : memref<5x40xi32, #tpu.memory_space<vmem>> -> memref<1x40xi32, #tpu.memory_space<vmem>>
      %dma_wait3A_275 = tpu.memref_squeeze %dma_wait3A_274 : memref<1x40xi32, #tpu.memory_space<vmem>> -> memref<40xi32, #tpu.memory_space<vmem>>
      %dma_wait3A_276 = arith.constant 0 : i32
      %dma_wait3A_277 = tpu.memref_slice %arg4[%add3A, %dma_wait3A_264, %dma_wait3A_265, %dma_wait3A_276] : memref<32x250x1x40xi32, #tpu.memory_space<hbm>> -> memref<1x1x1x40xi32, #tpu.memory_space<hbm>>
      %dma_wait3A_278 = tpu.memref_squeeze %dma_wait3A_277 : memref<1x1x1x40xi32, #tpu.memory_space<hbm>> -> memref<40xi32, #tpu.memory_space<hbm>>
      tpu.wait_dma2 semaphore(%arg20 : memref<!tpu.dma_semaphore, #tpu.memory_space<semaphore_mem>>) src(%dma_wait3A_278 : memref<40xi32, #tpu.memory_space<hbm>>) dst(%dma_wait3A_275 : memref<40xi32, #tpu.memory_space<vmem>>)
      %run_scoped3A = arith.constant 0 : i32
      "tpu.region"() ({
        %run_scoped3A_410 = tpu.sem_alloc : memref<!tpu.dma_semaphore, #tpu.memory_space<semaphore_mem>>
        %dma_start3A_411 = arith.constant 0 : i32
        %dma_start3A_412 = tpu.memref_slice %arg8[%run_scoped3A, %dma_start3A_411] : memref<5x40xi32, #tpu.memory_space<vmem>> -> memref<1x40xi32, #tpu.memory_space<vmem>>
        %dma_start3A_413 = tpu.memref_squeeze %dma_start3A_412 : memref<1x40xi32, #tpu.memory_space<vmem>> -> memref<40xi32, #tpu.memory_space<vmem>>
        %dma_start3A_414 = arith.constant 0 : i32
        %dma_start3A_415 = arith.constant 0 : i32
        %dma_start3A_416 = tpu.memref_slice %arg9[%dma_start3A_414, %dma_start3A_415] : memref<10000x128xf32, #tpu.memory_space<vmem_shared>> -> memref<10000x128xf32, #tpu.memory_space<vmem_shared>>
        tpu.enqueue_indirect_dma source(%arg10 : memref<40x128xf32, #tpu.memory_space<vmem>>) target(%dma_start3A_416 : memref<10000x128xf32, #tpu.memory_space<vmem_shared>>) offsets(%dma_start3A_413 : memref<40xi32, #tpu.memory_space<vmem>>) semaphore(%run_scoped3A_410 : memref<!tpu.dma_semaphore, #tpu.memory_space<semaphore_mem>>) {add = true}
        %dma_wait3A_417 = arith.constant 0 : i32
        %dma_wait3A_418 = tpu.memref_slice %arg8[%run_scoped3A, %dma_wait3A_417] : memref<5x40xi32, #tpu.memory_space<vmem>> -> memref<1x40xi32, #tpu.memory_space<vmem>>
        %dma_wait3A_419 = tpu.memref_squeeze %dma_wait3A_418 : memref<1x40xi32, #tpu.memory_space<vmem>> -> memref<40xi32, #tpu.memory_space<vmem>>
        %dma_wait3A_420 = arith.constant 0 : i32
        %dma_wait3A_421 = arith.constant 0 : i32
        %dma_wait3A_422 = tpu.memref_slice %arg9[%dma_wait3A_420, %dma_wait3A_421] : memref<10000x128xf32, #tpu.memory_space<vmem_shared>> -> memref<10000x128xf32, #tpu.memory_space<vmem_shared>>
        tpu.wait_indirect_dma semaphore(%run_scoped3A_410 : memref<!tpu.dma_semaphore, #tpu.memory_space<semaphore_mem>>) src(%arg10 : memref<40x128xf32, #tpu.memory_space<vmem>>) dst(%dma_wait3A_422 : memref<10000x128xf32, #tpu.memory_space<vmem_shared>>)
        tpu.yield
      }) : () -> ()
      %run_scoped3A_279 = arith.constant 0 : i32
      "tpu.region"() ({
        %run_scoped3A_410 = tpu.sem_alloc : memref<!tpu.dma_semaphore, #tpu.memory_space<semaphore_mem>>
        %dma_start3A_411 = arith.constant 0 : i32
        %dma_start3A_412 = tpu.memref_slice %arg8[%run_scoped3A_279, %dma_start3A_411] : memref<5x40xi32, #tpu.memory_space<vmem>> -> memref<1x40xi32, #tpu.memory_space<vmem>>
        %dma_start3A_413 = tpu.memref_squeeze %dma_start3A_412 : memref<1x40xi32, #tpu.memory_space<vmem>> -> memref<40xi32, #tpu.memory_space<vmem>>
        %dma_start3A_414 = arith.constant 0 : i32
        %dma_start3A_415 = tpu.memref_slice %arg28[%dma_start3A_414] : memref<10000xf32, #tpu.memory_space<vmem_shared>> -> memref<10000xf32, #tpu.memory_space<vmem_shared>>
        tpu.enqueue_indirect_dma source(%arg25 : memref<40xf32, #tpu.memory_space<vmem>>) target(%dma_start3A_415 : memref<10000xf32, #tpu.memory_space<vmem_shared>>) offsets(%dma_start3A_413 : memref<40xi32, #tpu.memory_space<vmem>>) semaphore(%run_scoped3A_410 : memref<!tpu.dma_semaphore, #tpu.memory_space<semaphore_mem>>) {add = true}
        %dma_wait3A_416 = arith.constant 0 : i32
        %dma_wait3A_417 = tpu.memref_slice %arg8[%run_scoped3A_279, %dma_wait3A_416] : memref<5x40xi32, #tpu.memory_space<vmem>> -> memref<1x40xi32, #tpu.memory_space<vmem>>
        %dma_wait3A_418 = tpu.memref_squeeze %dma_wait3A_417 : memref<1x40xi32, #tpu.memory_space<vmem>> -> memref<40xi32, #tpu.memory_space<vmem>>
        %dma_wait3A_419 = arith.constant 0 : i32
        %dma_wait3A_420 = tpu.memref_slice %arg28[%dma_wait3A_419] : memref<10000xf32, #tpu.memory_space<vmem_shared>> -> memref<10000xf32, #tpu.memory_space<vmem_shared>>
        tpu.wait_indirect_dma semaphore(%run_scoped3A_410 : memref<!tpu.dma_semaphore, #tpu.memory_space<semaphore_mem>>) src(%arg25 : memref<40xf32, #tpu.memory_space<vmem>>) dst(%dma_wait3A_420 : memref<10000xf32, #tpu.memory_space<vmem_shared>>)
        tpu.yield
      }) : () -> ()
      %add3A_280 = arith.constant 5 : i32
      %add3A_281 = arith.addi %add3A_259, %add3A_280 : i32
      %lt3A = arith.constant 250 : i32
      %lt3A_282 = arith.cmpi slt, %add3A_281, %lt3A : i32
      %convert_element_type3A_283 = arith.extui %lt3A_282 : i1 to i32
      %cond3A_284 = arith.constant 0 : i32
      %cond3A_285 = arith.cmpi ne, %convert_element_type3A_283, %cond3A_284 : i32
      scf.if %cond3A_285 {
        %add3A_410 = arith.constant 5 : i32
        %add3A_411 = arith.addi %add3A_259, %add3A_410 : i32
        %mul3A_412 = arith.constant 40 : i32
        %mul3A_413 = arith.muli %add3A_411, %mul3A_412 : i32
        %multiple_of3A_414 = tpu.assume_multiple %mul3A_413, 8 : i32
        %dma_start3A_415 = tpu.memref_slice %arg7[%multiple_of3A_414] : memref<10000xi32, #tpu.memory_space<vmem>> -> memref<40xi32, #tpu.memory_space<vmem>>
        %dma_start3A_416 = arith.constant 0 : i32
        %dma_start3A_417 = arith.constant 0 : i32
        %dma_start3A_418 = tpu.memref_slice %arg2[%dma_start3A_416, %dma_start3A_417] : memref<10000x128xf32, #tpu.memory_space<hbm>> -> memref<10000x128xf32, #tpu.memory_space<hbm>>
        tpu.enqueue_indirect_dma source(%dma_start3A_418 : memref<10000x128xf32, #tpu.memory_space<hbm>>) target(%arg10 : memref<40x128xf32, #tpu.memory_space<vmem>>) offsets(%dma_start3A_415 : memref<40xi32, #tpu.memory_space<vmem>>) semaphore(%arg15 : memref<!tpu.dma_semaphore, #tpu.memory_space<semaphore_mem>>)
        %dma_start3A_419 = arith.constant 0 : i32
        %dma_start3A_420 = arith.constant 0 : i32
        %dma_start3A_421 = arith.constant 0 : i32
        %dma_start3A_422 = tpu.memref_slice %arg8[%dma_start3A_420, %dma_start3A_421] : memref<5x40xi32, #tpu.memory_space<vmem>> -> memref<1x40xi32, #tpu.memory_space<vmem>>
        %dma_start3A_423 = tpu.memref_squeeze %dma_start3A_422 : memref<1x40xi32, #tpu.memory_space<vmem>> -> memref<40xi32, #tpu.memory_space<vmem>>
        %dma_start3A_424 = arith.constant 0 : i32
        %dma_start3A_425 = tpu.memref_slice %arg4[%add3A, %add3A_411, %dma_start3A_419, %dma_start3A_424] : memref<32x250x1x40xi32, #tpu.memory_space<hbm>> -> memref<1x1x1x40xi32, #tpu.memory_space<hbm>>
        %dma_start3A_426 = tpu.memref_squeeze %dma_start3A_425 : memref<1x1x1x40xi32, #tpu.memory_space<hbm>> -> memref<40xi32, #tpu.memory_space<hbm>>
        %dma_start3A_427 = arith.constant 0 : i32
        %dma_start3A_428 = tpu.memref_slice %arg8[%dma_start3A_420, %dma_start3A_427] : memref<5x40xi32, #tpu.memory_space<vmem>> -> memref<1x40xi32, #tpu.memory_space<vmem>>
        %dma_start3A_429 = tpu.memref_squeeze %dma_start3A_428 : memref<1x40xi32, #tpu.memory_space<vmem>> -> memref<40xi32, #tpu.memory_space<vmem>>
        %dma_start3A_430 = arith.constant 0 : i32
        %dma_start3A_431 = tpu.memref_slice %arg4[%add3A, %add3A_411, %dma_start3A_419, %dma_start3A_430] : memref<32x250x1x40xi32, #tpu.memory_space<hbm>> -> memref<1x1x1x40xi32, #tpu.memory_space<hbm>>
        %dma_start3A_432 = tpu.memref_squeeze %dma_start3A_431 : memref<1x1x1x40xi32, #tpu.memory_space<hbm>> -> memref<40xi32, #tpu.memory_space<hbm>>
        tpu.enqueue_dma source(%dma_start3A_432 : memref<40xi32, #tpu.memory_space<hbm>>) target(%dma_start3A_429 : memref<40xi32, #tpu.memory_space<vmem>>) target_semaphore(%arg20 : memref<!tpu.dma_semaphore, #tpu.memory_space<semaphore_mem>>)
      } else {
      }
      %add3A_286 = arith.constant 1 : i32
      %add3A_287 = arith.addi %add3A_257, %add3A_286 : i32
      %dma_wait3A_288 = arith.constant 0 : i32
      %dma_wait3A_289 = tpu.memref_slice %arg7[%dma_wait3A_288] : memref<10000xi32, #tpu.memory_space<vmem>> -> memref<40xi32, #tpu.memory_space<vmem>>
      %dma_wait3A_290 = arith.constant 0 : i32
      %dma_wait3A_291 = arith.constant 0 : i32
      %dma_wait3A_292 = tpu.memref_slice %arg2[%dma_wait3A_290, %dma_wait3A_291] : memref<10000x128xf32, #tpu.memory_space<hbm>> -> memref<10000x128xf32, #tpu.memory_space<hbm>>
      tpu.wait_indirect_dma semaphore(%arg16 : memref<!tpu.dma_semaphore, #tpu.memory_space<semaphore_mem>>) src(%dma_wait3A_292 : memref<10000x128xf32, #tpu.memory_space<hbm>>) dst(%arg11 : memref<40x128xf32, #tpu.memory_space<vmem>>)
      %dma_wait3A_293 = arith.constant 0 : i32
      %dma_wait3A_294 = arith.constant 0 : i32
      %dma_wait3A_295 = arith.constant 1 : i32
      %dma_wait3A_296 = arith.constant 0 : i32
      %dma_wait3A_297 = tpu.memref_slice %arg8[%dma_wait3A_295, %dma_wait3A_296] : memref<5x40xi32, #tpu.memory_space<vmem>> -> memref<1x40xi32, #tpu.memory_space<vmem>>
      %dma_wait3A_298 = tpu.memref_squeeze %dma_wait3A_297 : memref<1x40xi32, #tpu.memory_space<vmem>> -> memref<40xi32, #tpu.memory_space<vmem>>
      %dma_wait3A_299 = arith.constant 0 : i32
      %dma_wait3A_300 = tpu.memref_slice %arg4[%add3A, %dma_wait3A_293, %dma_wait3A_294, %dma_wait3A_299] : memref<32x250x1x40xi32, #tpu.memory_space<hbm>> -> memref<1x1x1x40xi32, #tpu.memory_space<hbm>>
      %dma_wait3A_301 = tpu.memref_squeeze %dma_wait3A_300 : memref<1x1x1x40xi32, #tpu.memory_space<hbm>> -> memref<40xi32, #tpu.memory_space<hbm>>
      %dma_wait3A_302 = arith.constant 0 : i32
      %dma_wait3A_303 = tpu.memref_slice %arg8[%dma_wait3A_295, %dma_wait3A_302] : memref<5x40xi32, #tpu.memory_space<vmem>> -> memref<1x40xi32, #tpu.memory_space<vmem>>
      %dma_wait3A_304 = tpu.memref_squeeze %dma_wait3A_303 : memref<1x40xi32, #tpu.memory_space<vmem>> -> memref<40xi32, #tpu.memory_space<vmem>>
      %dma_wait3A_305 = arith.constant 0 : i32
      %dma_wait3A_306 = tpu.memref_slice %arg4[%add3A, %dma_wait3A_293, %dma_wait3A_294, %dma_wait3A_305] : memref<32x250x1x40xi32, #tpu.memory_space<hbm>> -> memref<1x1x1x40xi32, #tpu.memory_space<hbm>>
      %dma_wait3A_307 = tpu.memref_squeeze %dma_wait3A_306 : memref<1x1x1x40xi32, #tpu.memory_space<hbm>> -> memref<40xi32, #tpu.memory_space<hbm>>
      tpu.wait_dma2 semaphore(%arg21 : memref<!tpu.dma_semaphore, #tpu.memory_space<semaphore_mem>>) src(%dma_wait3A_307 : memref<40xi32, #tpu.memory_space<hbm>>) dst(%dma_wait3A_304 : memref<40xi32, #tpu.memory_space<vmem>>)
      %run_scoped3A_308 = arith.constant 1 : i32
      "tpu.region"() ({
        %run_scoped3A_410 = tpu.sem_alloc : memref<!tpu.dma_semaphore, #tpu.memory_space<semaphore_mem>>
        %dma_start3A_411 = arith.constant 0 : i32
        %dma_start3A_412 = tpu.memref_slice %arg8[%run_scoped3A_308, %dma_start3A_411] : memref<5x40xi32, #tpu.memory_space<vmem>> -> memref<1x40xi32, #tpu.memory_space<vmem>>
        %dma_start3A_413 = tpu.memref_squeeze %dma_start3A_412 : memref<1x40xi32, #tpu.memory_space<vmem>> -> memref<40xi32, #tpu.memory_space<vmem>>
        %dma_start3A_414 = arith.constant 0 : i32
        %dma_start3A_415 = arith.constant 0 : i32
        %dma_start3A_416 = tpu.memref_slice %arg9[%dma_start3A_414, %dma_start3A_415] : memref<10000x128xf32, #tpu.memory_space<vmem_shared>> -> memref<10000x128xf32, #tpu.memory_space<vmem_shared>>
        tpu.enqueue_indirect_dma source(%arg11 : memref<40x128xf32, #tpu.memory_space<vmem>>) target(%dma_start3A_416 : memref<10000x128xf32, #tpu.memory_space<vmem_shared>>) offsets(%dma_start3A_413 : memref<40xi32, #tpu.memory_space<vmem>>) semaphore(%run_scoped3A_410 : memref<!tpu.dma_semaphore, #tpu.memory_space<semaphore_mem>>) {add = true}
        %dma_wait3A_417 = arith.constant 0 : i32
        %dma_wait3A_418 = tpu.memref_slice %arg8[%run_scoped3A_308, %dma_wait3A_417] : memref<5x40xi32, #tpu.memory_space<vmem>> -> memref<1x40xi32, #tpu.memory_space<vmem>>
        %dma_wait3A_419 = tpu.memref_squeeze %dma_wait3A_418 : memref<1x40xi32, #tpu.memory_space<vmem>> -> memref<40xi32, #tpu.memory_space<vmem>>
        %dma_wait3A_420 = arith.constant 0 : i32
        %dma_wait3A_421 = arith.constant 0 : i32
        %dma_wait3A_422 = tpu.memref_slice %arg9[%dma_wait3A_420, %dma_wait3A_421] : memref<10000x128xf32, #tpu.memory_space<vmem_shared>> -> memref<10000x128xf32, #tpu.memory_space<vmem_shared>>
        tpu.wait_indirect_dma semaphore(%run_scoped3A_410 : memref<!tpu.dma_semaphore, #tpu.memory_space<semaphore_mem>>) src(%arg11 : memref<40x128xf32, #tpu.memory_space<vmem>>) dst(%dma_wait3A_422 : memref<10000x128xf32, #tpu.memory_space<vmem_shared>>)
        tpu.yield
      }) : () -> ()
      %run_scoped3A_309 = arith.constant 1 : i32
      "tpu.region"() ({
        %run_scoped3A_410 = tpu.sem_alloc : memref<!tpu.dma_semaphore, #tpu.memory_space<semaphore_mem>>
        %dma_start3A_411 = arith.constant 0 : i32
        %dma_start3A_412 = tpu.memref_slice %arg8[%run_scoped3A_309, %dma_start3A_411] : memref<5x40xi32, #tpu.memory_space<vmem>> -> memref<1x40xi32, #tpu.memory_space<vmem>>
        %dma_start3A_413 = tpu.memref_squeeze %dma_start3A_412 : memref<1x40xi32, #tpu.memory_space<vmem>> -> memref<40xi32, #tpu.memory_space<vmem>>
        %dma_start3A_414 = arith.constant 0 : i32
        %dma_start3A_415 = tpu.memref_slice %arg28[%dma_start3A_414] : memref<10000xf32, #tpu.memory_space<vmem_shared>> -> memref<10000xf32, #tpu.memory_space<vmem_shared>>
        tpu.enqueue_indirect_dma source(%arg25 : memref<40xf32, #tpu.memory_space<vmem>>) target(%dma_start3A_415 : memref<10000xf32, #tpu.memory_space<vmem_shared>>) offsets(%dma_start3A_413 : memref<40xi32, #tpu.memory_space<vmem>>) semaphore(%run_scoped3A_410 : memref<!tpu.dma_semaphore, #tpu.memory_space<semaphore_mem>>) {add = true}
        %dma_wait3A_416 = arith.constant 0 : i32
        %dma_wait3A_417 = tpu.memref_slice %arg8[%run_scoped3A_309, %dma_wait3A_416] : memref<5x40xi32, #tpu.memory_space<vmem>> -> memref<1x40xi32, #tpu.memory_space<vmem>>
        %dma_wait3A_418 = tpu.memref_squeeze %dma_wait3A_417 : memref<1x40xi32, #tpu.memory_space<vmem>> -> memref<40xi32, #tpu.memory_space<vmem>>
        %dma_wait3A_419 = arith.constant 0 : i32
        %dma_wait3A_420 = tpu.memref_slice %arg28[%dma_wait3A_419] : memref<10000xf32, #tpu.memory_space<vmem_shared>> -> memref<10000xf32, #tpu.memory_space<vmem_shared>>
        tpu.wait_indirect_dma semaphore(%run_scoped3A_410 : memref<!tpu.dma_semaphore, #tpu.memory_space<semaphore_mem>>) src(%arg25 : memref<40xf32, #tpu.memory_space<vmem>>) dst(%dma_wait3A_420 : memref<10000xf32, #tpu.memory_space<vmem_shared>>)
        tpu.yield
      }) : () -> ()
      %add3A_310 = arith.constant 5 : i32
      %add3A_311 = arith.addi %add3A_287, %add3A_310 : i32
      %lt3A_312 = arith.constant 250 : i32
      %lt3A_313 = arith.cmpi slt, %add3A_311, %lt3A_312 : i32
      %convert_element_type3A_314 = arith.extui %lt3A_313 : i1 to i32
      %cond3A_315 = arith.constant 0 : i32
      %cond3A_316 = arith.cmpi ne, %convert_element_type3A_314, %cond3A_315 : i32
      scf.if %cond3A_316 {
        %add3A_410 = arith.constant 5 : i32
        %add3A_411 = arith.addi %add3A_287, %add3A_410 : i32
        %mul3A_412 = arith.constant 40 : i32
        %mul3A_413 = arith.muli %add3A_411, %mul3A_412 : i32
        %multiple_of3A_414 = tpu.assume_multiple %mul3A_413, 8 : i32
        %dma_start3A_415 = tpu.memref_slice %arg7[%multiple_of3A_414] : memref<10000xi32, #tpu.memory_space<vmem>> -> memref<40xi32, #tpu.memory_space<vmem>>
        %dma_start3A_416 = arith.constant 0 : i32
        %dma_start3A_417 = arith.constant 0 : i32
        %dma_start3A_418 = tpu.memref_slice %arg2[%dma_start3A_416, %dma_start3A_417] : memref<10000x128xf32, #tpu.memory_space<hbm>> -> memref<10000x128xf32, #tpu.memory_space<hbm>>
        tpu.enqueue_indirect_dma source(%dma_start3A_418 : memref<10000x128xf32, #tpu.memory_space<hbm>>) target(%arg11 : memref<40x128xf32, #tpu.memory_space<vmem>>) offsets(%dma_start3A_415 : memref<40xi32, #tpu.memory_space<vmem>>) semaphore(%arg16 : memref<!tpu.dma_semaphore, #tpu.memory_space<semaphore_mem>>)
        %dma_start3A_419 = arith.constant 0 : i32
        %dma_start3A_420 = arith.constant 1 : i32
        %dma_start3A_421 = arith.constant 0 : i32
        %dma_start3A_422 = tpu.memref_slice %arg8[%dma_start3A_420, %dma_start3A_421] : memref<5x40xi32, #tpu.memory_space<vmem>> -> memref<1x40xi32, #tpu.memory_space<vmem>>
        %dma_start3A_423 = tpu.memref_squeeze %dma_start3A_422 : memref<1x40xi32, #tpu.memory_space<vmem>> -> memref<40xi32, #tpu.memory_space<vmem>>
        %dma_start3A_424 = arith.constant 0 : i32
        %dma_start3A_425 = tpu.memref_slice %arg4[%add3A, %add3A_411, %dma_start3A_419, %dma_start3A_424] : memref<32x250x1x40xi32, #tpu.memory_space<hbm>> -> memref<1x1x1x40xi32, #tpu.memory_space<hbm>>
        %dma_start3A_426 = tpu.memref_squeeze %dma_start3A_425 : memref<1x1x1x40xi32, #tpu.memory_space<hbm>> -> memref<40xi32, #tpu.memory_space<hbm>>
        %dma_start3A_427 = arith.constant 0 : i32
        %dma_start3A_428 = tpu.memref_slice %arg8[%dma_start3A_420, %dma_start3A_427] : memref<5x40xi32, #tpu.memory_space<vmem>> -> memref<1x40xi32, #tpu.memory_space<vmem>>
        %dma_start3A_429 = tpu.memref_squeeze %dma_start3A_428 : memref<1x40xi32, #tpu.memory_space<vmem>> -> memref<40xi32, #tpu.memory_space<vmem>>
        %dma_start3A_430 = arith.constant 0 : i32
        %dma_start3A_431 = tpu.memref_slice %arg4[%add3A, %add3A_411, %dma_start3A_419, %dma_start3A_430] : memref<32x250x1x40xi32, #tpu.memory_space<hbm>> -> memref<1x1x1x40xi32, #tpu.memory_space<hbm>>
        %dma_start3A_432 = tpu.memref_squeeze %dma_start3A_431 : memref<1x1x1x40xi32, #tpu.memory_space<hbm>> -> memref<40xi32, #tpu.memory_space<hbm>>
        tpu.enqueue_dma source(%dma_start3A_432 : memref<40xi32, #tpu.memory_space<hbm>>) target(%dma_start3A_429 : memref<40xi32, #tpu.memory_space<vmem>>) target_semaphore(%arg21 : memref<!tpu.dma_semaphore, #tpu.memory_space<semaphore_mem>>)
      } else {
      }
      %add3A_317 = arith.constant 2 : i32
      %add3A_318 = arith.addi %add3A_257, %add3A_317 : i32
      %dma_wait3A_319 = arith.constant 0 : i32
      %dma_wait3A_320 = tpu.memref_slice %arg7[%dma_wait3A_319] : memref<10000xi32, #tpu.memory_space<vmem>> -> memref<40xi32, #tpu.memory_space<vmem>>
      %dma_wait3A_321 = arith.constant 0 : i32
      %dma_wait3A_322 = arith.constant 0 : i32
      %dma_wait3A_323 = tpu.memref_slice %arg2[%dma_wait3A_321, %dma_wait3A_322] : memref<10000x128xf32, #tpu.memory_space<hbm>> -> memref<10000x128xf32, #tpu.memory_space<hbm>>
      tpu.wait_indirect_dma semaphore(%arg17 : memref<!tpu.dma_semaphore, #tpu.memory_space<semaphore_mem>>) src(%dma_wait3A_323 : memref<10000x128xf32, #tpu.memory_space<hbm>>) dst(%arg12 : memref<40x128xf32, #tpu.memory_space<vmem>>)
      %dma_wait3A_324 = arith.constant 0 : i32
      %dma_wait3A_325 = arith.constant 0 : i32
      %dma_wait3A_326 = arith.constant 2 : i32
      %dma_wait3A_327 = arith.constant 0 : i32
      %dma_wait3A_328 = tpu.memref_slice %arg8[%dma_wait3A_326, %dma_wait3A_327] : memref<5x40xi32, #tpu.memory_space<vmem>> -> memref<1x40xi32, #tpu.memory_space<vmem>>
      %dma_wait3A_329 = tpu.memref_squeeze %dma_wait3A_328 : memref<1x40xi32, #tpu.memory_space<vmem>> -> memref<40xi32, #tpu.memory_space<vmem>>
      %dma_wait3A_330 = arith.constant 0 : i32
      %dma_wait3A_331 = tpu.memref_slice %arg4[%add3A, %dma_wait3A_324, %dma_wait3A_325, %dma_wait3A_330] : memref<32x250x1x40xi32, #tpu.memory_space<hbm>> -> memref<1x1x1x40xi32, #tpu.memory_space<hbm>>
      %dma_wait3A_332 = tpu.memref_squeeze %dma_wait3A_331 : memref<1x1x1x40xi32, #tpu.memory_space<hbm>> -> memref<40xi32, #tpu.memory_space<hbm>>
      %dma_wait3A_333 = arith.constant 0 : i32
      %dma_wait3A_334 = tpu.memref_slice %arg8[%dma_wait3A_326, %dma_wait3A_333] : memref<5x40xi32, #tpu.memory_space<vmem>> -> memref<1x40xi32, #tpu.memory_space<vmem>>
      %dma_wait3A_335 = tpu.memref_squeeze %dma_wait3A_334 : memref<1x40xi32, #tpu.memory_space<vmem>> -> memref<40xi32, #tpu.memory_space<vmem>>
      %dma_wait3A_336 = arith.constant 0 : i32
      %dma_wait3A_337 = tpu.memref_slice %arg4[%add3A, %dma_wait3A_324, %dma_wait3A_325, %dma_wait3A_336] : memref<32x250x1x40xi32, #tpu.memory_space<hbm>> -> memref<1x1x1x40xi32, #tpu.memory_space<hbm>>
      %dma_wait3A_338 = tpu.memref_squeeze %dma_wait3A_337 : memref<1x1x1x40xi32, #tpu.memory_space<hbm>> -> memref<40xi32, #tpu.memory_space<hbm>>
      tpu.wait_dma2 semaphore(%arg22 : memref<!tpu.dma_semaphore, #tpu.memory_space<semaphore_mem>>) src(%dma_wait3A_338 : memref<40xi32, #tpu.memory_space<hbm>>) dst(%dma_wait3A_335 : memref<40xi32, #tpu.memory_space<vmem>>)
      %run_scoped3A_339 = arith.constant 2 : i32
      "tpu.region"() ({
        %run_scoped3A_410 = tpu.sem_alloc : memref<!tpu.dma_semaphore, #tpu.memory_space<semaphore_mem>>
        %dma_start3A_411 = arith.constant 0 : i32
        %dma_start3A_412 = tpu.memref_slice %arg8[%run_scoped3A_339, %dma_start3A_411] : memref<5x40xi32, #tpu.memory_space<vmem>> -> memref<1x40xi32, #tpu.memory_space<vmem>>
        %dma_start3A_413 = tpu.memref_squeeze %dma_start3A_412 : memref<1x40xi32, #tpu.memory_space<vmem>> -> memref<40xi32, #tpu.memory_space<vmem>>
        %dma_start3A_414 = arith.constant 0 : i32
        %dma_start3A_415 = arith.constant 0 : i32
        %dma_start3A_416 = tpu.memref_slice %arg9[%dma_start3A_414, %dma_start3A_415] : memref<10000x128xf32, #tpu.memory_space<vmem_shared>> -> memref<10000x128xf32, #tpu.memory_space<vmem_shared>>
        tpu.enqueue_indirect_dma source(%arg12 : memref<40x128xf32, #tpu.memory_space<vmem>>) target(%dma_start3A_416 : memref<10000x128xf32, #tpu.memory_space<vmem_shared>>) offsets(%dma_start3A_413 : memref<40xi32, #tpu.memory_space<vmem>>) semaphore(%run_scoped3A_410 : memref<!tpu.dma_semaphore, #tpu.memory_space<semaphore_mem>>) {add = true}
        %dma_wait3A_417 = arith.constant 0 : i32
        %dma_wait3A_418 = tpu.memref_slice %arg8[%run_scoped3A_339, %dma_wait3A_417] : memref<5x40xi32, #tpu.memory_space<vmem>> -> memref<1x40xi32, #tpu.memory_space<vmem>>
        %dma_wait3A_419 = tpu.memref_squeeze %dma_wait3A_418 : memref<1x40xi32, #tpu.memory_space<vmem>> -> memref<40xi32, #tpu.memory_space<vmem>>
        %dma_wait3A_420 = arith.constant 0 : i32
        %dma_wait3A_421 = arith.constant 0 : i32
        %dma_wait3A_422 = tpu.memref_slice %arg9[%dma_wait3A_420, %dma_wait3A_421] : memref<10000x128xf32, #tpu.memory_space<vmem_shared>> -> memref<10000x128xf32, #tpu.memory_space<vmem_shared>>
        tpu.wait_indirect_dma semaphore(%run_scoped3A_410 : memref<!tpu.dma_semaphore, #tpu.memory_space<semaphore_mem>>) src(%arg12 : memref<40x128xf32, #tpu.memory_space<vmem>>) dst(%dma_wait3A_422 : memref<10000x128xf32, #tpu.memory_space<vmem_shared>>)
        tpu.yield
      }) : () -> ()
      %run_scoped3A_340 = arith.constant 2 : i32
      "tpu.region"() ({
        %run_scoped3A_410 = tpu.sem_alloc : memref<!tpu.dma_semaphore, #tpu.memory_space<semaphore_mem>>
        %dma_start3A_411 = arith.constant 0 : i32
        %dma_start3A_412 = tpu.memref_slice %arg8[%run_scoped3A_340, %dma_start3A_411] : memref<5x40xi32, #tpu.memory_space<vmem>> -> memref<1x40xi32, #tpu.memory_space<vmem>>
        %dma_start3A_413 = tpu.memref_squeeze %dma_start3A_412 : memref<1x40xi32, #tpu.memory_space<vmem>> -> memref<40xi32, #tpu.memory_space<vmem>>
        %dma_start3A_414 = arith.constant 0 : i32
        %dma_start3A_415 = tpu.memref_slice %arg28[%dma_start3A_414] : memref<10000xf32, #tpu.memory_space<vmem_shared>> -> memref<10000xf32, #tpu.memory_space<vmem_shared>>
        tpu.enqueue_indirect_dma source(%arg25 : memref<40xf32, #tpu.memory_space<vmem>>) target(%dma_start3A_415 : memref<10000xf32, #tpu.memory_space<vmem_shared>>) offsets(%dma_start3A_413 : memref<40xi32, #tpu.memory_space<vmem>>) semaphore(%run_scoped3A_410 : memref<!tpu.dma_semaphore, #tpu.memory_space<semaphore_mem>>) {add = true}
        %dma_wait3A_416 = arith.constant 0 : i32
        %dma_wait3A_417 = tpu.memref_slice %arg8[%run_scoped3A_340, %dma_wait3A_416] : memref<5x40xi32, #tpu.memory_space<vmem>> -> memref<1x40xi32, #tpu.memory_space<vmem>>
        %dma_wait3A_418 = tpu.memref_squeeze %dma_wait3A_417 : memref<1x40xi32, #tpu.memory_space<vmem>> -> memref<40xi32, #tpu.memory_space<vmem>>
        %dma_wait3A_419 = arith.constant 0 : i32
        %dma_wait3A_420 = tpu.memref_slice %arg28[%dma_wait3A_419] : memref<10000xf32, #tpu.memory_space<vmem_shared>> -> memref<10000xf32, #tpu.memory_space<vmem_shared>>
        tpu.wait_indirect_dma semaphore(%run_scoped3A_410 : memref<!tpu.dma_semaphore, #tpu.memory_space<semaphore_mem>>) src(%arg25 : memref<40xf32, #tpu.memory_space<vmem>>) dst(%dma_wait3A_420 : memref<10000xf32, #tpu.memory_space<vmem_shared>>)
        tpu.yield
      }) : () -> ()
      %add3A_341 = arith.constant 5 : i32
      %add3A_342 = arith.addi %add3A_318, %add3A_341 : i32
      %lt3A_343 = arith.constant 250 : i32
      %lt3A_344 = arith.cmpi slt, %add3A_342, %lt3A_343 : i32
      %convert_element_type3A_345 = arith.extui %lt3A_344 : i1 to i32
      %cond3A_346 = arith.constant 0 : i32
      %cond3A_347 = arith.cmpi ne, %convert_element_type3A_345, %cond3A_346 : i32
      scf.if %cond3A_347 {
        %add3A_410 = arith.constant 5 : i32
        %add3A_411 = arith.addi %add3A_318, %add3A_410 : i32
        %mul3A_412 = arith.constant 40 : i32
        %mul3A_413 = arith.muli %add3A_411, %mul3A_412 : i32
        %multiple_of3A_414 = tpu.assume_multiple %mul3A_413, 8 : i32
        %dma_start3A_415 = tpu.memref_slice %arg7[%multiple_of3A_414] : memref<10000xi32, #tpu.memory_space<vmem>> -> memref<40xi32, #tpu.memory_space<vmem>>
        %dma_start3A_416 = arith.constant 0 : i32
        %dma_start3A_417 = arith.constant 0 : i32
        %dma_start3A_418 = tpu.memref_slice %arg2[%dma_start3A_416, %dma_start3A_417] : memref<10000x128xf32, #tpu.memory_space<hbm>> -> memref<10000x128xf32, #tpu.memory_space<hbm>>
        tpu.enqueue_indirect_dma source(%dma_start3A_418 : memref<10000x128xf32, #tpu.memory_space<hbm>>) target(%arg12 : memref<40x128xf32, #tpu.memory_space<vmem>>) offsets(%dma_start3A_415 : memref<40xi32, #tpu.memory_space<vmem>>) semaphore(%arg17 : memref<!tpu.dma_semaphore, #tpu.memory_space<semaphore_mem>>)
        %dma_start3A_419 = arith.constant 0 : i32
        %dma_start3A_420 = arith.constant 2 : i32
        %dma_start3A_421 = arith.constant 0 : i32
        %dma_start3A_422 = tpu.memref_slice %arg8[%dma_start3A_420, %dma_start3A_421] : memref<5x40xi32, #tpu.memory_space<vmem>> -> memref<1x40xi32, #tpu.memory_space<vmem>>
        %dma_start3A_423 = tpu.memref_squeeze %dma_start3A_422 : memref<1x40xi32, #tpu.memory_space<vmem>> -> memref<40xi32, #tpu.memory_space<vmem>>
        %dma_start3A_424 = arith.constant 0 : i32
        %dma_start3A_425 = tpu.memref_slice %arg4[%add3A, %add3A_411, %dma_start3A_419, %dma_start3A_424] : memref<32x250x1x40xi32, #tpu.memory_space<hbm>> -> memref<1x1x1x40xi32, #tpu.memory_space<hbm>>
        %dma_start3A_426 = tpu.memref_squeeze %dma_start3A_425 : memref<1x1x1x40xi32, #tpu.memory_space<hbm>> -> memref<40xi32, #tpu.memory_space<hbm>>
        %dma_start3A_427 = arith.constant 0 : i32
        %dma_start3A_428 = tpu.memref_slice %arg8[%dma_start3A_420, %dma_start3A_427] : memref<5x40xi32, #tpu.memory_space<vmem>> -> memref<1x40xi32, #tpu.memory_space<vmem>>
        %dma_start3A_429 = tpu.memref_squeeze %dma_start3A_428 : memref<1x40xi32, #tpu.memory_space<vmem>> -> memref<40xi32, #tpu.memory_space<vmem>>
        %dma_start3A_430 = arith.constant 0 : i32
        %dma_start3A_431 = tpu.memref_slice %arg4[%add3A, %add3A_411, %dma_start3A_419, %dma_start3A_430] : memref<32x250x1x40xi32, #tpu.memory_space<hbm>> -> memref<1x1x1x40xi32, #tpu.memory_space<hbm>>
        %dma_start3A_432 = tpu.memref_squeeze %dma_start3A_431 : memref<1x1x1x40xi32, #tpu.memory_space<hbm>> -> memref<40xi32, #tpu.memory_space<hbm>>
        tpu.enqueue_dma source(%dma_start3A_432 : memref<40xi32, #tpu.memory_space<hbm>>) target(%dma_start3A_429 : memref<40xi32, #tpu.memory_space<vmem>>) target_semaphore(%arg22 : memref<!tpu.dma_semaphore, #tpu.memory_space<semaphore_mem>>)
      } else {
      }
      %add3A_348 = arith.constant 3 : i32
      %add3A_349 = arith.addi %add3A_257, %add3A_348 : i32
      %dma_wait3A_350 = arith.constant 0 : i32
      %dma_wait3A_351 = tpu.memref_slice %arg7[%dma_wait3A_350] : memref<10000xi32, #tpu.memory_space<vmem>> -> memref<40xi32, #tpu.memory_space<vmem>>
      %dma_wait3A_352 = arith.constant 0 : i32
      %dma_wait3A_353 = arith.constant 0 : i32
      %dma_wait3A_354 = tpu.memref_slice %arg2[%dma_wait3A_352, %dma_wait3A_353] : memref<10000x128xf32, #tpu.memory_space<hbm>> -> memref<10000x128xf32, #tpu.memory_space<hbm>>
      tpu.wait_indirect_dma semaphore(%arg18 : memref<!tpu.dma_semaphore, #tpu.memory_space<semaphore_mem>>) src(%dma_wait3A_354 : memref<10000x128xf32, #tpu.memory_space<hbm>>) dst(%arg13 : memref<40x128xf32, #tpu.memory_space<vmem>>)
      %dma_wait3A_355 = arith.constant 0 : i32
      %dma_wait3A_356 = arith.constant 0 : i32
      %dma_wait3A_357 = arith.constant 3 : i32
      %dma_wait3A_358 = arith.constant 0 : i32
      %dma_wait3A_359 = tpu.memref_slice %arg8[%dma_wait3A_357, %dma_wait3A_358] : memref<5x40xi32, #tpu.memory_space<vmem>> -> memref<1x40xi32, #tpu.memory_space<vmem>>
      %dma_wait3A_360 = tpu.memref_squeeze %dma_wait3A_359 : memref<1x40xi32, #tpu.memory_space<vmem>> -> memref<40xi32, #tpu.memory_space<vmem>>
      %dma_wait3A_361 = arith.constant 0 : i32
      %dma_wait3A_362 = tpu.memref_slice %arg4[%add3A, %dma_wait3A_355, %dma_wait3A_356, %dma_wait3A_361] : memref<32x250x1x40xi32, #tpu.memory_space<hbm>> -> memref<1x1x1x40xi32, #tpu.memory_space<hbm>>
      %dma_wait3A_363 = tpu.memref_squeeze %dma_wait3A_362 : memref<1x1x1x40xi32, #tpu.memory_space<hbm>> -> memref<40xi32, #tpu.memory_space<hbm>>
      %dma_wait3A_364 = arith.constant 0 : i32
      %dma_wait3A_365 = tpu.memref_slice %arg8[%dma_wait3A_357, %dma_wait3A_364] : memref<5x40xi32, #tpu.memory_space<vmem>> -> memref<1x40xi32, #tpu.memory_space<vmem>>
      %dma_wait3A_366 = tpu.memref_squeeze %dma_wait3A_365 : memref<1x40xi32, #tpu.memory_space<vmem>> -> memref<40xi32, #tpu.memory_space<vmem>>
      %dma_wait3A_367 = arith.constant 0 : i32
      %dma_wait3A_368 = tpu.memref_slice %arg4[%add3A, %dma_wait3A_355, %dma_wait3A_356, %dma_wait3A_367] : memref<32x250x1x40xi32, #tpu.memory_space<hbm>> -> memref<1x1x1x40xi32, #tpu.memory_space<hbm>>
      %dma_wait3A_369 = tpu.memref_squeeze %dma_wait3A_368 : memref<1x1x1x40xi32, #tpu.memory_space<hbm>> -> memref<40xi32, #tpu.memory_space<hbm>>
      tpu.wait_dma2 semaphore(%arg23 : memref<!tpu.dma_semaphore, #tpu.memory_space<semaphore_mem>>) src(%dma_wait3A_369 : memref<40xi32, #tpu.memory_space<hbm>>) dst(%dma_wait3A_366 : memref<40xi32, #tpu.memory_space<vmem>>)
      %run_scoped3A_370 = arith.constant 3 : i32
      "tpu.region"() ({
        %run_scoped3A_410 = tpu.sem_alloc : memref<!tpu.dma_semaphore, #tpu.memory_space<semaphore_mem>>
        %dma_start3A_411 = arith.constant 0 : i32
        %dma_start3A_412 = tpu.memref_slice %arg8[%run_scoped3A_370, %dma_start3A_411] : memref<5x40xi32, #tpu.memory_space<vmem>> -> memref<1x40xi32, #tpu.memory_space<vmem>>
        %dma_start3A_413 = tpu.memref_squeeze %dma_start3A_412 : memref<1x40xi32, #tpu.memory_space<vmem>> -> memref<40xi32, #tpu.memory_space<vmem>>
        %dma_start3A_414 = arith.constant 0 : i32
        %dma_start3A_415 = arith.constant 0 : i32
        %dma_start3A_416 = tpu.memref_slice %arg9[%dma_start3A_414, %dma_start3A_415] : memref<10000x128xf32, #tpu.memory_space<vmem_shared>> -> memref<10000x128xf32, #tpu.memory_space<vmem_shared>>
        tpu.enqueue_indirect_dma source(%arg13 : memref<40x128xf32, #tpu.memory_space<vmem>>) target(%dma_start3A_416 : memref<10000x128xf32, #tpu.memory_space<vmem_shared>>) offsets(%dma_start3A_413 : memref<40xi32, #tpu.memory_space<vmem>>) semaphore(%run_scoped3A_410 : memref<!tpu.dma_semaphore, #tpu.memory_space<semaphore_mem>>) {add = true}
        %dma_wait3A_417 = arith.constant 0 : i32
        %dma_wait3A_418 = tpu.memref_slice %arg8[%run_scoped3A_370, %dma_wait3A_417] : memref<5x40xi32, #tpu.memory_space<vmem>> -> memref<1x40xi32, #tpu.memory_space<vmem>>
        %dma_wait3A_419 = tpu.memref_squeeze %dma_wait3A_418 : memref<1x40xi32, #tpu.memory_space<vmem>> -> memref<40xi32, #tpu.memory_space<vmem>>
        %dma_wait3A_420 = arith.constant 0 : i32
        %dma_wait3A_421 = arith.constant 0 : i32
        %dma_wait3A_422 = tpu.memref_slice %arg9[%dma_wait3A_420, %dma_wait3A_421] : memref<10000x128xf32, #tpu.memory_space<vmem_shared>> -> memref<10000x128xf32, #tpu.memory_space<vmem_shared>>
        tpu.wait_indirect_dma semaphore(%run_scoped3A_410 : memref<!tpu.dma_semaphore, #tpu.memory_space<semaphore_mem>>) src(%arg13 : memref<40x128xf32, #tpu.memory_space<vmem>>) dst(%dma_wait3A_422 : memref<10000x128xf32, #tpu.memory_space<vmem_shared>>)
        tpu.yield
      }) : () -> ()
      %run_scoped3A_371 = arith.constant 3 : i32
      "tpu.region"() ({
        %run_scoped3A_410 = tpu.sem_alloc : memref<!tpu.dma_semaphore, #tpu.memory_space<semaphore_mem>>
        %dma_start3A_411 = arith.constant 0 : i32
        %dma_start3A_412 = tpu.memref_slice %arg8[%run_scoped3A_371, %dma_start3A_411] : memref<5x40xi32, #tpu.memory_space<vmem>> -> memref<1x40xi32, #tpu.memory_space<vmem>>
        %dma_start3A_413 = tpu.memref_squeeze %dma_start3A_412 : memref<1x40xi32, #tpu.memory_space<vmem>> -> memref<40xi32, #tpu.memory_space<vmem>>
        %dma_start3A_414 = arith.constant 0 : i32
        %dma_start3A_415 = tpu.memref_slice %arg28[%dma_start3A_414] : memref<10000xf32, #tpu.memory_space<vmem_shared>> -> memref<10000xf32, #tpu.memory_space<vmem_shared>>
        tpu.enqueue_indirect_dma source(%arg25 : memref<40xf32, #tpu.memory_space<vmem>>) target(%dma_start3A_415 : memref<10000xf32, #tpu.memory_space<vmem_shared>>) offsets(%dma_start3A_413 : memref<40xi32, #tpu.memory_space<vmem>>) semaphore(%run_scoped3A_410 : memref<!tpu.dma_semaphore, #tpu.memory_space<semaphore_mem>>) {add = true}
        %dma_wait3A_416 = arith.constant 0 : i32
        %dma_wait3A_417 = tpu.memref_slice %arg8[%run_scoped3A_371, %dma_wait3A_416] : memref<5x40xi32, #tpu.memory_space<vmem>> -> memref<1x40xi32, #tpu.memory_space<vmem>>
        %dma_wait3A_418 = tpu.memref_squeeze %dma_wait3A_417 : memref<1x40xi32, #tpu.memory_space<vmem>> -> memref<40xi32, #tpu.memory_space<vmem>>
        %dma_wait3A_419 = arith.constant 0 : i32
        %dma_wait3A_420 = tpu.memref_slice %arg28[%dma_wait3A_419] : memref<10000xf32, #tpu.memory_space<vmem_shared>> -> memref<10000xf32, #tpu.memory_space<vmem_shared>>
        tpu.wait_indirect_dma semaphore(%run_scoped3A_410 : memref<!tpu.dma_semaphore, #tpu.memory_space<semaphore_mem>>) src(%arg25 : memref<40xf32, #tpu.memory_space<vmem>>) dst(%dma_wait3A_420 : memref<10000xf32, #tpu.memory_space<vmem_shared>>)
        tpu.yield
      }) : () -> ()
      %add3A_372 = arith.constant 5 : i32
      %add3A_373 = arith.addi %add3A_349, %add3A_372 : i32
      %lt3A_374 = arith.constant 250 : i32
      %lt3A_375 = arith.cmpi slt, %add3A_373, %lt3A_374 : i32
      %convert_element_type3A_376 = arith.extui %lt3A_375 : i1 to i32
      %cond3A_377 = arith.constant 0 : i32
      %cond3A_378 = arith.cmpi ne, %convert_element_type3A_376, %cond3A_377 : i32
      scf.if %cond3A_378 {
        %add3A_410 = arith.constant 5 : i32
        %add3A_411 = arith.addi %add3A_349, %add3A_410 : i32
        %mul3A_412 = arith.constant 40 : i32
        %mul3A_413 = arith.muli %add3A_411, %mul3A_412 : i32
        %multiple_of3A_414 = tpu.assume_multiple %mul3A_413, 8 : i32
        %dma_start3A_415 = tpu.memref_slice %arg7[%multiple_of3A_414] : memref<10000xi32, #tpu.memory_space<vmem>> -> memref<40xi32, #tpu.memory_space<vmem>>
        %dma_start3A_416 = arith.constant 0 : i32
        %dma_start3A_417 = arith.constant 0 : i32
        %dma_start3A_418 = tpu.memref_slice %arg2[%dma_start3A_416, %dma_start3A_417] : memref<10000x128xf32, #tpu.memory_space<hbm>> -> memref<10000x128xf32, #tpu.memory_space<hbm>>
        tpu.enqueue_indirect_dma source(%dma_start3A_418 : memref<10000x128xf32, #tpu.memory_space<hbm>>) target(%arg13 : memref<40x128xf32, #tpu.memory_space<vmem>>) offsets(%dma_start3A_415 : memref<40xi32, #tpu.memory_space<vmem>>) semaphore(%arg18 : memref<!tpu.dma_semaphore, #tpu.memory_space<semaphore_mem>>)
        %dma_start3A_419 = arith.constant 0 : i32
        %dma_start3A_420 = arith.constant 3 : i32
        %dma_start3A_421 = arith.constant 0 : i32
        %dma_start3A_422 = tpu.memref_slice %arg8[%dma_start3A_420, %dma_start3A_421] : memref<5x40xi32, #tpu.memory_space<vmem>> -> memref<1x40xi32, #tpu.memory_space<vmem>>
        %dma_start3A_423 = tpu.memref_squeeze %dma_start3A_422 : memref<1x40xi32, #tpu.memory_space<vmem>> -> memref<40xi32, #tpu.memory_space<vmem>>
        %dma_start3A_424 = arith.constant 0 : i32
        %dma_start3A_425 = tpu.memref_slice %arg4[%add3A, %add3A_411, %dma_start3A_419, %dma_start3A_424] : memref<32x250x1x40xi32, #tpu.memory_space<hbm>> -> memref<1x1x1x40xi32, #tpu.memory_space<hbm>>
        %dma_start3A_426 = tpu.memref_squeeze %dma_start3A_425 : memref<1x1x1x40xi32, #tpu.memory_space<hbm>> -> memref<40xi32, #tpu.memory_space<hbm>>
        %dma_start3A_427 = arith.constant 0 : i32
        %dma_start3A_428 = tpu.memref_slice %arg8[%dma_start3A_420, %dma_start3A_427] : memref<5x40xi32, #tpu.memory_space<vmem>> -> memref<1x40xi32, #tpu.memory_space<vmem>>
        %dma_start3A_429 = tpu.memref_squeeze %dma_start3A_428 : memref<1x40xi32, #tpu.memory_space<vmem>> -> memref<40xi32, #tpu.memory_space<vmem>>
        %dma_start3A_430 = arith.constant 0 : i32
        %dma_start3A_431 = tpu.memref_slice %arg4[%add3A, %add3A_411, %dma_start3A_419, %dma_start3A_430] : memref<32x250x1x40xi32, #tpu.memory_space<hbm>> -> memref<1x1x1x40xi32, #tpu.memory_space<hbm>>
        %dma_start3A_432 = tpu.memref_squeeze %dma_start3A_431 : memref<1x1x1x40xi32, #tpu.memory_space<hbm>> -> memref<40xi32, #tpu.memory_space<hbm>>
        tpu.enqueue_dma source(%dma_start3A_432 : memref<40xi32, #tpu.memory_space<hbm>>) target(%dma_start3A_429 : memref<40xi32, #tpu.memory_space<vmem>>) target_semaphore(%arg23 : memref<!tpu.dma_semaphore, #tpu.memory_space<semaphore_mem>>)
      } else {
      }
      %add3A_379 = arith.constant 4 : i32
      %add3A_380 = arith.addi %add3A_257, %add3A_379 : i32
      %dma_wait3A_381 = arith.constant 0 : i32
      %dma_wait3A_382 = tpu.memref_slice %arg7[%dma_wait3A_381] : memref<10000xi32, #tpu.memory_space<vmem>> -> memref<40xi32, #tpu.memory_space<vmem>>
      %dma_wait3A_383 = arith.constant 0 : i32
      %dma_wait3A_384 = arith.constant 0 : i32
      %dma_wait3A_385 = tpu.memref_slice %arg2[%dma_wait3A_383, %dma_wait3A_384] : memref<10000x128xf32, #tpu.memory_space<hbm>> -> memref<10000x128xf32, #tpu.memory_space<hbm>>
      tpu.wait_indirect_dma semaphore(%arg19 : memref<!tpu.dma_semaphore, #tpu.memory_space<semaphore_mem>>) src(%dma_wait3A_385 : memref<10000x128xf32, #tpu.memory_space<hbm>>) dst(%arg14 : memref<40x128xf32, #tpu.memory_space<vmem>>)
      %dma_wait3A_386 = arith.constant 0 : i32
      %dma_wait3A_387 = arith.constant 0 : i32
      %dma_wait3A_388 = arith.constant 4 : i32
      %dma_wait3A_389 = arith.constant 0 : i32
      %dma_wait3A_390 = tpu.memref_slice %arg8[%dma_wait3A_388, %dma_wait3A_389] : memref<5x40xi32, #tpu.memory_space<vmem>> -> memref<1x40xi32, #tpu.memory_space<vmem>>
      %dma_wait3A_391 = tpu.memref_squeeze %dma_wait3A_390 : memref<1x40xi32, #tpu.memory_space<vmem>> -> memref<40xi32, #tpu.memory_space<vmem>>
      %dma_wait3A_392 = arith.constant 0 : i32
      %dma_wait3A_393 = tpu.memref_slice %arg4[%add3A, %dma_wait3A_386, %dma_wait3A_387, %dma_wait3A_392] : memref<32x250x1x40xi32, #tpu.memory_space<hbm>> -> memref<1x1x1x40xi32, #tpu.memory_space<hbm>>
      %dma_wait3A_394 = tpu.memref_squeeze %dma_wait3A_393 : memref<1x1x1x40xi32, #tpu.memory_space<hbm>> -> memref<40xi32, #tpu.memory_space<hbm>>
      %dma_wait3A_395 = arith.constant 0 : i32
      %dma_wait3A_396 = tpu.memref_slice %arg8[%dma_wait3A_388, %dma_wait3A_395] : memref<5x40xi32, #tpu.memory_space<vmem>> -> memref<1x40xi32, #tpu.memory_space<vmem>>
      %dma_wait3A_397 = tpu.memref_squeeze %dma_wait3A_396 : memref<1x40xi32, #tpu.memory_space<vmem>> -> memref<40xi32, #tpu.memory_space<vmem>>
      %dma_wait3A_398 = arith.constant 0 : i32
      %dma_wait3A_399 = tpu.memref_slice %arg4[%add3A, %dma_wait3A_386, %dma_wait3A_387, %dma_wait3A_398] : memref<32x250x1x40xi32, #tpu.memory_space<hbm>> -> memref<1x1x1x40xi32, #tpu.memory_space<hbm>>
      %dma_wait3A_400 = tpu.memref_squeeze %dma_wait3A_399 : memref<1x1x1x40xi32, #tpu.memory_space<hbm>> -> memref<40xi32, #tpu.memory_space<hbm>>
      tpu.wait_dma2 semaphore(%arg24 : memref<!tpu.dma_semaphore, #tpu.memory_space<semaphore_mem>>) src(%dma_wait3A_400 : memref<40xi32, #tpu.memory_space<hbm>>) dst(%dma_wait3A_397 : memref<40xi32, #tpu.memory_space<vmem>>)
      %run_scoped3A_401 = arith.constant 4 : i32
      "tpu.region"() ({
        %run_scoped3A_410 = tpu.sem_alloc : memref<!tpu.dma_semaphore, #tpu.memory_space<semaphore_mem>>
        %dma_start3A_411 = arith.constant 0 : i32
        %dma_start3A_412 = tpu.memref_slice %arg8[%run_scoped3A_401, %dma_start3A_411] : memref<5x40xi32, #tpu.memory_space<vmem>> -> memref<1x40xi32, #tpu.memory_space<vmem>>
        %dma_start3A_413 = tpu.memref_squeeze %dma_start3A_412 : memref<1x40xi32, #tpu.memory_space<vmem>> -> memref<40xi32, #tpu.memory_space<vmem>>
        %dma_start3A_414 = arith.constant 0 : i32
        %dma_start3A_415 = arith.constant 0 : i32
        %dma_start3A_416 = tpu.memref_slice %arg9[%dma_start3A_414, %dma_start3A_415] : memref<10000x128xf32, #tpu.memory_space<vmem_shared>> -> memref<10000x128xf32, #tpu.memory_space<vmem_shared>>
        tpu.enqueue_indirect_dma source(%arg14 : memref<40x128xf32, #tpu.memory_space<vmem>>) target(%dma_start3A_416 : memref<10000x128xf32, #tpu.memory_space<vmem_shared>>) offsets(%dma_start3A_413 : memref<40xi32, #tpu.memory_space<vmem>>) semaphore(%run_scoped3A_410 : memref<!tpu.dma_semaphore, #tpu.memory_space<semaphore_mem>>) {add = true}
        %dma_wait3A_417 = arith.constant 0 : i32
        %dma_wait3A_418 = tpu.memref_slice %arg8[%run_scoped3A_401, %dma_wait3A_417] : memref<5x40xi32, #tpu.memory_space<vmem>> -> memref<1x40xi32, #tpu.memory_space<vmem>>
        %dma_wait3A_419 = tpu.memref_squeeze %dma_wait3A_418 : memref<1x40xi32, #tpu.memory_space<vmem>> -> memref<40xi32, #tpu.memory_space<vmem>>
        %dma_wait3A_420 = arith.constant 0 : i32
        %dma_wait3A_421 = arith.constant 0 : i32
        %dma_wait3A_422 = tpu.memref_slice %arg9[%dma_wait3A_420, %dma_wait3A_421] : memref<10000x128xf32, #tpu.memory_space<vmem_shared>> -> memref<10000x128xf32, #tpu.memory_space<vmem_shared>>
        tpu.wait_indirect_dma semaphore(%run_scoped3A_410 : memref<!tpu.dma_semaphore, #tpu.memory_space<semaphore_mem>>) src(%arg14 : memref<40x128xf32, #tpu.memory_space<vmem>>) dst(%dma_wait3A_422 : memref<10000x128xf32, #tpu.memory_space<vmem_shared>>)
        tpu.yield
      }) : () -> ()
      %run_scoped3A_402 = arith.constant 4 : i32
      "tpu.region"() ({
        %run_scoped3A_410 = tpu.sem_alloc : memref<!tpu.dma_semaphore, #tpu.memory_space<semaphore_mem>>
        %dma_start3A_411 = arith.constant 0 : i32
        %dma_start3A_412 = tpu.memref_slice %arg8[%run_scoped3A_402, %dma_start3A_411] : memref<5x40xi32, #tpu.memory_space<vmem>> -> memref<1x40xi32, #tpu.memory_space<vmem>>
        %dma_start3A_413 = tpu.memref_squeeze %dma_start3A_412 : memref<1x40xi32, #tpu.memory_space<vmem>> -> memref<40xi32, #tpu.memory_space<vmem>>
        %dma_start3A_414 = arith.constant 0 : i32
        %dma_start3A_415 = tpu.memref_slice %arg28[%dma_start3A_414] : memref<10000xf32, #tpu.memory_space<vmem_shared>> -> memref<10000xf32, #tpu.memory_space<vmem_shared>>
        tpu.enqueue_indirect_dma source(%arg25 : memref<40xf32, #tpu.memory_space<vmem>>) target(%dma_start3A_415 : memref<10000xf32, #tpu.memory_space<vmem_shared>>) offsets(%dma_start3A_413 : memref<40xi32, #tpu.memory_space<vmem>>) semaphore(%run_scoped3A_410 : memref<!tpu.dma_semaphore, #tpu.memory_space<semaphore_mem>>) {add = true}
        %dma_wait3A_416 = arith.constant 0 : i32
        %dma_wait3A_417 = tpu.memref_slice %arg8[%run_scoped3A_402, %dma_wait3A_416] : memref<5x40xi32, #tpu.memory_space<vmem>> -> memref<1x40xi32, #tpu.memory_space<vmem>>
        %dma_wait3A_418 = tpu.memref_squeeze %dma_wait3A_417 : memref<1x40xi32, #tpu.memory_space<vmem>> -> memref<40xi32, #tpu.memory_space<vmem>>
        %dma_wait3A_419 = arith.constant 0 : i32
        %dma_wait3A_420 = tpu.memref_slice %arg28[%dma_wait3A_419] : memref<10000xf32, #tpu.memory_space<vmem_shared>> -> memref<10000xf32, #tpu.memory_space<vmem_shared>>
        tpu.wait_indirect_dma semaphore(%run_scoped3A_410 : memref<!tpu.dma_semaphore, #tpu.memory_space<semaphore_mem>>) src(%arg25 : memref<40xf32, #tpu.memory_space<vmem>>) dst(%dma_wait3A_420 : memref<10000xf32, #tpu.memory_space<vmem_shared>>)
        tpu.yield
      }) : () -> ()
      %add3A_403 = arith.constant 5 : i32
      %add3A_404 = arith.addi %add3A_380, %add3A_403 : i32
      %lt3A_405 = arith.constant 250 : i32
      %lt3A_406 = arith.cmpi slt, %add3A_404, %lt3A_405 : i32
      %convert_element_type3A_407 = arith.extui %lt3A_406 : i1 to i32
      %cond3A_408 = arith.constant 0 : i32
      %cond3A_409 = arith.cmpi ne, %convert_element_type3A_407, %cond3A_408 : i32
      scf.if %cond3A_409 {
        %add3A_410 = arith.constant 5 : i32
        %add3A_411 = arith.addi %add3A_380, %add3A_410 : i32
        %mul3A_412 = arith.constant 40 : i32
        %mul3A_413 = arith.muli %add3A_411, %mul3A_412 : i32
        %multiple_of3A_414 = tpu.assume_multiple %mul3A_413, 8 : i32
        %dma_start3A_415 = tpu.memref_slice %arg7[%multiple_of3A_414] : memref<10000xi32, #tpu.memory_space<vmem>> -> memref<40xi32, #tpu.memory_space<vmem>>
        %dma_start3A_416 = arith.constant 0 : i32
        %dma_start3A_417 = arith.constant 0 : i32
        %dma_start3A_418 = tpu.memref_slice %arg2[%dma_start3A_416, %dma_start3A_417] : memref<10000x128xf32, #tpu.memory_space<hbm>> -> memref<10000x128xf32, #tpu.memory_space<hbm>>
        tpu.enqueue_indirect_dma source(%dma_start3A_418 : memref<10000x128xf32, #tpu.memory_space<hbm>>) target(%arg14 : memref<40x128xf32, #tpu.memory_space<vmem>>) offsets(%dma_start3A_415 : memref<40xi32, #tpu.memory_space<vmem>>) semaphore(%arg19 : memref<!tpu.dma_semaphore, #tpu.memory_space<semaphore_mem>>)
        %dma_start3A_419 = arith.constant 0 : i32
        %dma_start3A_420 = arith.constant 4 : i32
        %dma_start3A_421 = arith.constant 0 : i32
        %dma_start3A_422 = tpu.memref_slice %arg8[%dma_start3A_420, %dma_start3A_421] : memref<5x40xi32, #tpu.memory_space<vmem>> -> memref<1x40xi32, #tpu.memory_space<vmem>>
        %dma_start3A_423 = tpu.memref_squeeze %dma_start3A_422 : memref<1x40xi32, #tpu.memory_space<vmem>> -> memref<40xi32, #tpu.memory_space<vmem>>
        %dma_start3A_424 = arith.constant 0 : i32
        %dma_start3A_425 = tpu.memref_slice %arg4[%add3A, %add3A_411, %dma_start3A_419, %dma_start3A_424] : memref<32x250x1x40xi32, #tpu.memory_space<hbm>> -> memref<1x1x1x40xi32, #tpu.memory_space<hbm>>
        %dma_start3A_426 = tpu.memref_squeeze %dma_start3A_425 : memref<1x1x1x40xi32, #tpu.memory_space<hbm>> -> memref<40xi32, #tpu.memory_space<hbm>>
        %dma_start3A_427 = arith.constant 0 : i32
        %dma_start3A_428 = tpu.memref_slice %arg8[%dma_start3A_420, %dma_start3A_427] : memref<5x40xi32, #tpu.memory_space<vmem>> -> memref<1x40xi32, #tpu.memory_space<vmem>>
        %dma_start3A_429 = tpu.memref_squeeze %dma_start3A_428 : memref<1x40xi32, #tpu.memory_space<vmem>> -> memref<40xi32, #tpu.memory_space<vmem>>
        %dma_start3A_430 = arith.constant 0 : i32
        %dma_start3A_431 = tpu.memref_slice %arg4[%add3A, %add3A_411, %dma_start3A_419, %dma_start3A_430] : memref<32x250x1x40xi32, #tpu.memory_space<hbm>> -> memref<1x1x1x40xi32, #tpu.memory_space<hbm>>
        %dma_start3A_432 = tpu.memref_squeeze %dma_start3A_431 : memref<1x1x1x40xi32, #tpu.memory_space<hbm>> -> memref<40xi32, #tpu.memory_space<hbm>>
        tpu.enqueue_dma source(%dma_start3A_432 : memref<40xi32, #tpu.memory_space<hbm>>) target(%dma_start3A_429 : memref<40xi32, #tpu.memory_space<vmem>>) target_semaphore(%arg24 : memref<!tpu.dma_semaphore, #tpu.memory_space<semaphore_mem>>)
      } else {
      }
    }
    %scan3A_234 = arith.constant 50 : i32
    %barrier3A_235 = arith.constant 0 : index
    tpu.barrier barrier_id(%barrier3A_235)
    %mul3A_236 = arith.constant 624 : i32
    %mul3A_237 = arith.muli %arg1, %mul3A_236 : i32
    "tpu.region"() ({
      %run_scoped3A = tpu.sem_alloc : memref<!tpu.dma_semaphore, #tpu.memory_space<semaphore_mem>>
      %dma_start3A_253 = tpu.memref_slice %arg28[%mul3A_237] : memref<10000xf32, #tpu.memory_space<vmem_shared>> -> memref<624xf32, #tpu.memory_space<vmem_shared>>
      %dma_start3A_254 = tpu.memref_slice %arg28[%mul3A_237] : memref<10000xf32, #tpu.memory_space<vmem_shared>> -> memref<624xf32, #tpu.memory_space<vmem_shared>>
      tpu.enqueue_dma source(%dma_start3A_254 : memref<624xf32, #tpu.memory_space<vmem_shared>>) target(%arg27 : memref<624xf32, #tpu.memory_space<vmem>>) target_semaphore(%run_scoped3A : memref<!tpu.dma_semaphore, #tpu.memory_space<semaphore_mem>>)
      %dma_wait3A = tpu.memref_slice %arg28[%mul3A_237] : memref<10000xf32, #tpu.memory_space<vmem_shared>> -> memref<624xf32, #tpu.memory_space<vmem_shared>>
      %dma_wait3A_255 = tpu.memref_slice %arg28[%mul3A_237] : memref<10000xf32, #tpu.memory_space<vmem_shared>> -> memref<624xf32, #tpu.memory_space<vmem_shared>>
      tpu.wait_dma2 semaphore(%run_scoped3A : memref<!tpu.dma_semaphore, #tpu.memory_space<semaphore_mem>>) src(%dma_wait3A_255 : memref<624xf32, #tpu.memory_space<vmem_shared>>) dst(%arg27 : memref<624xf32, #tpu.memory_space<vmem>>)
      tpu.yield
    }) : () -> ()
    %mul3A_238 = arith.constant 10000 : i32
    %mul3A_239 = arith.muli %arg0, %mul3A_238 : i32
    %mul3A_240 = arith.constant 624 : i32
    %mul3A_241 = arith.muli %arg1, %mul3A_240 : i32
    %add3A_242 = arith.addi %mul3A_239, %mul3A_241 : i32
    "tpu.region"() ({
      %run_scoped3A = tpu.sem_alloc : memref<!tpu.dma_semaphore, #tpu.memory_space<semaphore_mem>>
      %dma_start3A_253 = tpu.memref_slice %arg6[%add3A_242] : memref<20000xf32, #tpu.memory_space<hbm>> -> memref<624xf32, #tpu.memory_space<hbm>>
      %dma_start3A_254 = tpu.memref_slice %arg6[%add3A_242] : memref<20000xf32, #tpu.memory_space<hbm>> -> memref<624xf32, #tpu.memory_space<hbm>>
      tpu.enqueue_dma source(%arg27 : memref<624xf32, #tpu.memory_space<vmem>>) target(%dma_start3A_254 : memref<624xf32, #tpu.memory_space<hbm>>) target_semaphore(%run_scoped3A : memref<!tpu.dma_semaphore, #tpu.memory_space<semaphore_mem>>)
      %dma_wait3A = tpu.memref_slice %arg6[%add3A_242] : memref<20000xf32, #tpu.memory_space<hbm>> -> memref<624xf32, #tpu.memory_space<hbm>>
      %dma_wait3A_255 = tpu.memref_slice %arg6[%add3A_242] : memref<20000xf32, #tpu.memory_space<hbm>> -> memref<624xf32, #tpu.memory_space<hbm>>
      tpu.wait_dma2 semaphore(%run_scoped3A : memref<!tpu.dma_semaphore, #tpu.memory_space<semaphore_mem>>) src(%arg27 : memref<624xf32, #tpu.memory_space<vmem>>) dst(%dma_wait3A_255 : memref<624xf32, #tpu.memory_space<hbm>>)
      tpu.yield
    }) : () -> ()
    %eq3A_243 = arith.constant 0 : i32
    %eq3A_244 = arith.cmpi eq, %arg1, %eq3A_243 : i32
    %convert_element_type3A_245 = arith.extui %eq3A_244 : i1 to i32
    %cond3A_246 = arith.constant 0 : i32
    %cond3A_247 = arith.cmpi ne, %convert_element_type3A_245, %cond3A_246 : i32
    scf.if %cond3A_247 {
      "tpu.region"() ({
        %run_scoped3A = tpu.sem_alloc : memref<!tpu.dma_semaphore, #tpu.memory_space<semaphore_mem>>
        %dma_start3A_257 = arith.constant 0 : i32
        %dma_start3A_258 = tpu.memref_slice %arg27[%dma_start3A_257] : memref<624xf32, #tpu.memory_space<vmem>> -> memref<16xf32, #tpu.memory_space<vmem>>
        %dma_start3A_259 = arith.constant 9984 : i32
        %dma_start3A_260 = tpu.memref_slice %arg28[%dma_start3A_259] : memref<10000xf32, #tpu.memory_space<vmem_shared>> -> memref<16xf32, #tpu.memory_space<vmem_shared>>
        %dma_start3A_261 = arith.constant 0 : i32
        %dma_start3A_262 = tpu.memref_slice %arg27[%dma_start3A_261] : memref<624xf32, #tpu.memory_space<vmem>> -> memref<16xf32, #tpu.memory_space<vmem>>
        %dma_start3A_263 = arith.constant 9984 : i32
        %dma_start3A_264 = tpu.memref_slice %arg28[%dma_start3A_263] : memref<10000xf32, #tpu.memory_space<vmem_shared>> -> memref<16xf32, #tpu.memory_space<vmem_shared>>
        tpu.enqueue_dma source(%dma_start3A_264 : memref<16xf32, #tpu.memory_space<vmem_shared>>) target(%dma_start3A_262 : memref<16xf32, #tpu.memory_space<vmem>>) target_semaphore(%run_scoped3A : memref<!tpu.dma_semaphore, #tpu.memory_space<semaphore_mem>>)
        %dma_wait3A = arith.constant 0 : i32
        %dma_wait3A_265 = tpu.memref_slice %arg27[%dma_wait3A] : memref<624xf32, #tpu.memory_space<vmem>> -> memref<16xf32, #tpu.memory_space<vmem>>
        %dma_wait3A_266 = arith.constant 9984 : i32
        %dma_wait3A_267 = tpu.memref_slice %arg28[%dma_wait3A_266] : memref<10000xf32, #tpu.memory_space<vmem_shared>> -> memref<16xf32, #tpu.memory_space<vmem_shared>>
        %dma_wait3A_268 = arith.constant 0 : i32
        %dma_wait3A_269 = tpu.memref_slice %arg27[%dma_wait3A_268] : memref<624xf32, #tpu.memory_space<vmem>> -> memref<16xf32, #tpu.memory_space<vmem>>
        %dma_wait3A_270 = arith.constant 9984 : i32
        %dma_wait3A_271 = tpu.memref_slice %arg28[%dma_wait3A_270] : memref<10000xf32, #tpu.memory_space<vmem_shared>> -> memref<16xf32, #tpu.memory_space<vmem_shared>>
        tpu.wait_dma2 semaphore(%run_scoped3A : memref<!tpu.dma_semaphore, #tpu.memory_space<semaphore_mem>>) src(%dma_wait3A_271 : memref<16xf32, #tpu.memory_space<vmem_shared>>) dst(%dma_wait3A_269 : memref<16xf32, #tpu.memory_space<vmem>>)
        tpu.yield
      }) : () -> ()
      %mul3A_253 = arith.constant 10000 : i32
      %mul3A_254 = arith.muli %arg0, %mul3A_253 : i32
      %add3A_255 = arith.constant 9984 : i32
      %add3A_256 = arith.addi %mul3A_254, %add3A_255 : i32
      "tpu.region"() ({
        %run_scoped3A = tpu.sem_alloc : memref<!tpu.dma_semaphore, #tpu.memory_space<semaphore_mem>>
        %dma_start3A_257 = arith.constant 0 : i32
        %dma_start3A_258 = tpu.memref_slice %arg27[%dma_start3A_257] : memref<624xf32, #tpu.memory_space<vmem>> -> memref<16xf32, #tpu.memory_space<vmem>>
        %dma_start3A_259 = tpu.memref_slice %arg6[%add3A_256] : memref<20000xf32, #tpu.memory_space<hbm>> -> memref<16xf32, #tpu.memory_space<hbm>>
        %dma_start3A_260 = tpu.memref_slice %arg6[%add3A_256] : memref<20000xf32, #tpu.memory_space<hbm>> -> memref<16xf32, #tpu.memory_space<hbm>>
        %dma_start3A_261 = arith.constant 0 : i32
        %dma_start3A_262 = tpu.memref_slice %arg27[%dma_start3A_261] : memref<624xf32, #tpu.memory_space<vmem>> -> memref<16xf32, #tpu.memory_space<vmem>>
        tpu.enqueue_dma source(%dma_start3A_262 : memref<16xf32, #tpu.memory_space<vmem>>) target(%dma_start3A_260 : memref<16xf32, #tpu.memory_space<hbm>>) target_semaphore(%run_scoped3A : memref<!tpu.dma_semaphore, #tpu.memory_space<semaphore_mem>>)
        %dma_wait3A = arith.constant 0 : i32
        %dma_wait3A_263 = tpu.memref_slice %arg27[%dma_wait3A] : memref<624xf32, #tpu.memory_space<vmem>> -> memref<16xf32, #tpu.memory_space<vmem>>
        %dma_wait3A_264 = tpu.memref_slice %arg6[%add3A_256] : memref<20000xf32, #tpu.memory_space<hbm>> -> memref<16xf32, #tpu.memory_space<hbm>>
        %dma_wait3A_265 = tpu.memref_slice %arg6[%add3A_256] : memref<20000xf32, #tpu.memory_space<hbm>> -> memref<16xf32, #tpu.memory_space<hbm>>
        %dma_wait3A_266 = arith.constant 0 : i32
        %dma_wait3A_267 = tpu.memref_slice %arg27[%dma_wait3A_266] : memref<624xf32, #tpu.memory_space<vmem>> -> memref<16xf32, #tpu.memory_space<vmem>>
        tpu.wait_dma2 semaphore(%run_scoped3A : memref<!tpu.dma_semaphore, #tpu.memory_space<semaphore_mem>>) src(%dma_wait3A_267 : memref<16xf32, #tpu.memory_space<vmem>>) dst(%dma_wait3A_265 : memref<16xf32, #tpu.memory_space<hbm>>)
        tpu.yield
      }) : () -> ()
    } else {
    }
    "tpu.region"() ({
      %run_scoped3A = tpu.sem_alloc : memref<!tpu.dma_semaphore, #tpu.memory_space<semaphore_mem>>
      %dma_start3A_253 = arith.constant 0 : i32
      %dma_start3A_254 = tpu.memref_slice %arg5[%arg0, %mul3A_10, %dma_start3A_253] : memref<2x10000x128xf32, #tpu.memory_space<hbm>> -> memref<1x624x128xf32, #tpu.memory_space<hbm>>
      %dma_start3A_255 = tpu.memref_squeeze %dma_start3A_254 : memref<1x624x128xf32, #tpu.memory_space<hbm>> -> memref<624x128xf32, #tpu.memory_space<hbm>>
      %dma_start3A_256 = arith.constant 0 : i32
      %dma_start3A_257 = tpu.memref_slice %arg9[%mul3A_10, %dma_start3A_256] : memref<10000x128xf32, #tpu.memory_space<vmem_shared>> -> memref<624x128xf32, #tpu.memory_space<vmem_shared>>
      tpu.enqueue_dma source(%dma_start3A_257 : memref<624x128xf32, #tpu.memory_space<vmem_shared>>) target(%dma_start3A_255 : memref<624x128xf32, #tpu.memory_space<hbm>>) target_semaphore(%run_scoped3A : memref<!tpu.dma_semaphore, #tpu.memory_space<semaphore_mem>>)
      %dma_wait3A = arith.constant 0 : i32
      %dma_wait3A_258 = tpu.memref_slice %arg5[%arg0, %mul3A_10, %dma_wait3A] : memref<2x10000x128xf32, #tpu.memory_space<hbm>> -> memref<1x624x128xf32, #tpu.memory_space<hbm>>
      %dma_wait3A_259 = tpu.memref_squeeze %dma_wait3A_258 : memref<1x624x128xf32, #tpu.memory_space<hbm>> -> memref<624x128xf32, #tpu.memory_space<hbm>>
      %dma_wait3A_260 = arith.constant 0 : i32
      %dma_wait3A_261 = tpu.memref_slice %arg9[%mul3A_10, %dma_wait3A_260] : memref<10000x128xf32, #tpu.memory_space<vmem_shared>> -> memref<624x128xf32, #tpu.memory_space<vmem_shared>>
      tpu.wait_dma2 semaphore(%run_scoped3A : memref<!tpu.dma_semaphore, #tpu.memory_space<semaphore_mem>>) src(%dma_wait3A_261 : memref<624x128xf32, #tpu.memory_space<vmem_shared>>) dst(%dma_wait3A_259 : memref<624x128xf32, #tpu.memory_space<hbm>>)
      tpu.yield
    }) : () -> ()
    %eq3A_248 = arith.constant 0 : i32
    %eq3A_249 = arith.cmpi eq, %arg1, %eq3A_248 : i32
    %convert_element_type3A_250 = arith.extui %eq3A_249 : i1 to i32
    %cond3A_251 = arith.constant 0 : i32
    %cond3A_252 = arith.cmpi ne, %convert_element_type3A_250, %cond3A_251 : i32
    scf.if %cond3A_252 {
      "tpu.region"() ({
        %run_scoped3A = tpu.sem_alloc : memref<!tpu.dma_semaphore, #tpu.memory_space<semaphore_mem>>
        %dma_start3A_253 = arith.constant 9984 : i32
        %dma_start3A_254 = arith.constant 0 : i32
        %dma_start3A_255 = tpu.memref_slice %arg5[%arg0, %dma_start3A_253, %dma_start3A_254] : memref<2x10000x128xf32, #tpu.memory_space<hbm>> -> memref<1x16x128xf32, #tpu.memory_space<hbm>>
        %dma_start3A_256 = tpu.memref_squeeze %dma_start3A_255 : memref<1x16x128xf32, #tpu.memory_space<hbm>> -> memref<16x128xf32, #tpu.memory_space<hbm>>
        %dma_start3A_257 = arith.constant 9984 : i32
        %dma_start3A_258 = arith.constant 0 : i32
        %dma_start3A_259 = tpu.memref_slice %arg9[%dma_start3A_257, %dma_start3A_258] : memref<10000x128xf32, #tpu.memory_space<vmem_shared>> -> memref<16x128xf32, #tpu.memory_space<vmem_shared>>
        tpu.enqueue_dma source(%dma_start3A_259 : memref<16x128xf32, #tpu.memory_space<vmem_shared>>) target(%dma_start3A_256 : memref<16x128xf32, #tpu.memory_space<hbm>>) target_semaphore(%run_scoped3A : memref<!tpu.dma_semaphore, #tpu.memory_space<semaphore_mem>>)
        %dma_wait3A = arith.constant 9984 : i32
        %dma_wait3A_260 = arith.constant 0 : i32
        %dma_wait3A_261 = tpu.memref_slice %arg5[%arg0, %dma_wait3A, %dma_wait3A_260] : memref<2x10000x128xf32, #tpu.memory_space<hbm>> -> memref<1x16x128xf32, #tpu.memory_space<hbm>>
        %dma_wait3A_262 = tpu.memref_squeeze %dma_wait3A_261 : memref<1x16x128xf32, #tpu.memory_space<hbm>> -> memref<16x128xf32, #tpu.memory_space<hbm>>
        %dma_wait3A_263 = arith.constant 9984 : i32
        %dma_wait3A_264 = arith.constant 0 : i32
        %dma_wait3A_265 = tpu.memref_slice %arg9[%dma_wait3A_263, %dma_wait3A_264] : memref<10000x128xf32, #tpu.memory_space<vmem_shared>> -> memref<16x128xf32, #tpu.memory_space<vmem_shared>>
        tpu.wait_dma2 semaphore(%run_scoped3A : memref<!tpu.dma_semaphore, #tpu.memory_space<semaphore_mem>>) src(%dma_wait3A_265 : memref<16x128xf32, #tpu.memory_space<vmem_shared>>) dst(%dma_wait3A_262 : memref<16x128xf32, #tpu.memory_space<hbm>>)
        tpu.yield
      }) : () -> ()
    } else {
    }
    return
  }
}

module attributes {stable_mosaic.version = 14 : i64} {
  func.func @_pre_body(%arg0: i32, %arg1: memref<1000x128xf32, #tpu.memory_space<vmem>>, %arg2: memref<128x128xf32, #tpu.memory_space<vmem>>, %arg3: memref<128x128xf32, #tpu.memory_space<vmem>>, %arg4: memref<1000x128xf32, #tpu.memory_space<vmem>>, %arg5: memref<1000x128xf32, #tpu.memory_space<vmem>>) attributes {dimension_semantics = [#tpu.dimension_semantics<arbitrary>], iteration_bounds = array<i64: 10>, scalar_prefetch = 0 : i64, scratch_operands = 0 : i64, tpu.core_type = #tpu.core_type<tc>, window_params = [{transform_indices = @transform_0, window_bounds = array<i64: 1000, 128>}, {pipeline_mode = #tpu.pipeline_mode<synchronous>, transform_indices = @transform_1, window_bounds = array<i64: 128, 128>}, {pipeline_mode = #tpu.pipeline_mode<synchronous>, transform_indices = @transform_2, window_bounds = array<i64: 128, 128>}, {transform_indices = @transform_3, window_bounds = array<i64: 1000, 128>}, {transform_indices = @transform_4, window_bounds = array<i64: 1000, 128>}]} {
    %get3A = arith.constant 0 : index
    %get3A_0 = arith.constant 0 : index
    %get3A_1 = vector.load %arg1[%get3A, %get3A_0] : memref<1000x128xf32, #tpu.memory_space<vmem>>, vector<1000x128xf32>
    %get3A_2 = arith.constant 0 : index
    %get3A_3 = arith.constant 0 : index
    %get3A_4 = vector.load %arg2[%get3A_2, %get3A_3] : memref<128x128xf32, #tpu.memory_space<vmem>>, vector<128x128xf32>
    %dot_general3A = arith.constant dense<0.000000e+00> : vector<1000x128xf32>
    %dot_general3A_5 = tpu.matmul %get3A_1, %get3A_4, %dot_general3A {dimension_numbers = #tpu.dot_dimension_numbers<[1], [1], [0], [0], [0, 0, 1, 0], [], []>, transpose_lhs_hint = false} : vector<1000x128xf32>, vector<128x128xf32>, vector<1000x128xf32> -> vector<1000x128xf32>
    %swap3A = arith.constant 0 : index
    %swap3A_6 = arith.constant 0 : index
    %swap3A_7 = vector.load %arg4[%swap3A, %swap3A_6] : memref<1000x128xf32, #tpu.memory_space<vmem>>, vector<1000x128xf32>
    tpu.vector_store %arg4[%swap3A, %swap3A_6], %dot_general3A_5 {strides = array<i32>} : memref<1000x128xf32, #tpu.memory_space<vmem>>, vector<1000x128xf32>,
    %get3A_8 = arith.constant 0 : index
    %get3A_9 = arith.constant 0 : index
    %get3A_10 = vector.load %arg3[%get3A_8, %get3A_9] : memref<128x128xf32, #tpu.memory_space<vmem>>, vector<128x128xf32>
    %dot_general3A_11 = arith.constant dense<0.000000e+00> : vector<1000x128xf32>
    %dot_general3A_12 = tpu.matmul %get3A_1, %get3A_10, %dot_general3A_11 {dimension_numbers = #tpu.dot_dimension_numbers<[1], [1], [0], [0], [0, 0, 1, 0], [], []>, transpose_lhs_hint = false} : vector<1000x128xf32>, vector<128x128xf32>, vector<1000x128xf32> -> vector<1000x128xf32>
    %swap3A_13 = arith.constant 0 : index
    %swap3A_14 = arith.constant 0 : index
    %swap3A_15 = vector.load %arg5[%swap3A_13, %swap3A_14] : memref<1000x128xf32, #tpu.memory_space<vmem>>, vector<1000x128xf32>
    tpu.vector_store %arg5[%swap3A_13, %swap3A_14], %dot_general3A_12 {strides = array<i32>} : memref<1000x128xf32, #tpu.memory_space<vmem>>, vector<1000x128xf32>,
    return
  }
  func.func @transform_0(%arg0: i32) -> (i32, i32) {
    %c0_i32 = arith.constant 0 : i32
    %c0_i32_0 = arith.constant 0 : i32
    return %arg0, %c0_i32 : i32, i32
  }
  func.func @transform_1(%arg0: i32) -> (i32, i32) {
    %c0_i32 = arith.constant 0 : i32
    %c0_i32_0 = arith.constant 0 : i32
    %c0_i32_1 = arith.constant 0 : i32
    return %c0_i32, %c0_i32_0 : i32, i32
  }
  func.func @transform_2(%arg0: i32) -> (i32, i32) {
    %c0_i32 = arith.constant 0 : i32
    %c0_i32_0 = arith.constant 0 : i32
    %c0_i32_1 = arith.constant 0 : i32
    return %c0_i32, %c0_i32_0 : i32, i32
  }
  func.func @transform_3(%arg0: i32) -> (i32, i32) {
    %c0_i32 = arith.constant 0 : i32
    %c0_i32_0 = arith.constant 0 : i32
    return %arg0, %c0_i32 : i32, i32
  }
  func.func @transform_4(%arg0: i32) -> (i32, i32) {
    %c0_i32 = arith.constant 0 : i32
    %c0_i32_0 = arith.constant 0 : i32
    return %arg0, %c0_i32 : i32, i32
  }
}

module attributes {stable_mosaic.version = 14 : i64} {
  func.func @_degsum_body(%arg0: i32, %arg1: memref<2x10000xf32, #tpu.memory_space<vmem>>, %arg2: memref<1x10000xf32, #tpu.memory_space<vmem>>) attributes {dimension_semantics = [#tpu.dimension_semantics<arbitrary>], iteration_bounds = array<i64: 1>, scalar_prefetch = 0 : i64, scratch_operands = 0 : i64, tpu.core_type = #tpu.core_type<tc>, window_params = [{pipeline_mode = #tpu.pipeline_mode<synchronous>, transform_indices = @transform_0, window_bounds = array<i64: 2, 10000>}, {pipeline_mode = #tpu.pipeline_mode<synchronous>, transform_indices = @transform_1, window_bounds = array<i64: 1, 10000>}]} {
    %get3A = arith.constant 0 : index
    %get3A_0 = arith.constant 0 : index
    %get3A_1 = vector.load %arg1[%get3A, %get3A_0] : memref<2x10000xf32, #tpu.memory_space<vmem>>, vector<2x10000xf32>
    %reduce_sum3A = arith.constant dense<0.000000e+00> : vector<10000xf32>
    %reduce_sum3A_2 = vector.multi_reduction <add>, %get3A_1, %reduce_sum3A [0] : vector<2x10000xf32> to vector<10000xf32>
    %broadcast_in_dim3A = vector.shape_cast %reduce_sum3A_2 : vector<10000xf32> to vector<1x10000xf32>
    %swap3A = arith.constant 0 : index
    %swap3A_3 = arith.constant 0 : index
    %swap3A_4 = vector.load %arg2[%swap3A, %swap3A_3] : memref<1x10000xf32, #tpu.memory_space<vmem>>, vector<1x10000xf32>
    tpu.vector_store %arg2[%swap3A, %swap3A_3], %broadcast_in_dim3A {strides = array<i32>} : memref<1x10000xf32, #tpu.memory_space<vmem>>, vector<1x10000xf32>,
    return
  }
  func.func @transform_0(%arg0: i32) -> (i32, i32) {
    %c0_i32 = arith.constant 0 : i32
    %c0_i32_0 = arith.constant 0 : i32
    %c0_i32_1 = arith.constant 0 : i32
    return %c0_i32, %c0_i32_0 : i32, i32
  }
  func.func @transform_1(%arg0: i32) -> (i32, i32) {
    %c0_i32 = arith.constant 0 : i32
    %c0_i32_0 = arith.constant 0 : i32
    %c0_i32_1 = arith.constant 0 : i32
    return %c0_i32, %c0_i32_0 : i32, i32
  }
}

module attributes {stable_mosaic.version = 14 : i64} {
  func.func @_mid_body(%arg0: i32, %arg1: memref<1000x128xf32, #tpu.memory_space<vmem>>, %arg2: memref<1000x128xf32, #tpu.memory_space<vmem>>, %arg3: memref<1000x1xf32, #tpu.memory_space<vmem>>, %arg4: memref<1000x128xf32, #tpu.memory_space<vmem>>, %arg5: memref<1x128xf32, #tpu.memory_space<vmem>>, %arg6: memref<128x128xf32, #tpu.memory_space<vmem>>, %arg7: memref<128x128xf32, #tpu.memory_space<vmem>>, %arg8: memref<1000x128xf32, #tpu.memory_space<vmem>>, %arg9: memref<1000x128xf32, #tpu.memory_space<vmem>>) attributes {dimension_semantics = [#tpu.dimension_semantics<arbitrary>], iteration_bounds = array<i64: 10>, scalar_prefetch = 0 : i64, scratch_operands = 0 : i64, tpu.core_type = #tpu.core_type<tc>, window_params = [{transform_indices = @transform_0, window_bounds = array<i64: 1000, 128>}, {transform_indices = @transform_1, window_bounds = array<i64: 1000, 128>}, {transform_indices = @transform_2, window_bounds = array<i64: 1000, 1>}, {transform_indices = @transform_3, window_bounds = array<i64: 1000, 128>}, {pipeline_mode = #tpu.pipeline_mode<synchronous>, transform_indices = @transform_4, window_bounds = array<i64: 1, 128>}, {pipeline_mode = #tpu.pipeline_mode<synchronous>, transform_indices = @transform_5, window_bounds = array<i64: 128, 128>}, {pipeline_mode = #tpu.pipeline_mode<synchronous>, transform_indices = @transform_6, window_bounds = array<i64: 128, 128>}, {transform_indices = @transform_7, window_bounds = array<i64: 1000, 128>}, {transform_indices = @transform_8, window_bounds = array<i64: 1000, 128>}]} {
    %get3A = arith.constant 0 : index
    %get3A_0 = arith.constant 0 : index
    %get3A_1 = vector.load %arg3[%get3A, %get3A_0] : memref<1000x1xf32, #tpu.memory_space<vmem>>, vector<1000x1xf32>
    %max3A = arith.constant 1.000000e+00 : f32
    %max3A_2 = vector.broadcast %max3A : f32 to vector<1000x1xf32>
    %max3A_3 = arith.maximumf %get3A_1, %max3A_2 : vector<1000x1xf32>
    %get3A_4 = arith.constant 0 : index
    %get3A_5 = arith.constant 0 : index
    %get3A_6 = vector.load %arg1[%get3A_4, %get3A_5] : memref<1000x128xf32, #tpu.memory_space<vmem>>, vector<1000x128xf32>
    %get3A_7 = arith.constant 0 : index
    %get3A_8 = arith.constant 0 : index
    %get3A_9 = vector.load %arg2[%get3A_7, %get3A_8] : memref<1000x128xf32, #tpu.memory_space<vmem>>, vector<1000x128xf32>
    %add3A = arith.addf %get3A_6, %get3A_9 : vector<1000x128xf32>
    %div3A = vector.broadcast %max3A_3 : vector<1000x1xf32> to vector<1000x128xf32>
    %div3A_10 = arith.divf %add3A, %div3A : vector<1000x128xf32>
    %get3A_11 = arith.constant 0 : index
    %get3A_12 = arith.constant 0 : index
    %get3A_13 = vector.load %arg5[%get3A_11, %get3A_12] : memref<1x128xf32, #tpu.memory_space<vmem>>, vector<1x128xf32>
    %add3A_14 = vector.broadcast %get3A_13 : vector<1x128xf32> to vector<1000x128xf32>
    %add3A_15 = arith.addf %div3A_10, %add3A_14 : vector<1000x128xf32>
    %get3A_16 = arith.constant 0 : index
    %get3A_17 = arith.constant 0 : index
    %get3A_18 = vector.load %arg4[%get3A_16, %get3A_17] : memref<1000x128xf32, #tpu.memory_space<vmem>>, vector<1000x128xf32>
    %add3A_19 = arith.addf %add3A_15, %get3A_18 : vector<1000x128xf32>
    %max3A_20 = arith.constant 0.000000e+00 : f32
    %max3A_21 = vector.broadcast %max3A_20 : f32 to vector<1000x128xf32>
    %max3A_22 = arith.maximumf %add3A_19, %max3A_21 : vector<1000x128xf32>
    %get3A_23 = arith.constant 0 : index
    %get3A_24 = arith.constant 0 : index
    %get3A_25 = vector.load %arg6[%get3A_23, %get3A_24] : memref<128x128xf32, #tpu.memory_space<vmem>>, vector<128x128xf32>
    %dot_general3A = arith.constant dense<0.000000e+00> : vector<1000x128xf32>
    %dot_general3A_26 = tpu.matmul %max3A_22, %get3A_25, %dot_general3A {dimension_numbers = #tpu.dot_dimension_numbers<[1], [1], [0], [0], [0, 0, 1, 0], [], []>, transpose_lhs_hint = false} : vector<1000x128xf32>, vector<128x128xf32>, vector<1000x128xf32> -> vector<1000x128xf32>
    %swap3A = arith.constant 0 : index
    %swap3A_27 = arith.constant 0 : index
    %swap3A_28 = vector.load %arg8[%swap3A, %swap3A_27] : memref<1000x128xf32, #tpu.memory_space<vmem>>, vector<1000x128xf32>
    tpu.vector_store %arg8[%swap3A, %swap3A_27], %dot_general3A_26 {strides = array<i32>} : memref<1000x128xf32, #tpu.memory_space<vmem>>, vector<1000x128xf32>,
    %get3A_29 = arith.constant 0 : index
    %get3A_30 = arith.constant 0 : index
    %get3A_31 = vector.load %arg7[%get3A_29, %get3A_30] : memref<128x128xf32, #tpu.memory_space<vmem>>, vector<128x128xf32>
    %dot_general3A_32 = arith.constant dense<0.000000e+00> : vector<1000x128xf32>
    %dot_general3A_33 = tpu.matmul %max3A_22, %get3A_31, %dot_general3A_32 {dimension_numbers = #tpu.dot_dimension_numbers<[1], [1], [0], [0], [0, 0, 1, 0], [], []>, transpose_lhs_hint = false} : vector<1000x128xf32>, vector<128x128xf32>, vector<1000x128xf32> -> vector<1000x128xf32>
    %swap3A_34 = arith.constant 0 : index
    %swap3A_35 = arith.constant 0 : index
    %swap3A_36 = vector.load %arg9[%swap3A_34, %swap3A_35] : memref<1000x128xf32, #tpu.memory_space<vmem>>, vector<1000x128xf32>
    tpu.vector_store %arg9[%swap3A_34, %swap3A_35], %dot_general3A_33 {strides = array<i32>} : memref<1000x128xf32, #tpu.memory_space<vmem>>, vector<1000x128xf32>,
    return
  }
  func.func @transform_0(%arg0: i32) -> (i32, i32) {
    %c0_i32 = arith.constant 0 : i32
    %c0_i32_0 = arith.constant 0 : i32
    return %arg0, %c0_i32 : i32, i32
  }
  func.func @transform_1(%arg0: i32) -> (i32, i32) {
    %c0_i32 = arith.constant 0 : i32
    %c0_i32_0 = arith.constant 0 : i32
    return %arg0, %c0_i32 : i32, i32
  }
  func.func @transform_2(%arg0: i32) -> (i32, i32) {
    %c0_i32 = arith.constant 0 : i32
    %c0_i32_0 = arith.constant 0 : i32
    return %arg0, %c0_i32 : i32, i32
  }
  func.func @transform_3(%arg0: i32) -> (i32, i32) {
    %c0_i32 = arith.constant 0 : i32
    %c0_i32_0 = arith.constant 0 : i32
    return %arg0, %c0_i32 : i32, i32
  }
  func.func @transform_4(%arg0: i32) -> (i32, i32) {
    %c0_i32 = arith.constant 0 : i32
    %c0_i32_0 = arith.constant 0 : i32
    %c0_i32_1 = arith.constant 0 : i32
    return %c0_i32, %c0_i32_0 : i32, i32
  }
  func.func @transform_5(%arg0: i32) -> (i32, i32) {
    %c0_i32 = arith.constant 0 : i32
    %c0_i32_0 = arith.constant 0 : i32
    %c0_i32_1 = arith.constant 0 : i32
    return %c0_i32, %c0_i32_0 : i32, i32
  }
  func.func @transform_6(%arg0: i32) -> (i32, i32) {
    %c0_i32 = arith.constant 0 : i32
    %c0_i32_0 = arith.constant 0 : i32
    %c0_i32_1 = arith.constant 0 : i32
    return %c0_i32, %c0_i32_0 : i32, i32
  }
  func.func @transform_7(%arg0: i32) -> (i32, i32) {
    %c0_i32 = arith.constant 0 : i32
    %c0_i32_0 = arith.constant 0 : i32
    return %arg0, %c0_i32 : i32, i32
  }
  func.func @transform_8(%arg0: i32) -> (i32, i32) {
    %c0_i32 = arith.constant 0 : i32
    %c0_i32_0 = arith.constant 0 : i32
    return %arg0, %c0_i32 : i32, i32
  }
}

module attributes {stable_mosaic.version = 14 : i64} {
  func.func @_post_body(%arg0: i32, %arg1: memref<10000xi32, #tpu.memory_space<smem>>, %arg2: memref<1000x128xf32, #tpu.memory_space<vmem>>, %arg3: memref<1000x128xf32, #tpu.memory_space<vmem>>, %arg4: memref<1000x1xf32, #tpu.memory_space<vmem>>, %arg5: memref<1000x128xf32, #tpu.memory_space<vmem>>, %arg6: memref<1x128xf32, #tpu.memory_space<vmem>>, %arg7: memref<1000x1xi32, #tpu.memory_space<vmem>>, %arg8: memref<16x128xf32, #tpu.memory_space<vmem>>, %arg9: memref<1x16xf32, #tpu.memory_space<vmem>>, %arg10: memref<64x16xf32, #tpu.memory_space<vmem>>, %arg11: memref<64x128xf32, #tpu.memory_space<vmem>>) attributes {dimension_semantics = [#tpu.dimension_semantics<arbitrary>], iteration_bounds = array<i64: 10>, scalar_prefetch = 1 : i64, scratch_operands = 1 : i64, tpu.core_type = #tpu.core_type<tc>, window_params = [{transform_indices = @transform_0, window_bounds = array<i64: 1000, 128>}, {transform_indices = @transform_1, window_bounds = array<i64: 1000, 128>}, {transform_indices = @transform_2, window_bounds = array<i64: 1000, 1>}, {transform_indices = @transform_3, window_bounds = array<i64: 1000, 128>}, {pipeline_mode = #tpu.pipeline_mode<synchronous>, transform_indices = @transform_4, window_bounds = array<i64: 1, 128>}, {transform_indices = @transform_5, window_bounds = array<i64: 1000, 1>}, {pipeline_mode = #tpu.pipeline_mode<synchronous>, transform_indices = @transform_6, window_bounds = array<i64: 16, 128>}, {pipeline_mode = #tpu.pipeline_mode<synchronous>, transform_indices = @transform_7, window_bounds = array<i64: 1, 16>}, {pipeline_mode = #tpu.pipeline_mode<synchronous>, transform_indices = @transform_8, window_bounds = array<i64: 64, 16>}]} {
    %get3A = arith.constant 0 : index
    %get3A_0 = arith.constant 0 : index
    %get3A_1 = vector.load %arg4[%get3A, %get3A_0] : memref<1000x1xf32, #tpu.memory_space<vmem>>, vector<1000x1xf32>
    %max3A = arith.constant 1.000000e+00 : f32
    %max3A_2 = vector.broadcast %max3A : f32 to vector<1000x1xf32>
    %max3A_3 = arith.maximumf %get3A_1, %max3A_2 : vector<1000x1xf32>
    %get3A_4 = arith.constant 0 : index
    %get3A_5 = arith.constant 0 : index
    %get3A_6 = vector.load %arg2[%get3A_4, %get3A_5] : memref<1000x128xf32, #tpu.memory_space<vmem>>, vector<1000x128xf32>
    %get3A_7 = arith.constant 0 : index
    %get3A_8 = arith.constant 0 : index
    %get3A_9 = vector.load %arg3[%get3A_7, %get3A_8] : memref<1000x128xf32, #tpu.memory_space<vmem>>, vector<1000x128xf32>
    %add3A = arith.addf %get3A_6, %get3A_9 : vector<1000x128xf32>
    %div3A = vector.broadcast %max3A_3 : vector<1000x1xf32> to vector<1000x128xf32>
    %div3A_10 = arith.divf %add3A, %div3A : vector<1000x128xf32>
    %get3A_11 = arith.constant 0 : index
    %get3A_12 = arith.constant 0 : index
    %get3A_13 = vector.load %arg6[%get3A_11, %get3A_12] : memref<1x128xf32, #tpu.memory_space<vmem>>, vector<1x128xf32>
    %add3A_14 = vector.broadcast %get3A_13 : vector<1x128xf32> to vector<1000x128xf32>
    %add3A_15 = arith.addf %div3A_10, %add3A_14 : vector<1000x128xf32>
    %get3A_16 = arith.constant 0 : index
    %get3A_17 = arith.constant 0 : index
    %get3A_18 = vector.load %arg5[%get3A_16, %get3A_17] : memref<1000x128xf32, #tpu.memory_space<vmem>>, vector<1000x128xf32>
    %add3A_19 = arith.addf %add3A_15, %get3A_18 : vector<1000x128xf32>
    %max3A_20 = arith.constant 0.000000e+00 : f32
    %max3A_21 = vector.broadcast %max3A_20 : f32 to vector<1000x128xf32>
    %max3A_22 = arith.maximumf %add3A_19, %max3A_21 : vector<1000x128xf32>
    %eq3A = arith.constant 0 : i32
    %eq3A_23 = arith.cmpi eq, %arg0, %eq3A : i32
    %convert_element_type3A = arith.extui %eq3A_23 : i1 to i32
    %cond3A = arith.constant 0 : i32
    %cond3A_24 = arith.cmpi ne, %convert_element_type3A, %cond3A : i32
    scf.if %cond3A_24 {
      %broadcast_in_dim3A = arith.constant 0xFF800000 : f32
      %broadcast_in_dim3A_552 = vector.broadcast %broadcast_in_dim3A : f32 to vector<64x128xf32>
      %swap3A = arith.constant 0 : index
      %swap3A_553 = arith.constant 0 : index
      %swap3A_554 = vector.load %arg11[%swap3A, %swap3A_553] : memref<64x128xf32, #tpu.memory_space<vmem>>, vector<64x128xf32>
      tpu.vector_store %arg11[%swap3A, %swap3A_553], %broadcast_in_dim3A_552 {strides = array<i32>} : memref<64x128xf32, #tpu.memory_space<vmem>>, vector<64x128xf32>,
    } else {
    }
    %mul3A = arith.constant 1000 : i32
    %mul3A_25 = arith.muli %arg0, %mul3A : i32
    %get3A_26 = arith.index_cast %mul3A_25 : i32 to index
    %get3A_27 = memref.load %arg1[%get3A_26] : memref<10000xi32, #tpu.memory_space<smem>>
    %mul3A_28 = arith.constant 1000 : i32
    %mul3A_29 = arith.muli %arg0, %mul3A_28 : i32
    %add3A_30 = arith.constant 1000 : i32
    %add3A_31 = arith.addi %mul3A_29, %add3A_30 : i32
    %sub3A = arith.constant 1 : i32
    %sub3A_32 = arith.subi %add3A_31, %sub3A : i32
    %get3A_33 = arith.index_cast %sub3A_32 : i32 to index
    %get3A_34 = memref.load %arg1[%get3A_33] : memref<10000xi32, #tpu.memory_space<smem>>
    %get3A_35 = arith.constant 0 : index
    %get3A_36 = arith.constant 0 : index
    %get3A_37 = vector.load %arg7[%get3A_35, %get3A_36] : memref<1000x1xi32, #tpu.memory_space<vmem>>, vector<1000x1xi32>
    %le3A = arith.constant 0 : i32
    %le3A_38 = arith.cmpi sle, %get3A_27, %le3A : i32
    %ge3A = arith.constant 0 : i32
    %ge3A_39 = arith.cmpi sge, %get3A_34, %ge3A : i32
    %and3A = arith.andi %le3A_38, %ge3A_39 : i1
    %convert_element_type3A_40 = arith.extui %and3A : i1 to i32
    %cond3A_41 = arith.constant 0 : i32
    %cond3A_42 = arith.cmpi ne, %convert_element_type3A_40, %cond3A_41 : i32
    scf.if %cond3A_42 {
      %eq3A_552 = arith.constant 0 : i32
      %eq3A_553 = vector.broadcast %eq3A_552 : i32 to vector<1000x1xi32>
      %eq3A_554 = arith.cmpi eq, %get3A_37, %eq3A_553 : vector<1000x1xi32>
      %jit3A = arith.constant 0xFF800000 : f32
      %broadcast_in_dim3A = vector.shape_cast %eq3A_554 : vector<1000x1xi1> to vector<1000x1xi1>
      %broadcast_in_dim3A_555 = vector.broadcast %broadcast_in_dim3A : vector<1000x1xi1> to vector<1000x128xi1>
      %broadcast_in_dim3A_556 = vector.broadcast %jit3A : f32 to vector<1000x128xf32>
      %select_n3A = arith.select %broadcast_in_dim3A_555, %max3A_22, %broadcast_in_dim3A_556 : vector<1000x128xi1>, vector<1000x128xf32>
      %reduce_max3A = arith.constant dense<0xFF800000> : vector<128xf32>
      %reduce_max3A_557 = vector.multi_reduction <maximumf>, %select_n3A, %reduce_max3A [0] : vector<1000x128xf32> to vector<128xf32>
      %broadcast_in_dim3A_558 = vector.shape_cast %reduce_max3A_557 : vector<128xf32> to vector<1x128xf32>
      %get3A_559 = arith.constant 0 : index
      %get3A_560 = arith.constant 0 : index
      %get3A_561 = vector.load %arg11[%get3A_559, %get3A_560] : memref<64x128xf32, #tpu.memory_space<vmem>>, vector<1x128xf32>
      %max3A_562 = arith.maximumf %get3A_561, %broadcast_in_dim3A_558 : vector<1x128xf32>
      %swap3A = arith.constant 0 : index
      %swap3A_563 = arith.constant 0 : index
      %swap3A_564 = vector.load %arg11[%swap3A, %swap3A_563] : memref<64x128xf32, #tpu.memory_space<vmem>>, vector<1x128xf32>
      tpu.vector_store %arg11[%swap3A, %swap3A_563], %max3A_562 {strides = array<i32>} : memref<64x128xf32, #tpu.memory_space<vmem>>, vector<1x128xf32>,
    } else {
    }
    %le3A_43 = arith.constant 1 : i32
    %le3A_44 = arith.cmpi sle, %get3A_27, %le3A_43 : i32
    %ge3A_45 = arith.constant 1 : i32
    %ge3A_46 = arith.cmpi sge, %get3A_34, %ge3A_45 : i32
    %and3A_47 = arith.andi %le3A_44, %ge3A_46 : i1
    %convert_element_type3A_48 = arith.extui %and3A_47 : i1 to i32
    %cond3A_49 = arith.constant 0 : i32
    %cond3A_50 = arith.cmpi ne, %convert_element_type3A_48, %cond3A_49 : i32
    scf.if %cond3A_50 {
      %eq3A_552 = arith.constant 1 : i32
      %eq3A_553 = vector.broadcast %eq3A_552 : i32 to vector<1000x1xi32>
      %eq3A_554 = arith.cmpi eq, %get3A_37, %eq3A_553 : vector<1000x1xi32>
      %jit3A = arith.constant 0xFF800000 : f32
      %broadcast_in_dim3A = vector.shape_cast %eq3A_554 : vector<1000x1xi1> to vector<1000x1xi1>
      %broadcast_in_dim3A_555 = vector.broadcast %broadcast_in_dim3A : vector<1000x1xi1> to vector<1000x128xi1>
      %broadcast_in_dim3A_556 = vector.broadcast %jit3A : f32 to vector<1000x128xf32>
      %select_n3A = arith.select %broadcast_in_dim3A_555, %max3A_22, %broadcast_in_dim3A_556 : vector<1000x128xi1>, vector<1000x128xf32>
      %reduce_max3A = arith.constant dense<0xFF800000> : vector<128xf32>
      %reduce_max3A_557 = vector.multi_reduction <maximumf>, %select_n3A, %reduce_max3A [0] : vector<1000x128xf32> to vector<128xf32>
      %broadcast_in_dim3A_558 = vector.shape_cast %reduce_max3A_557 : vector<128xf32> to vector<1x128xf32>
      %get3A_559 = arith.constant 1 : index
      %get3A_560 = arith.constant 0 : index
      %get3A_561 = vector.load %arg11[%get3A_559, %get3A_560] : memref<64x128xf32, #tpu.memory_space<vmem>>, vector<1x128xf32>
      %max3A_562 = arith.maximumf %get3A_561, %broadcast_in_dim3A_558 : vector<1x128xf32>
      %swap3A = arith.constant 1 : index
      %swap3A_563 = arith.constant 0 : index
      %swap3A_564 = vector.load %arg11[%swap3A, %swap3A_563] : memref<64x128xf32, #tpu.memory_space<vmem>>, vector<1x128xf32>
      tpu.vector_store %arg11[%swap3A, %swap3A_563], %max3A_562 {strides = array<i32>} : memref<64x128xf32, #tpu.memory_space<vmem>>, vector<1x128xf32>,
    } else {
    }
    %le3A_51 = arith.constant 2 : i32
    %le3A_52 = arith.cmpi sle, %get3A_27, %le3A_51 : i32
    %ge3A_53 = arith.constant 2 : i32
    %ge3A_54 = arith.cmpi sge, %get3A_34, %ge3A_53 : i32
    %and3A_55 = arith.andi %le3A_52, %ge3A_54 : i1
    %convert_element_type3A_56 = arith.extui %and3A_55 : i1 to i32
    %cond3A_57 = arith.constant 0 : i32
    %cond3A_58 = arith.cmpi ne, %convert_element_type3A_56, %cond3A_57 : i32
    scf.if %cond3A_58 {
      %eq3A_552 = arith.constant 2 : i32
      %eq3A_553 = vector.broadcast %eq3A_552 : i32 to vector<1000x1xi32>
      %eq3A_554 = arith.cmpi eq, %get3A_37, %eq3A_553 : vector<1000x1xi32>
      %jit3A = arith.constant 0xFF800000 : f32
      %broadcast_in_dim3A = vector.shape_cast %eq3A_554 : vector<1000x1xi1> to vector<1000x1xi1>
      %broadcast_in_dim3A_555 = vector.broadcast %broadcast_in_dim3A : vector<1000x1xi1> to vector<1000x128xi1>
      %broadcast_in_dim3A_556 = vector.broadcast %jit3A : f32 to vector<1000x128xf32>
      %select_n3A = arith.select %broadcast_in_dim3A_555, %max3A_22, %broadcast_in_dim3A_556 : vector<1000x128xi1>, vector<1000x128xf32>
      %reduce_max3A = arith.constant dense<0xFF800000> : vector<128xf32>
      %reduce_max3A_557 = vector.multi_reduction <maximumf>, %select_n3A, %reduce_max3A [0] : vector<1000x128xf32> to vector<128xf32>
      %broadcast_in_dim3A_558 = vector.shape_cast %reduce_max3A_557 : vector<128xf32> to vector<1x128xf32>
      %get3A_559 = arith.constant 2 : index
      %get3A_560 = arith.constant 0 : index
      %get3A_561 = vector.load %arg11[%get3A_559, %get3A_560] : memref<64x128xf32, #tpu.memory_space<vmem>>, vector<1x128xf32>
      %max3A_562 = arith.maximumf %get3A_561, %broadcast_in_dim3A_558 : vector<1x128xf32>
      %swap3A = arith.constant 2 : index
      %swap3A_563 = arith.constant 0 : index
      %swap3A_564 = vector.load %arg11[%swap3A, %swap3A_563] : memref<64x128xf32, #tpu.memory_space<vmem>>, vector<1x128xf32>
      tpu.vector_store %arg11[%swap3A, %swap3A_563], %max3A_562 {strides = array<i32>} : memref<64x128xf32, #tpu.memory_space<vmem>>, vector<1x128xf32>,
    } else {
    }
    %le3A_59 = arith.constant 3 : i32
    %le3A_60 = arith.cmpi sle, %get3A_27, %le3A_59 : i32
    %ge3A_61 = arith.constant 3 : i32
    %ge3A_62 = arith.cmpi sge, %get3A_34, %ge3A_61 : i32
    %and3A_63 = arith.andi %le3A_60, %ge3A_62 : i1
    %convert_element_type3A_64 = arith.extui %and3A_63 : i1 to i32
    %cond3A_65 = arith.constant 0 : i32
    %cond3A_66 = arith.cmpi ne, %convert_element_type3A_64, %cond3A_65 : i32
    scf.if %cond3A_66 {
      %eq3A_552 = arith.constant 3 : i32
      %eq3A_553 = vector.broadcast %eq3A_552 : i32 to vector<1000x1xi32>
      %eq3A_554 = arith.cmpi eq, %get3A_37, %eq3A_553 : vector<1000x1xi32>
      %jit3A = arith.constant 0xFF800000 : f32
      %broadcast_in_dim3A = vector.shape_cast %eq3A_554 : vector<1000x1xi1> to vector<1000x1xi1>
      %broadcast_in_dim3A_555 = vector.broadcast %broadcast_in_dim3A : vector<1000x1xi1> to vector<1000x128xi1>
      %broadcast_in_dim3A_556 = vector.broadcast %jit3A : f32 to vector<1000x128xf32>
      %select_n3A = arith.select %broadcast_in_dim3A_555, %max3A_22, %broadcast_in_dim3A_556 : vector<1000x128xi1>, vector<1000x128xf32>
      %reduce_max3A = arith.constant dense<0xFF800000> : vector<128xf32>
      %reduce_max3A_557 = vector.multi_reduction <maximumf>, %select_n3A, %reduce_max3A [0] : vector<1000x128xf32> to vector<128xf32>
      %broadcast_in_dim3A_558 = vector.shape_cast %reduce_max3A_557 : vector<128xf32> to vector<1x128xf32>
      %get3A_559 = arith.constant 3 : index
      %get3A_560 = arith.constant 0 : index
      %get3A_561 = vector.load %arg11[%get3A_559, %get3A_560] : memref<64x128xf32, #tpu.memory_space<vmem>>, vector<1x128xf32>
      %max3A_562 = arith.maximumf %get3A_561, %broadcast_in_dim3A_558 : vector<1x128xf32>
      %swap3A = arith.constant 3 : index
      %swap3A_563 = arith.constant 0 : index
      %swap3A_564 = vector.load %arg11[%swap3A, %swap3A_563] : memref<64x128xf32, #tpu.memory_space<vmem>>, vector<1x128xf32>
      tpu.vector_store %arg11[%swap3A, %swap3A_563], %max3A_562 {strides = array<i32>} : memref<64x128xf32, #tpu.memory_space<vmem>>, vector<1x128xf32>,
    } else {
    }
    %le3A_67 = arith.constant 4 : i32
    %le3A_68 = arith.cmpi sle, %get3A_27, %le3A_67 : i32
    %ge3A_69 = arith.constant 4 : i32
    %ge3A_70 = arith.cmpi sge, %get3A_34, %ge3A_69 : i32
    %and3A_71 = arith.andi %le3A_68, %ge3A_70 : i1
    %convert_element_type3A_72 = arith.extui %and3A_71 : i1 to i32
    %cond3A_73 = arith.constant 0 : i32
    %cond3A_74 = arith.cmpi ne, %convert_element_type3A_72, %cond3A_73 : i32
    scf.if %cond3A_74 {
      %eq3A_552 = arith.constant 4 : i32
      %eq3A_553 = vector.broadcast %eq3A_552 : i32 to vector<1000x1xi32>
      %eq3A_554 = arith.cmpi eq, %get3A_37, %eq3A_553 : vector<1000x1xi32>
      %jit3A = arith.constant 0xFF800000 : f32
      %broadcast_in_dim3A = vector.shape_cast %eq3A_554 : vector<1000x1xi1> to vector<1000x1xi1>
      %broadcast_in_dim3A_555 = vector.broadcast %broadcast_in_dim3A : vector<1000x1xi1> to vector<1000x128xi1>
      %broadcast_in_dim3A_556 = vector.broadcast %jit3A : f32 to vector<1000x128xf32>
      %select_n3A = arith.select %broadcast_in_dim3A_555, %max3A_22, %broadcast_in_dim3A_556 : vector<1000x128xi1>, vector<1000x128xf32>
      %reduce_max3A = arith.constant dense<0xFF800000> : vector<128xf32>
      %reduce_max3A_557 = vector.multi_reduction <maximumf>, %select_n3A, %reduce_max3A [0] : vector<1000x128xf32> to vector<128xf32>
      %broadcast_in_dim3A_558 = vector.shape_cast %reduce_max3A_557 : vector<128xf32> to vector<1x128xf32>
      %get3A_559 = arith.constant 4 : index
      %get3A_560 = arith.constant 0 : index
      %get3A_561 = vector.load %arg11[%get3A_559, %get3A_560] : memref<64x128xf32, #tpu.memory_space<vmem>>, vector<1x128xf32>
      %max3A_562 = arith.maximumf %get3A_561, %broadcast_in_dim3A_558 : vector<1x128xf32>
      %swap3A = arith.constant 4 : index
      %swap3A_563 = arith.constant 0 : index
      %swap3A_564 = vector.load %arg11[%swap3A, %swap3A_563] : memref<64x128xf32, #tpu.memory_space<vmem>>, vector<1x128xf32>
      tpu.vector_store %arg11[%swap3A, %swap3A_563], %max3A_562 {strides = array<i32>} : memref<64x128xf32, #tpu.memory_space<vmem>>, vector<1x128xf32>,
    } else {
    }
    %le3A_75 = arith.constant 5 : i32
    %le3A_76 = arith.cmpi sle, %get3A_27, %le3A_75 : i32
    %ge3A_77 = arith.constant 5 : i32
    %ge3A_78 = arith.cmpi sge, %get3A_34, %ge3A_77 : i32
    %and3A_79 = arith.andi %le3A_76, %ge3A_78 : i1
    %convert_element_type3A_80 = arith.extui %and3A_79 : i1 to i32
    %cond3A_81 = arith.constant 0 : i32
    %cond3A_82 = arith.cmpi ne, %convert_element_type3A_80, %cond3A_81 : i32
    scf.if %cond3A_82 {
      %eq3A_552 = arith.constant 5 : i32
      %eq3A_553 = vector.broadcast %eq3A_552 : i32 to vector<1000x1xi32>
      %eq3A_554 = arith.cmpi eq, %get3A_37, %eq3A_553 : vector<1000x1xi32>
      %jit3A = arith.constant 0xFF800000 : f32
      %broadcast_in_dim3A = vector.shape_cast %eq3A_554 : vector<1000x1xi1> to vector<1000x1xi1>
      %broadcast_in_dim3A_555 = vector.broadcast %broadcast_in_dim3A : vector<1000x1xi1> to vector<1000x128xi1>
      %broadcast_in_dim3A_556 = vector.broadcast %jit3A : f32 to vector<1000x128xf32>
      %select_n3A = arith.select %broadcast_in_dim3A_555, %max3A_22, %broadcast_in_dim3A_556 : vector<1000x128xi1>, vector<1000x128xf32>
      %reduce_max3A = arith.constant dense<0xFF800000> : vector<128xf32>
      %reduce_max3A_557 = vector.multi_reduction <maximumf>, %select_n3A, %reduce_max3A [0] : vector<1000x128xf32> to vector<128xf32>
      %broadcast_in_dim3A_558 = vector.shape_cast %reduce_max3A_557 : vector<128xf32> to vector<1x128xf32>
      %get3A_559 = arith.constant 5 : index
      %get3A_560 = arith.constant 0 : index
      %get3A_561 = vector.load %arg11[%get3A_559, %get3A_560] : memref<64x128xf32, #tpu.memory_space<vmem>>, vector<1x128xf32>
      %max3A_562 = arith.maximumf %get3A_561, %broadcast_in_dim3A_558 : vector<1x128xf32>
      %swap3A = arith.constant 5 : index
      %swap3A_563 = arith.constant 0 : index
      %swap3A_564 = vector.load %arg11[%swap3A, %swap3A_563] : memref<64x128xf32, #tpu.memory_space<vmem>>, vector<1x128xf32>
      tpu.vector_store %arg11[%swap3A, %swap3A_563], %max3A_562 {strides = array<i32>} : memref<64x128xf32, #tpu.memory_space<vmem>>, vector<1x128xf32>,
    } else {
    }
    %le3A_83 = arith.constant 6 : i32
    %le3A_84 = arith.cmpi sle, %get3A_27, %le3A_83 : i32
    %ge3A_85 = arith.constant 6 : i32
    %ge3A_86 = arith.cmpi sge, %get3A_34, %ge3A_85 : i32
    %and3A_87 = arith.andi %le3A_84, %ge3A_86 : i1
    %convert_element_type3A_88 = arith.extui %and3A_87 : i1 to i32
    %cond3A_89 = arith.constant 0 : i32
    %cond3A_90 = arith.cmpi ne, %convert_element_type3A_88, %cond3A_89 : i32
    scf.if %cond3A_90 {
      %eq3A_552 = arith.constant 6 : i32
      %eq3A_553 = vector.broadcast %eq3A_552 : i32 to vector<1000x1xi32>
      %eq3A_554 = arith.cmpi eq, %get3A_37, %eq3A_553 : vector<1000x1xi32>
      %jit3A = arith.constant 0xFF800000 : f32
      %broadcast_in_dim3A = vector.shape_cast %eq3A_554 : vector<1000x1xi1> to vector<1000x1xi1>
      %broadcast_in_dim3A_555 = vector.broadcast %broadcast_in_dim3A : vector<1000x1xi1> to vector<1000x128xi1>
      %broadcast_in_dim3A_556 = vector.broadcast %jit3A : f32 to vector<1000x128xf32>
      %select_n3A = arith.select %broadcast_in_dim3A_555, %max3A_22, %broadcast_in_dim3A_556 : vector<1000x128xi1>, vector<1000x128xf32>
      %reduce_max3A = arith.constant dense<0xFF800000> : vector<128xf32>
      %reduce_max3A_557 = vector.multi_reduction <maximumf>, %select_n3A, %reduce_max3A [0] : vector<1000x128xf32> to vector<128xf32>
      %broadcast_in_dim3A_558 = vector.shape_cast %reduce_max3A_557 : vector<128xf32> to vector<1x128xf32>
      %get3A_559 = arith.constant 6 : index
      %get3A_560 = arith.constant 0 : index
      %get3A_561 = vector.load %arg11[%get3A_559, %get3A_560] : memref<64x128xf32, #tpu.memory_space<vmem>>, vector<1x128xf32>
      %max3A_562 = arith.maximumf %get3A_561, %broadcast_in_dim3A_558 : vector<1x128xf32>
      %swap3A = arith.constant 6 : index
      %swap3A_563 = arith.constant 0 : index
      %swap3A_564 = vector.load %arg11[%swap3A, %swap3A_563] : memref<64x128xf32, #tpu.memory_space<vmem>>, vector<1x128xf32>
      tpu.vector_store %arg11[%swap3A, %swap3A_563], %max3A_562 {strides = array<i32>} : memref<64x128xf32, #tpu.memory_space<vmem>>, vector<1x128xf32>,
    } else {
    }
    %le3A_91 = arith.constant 7 : i32
    %le3A_92 = arith.cmpi sle, %get3A_27, %le3A_91 : i32
    %ge3A_93 = arith.constant 7 : i32
    %ge3A_94 = arith.cmpi sge, %get3A_34, %ge3A_93 : i32
    %and3A_95 = arith.andi %le3A_92, %ge3A_94 : i1
    %convert_element_type3A_96 = arith.extui %and3A_95 : i1 to i32
    %cond3A_97 = arith.constant 0 : i32
    %cond3A_98 = arith.cmpi ne, %convert_element_type3A_96, %cond3A_97 : i32
    scf.if %cond3A_98 {
      %eq3A_552 = arith.constant 7 : i32
      %eq3A_553 = vector.broadcast %eq3A_552 : i32 to vector<1000x1xi32>
      %eq3A_554 = arith.cmpi eq, %get3A_37, %eq3A_553 : vector<1000x1xi32>
      %jit3A = arith.constant 0xFF800000 : f32
      %broadcast_in_dim3A = vector.shape_cast %eq3A_554 : vector<1000x1xi1> to vector<1000x1xi1>
      %broadcast_in_dim3A_555 = vector.broadcast %broadcast_in_dim3A : vector<1000x1xi1> to vector<1000x128xi1>
      %broadcast_in_dim3A_556 = vector.broadcast %jit3A : f32 to vector<1000x128xf32>
      %select_n3A = arith.select %broadcast_in_dim3A_555, %max3A_22, %broadcast_in_dim3A_556 : vector<1000x128xi1>, vector<1000x128xf32>
      %reduce_max3A = arith.constant dense<0xFF800000> : vector<128xf32>
      %reduce_max3A_557 = vector.multi_reduction <maximumf>, %select_n3A, %reduce_max3A [0] : vector<1000x128xf32> to vector<128xf32>
      %broadcast_in_dim3A_558 = vector.shape_cast %reduce_max3A_557 : vector<128xf32> to vector<1x128xf32>
      %get3A_559 = arith.constant 7 : index
      %get3A_560 = arith.constant 0 : index
      %get3A_561 = vector.load %arg11[%get3A_559, %get3A_560] : memref<64x128xf32, #tpu.memory_space<vmem>>, vector<1x128xf32>
      %max3A_562 = arith.maximumf %get3A_561, %broadcast_in_dim3A_558 : vector<1x128xf32>
      %swap3A = arith.constant 7 : index
      %swap3A_563 = arith.constant 0 : index
      %swap3A_564 = vector.load %arg11[%swap3A, %swap3A_563] : memref<64x128xf32, #tpu.memory_space<vmem>>, vector<1x128xf32>
      tpu.vector_store %arg11[%swap3A, %swap3A_563], %max3A_562 {strides = array<i32>} : memref<64x128xf32, #tpu.memory_space<vmem>>, vector<1x128xf32>,
    } else {
    }
    %le3A_99 = arith.constant 8 : i32
    %le3A_100 = arith.cmpi sle, %get3A_27, %le3A_99 : i32
    %ge3A_101 = arith.constant 8 : i32
    %ge3A_102 = arith.cmpi sge, %get3A_34, %ge3A_101 : i32
    %and3A_103 = arith.andi %le3A_100, %ge3A_102 : i1
    %convert_element_type3A_104 = arith.extui %and3A_103 : i1 to i32
    %cond3A_105 = arith.constant 0 : i32
    %cond3A_106 = arith.cmpi ne, %convert_element_type3A_104, %cond3A_105 : i32
    scf.if %cond3A_106 {
      %eq3A_552 = arith.constant 8 : i32
      %eq3A_553 = vector.broadcast %eq3A_552 : i32 to vector<1000x1xi32>
      %eq3A_554 = arith.cmpi eq, %get3A_37, %eq3A_553 : vector<1000x1xi32>
      %jit3A = arith.constant 0xFF800000 : f32
      %broadcast_in_dim3A = vector.shape_cast %eq3A_554 : vector<1000x1xi1> to vector<1000x1xi1>
      %broadcast_in_dim3A_555 = vector.broadcast %broadcast_in_dim3A : vector<1000x1xi1> to vector<1000x128xi1>
      %broadcast_in_dim3A_556 = vector.broadcast %jit3A : f32 to vector<1000x128xf32>
      %select_n3A = arith.select %broadcast_in_dim3A_555, %max3A_22, %broadcast_in_dim3A_556 : vector<1000x128xi1>, vector<1000x128xf32>
      %reduce_max3A = arith.constant dense<0xFF800000> : vector<128xf32>
      %reduce_max3A_557 = vector.multi_reduction <maximumf>, %select_n3A, %reduce_max3A [0] : vector<1000x128xf32> to vector<128xf32>
      %broadcast_in_dim3A_558 = vector.shape_cast %reduce_max3A_557 : vector<128xf32> to vector<1x128xf32>
      %get3A_559 = arith.constant 8 : index
      %get3A_560 = arith.constant 0 : index
      %get3A_561 = vector.load %arg11[%get3A_559, %get3A_560] : memref<64x128xf32, #tpu.memory_space<vmem>>, vector<1x128xf32>
      %max3A_562 = arith.maximumf %get3A_561, %broadcast_in_dim3A_558 : vector<1x128xf32>
      %swap3A = arith.constant 8 : index
      %swap3A_563 = arith.constant 0 : index
      %swap3A_564 = vector.load %arg11[%swap3A, %swap3A_563] : memref<64x128xf32, #tpu.memory_space<vmem>>, vector<1x128xf32>
      tpu.vector_store %arg11[%swap3A, %swap3A_563], %max3A_562 {strides = array<i32>} : memref<64x128xf32, #tpu.memory_space<vmem>>, vector<1x128xf32>,
    } else {
    }
    %le3A_107 = arith.constant 9 : i32
    %le3A_108 = arith.cmpi sle, %get3A_27, %le3A_107 : i32
    %ge3A_109 = arith.constant 9 : i32
    %ge3A_110 = arith.cmpi sge, %get3A_34, %ge3A_109 : i32
    %and3A_111 = arith.andi %le3A_108, %ge3A_110 : i1
    %convert_element_type3A_112 = arith.extui %and3A_111 : i1 to i32
    %cond3A_113 = arith.constant 0 : i32
    %cond3A_114 = arith.cmpi ne, %convert_element_type3A_112, %cond3A_113 : i32
    scf.if %cond3A_114 {
      %eq3A_552 = arith.constant 9 : i32
      %eq3A_553 = vector.broadcast %eq3A_552 : i32 to vector<1000x1xi32>
      %eq3A_554 = arith.cmpi eq, %get3A_37, %eq3A_553 : vector<1000x1xi32>
      %jit3A = arith.constant 0xFF800000 : f32
      %broadcast_in_dim3A = vector.shape_cast %eq3A_554 : vector<1000x1xi1> to vector<1000x1xi1>
      %broadcast_in_dim3A_555 = vector.broadcast %broadcast_in_dim3A : vector<1000x1xi1> to vector<1000x128xi1>
      %broadcast_in_dim3A_556 = vector.broadcast %jit3A : f32 to vector<1000x128xf32>
      %select_n3A = arith.select %broadcast_in_dim3A_555, %max3A_22, %broadcast_in_dim3A_556 : vector<1000x128xi1>, vector<1000x128xf32>
      %reduce_max3A = arith.constant dense<0xFF800000> : vector<128xf32>
      %reduce_max3A_557 = vector.multi_reduction <maximumf>, %select_n3A, %reduce_max3A [0] : vector<1000x128xf32> to vector<128xf32>
      %broadcast_in_dim3A_558 = vector.shape_cast %reduce_max3A_557 : vector<128xf32> to vector<1x128xf32>
      %get3A_559 = arith.constant 9 : index
      %get3A_560 = arith.constant 0 : index
      %get3A_561 = vector.load %arg11[%get3A_559, %get3A_560] : memref<64x128xf32, #tpu.memory_space<vmem>>, vector<1x128xf32>
      %max3A_562 = arith.maximumf %get3A_561, %broadcast_in_dim3A_558 : vector<1x128xf32>
      %swap3A = arith.constant 9 : index
      %swap3A_563 = arith.constant 0 : index
      %swap3A_564 = vector.load %arg11[%swap3A, %swap3A_563] : memref<64x128xf32, #tpu.memory_space<vmem>>, vector<1x128xf32>
      tpu.vector_store %arg11[%swap3A, %swap3A_563], %max3A_562 {strides = array<i32>} : memref<64x128xf32, #tpu.memory_space<vmem>>, vector<1x128xf32>,
    } else {
    }
    %le3A_115 = arith.constant 10 : i32
    %le3A_116 = arith.cmpi sle, %get3A_27, %le3A_115 : i32
    %ge3A_117 = arith.constant 10 : i32
    %ge3A_118 = arith.cmpi sge, %get3A_34, %ge3A_117 : i32
    %and3A_119 = arith.andi %le3A_116, %ge3A_118 : i1
    %convert_element_type3A_120 = arith.extui %and3A_119 : i1 to i32
    %cond3A_121 = arith.constant 0 : i32
    %cond3A_122 = arith.cmpi ne, %convert_element_type3A_120, %cond3A_121 : i32
    scf.if %cond3A_122 {
      %eq3A_552 = arith.constant 10 : i32
      %eq3A_553 = vector.broadcast %eq3A_552 : i32 to vector<1000x1xi32>
      %eq3A_554 = arith.cmpi eq, %get3A_37, %eq3A_553 : vector<1000x1xi32>
      %jit3A = arith.constant 0xFF800000 : f32
      %broadcast_in_dim3A = vector.shape_cast %eq3A_554 : vector<1000x1xi1> to vector<1000x1xi1>
      %broadcast_in_dim3A_555 = vector.broadcast %broadcast_in_dim3A : vector<1000x1xi1> to vector<1000x128xi1>
      %broadcast_in_dim3A_556 = vector.broadcast %jit3A : f32 to vector<1000x128xf32>
      %select_n3A = arith.select %broadcast_in_dim3A_555, %max3A_22, %broadcast_in_dim3A_556 : vector<1000x128xi1>, vector<1000x128xf32>
      %reduce_max3A = arith.constant dense<0xFF800000> : vector<128xf32>
      %reduce_max3A_557 = vector.multi_reduction <maximumf>, %select_n3A, %reduce_max3A [0] : vector<1000x128xf32> to vector<128xf32>
      %broadcast_in_dim3A_558 = vector.shape_cast %reduce_max3A_557 : vector<128xf32> to vector<1x128xf32>
      %get3A_559 = arith.constant 10 : index
      %get3A_560 = arith.constant 0 : index
      %get3A_561 = vector.load %arg11[%get3A_559, %get3A_560] : memref<64x128xf32, #tpu.memory_space<vmem>>, vector<1x128xf32>
      %max3A_562 = arith.maximumf %get3A_561, %broadcast_in_dim3A_558 : vector<1x128xf32>
      %swap3A = arith.constant 10 : index
      %swap3A_563 = arith.constant 0 : index
      %swap3A_564 = vector.load %arg11[%swap3A, %swap3A_563] : memref<64x128xf32, #tpu.memory_space<vmem>>, vector<1x128xf32>
      tpu.vector_store %arg11[%swap3A, %swap3A_563], %max3A_562 {strides = array<i32>} : memref<64x128xf32, #tpu.memory_space<vmem>>, vector<1x128xf32>,
    } else {
    }
    %le3A_123 = arith.constant 11 : i32
    %le3A_124 = arith.cmpi sle, %get3A_27, %le3A_123 : i32
    %ge3A_125 = arith.constant 11 : i32
    %ge3A_126 = arith.cmpi sge, %get3A_34, %ge3A_125 : i32
    %and3A_127 = arith.andi %le3A_124, %ge3A_126 : i1
    %convert_element_type3A_128 = arith.extui %and3A_127 : i1 to i32
    %cond3A_129 = arith.constant 0 : i32
    %cond3A_130 = arith.cmpi ne, %convert_element_type3A_128, %cond3A_129 : i32
    scf.if %cond3A_130 {
      %eq3A_552 = arith.constant 11 : i32
      %eq3A_553 = vector.broadcast %eq3A_552 : i32 to vector<1000x1xi32>
      %eq3A_554 = arith.cmpi eq, %get3A_37, %eq3A_553 : vector<1000x1xi32>
      %jit3A = arith.constant 0xFF800000 : f32
      %broadcast_in_dim3A = vector.shape_cast %eq3A_554 : vector<1000x1xi1> to vector<1000x1xi1>
      %broadcast_in_dim3A_555 = vector.broadcast %broadcast_in_dim3A : vector<1000x1xi1> to vector<1000x128xi1>
      %broadcast_in_dim3A_556 = vector.broadcast %jit3A : f32 to vector<1000x128xf32>
      %select_n3A = arith.select %broadcast_in_dim3A_555, %max3A_22, %broadcast_in_dim3A_556 : vector<1000x128xi1>, vector<1000x128xf32>
      %reduce_max3A = arith.constant dense<0xFF800000> : vector<128xf32>
      %reduce_max3A_557 = vector.multi_reduction <maximumf>, %select_n3A, %reduce_max3A [0] : vector<1000x128xf32> to vector<128xf32>
      %broadcast_in_dim3A_558 = vector.shape_cast %reduce_max3A_557 : vector<128xf32> to vector<1x128xf32>
      %get3A_559 = arith.constant 11 : index
      %get3A_560 = arith.constant 0 : index
      %get3A_561 = vector.load %arg11[%get3A_559, %get3A_560] : memref<64x128xf32, #tpu.memory_space<vmem>>, vector<1x128xf32>
      %max3A_562 = arith.maximumf %get3A_561, %broadcast_in_dim3A_558 : vector<1x128xf32>
      %swap3A = arith.constant 11 : index
      %swap3A_563 = arith.constant 0 : index
      %swap3A_564 = vector.load %arg11[%swap3A, %swap3A_563] : memref<64x128xf32, #tpu.memory_space<vmem>>, vector<1x128xf32>
      tpu.vector_store %arg11[%swap3A, %swap3A_563], %max3A_562 {strides = array<i32>} : memref<64x128xf32, #tpu.memory_space<vmem>>, vector<1x128xf32>,
    } else {
    }
    %le3A_131 = arith.constant 12 : i32
    %le3A_132 = arith.cmpi sle, %get3A_27, %le3A_131 : i32
    %ge3A_133 = arith.constant 12 : i32
    %ge3A_134 = arith.cmpi sge, %get3A_34, %ge3A_133 : i32
    %and3A_135 = arith.andi %le3A_132, %ge3A_134 : i1
    %convert_element_type3A_136 = arith.extui %and3A_135 : i1 to i32
    %cond3A_137 = arith.constant 0 : i32
    %cond3A_138 = arith.cmpi ne, %convert_element_type3A_136, %cond3A_137 : i32
    scf.if %cond3A_138 {
      %eq3A_552 = arith.constant 12 : i32
      %eq3A_553 = vector.broadcast %eq3A_552 : i32 to vector<1000x1xi32>
      %eq3A_554 = arith.cmpi eq, %get3A_37, %eq3A_553 : vector<1000x1xi32>
      %jit3A = arith.constant 0xFF800000 : f32
      %broadcast_in_dim3A = vector.shape_cast %eq3A_554 : vector<1000x1xi1> to vector<1000x1xi1>
      %broadcast_in_dim3A_555 = vector.broadcast %broadcast_in_dim3A : vector<1000x1xi1> to vector<1000x128xi1>
      %broadcast_in_dim3A_556 = vector.broadcast %jit3A : f32 to vector<1000x128xf32>
      %select_n3A = arith.select %broadcast_in_dim3A_555, %max3A_22, %broadcast_in_dim3A_556 : vector<1000x128xi1>, vector<1000x128xf32>
      %reduce_max3A = arith.constant dense<0xFF800000> : vector<128xf32>
      %reduce_max3A_557 = vector.multi_reduction <maximumf>, %select_n3A, %reduce_max3A [0] : vector<1000x128xf32> to vector<128xf32>
      %broadcast_in_dim3A_558 = vector.shape_cast %reduce_max3A_557 : vector<128xf32> to vector<1x128xf32>
      %get3A_559 = arith.constant 12 : index
      %get3A_560 = arith.constant 0 : index
      %get3A_561 = vector.load %arg11[%get3A_559, %get3A_560] : memref<64x128xf32, #tpu.memory_space<vmem>>, vector<1x128xf32>
      %max3A_562 = arith.maximumf %get3A_561, %broadcast_in_dim3A_558 : vector<1x128xf32>
      %swap3A = arith.constant 12 : index
      %swap3A_563 = arith.constant 0 : index
      %swap3A_564 = vector.load %arg11[%swap3A, %swap3A_563] : memref<64x128xf32, #tpu.memory_space<vmem>>, vector<1x128xf32>
      tpu.vector_store %arg11[%swap3A, %swap3A_563], %max3A_562 {strides = array<i32>} : memref<64x128xf32, #tpu.memory_space<vmem>>, vector<1x128xf32>,
    } else {
    }
    %le3A_139 = arith.constant 13 : i32
    %le3A_140 = arith.cmpi sle, %get3A_27, %le3A_139 : i32
    %ge3A_141 = arith.constant 13 : i32
    %ge3A_142 = arith.cmpi sge, %get3A_34, %ge3A_141 : i32
    %and3A_143 = arith.andi %le3A_140, %ge3A_142 : i1
    %convert_element_type3A_144 = arith.extui %and3A_143 : i1 to i32
    %cond3A_145 = arith.constant 0 : i32
    %cond3A_146 = arith.cmpi ne, %convert_element_type3A_144, %cond3A_145 : i32
    scf.if %cond3A_146 {
      %eq3A_552 = arith.constant 13 : i32
      %eq3A_553 = vector.broadcast %eq3A_552 : i32 to vector<1000x1xi32>
      %eq3A_554 = arith.cmpi eq, %get3A_37, %eq3A_553 : vector<1000x1xi32>
      %jit3A = arith.constant 0xFF800000 : f32
      %broadcast_in_dim3A = vector.shape_cast %eq3A_554 : vector<1000x1xi1> to vector<1000x1xi1>
      %broadcast_in_dim3A_555 = vector.broadcast %broadcast_in_dim3A : vector<1000x1xi1> to vector<1000x128xi1>
      %broadcast_in_dim3A_556 = vector.broadcast %jit3A : f32 to vector<1000x128xf32>
      %select_n3A = arith.select %broadcast_in_dim3A_555, %max3A_22, %broadcast_in_dim3A_556 : vector<1000x128xi1>, vector<1000x128xf32>
      %reduce_max3A = arith.constant dense<0xFF800000> : vector<128xf32>
      %reduce_max3A_557 = vector.multi_reduction <maximumf>, %select_n3A, %reduce_max3A [0] : vector<1000x128xf32> to vector<128xf32>
      %broadcast_in_dim3A_558 = vector.shape_cast %reduce_max3A_557 : vector<128xf32> to vector<1x128xf32>
      %get3A_559 = arith.constant 13 : index
      %get3A_560 = arith.constant 0 : index
      %get3A_561 = vector.load %arg11[%get3A_559, %get3A_560] : memref<64x128xf32, #tpu.memory_space<vmem>>, vector<1x128xf32>
      %max3A_562 = arith.maximumf %get3A_561, %broadcast_in_dim3A_558 : vector<1x128xf32>
      %swap3A = arith.constant 13 : index
      %swap3A_563 = arith.constant 0 : index
      %swap3A_564 = vector.load %arg11[%swap3A, %swap3A_563] : memref<64x128xf32, #tpu.memory_space<vmem>>, vector<1x128xf32>
      tpu.vector_store %arg11[%swap3A, %swap3A_563], %max3A_562 {strides = array<i32>} : memref<64x128xf32, #tpu.memory_space<vmem>>, vector<1x128xf32>,
    } else {
    }
    %le3A_147 = arith.constant 14 : i32
    %le3A_148 = arith.cmpi sle, %get3A_27, %le3A_147 : i32
    %ge3A_149 = arith.constant 14 : i32
    %ge3A_150 = arith.cmpi sge, %get3A_34, %ge3A_149 : i32
    %and3A_151 = arith.andi %le3A_148, %ge3A_150 : i1
    %convert_element_type3A_152 = arith.extui %and3A_151 : i1 to i32
    %cond3A_153 = arith.constant 0 : i32
    %cond3A_154 = arith.cmpi ne, %convert_element_type3A_152, %cond3A_153 : i32
    scf.if %cond3A_154 {
      %eq3A_552 = arith.constant 14 : i32
      %eq3A_553 = vector.broadcast %eq3A_552 : i32 to vector<1000x1xi32>
      %eq3A_554 = arith.cmpi eq, %get3A_37, %eq3A_553 : vector<1000x1xi32>
      %jit3A = arith.constant 0xFF800000 : f32
      %broadcast_in_dim3A = vector.shape_cast %eq3A_554 : vector<1000x1xi1> to vector<1000x1xi1>
      %broadcast_in_dim3A_555 = vector.broadcast %broadcast_in_dim3A : vector<1000x1xi1> to vector<1000x128xi1>
      %broadcast_in_dim3A_556 = vector.broadcast %jit3A : f32 to vector<1000x128xf32>
      %select_n3A = arith.select %broadcast_in_dim3A_555, %max3A_22, %broadcast_in_dim3A_556 : vector<1000x128xi1>, vector<1000x128xf32>
      %reduce_max3A = arith.constant dense<0xFF800000> : vector<128xf32>
      %reduce_max3A_557 = vector.multi_reduction <maximumf>, %select_n3A, %reduce_max3A [0] : vector<1000x128xf32> to vector<128xf32>
      %broadcast_in_dim3A_558 = vector.shape_cast %reduce_max3A_557 : vector<128xf32> to vector<1x128xf32>
      %get3A_559 = arith.constant 14 : index
      %get3A_560 = arith.constant 0 : index
      %get3A_561 = vector.load %arg11[%get3A_559, %get3A_560] : memref<64x128xf32, #tpu.memory_space<vmem>>, vector<1x128xf32>
      %max3A_562 = arith.maximumf %get3A_561, %broadcast_in_dim3A_558 : vector<1x128xf32>
      %swap3A = arith.constant 14 : index
      %swap3A_563 = arith.constant 0 : index
      %swap3A_564 = vector.load %arg11[%swap3A, %swap3A_563] : memref<64x128xf32, #tpu.memory_space<vmem>>, vector<1x128xf32>
      tpu.vector_store %arg11[%swap3A, %swap3A_563], %max3A_562 {strides = array<i32>} : memref<64x128xf32, #tpu.memory_space<vmem>>, vector<1x128xf32>,
    } else {
    }
    %le3A_155 = arith.constant 15 : i32
    %le3A_156 = arith.cmpi sle, %get3A_27, %le3A_155 : i32
    %ge3A_157 = arith.constant 15 : i32
    %ge3A_158 = arith.cmpi sge, %get3A_34, %ge3A_157 : i32
    %and3A_159 = arith.andi %le3A_156, %ge3A_158 : i1
    %convert_element_type3A_160 = arith.extui %and3A_159 : i1 to i32
    %cond3A_161 = arith.constant 0 : i32
    %cond3A_162 = arith.cmpi ne, %convert_element_type3A_160, %cond3A_161 : i32
    scf.if %cond3A_162 {
      %eq3A_552 = arith.constant 15 : i32
      %eq3A_553 = vector.broadcast %eq3A_552 : i32 to vector<1000x1xi32>
      %eq3A_554 = arith.cmpi eq, %get3A_37, %eq3A_553 : vector<1000x1xi32>
      %jit3A = arith.constant 0xFF800000 : f32
      %broadcast_in_dim3A = vector.shape_cast %eq3A_554 : vector<1000x1xi1> to vector<1000x1xi1>
      %broadcast_in_dim3A_555 = vector.broadcast %broadcast_in_dim3A : vector<1000x1xi1> to vector<1000x128xi1>
      %broadcast_in_dim3A_556 = vector.broadcast %jit3A : f32 to vector<1000x128xf32>
      %select_n3A = arith.select %broadcast_in_dim3A_555, %max3A_22, %broadcast_in_dim3A_556 : vector<1000x128xi1>, vector<1000x128xf32>
      %reduce_max3A = arith.constant dense<0xFF800000> : vector<128xf32>
      %reduce_max3A_557 = vector.multi_reduction <maximumf>, %select_n3A, %reduce_max3A [0] : vector<1000x128xf32> to vector<128xf32>
      %broadcast_in_dim3A_558 = vector.shape_cast %reduce_max3A_557 : vector<128xf32> to vector<1x128xf32>
      %get3A_559 = arith.constant 15 : index
      %get3A_560 = arith.constant 0 : index
      %get3A_561 = vector.load %arg11[%get3A_559, %get3A_560] : memref<64x128xf32, #tpu.memory_space<vmem>>, vector<1x128xf32>
      %max3A_562 = arith.maximumf %get3A_561, %broadcast_in_dim3A_558 : vector<1x128xf32>
      %swap3A = arith.constant 15 : index
      %swap3A_563 = arith.constant 0 : index
      %swap3A_564 = vector.load %arg11[%swap3A, %swap3A_563] : memref<64x128xf32, #tpu.memory_space<vmem>>, vector<1x128xf32>
      tpu.vector_store %arg11[%swap3A, %swap3A_563], %max3A_562 {strides = array<i32>} : memref<64x128xf32, #tpu.memory_space<vmem>>, vector<1x128xf32>,
    } else {
    }
    %le3A_163 = arith.constant 16 : i32
    %le3A_164 = arith.cmpi sle, %get3A_27, %le3A_163 : i32
    %ge3A_165 = arith.constant 16 : i32
    %ge3A_166 = arith.cmpi sge, %get3A_34, %ge3A_165 : i32
    %and3A_167 = arith.andi %le3A_164, %ge3A_166 : i1
    %convert_element_type3A_168 = arith.extui %and3A_167 : i1 to i32
    %cond3A_169 = arith.constant 0 : i32
    %cond3A_170 = arith.cmpi ne, %convert_element_type3A_168, %cond3A_169 : i32
    scf.if %cond3A_170 {
      %eq3A_552 = arith.constant 16 : i32
      %eq3A_553 = vector.broadcast %eq3A_552 : i32 to vector<1000x1xi32>
      %eq3A_554 = arith.cmpi eq, %get3A_37, %eq3A_553 : vector<1000x1xi32>
      %jit3A = arith.constant 0xFF800000 : f32
      %broadcast_in_dim3A = vector.shape_cast %eq3A_554 : vector<1000x1xi1> to vector<1000x1xi1>
      %broadcast_in_dim3A_555 = vector.broadcast %broadcast_in_dim3A : vector<1000x1xi1> to vector<1000x128xi1>
      %broadcast_in_dim3A_556 = vector.broadcast %jit3A : f32 to vector<1000x128xf32>
      %select_n3A = arith.select %broadcast_in_dim3A_555, %max3A_22, %broadcast_in_dim3A_556 : vector<1000x128xi1>, vector<1000x128xf32>
      %reduce_max3A = arith.constant dense<0xFF800000> : vector<128xf32>
      %reduce_max3A_557 = vector.multi_reduction <maximumf>, %select_n3A, %reduce_max3A [0] : vector<1000x128xf32> to vector<128xf32>
      %broadcast_in_dim3A_558 = vector.shape_cast %reduce_max3A_557 : vector<128xf32> to vector<1x128xf32>
      %get3A_559 = arith.constant 16 : index
      %get3A_560 = arith.constant 0 : index
      %get3A_561 = vector.load %arg11[%get3A_559, %get3A_560] : memref<64x128xf32, #tpu.memory_space<vmem>>, vector<1x128xf32>
      %max3A_562 = arith.maximumf %get3A_561, %broadcast_in_dim3A_558 : vector<1x128xf32>
      %swap3A = arith.constant 16 : index
      %swap3A_563 = arith.constant 0 : index
      %swap3A_564 = vector.load %arg11[%swap3A, %swap3A_563] : memref<64x128xf32, #tpu.memory_space<vmem>>, vector<1x128xf32>
      tpu.vector_store %arg11[%swap3A, %swap3A_563], %max3A_562 {strides = array<i32>} : memref<64x128xf32, #tpu.memory_space<vmem>>, vector<1x128xf32>,
    } else {
    }
    %le3A_171 = arith.constant 17 : i32
    %le3A_172 = arith.cmpi sle, %get3A_27, %le3A_171 : i32
    %ge3A_173 = arith.constant 17 : i32
    %ge3A_174 = arith.cmpi sge, %get3A_34, %ge3A_173 : i32
    %and3A_175 = arith.andi %le3A_172, %ge3A_174 : i1
    %convert_element_type3A_176 = arith.extui %and3A_175 : i1 to i32
    %cond3A_177 = arith.constant 0 : i32
    %cond3A_178 = arith.cmpi ne, %convert_element_type3A_176, %cond3A_177 : i32
    scf.if %cond3A_178 {
      %eq3A_552 = arith.constant 17 : i32
      %eq3A_553 = vector.broadcast %eq3A_552 : i32 to vector<1000x1xi32>
      %eq3A_554 = arith.cmpi eq, %get3A_37, %eq3A_553 : vector<1000x1xi32>
      %jit3A = arith.constant 0xFF800000 : f32
      %broadcast_in_dim3A = vector.shape_cast %eq3A_554 : vector<1000x1xi1> to vector<1000x1xi1>
      %broadcast_in_dim3A_555 = vector.broadcast %broadcast_in_dim3A : vector<1000x1xi1> to vector<1000x128xi1>
      %broadcast_in_dim3A_556 = vector.broadcast %jit3A : f32 to vector<1000x128xf32>
      %select_n3A = arith.select %broadcast_in_dim3A_555, %max3A_22, %broadcast_in_dim3A_556 : vector<1000x128xi1>, vector<1000x128xf32>
      %reduce_max3A = arith.constant dense<0xFF800000> : vector<128xf32>
      %reduce_max3A_557 = vector.multi_reduction <maximumf>, %select_n3A, %reduce_max3A [0] : vector<1000x128xf32> to vector<128xf32>
      %broadcast_in_dim3A_558 = vector.shape_cast %reduce_max3A_557 : vector<128xf32> to vector<1x128xf32>
      %get3A_559 = arith.constant 17 : index
      %get3A_560 = arith.constant 0 : index
      %get3A_561 = vector.load %arg11[%get3A_559, %get3A_560] : memref<64x128xf32, #tpu.memory_space<vmem>>, vector<1x128xf32>
      %max3A_562 = arith.maximumf %get3A_561, %broadcast_in_dim3A_558 : vector<1x128xf32>
      %swap3A = arith.constant 17 : index
      %swap3A_563 = arith.constant 0 : index
      %swap3A_564 = vector.load %arg11[%swap3A, %swap3A_563] : memref<64x128xf32, #tpu.memory_space<vmem>>, vector<1x128xf32>
      tpu.vector_store %arg11[%swap3A, %swap3A_563], %max3A_562 {strides = array<i32>} : memref<64x128xf32, #tpu.memory_space<vmem>>, vector<1x128xf32>,
    } else {
    }
    %le3A_179 = arith.constant 18 : i32
    %le3A_180 = arith.cmpi sle, %get3A_27, %le3A_179 : i32
    %ge3A_181 = arith.constant 18 : i32
    %ge3A_182 = arith.cmpi sge, %get3A_34, %ge3A_181 : i32
    %and3A_183 = arith.andi %le3A_180, %ge3A_182 : i1
    %convert_element_type3A_184 = arith.extui %and3A_183 : i1 to i32
    %cond3A_185 = arith.constant 0 : i32
    %cond3A_186 = arith.cmpi ne, %convert_element_type3A_184, %cond3A_185 : i32
    scf.if %cond3A_186 {
      %eq3A_552 = arith.constant 18 : i32
      %eq3A_553 = vector.broadcast %eq3A_552 : i32 to vector<1000x1xi32>
      %eq3A_554 = arith.cmpi eq, %get3A_37, %eq3A_553 : vector<1000x1xi32>
      %jit3A = arith.constant 0xFF800000 : f32
      %broadcast_in_dim3A = vector.shape_cast %eq3A_554 : vector<1000x1xi1> to vector<1000x1xi1>
      %broadcast_in_dim3A_555 = vector.broadcast %broadcast_in_dim3A : vector<1000x1xi1> to vector<1000x128xi1>
      %broadcast_in_dim3A_556 = vector.broadcast %jit3A : f32 to vector<1000x128xf32>
      %select_n3A = arith.select %broadcast_in_dim3A_555, %max3A_22, %broadcast_in_dim3A_556 : vector<1000x128xi1>, vector<1000x128xf32>
      %reduce_max3A = arith.constant dense<0xFF800000> : vector<128xf32>
      %reduce_max3A_557 = vector.multi_reduction <maximumf>, %select_n3A, %reduce_max3A [0] : vector<1000x128xf32> to vector<128xf32>
      %broadcast_in_dim3A_558 = vector.shape_cast %reduce_max3A_557 : vector<128xf32> to vector<1x128xf32>
      %get3A_559 = arith.constant 18 : index
      %get3A_560 = arith.constant 0 : index
      %get3A_561 = vector.load %arg11[%get3A_559, %get3A_560] : memref<64x128xf32, #tpu.memory_space<vmem>>, vector<1x128xf32>
      %max3A_562 = arith.maximumf %get3A_561, %broadcast_in_dim3A_558 : vector<1x128xf32>
      %swap3A = arith.constant 18 : index
      %swap3A_563 = arith.constant 0 : index
      %swap3A_564 = vector.load %arg11[%swap3A, %swap3A_563] : memref<64x128xf32, #tpu.memory_space<vmem>>, vector<1x128xf32>
      tpu.vector_store %arg11[%swap3A, %swap3A_563], %max3A_562 {strides = array<i32>} : memref<64x128xf32, #tpu.memory_space<vmem>>, vector<1x128xf32>,
    } else {
    }
    %le3A_187 = arith.constant 19 : i32
    %le3A_188 = arith.cmpi sle, %get3A_27, %le3A_187 : i32
    %ge3A_189 = arith.constant 19 : i32
    %ge3A_190 = arith.cmpi sge, %get3A_34, %ge3A_189 : i32
    %and3A_191 = arith.andi %le3A_188, %ge3A_190 : i1
    %convert_element_type3A_192 = arith.extui %and3A_191 : i1 to i32
    %cond3A_193 = arith.constant 0 : i32
    %cond3A_194 = arith.cmpi ne, %convert_element_type3A_192, %cond3A_193 : i32
    scf.if %cond3A_194 {
      %eq3A_552 = arith.constant 19 : i32
      %eq3A_553 = vector.broadcast %eq3A_552 : i32 to vector<1000x1xi32>
      %eq3A_554 = arith.cmpi eq, %get3A_37, %eq3A_553 : vector<1000x1xi32>
      %jit3A = arith.constant 0xFF800000 : f32
      %broadcast_in_dim3A = vector.shape_cast %eq3A_554 : vector<1000x1xi1> to vector<1000x1xi1>
      %broadcast_in_dim3A_555 = vector.broadcast %broadcast_in_dim3A : vector<1000x1xi1> to vector<1000x128xi1>
      %broadcast_in_dim3A_556 = vector.broadcast %jit3A : f32 to vector<1000x128xf32>
      %select_n3A = arith.select %broadcast_in_dim3A_555, %max3A_22, %broadcast_in_dim3A_556 : vector<1000x128xi1>, vector<1000x128xf32>
      %reduce_max3A = arith.constant dense<0xFF800000> : vector<128xf32>
      %reduce_max3A_557 = vector.multi_reduction <maximumf>, %select_n3A, %reduce_max3A [0] : vector<1000x128xf32> to vector<128xf32>
      %broadcast_in_dim3A_558 = vector.shape_cast %reduce_max3A_557 : vector<128xf32> to vector<1x128xf32>
      %get3A_559 = arith.constant 19 : index
      %get3A_560 = arith.constant 0 : index
      %get3A_561 = vector.load %arg11[%get3A_559, %get3A_560] : memref<64x128xf32, #tpu.memory_space<vmem>>, vector<1x128xf32>
      %max3A_562 = arith.maximumf %get3A_561, %broadcast_in_dim3A_558 : vector<1x128xf32>
      %swap3A = arith.constant 19 : index
      %swap3A_563 = arith.constant 0 : index
      %swap3A_564 = vector.load %arg11[%swap3A, %swap3A_563] : memref<64x128xf32, #tpu.memory_space<vmem>>, vector<1x128xf32>
      tpu.vector_store %arg11[%swap3A, %swap3A_563], %max3A_562 {strides = array<i32>} : memref<64x128xf32, #tpu.memory_space<vmem>>, vector<1x128xf32>,
    } else {
    }
    %le3A_195 = arith.constant 20 : i32
    %le3A_196 = arith.cmpi sle, %get3A_27, %le3A_195 : i32
    %ge3A_197 = arith.constant 20 : i32
    %ge3A_198 = arith.cmpi sge, %get3A_34, %ge3A_197 : i32
    %and3A_199 = arith.andi %le3A_196, %ge3A_198 : i1
    %convert_element_type3A_200 = arith.extui %and3A_199 : i1 to i32
    %cond3A_201 = arith.constant 0 : i32
    %cond3A_202 = arith.cmpi ne, %convert_element_type3A_200, %cond3A_201 : i32
    scf.if %cond3A_202 {
      %eq3A_552 = arith.constant 20 : i32
      %eq3A_553 = vector.broadcast %eq3A_552 : i32 to vector<1000x1xi32>
      %eq3A_554 = arith.cmpi eq, %get3A_37, %eq3A_553 : vector<1000x1xi32>
      %jit3A = arith.constant 0xFF800000 : f32
      %broadcast_in_dim3A = vector.shape_cast %eq3A_554 : vector<1000x1xi1> to vector<1000x1xi1>
      %broadcast_in_dim3A_555 = vector.broadcast %broadcast_in_dim3A : vector<1000x1xi1> to vector<1000x128xi1>
      %broadcast_in_dim3A_556 = vector.broadcast %jit3A : f32 to vector<1000x128xf32>
      %select_n3A = arith.select %broadcast_in_dim3A_555, %max3A_22, %broadcast_in_dim3A_556 : vector<1000x128xi1>, vector<1000x128xf32>
      %reduce_max3A = arith.constant dense<0xFF800000> : vector<128xf32>
      %reduce_max3A_557 = vector.multi_reduction <maximumf>, %select_n3A, %reduce_max3A [0] : vector<1000x128xf32> to vector<128xf32>
      %broadcast_in_dim3A_558 = vector.shape_cast %reduce_max3A_557 : vector<128xf32> to vector<1x128xf32>
      %get3A_559 = arith.constant 20 : index
      %get3A_560 = arith.constant 0 : index
      %get3A_561 = vector.load %arg11[%get3A_559, %get3A_560] : memref<64x128xf32, #tpu.memory_space<vmem>>, vector<1x128xf32>
      %max3A_562 = arith.maximumf %get3A_561, %broadcast_in_dim3A_558 : vector<1x128xf32>
      %swap3A = arith.constant 20 : index
      %swap3A_563 = arith.constant 0 : index
      %swap3A_564 = vector.load %arg11[%swap3A, %swap3A_563] : memref<64x128xf32, #tpu.memory_space<vmem>>, vector<1x128xf32>
      tpu.vector_store %arg11[%swap3A, %swap3A_563], %max3A_562 {strides = array<i32>} : memref<64x128xf32, #tpu.memory_space<vmem>>, vector<1x128xf32>,
    } else {
    }
    %le3A_203 = arith.constant 21 : i32
    %le3A_204 = arith.cmpi sle, %get3A_27, %le3A_203 : i32
    %ge3A_205 = arith.constant 21 : i32
    %ge3A_206 = arith.cmpi sge, %get3A_34, %ge3A_205 : i32
    %and3A_207 = arith.andi %le3A_204, %ge3A_206 : i1
    %convert_element_type3A_208 = arith.extui %and3A_207 : i1 to i32
    %cond3A_209 = arith.constant 0 : i32
    %cond3A_210 = arith.cmpi ne, %convert_element_type3A_208, %cond3A_209 : i32
    scf.if %cond3A_210 {
      %eq3A_552 = arith.constant 21 : i32
      %eq3A_553 = vector.broadcast %eq3A_552 : i32 to vector<1000x1xi32>
      %eq3A_554 = arith.cmpi eq, %get3A_37, %eq3A_553 : vector<1000x1xi32>
      %jit3A = arith.constant 0xFF800000 : f32
      %broadcast_in_dim3A = vector.shape_cast %eq3A_554 : vector<1000x1xi1> to vector<1000x1xi1>
      %broadcast_in_dim3A_555 = vector.broadcast %broadcast_in_dim3A : vector<1000x1xi1> to vector<1000x128xi1>
      %broadcast_in_dim3A_556 = vector.broadcast %jit3A : f32 to vector<1000x128xf32>
      %select_n3A = arith.select %broadcast_in_dim3A_555, %max3A_22, %broadcast_in_dim3A_556 : vector<1000x128xi1>, vector<1000x128xf32>
      %reduce_max3A = arith.constant dense<0xFF800000> : vector<128xf32>
      %reduce_max3A_557 = vector.multi_reduction <maximumf>, %select_n3A, %reduce_max3A [0] : vector<1000x128xf32> to vector<128xf32>
      %broadcast_in_dim3A_558 = vector.shape_cast %reduce_max3A_557 : vector<128xf32> to vector<1x128xf32>
      %get3A_559 = arith.constant 21 : index
      %get3A_560 = arith.constant 0 : index
      %get3A_561 = vector.load %arg11[%get3A_559, %get3A_560] : memref<64x128xf32, #tpu.memory_space<vmem>>, vector<1x128xf32>
      %max3A_562 = arith.maximumf %get3A_561, %broadcast_in_dim3A_558 : vector<1x128xf32>
      %swap3A = arith.constant 21 : index
      %swap3A_563 = arith.constant 0 : index
      %swap3A_564 = vector.load %arg11[%swap3A, %swap3A_563] : memref<64x128xf32, #tpu.memory_space<vmem>>, vector<1x128xf32>
      tpu.vector_store %arg11[%swap3A, %swap3A_563], %max3A_562 {strides = array<i32>} : memref<64x128xf32, #tpu.memory_space<vmem>>, vector<1x128xf32>,
    } else {
    }
    %le3A_211 = arith.constant 22 : i32
    %le3A_212 = arith.cmpi sle, %get3A_27, %le3A_211 : i32
    %ge3A_213 = arith.constant 22 : i32
    %ge3A_214 = arith.cmpi sge, %get3A_34, %ge3A_213 : i32
    %and3A_215 = arith.andi %le3A_212, %ge3A_214 : i1
    %convert_element_type3A_216 = arith.extui %and3A_215 : i1 to i32
    %cond3A_217 = arith.constant 0 : i32
    %cond3A_218 = arith.cmpi ne, %convert_element_type3A_216, %cond3A_217 : i32
    scf.if %cond3A_218 {
      %eq3A_552 = arith.constant 22 : i32
      %eq3A_553 = vector.broadcast %eq3A_552 : i32 to vector<1000x1xi32>
      %eq3A_554 = arith.cmpi eq, %get3A_37, %eq3A_553 : vector<1000x1xi32>
      %jit3A = arith.constant 0xFF800000 : f32
      %broadcast_in_dim3A = vector.shape_cast %eq3A_554 : vector<1000x1xi1> to vector<1000x1xi1>
      %broadcast_in_dim3A_555 = vector.broadcast %broadcast_in_dim3A : vector<1000x1xi1> to vector<1000x128xi1>
      %broadcast_in_dim3A_556 = vector.broadcast %jit3A : f32 to vector<1000x128xf32>
      %select_n3A = arith.select %broadcast_in_dim3A_555, %max3A_22, %broadcast_in_dim3A_556 : vector<1000x128xi1>, vector<1000x128xf32>
      %reduce_max3A = arith.constant dense<0xFF800000> : vector<128xf32>
      %reduce_max3A_557 = vector.multi_reduction <maximumf>, %select_n3A, %reduce_max3A [0] : vector<1000x128xf32> to vector<128xf32>
      %broadcast_in_dim3A_558 = vector.shape_cast %reduce_max3A_557 : vector<128xf32> to vector<1x128xf32>
      %get3A_559 = arith.constant 22 : index
      %get3A_560 = arith.constant 0 : index
      %get3A_561 = vector.load %arg11[%get3A_559, %get3A_560] : memref<64x128xf32, #tpu.memory_space<vmem>>, vector<1x128xf32>
      %max3A_562 = arith.maximumf %get3A_561, %broadcast_in_dim3A_558 : vector<1x128xf32>
      %swap3A = arith.constant 22 : index
      %swap3A_563 = arith.constant 0 : index
      %swap3A_564 = vector.load %arg11[%swap3A, %swap3A_563] : memref<64x128xf32, #tpu.memory_space<vmem>>, vector<1x128xf32>
      tpu.vector_store %arg11[%swap3A, %swap3A_563], %max3A_562 {strides = array<i32>} : memref<64x128xf32, #tpu.memory_space<vmem>>, vector<1x128xf32>,
    } else {
    }
    %le3A_219 = arith.constant 23 : i32
    %le3A_220 = arith.cmpi sle, %get3A_27, %le3A_219 : i32
    %ge3A_221 = arith.constant 23 : i32
    %ge3A_222 = arith.cmpi sge, %get3A_34, %ge3A_221 : i32
    %and3A_223 = arith.andi %le3A_220, %ge3A_222 : i1
    %convert_element_type3A_224 = arith.extui %and3A_223 : i1 to i32
    %cond3A_225 = arith.constant 0 : i32
    %cond3A_226 = arith.cmpi ne, %convert_element_type3A_224, %cond3A_225 : i32
    scf.if %cond3A_226 {
      %eq3A_552 = arith.constant 23 : i32
      %eq3A_553 = vector.broadcast %eq3A_552 : i32 to vector<1000x1xi32>
      %eq3A_554 = arith.cmpi eq, %get3A_37, %eq3A_553 : vector<1000x1xi32>
      %jit3A = arith.constant 0xFF800000 : f32
      %broadcast_in_dim3A = vector.shape_cast %eq3A_554 : vector<1000x1xi1> to vector<1000x1xi1>
      %broadcast_in_dim3A_555 = vector.broadcast %broadcast_in_dim3A : vector<1000x1xi1> to vector<1000x128xi1>
      %broadcast_in_dim3A_556 = vector.broadcast %jit3A : f32 to vector<1000x128xf32>
      %select_n3A = arith.select %broadcast_in_dim3A_555, %max3A_22, %broadcast_in_dim3A_556 : vector<1000x128xi1>, vector<1000x128xf32>
      %reduce_max3A = arith.constant dense<0xFF800000> : vector<128xf32>
      %reduce_max3A_557 = vector.multi_reduction <maximumf>, %select_n3A, %reduce_max3A [0] : vector<1000x128xf32> to vector<128xf32>
      %broadcast_in_dim3A_558 = vector.shape_cast %reduce_max3A_557 : vector<128xf32> to vector<1x128xf32>
      %get3A_559 = arith.constant 23 : index
      %get3A_560 = arith.constant 0 : index
      %get3A_561 = vector.load %arg11[%get3A_559, %get3A_560] : memref<64x128xf32, #tpu.memory_space<vmem>>, vector<1x128xf32>
      %max3A_562 = arith.maximumf %get3A_561, %broadcast_in_dim3A_558 : vector<1x128xf32>
      %swap3A = arith.constant 23 : index
      %swap3A_563 = arith.constant 0 : index
      %swap3A_564 = vector.load %arg11[%swap3A, %swap3A_563] : memref<64x128xf32, #tpu.memory_space<vmem>>, vector<1x128xf32>
      tpu.vector_store %arg11[%swap3A, %swap3A_563], %max3A_562 {strides = array<i32>} : memref<64x128xf32, #tpu.memory_space<vmem>>, vector<1x128xf32>,
    } else {
    }
    %le3A_227 = arith.constant 24 : i32
    %le3A_228 = arith.cmpi sle, %get3A_27, %le3A_227 : i32
    %ge3A_229 = arith.constant 24 : i32
    %ge3A_230 = arith.cmpi sge, %get3A_34, %ge3A_229 : i32
    %and3A_231 = arith.andi %le3A_228, %ge3A_230 : i1
    %convert_element_type3A_232 = arith.extui %and3A_231 : i1 to i32
    %cond3A_233 = arith.constant 0 : i32
    %cond3A_234 = arith.cmpi ne, %convert_element_type3A_232, %cond3A_233 : i32
    scf.if %cond3A_234 {
      %eq3A_552 = arith.constant 24 : i32
      %eq3A_553 = vector.broadcast %eq3A_552 : i32 to vector<1000x1xi32>
      %eq3A_554 = arith.cmpi eq, %get3A_37, %eq3A_553 : vector<1000x1xi32>
      %jit3A = arith.constant 0xFF800000 : f32
      %broadcast_in_dim3A = vector.shape_cast %eq3A_554 : vector<1000x1xi1> to vector<1000x1xi1>
      %broadcast_in_dim3A_555 = vector.broadcast %broadcast_in_dim3A : vector<1000x1xi1> to vector<1000x128xi1>
      %broadcast_in_dim3A_556 = vector.broadcast %jit3A : f32 to vector<1000x128xf32>
      %select_n3A = arith.select %broadcast_in_dim3A_555, %max3A_22, %broadcast_in_dim3A_556 : vector<1000x128xi1>, vector<1000x128xf32>
      %reduce_max3A = arith.constant dense<0xFF800000> : vector<128xf32>
      %reduce_max3A_557 = vector.multi_reduction <maximumf>, %select_n3A, %reduce_max3A [0] : vector<1000x128xf32> to vector<128xf32>
      %broadcast_in_dim3A_558 = vector.shape_cast %reduce_max3A_557 : vector<128xf32> to vector<1x128xf32>
      %get3A_559 = arith.constant 24 : index
      %get3A_560 = arith.constant 0 : index
      %get3A_561 = vector.load %arg11[%get3A_559, %get3A_560] : memref<64x128xf32, #tpu.memory_space<vmem>>, vector<1x128xf32>
      %max3A_562 = arith.maximumf %get3A_561, %broadcast_in_dim3A_558 : vector<1x128xf32>
      %swap3A = arith.constant 24 : index
      %swap3A_563 = arith.constant 0 : index
      %swap3A_564 = vector.load %arg11[%swap3A, %swap3A_563] : memref<64x128xf32, #tpu.memory_space<vmem>>, vector<1x128xf32>
      tpu.vector_store %arg11[%swap3A, %swap3A_563], %max3A_562 {strides = array<i32>} : memref<64x128xf32, #tpu.memory_space<vmem>>, vector<1x128xf32>,
    } else {
    }
    %le3A_235 = arith.constant 25 : i32
    %le3A_236 = arith.cmpi sle, %get3A_27, %le3A_235 : i32
    %ge3A_237 = arith.constant 25 : i32
    %ge3A_238 = arith.cmpi sge, %get3A_34, %ge3A_237 : i32
    %and3A_239 = arith.andi %le3A_236, %ge3A_238 : i1
    %convert_element_type3A_240 = arith.extui %and3A_239 : i1 to i32
    %cond3A_241 = arith.constant 0 : i32
    %cond3A_242 = arith.cmpi ne, %convert_element_type3A_240, %cond3A_241 : i32
    scf.if %cond3A_242 {
      %eq3A_552 = arith.constant 25 : i32
      %eq3A_553 = vector.broadcast %eq3A_552 : i32 to vector<1000x1xi32>
      %eq3A_554 = arith.cmpi eq, %get3A_37, %eq3A_553 : vector<1000x1xi32>
      %jit3A = arith.constant 0xFF800000 : f32
      %broadcast_in_dim3A = vector.shape_cast %eq3A_554 : vector<1000x1xi1> to vector<1000x1xi1>
      %broadcast_in_dim3A_555 = vector.broadcast %broadcast_in_dim3A : vector<1000x1xi1> to vector<1000x128xi1>
      %broadcast_in_dim3A_556 = vector.broadcast %jit3A : f32 to vector<1000x128xf32>
      %select_n3A = arith.select %broadcast_in_dim3A_555, %max3A_22, %broadcast_in_dim3A_556 : vector<1000x128xi1>, vector<1000x128xf32>
      %reduce_max3A = arith.constant dense<0xFF800000> : vector<128xf32>
      %reduce_max3A_557 = vector.multi_reduction <maximumf>, %select_n3A, %reduce_max3A [0] : vector<1000x128xf32> to vector<128xf32>
      %broadcast_in_dim3A_558 = vector.shape_cast %reduce_max3A_557 : vector<128xf32> to vector<1x128xf32>
      %get3A_559 = arith.constant 25 : index
      %get3A_560 = arith.constant 0 : index
      %get3A_561 = vector.load %arg11[%get3A_559, %get3A_560] : memref<64x128xf32, #tpu.memory_space<vmem>>, vector<1x128xf32>
      %max3A_562 = arith.maximumf %get3A_561, %broadcast_in_dim3A_558 : vector<1x128xf32>
      %swap3A = arith.constant 25 : index
      %swap3A_563 = arith.constant 0 : index
      %swap3A_564 = vector.load %arg11[%swap3A, %swap3A_563] : memref<64x128xf32, #tpu.memory_space<vmem>>, vector<1x128xf32>
      tpu.vector_store %arg11[%swap3A, %swap3A_563], %max3A_562 {strides = array<i32>} : memref<64x128xf32, #tpu.memory_space<vmem>>, vector<1x128xf32>,
    } else {
    }
    %le3A_243 = arith.constant 26 : i32
    %le3A_244 = arith.cmpi sle, %get3A_27, %le3A_243 : i32
    %ge3A_245 = arith.constant 26 : i32
    %ge3A_246 = arith.cmpi sge, %get3A_34, %ge3A_245 : i32
    %and3A_247 = arith.andi %le3A_244, %ge3A_246 : i1
    %convert_element_type3A_248 = arith.extui %and3A_247 : i1 to i32
    %cond3A_249 = arith.constant 0 : i32
    %cond3A_250 = arith.cmpi ne, %convert_element_type3A_248, %cond3A_249 : i32
    scf.if %cond3A_250 {
      %eq3A_552 = arith.constant 26 : i32
      %eq3A_553 = vector.broadcast %eq3A_552 : i32 to vector<1000x1xi32>
      %eq3A_554 = arith.cmpi eq, %get3A_37, %eq3A_553 : vector<1000x1xi32>
      %jit3A = arith.constant 0xFF800000 : f32
      %broadcast_in_dim3A = vector.shape_cast %eq3A_554 : vector<1000x1xi1> to vector<1000x1xi1>
      %broadcast_in_dim3A_555 = vector.broadcast %broadcast_in_dim3A : vector<1000x1xi1> to vector<1000x128xi1>
      %broadcast_in_dim3A_556 = vector.broadcast %jit3A : f32 to vector<1000x128xf32>
      %select_n3A = arith.select %broadcast_in_dim3A_555, %max3A_22, %broadcast_in_dim3A_556 : vector<1000x128xi1>, vector<1000x128xf32>
      %reduce_max3A = arith.constant dense<0xFF800000> : vector<128xf32>
      %reduce_max3A_557 = vector.multi_reduction <maximumf>, %select_n3A, %reduce_max3A [0] : vector<1000x128xf32> to vector<128xf32>
      %broadcast_in_dim3A_558 = vector.shape_cast %reduce_max3A_557 : vector<128xf32> to vector<1x128xf32>
      %get3A_559 = arith.constant 26 : index
      %get3A_560 = arith.constant 0 : index
      %get3A_561 = vector.load %arg11[%get3A_559, %get3A_560] : memref<64x128xf32, #tpu.memory_space<vmem>>, vector<1x128xf32>
      %max3A_562 = arith.maximumf %get3A_561, %broadcast_in_dim3A_558 : vector<1x128xf32>
      %swap3A = arith.constant 26 : index
      %swap3A_563 = arith.constant 0 : index
      %swap3A_564 = vector.load %arg11[%swap3A, %swap3A_563] : memref<64x128xf32, #tpu.memory_space<vmem>>, vector<1x128xf32>
      tpu.vector_store %arg11[%swap3A, %swap3A_563], %max3A_562 {strides = array<i32>} : memref<64x128xf32, #tpu.memory_space<vmem>>, vector<1x128xf32>,
    } else {
    }
    %le3A_251 = arith.constant 27 : i32
    %le3A_252 = arith.cmpi sle, %get3A_27, %le3A_251 : i32
    %ge3A_253 = arith.constant 27 : i32
    %ge3A_254 = arith.cmpi sge, %get3A_34, %ge3A_253 : i32
    %and3A_255 = arith.andi %le3A_252, %ge3A_254 : i1
    %convert_element_type3A_256 = arith.extui %and3A_255 : i1 to i32
    %cond3A_257 = arith.constant 0 : i32
    %cond3A_258 = arith.cmpi ne, %convert_element_type3A_256, %cond3A_257 : i32
    scf.if %cond3A_258 {
      %eq3A_552 = arith.constant 27 : i32
      %eq3A_553 = vector.broadcast %eq3A_552 : i32 to vector<1000x1xi32>
      %eq3A_554 = arith.cmpi eq, %get3A_37, %eq3A_553 : vector<1000x1xi32>
      %jit3A = arith.constant 0xFF800000 : f32
      %broadcast_in_dim3A = vector.shape_cast %eq3A_554 : vector<1000x1xi1> to vector<1000x1xi1>
      %broadcast_in_dim3A_555 = vector.broadcast %broadcast_in_dim3A : vector<1000x1xi1> to vector<1000x128xi1>
      %broadcast_in_dim3A_556 = vector.broadcast %jit3A : f32 to vector<1000x128xf32>
      %select_n3A = arith.select %broadcast_in_dim3A_555, %max3A_22, %broadcast_in_dim3A_556 : vector<1000x128xi1>, vector<1000x128xf32>
      %reduce_max3A = arith.constant dense<0xFF800000> : vector<128xf32>
      %reduce_max3A_557 = vector.multi_reduction <maximumf>, %select_n3A, %reduce_max3A [0] : vector<1000x128xf32> to vector<128xf32>
      %broadcast_in_dim3A_558 = vector.shape_cast %reduce_max3A_557 : vector<128xf32> to vector<1x128xf32>
      %get3A_559 = arith.constant 27 : index
      %get3A_560 = arith.constant 0 : index
      %get3A_561 = vector.load %arg11[%get3A_559, %get3A_560] : memref<64x128xf32, #tpu.memory_space<vmem>>, vector<1x128xf32>
      %max3A_562 = arith.maximumf %get3A_561, %broadcast_in_dim3A_558 : vector<1x128xf32>
      %swap3A = arith.constant 27 : index
      %swap3A_563 = arith.constant 0 : index
      %swap3A_564 = vector.load %arg11[%swap3A, %swap3A_563] : memref<64x128xf32, #tpu.memory_space<vmem>>, vector<1x128xf32>
      tpu.vector_store %arg11[%swap3A, %swap3A_563], %max3A_562 {strides = array<i32>} : memref<64x128xf32, #tpu.memory_space<vmem>>, vector<1x128xf32>,
    } else {
    }
    %le3A_259 = arith.constant 28 : i32
    %le3A_260 = arith.cmpi sle, %get3A_27, %le3A_259 : i32
    %ge3A_261 = arith.constant 28 : i32
    %ge3A_262 = arith.cmpi sge, %get3A_34, %ge3A_261 : i32
    %and3A_263 = arith.andi %le3A_260, %ge3A_262 : i1
    %convert_element_type3A_264 = arith.extui %and3A_263 : i1 to i32
    %cond3A_265 = arith.constant 0 : i32
    %cond3A_266 = arith.cmpi ne, %convert_element_type3A_264, %cond3A_265 : i32
    scf.if %cond3A_266 {
      %eq3A_552 = arith.constant 28 : i32
      %eq3A_553 = vector.broadcast %eq3A_552 : i32 to vector<1000x1xi32>
      %eq3A_554 = arith.cmpi eq, %get3A_37, %eq3A_553 : vector<1000x1xi32>
      %jit3A = arith.constant 0xFF800000 : f32
      %broadcast_in_dim3A = vector.shape_cast %eq3A_554 : vector<1000x1xi1> to vector<1000x1xi1>
      %broadcast_in_dim3A_555 = vector.broadcast %broadcast_in_dim3A : vector<1000x1xi1> to vector<1000x128xi1>
      %broadcast_in_dim3A_556 = vector.broadcast %jit3A : f32 to vector<1000x128xf32>
      %select_n3A = arith.select %broadcast_in_dim3A_555, %max3A_22, %broadcast_in_dim3A_556 : vector<1000x128xi1>, vector<1000x128xf32>
      %reduce_max3A = arith.constant dense<0xFF800000> : vector<128xf32>
      %reduce_max3A_557 = vector.multi_reduction <maximumf>, %select_n3A, %reduce_max3A [0] : vector<1000x128xf32> to vector<128xf32>
      %broadcast_in_dim3A_558 = vector.shape_cast %reduce_max3A_557 : vector<128xf32> to vector<1x128xf32>
      %get3A_559 = arith.constant 28 : index
      %get3A_560 = arith.constant 0 : index
      %get3A_561 = vector.load %arg11[%get3A_559, %get3A_560] : memref<64x128xf32, #tpu.memory_space<vmem>>, vector<1x128xf32>
      %max3A_562 = arith.maximumf %get3A_561, %broadcast_in_dim3A_558 : vector<1x128xf32>
      %swap3A = arith.constant 28 : index
      %swap3A_563 = arith.constant 0 : index
      %swap3A_564 = vector.load %arg11[%swap3A, %swap3A_563] : memref<64x128xf32, #tpu.memory_space<vmem>>, vector<1x128xf32>
      tpu.vector_store %arg11[%swap3A, %swap3A_563], %max3A_562 {strides = array<i32>} : memref<64x128xf32, #tpu.memory_space<vmem>>, vector<1x128xf32>,
    } else {
    }
    %le3A_267 = arith.constant 29 : i32
    %le3A_268 = arith.cmpi sle, %get3A_27, %le3A_267 : i32
    %ge3A_269 = arith.constant 29 : i32
    %ge3A_270 = arith.cmpi sge, %get3A_34, %ge3A_269 : i32
    %and3A_271 = arith.andi %le3A_268, %ge3A_270 : i1
    %convert_element_type3A_272 = arith.extui %and3A_271 : i1 to i32
    %cond3A_273 = arith.constant 0 : i32
    %cond3A_274 = arith.cmpi ne, %convert_element_type3A_272, %cond3A_273 : i32
    scf.if %cond3A_274 {
      %eq3A_552 = arith.constant 29 : i32
      %eq3A_553 = vector.broadcast %eq3A_552 : i32 to vector<1000x1xi32>
      %eq3A_554 = arith.cmpi eq, %get3A_37, %eq3A_553 : vector<1000x1xi32>
      %jit3A = arith.constant 0xFF800000 : f32
      %broadcast_in_dim3A = vector.shape_cast %eq3A_554 : vector<1000x1xi1> to vector<1000x1xi1>
      %broadcast_in_dim3A_555 = vector.broadcast %broadcast_in_dim3A : vector<1000x1xi1> to vector<1000x128xi1>
      %broadcast_in_dim3A_556 = vector.broadcast %jit3A : f32 to vector<1000x128xf32>
      %select_n3A = arith.select %broadcast_in_dim3A_555, %max3A_22, %broadcast_in_dim3A_556 : vector<1000x128xi1>, vector<1000x128xf32>
      %reduce_max3A = arith.constant dense<0xFF800000> : vector<128xf32>
      %reduce_max3A_557 = vector.multi_reduction <maximumf>, %select_n3A, %reduce_max3A [0] : vector<1000x128xf32> to vector<128xf32>
      %broadcast_in_dim3A_558 = vector.shape_cast %reduce_max3A_557 : vector<128xf32> to vector<1x128xf32>
      %get3A_559 = arith.constant 29 : index
      %get3A_560 = arith.constant 0 : index
      %get3A_561 = vector.load %arg11[%get3A_559, %get3A_560] : memref<64x128xf32, #tpu.memory_space<vmem>>, vector<1x128xf32>
      %max3A_562 = arith.maximumf %get3A_561, %broadcast_in_dim3A_558 : vector<1x128xf32>
      %swap3A = arith.constant 29 : index
      %swap3A_563 = arith.constant 0 : index
      %swap3A_564 = vector.load %arg11[%swap3A, %swap3A_563] : memref<64x128xf32, #tpu.memory_space<vmem>>, vector<1x128xf32>
      tpu.vector_store %arg11[%swap3A, %swap3A_563], %max3A_562 {strides = array<i32>} : memref<64x128xf32, #tpu.memory_space<vmem>>, vector<1x128xf32>,
    } else {
    }
    %le3A_275 = arith.constant 30 : i32
    %le3A_276 = arith.cmpi sle, %get3A_27, %le3A_275 : i32
    %ge3A_277 = arith.constant 30 : i32
    %ge3A_278 = arith.cmpi sge, %get3A_34, %ge3A_277 : i32
    %and3A_279 = arith.andi %le3A_276, %ge3A_278 : i1
    %convert_element_type3A_280 = arith.extui %and3A_279 : i1 to i32
    %cond3A_281 = arith.constant 0 : i32
    %cond3A_282 = arith.cmpi ne, %convert_element_type3A_280, %cond3A_281 : i32
    scf.if %cond3A_282 {
      %eq3A_552 = arith.constant 30 : i32
      %eq3A_553 = vector.broadcast %eq3A_552 : i32 to vector<1000x1xi32>
      %eq3A_554 = arith.cmpi eq, %get3A_37, %eq3A_553 : vector<1000x1xi32>
      %jit3A = arith.constant 0xFF800000 : f32
      %broadcast_in_dim3A = vector.shape_cast %eq3A_554 : vector<1000x1xi1> to vector<1000x1xi1>
      %broadcast_in_dim3A_555 = vector.broadcast %broadcast_in_dim3A : vector<1000x1xi1> to vector<1000x128xi1>
      %broadcast_in_dim3A_556 = vector.broadcast %jit3A : f32 to vector<1000x128xf32>
      %select_n3A = arith.select %broadcast_in_dim3A_555, %max3A_22, %broadcast_in_dim3A_556 : vector<1000x128xi1>, vector<1000x128xf32>
      %reduce_max3A = arith.constant dense<0xFF800000> : vector<128xf32>
      %reduce_max3A_557 = vector.multi_reduction <maximumf>, %select_n3A, %reduce_max3A [0] : vector<1000x128xf32> to vector<128xf32>
      %broadcast_in_dim3A_558 = vector.shape_cast %reduce_max3A_557 : vector<128xf32> to vector<1x128xf32>
      %get3A_559 = arith.constant 30 : index
      %get3A_560 = arith.constant 0 : index
      %get3A_561 = vector.load %arg11[%get3A_559, %get3A_560] : memref<64x128xf32, #tpu.memory_space<vmem>>, vector<1x128xf32>
      %max3A_562 = arith.maximumf %get3A_561, %broadcast_in_dim3A_558 : vector<1x128xf32>
      %swap3A = arith.constant 30 : index
      %swap3A_563 = arith.constant 0 : index
      %swap3A_564 = vector.load %arg11[%swap3A, %swap3A_563] : memref<64x128xf32, #tpu.memory_space<vmem>>, vector<1x128xf32>
      tpu.vector_store %arg11[%swap3A, %swap3A_563], %max3A_562 {strides = array<i32>} : memref<64x128xf32, #tpu.memory_space<vmem>>, vector<1x128xf32>,
    } else {
    }
    %le3A_283 = arith.constant 31 : i32
    %le3A_284 = arith.cmpi sle, %get3A_27, %le3A_283 : i32
    %ge3A_285 = arith.constant 31 : i32
    %ge3A_286 = arith.cmpi sge, %get3A_34, %ge3A_285 : i32
    %and3A_287 = arith.andi %le3A_284, %ge3A_286 : i1
    %convert_element_type3A_288 = arith.extui %and3A_287 : i1 to i32
    %cond3A_289 = arith.constant 0 : i32
    %cond3A_290 = arith.cmpi ne, %convert_element_type3A_288, %cond3A_289 : i32
    scf.if %cond3A_290 {
      %eq3A_552 = arith.constant 31 : i32
      %eq3A_553 = vector.broadcast %eq3A_552 : i32 to vector<1000x1xi32>
      %eq3A_554 = arith.cmpi eq, %get3A_37, %eq3A_553 : vector<1000x1xi32>
      %jit3A = arith.constant 0xFF800000 : f32
      %broadcast_in_dim3A = vector.shape_cast %eq3A_554 : vector<1000x1xi1> to vector<1000x1xi1>
      %broadcast_in_dim3A_555 = vector.broadcast %broadcast_in_dim3A : vector<1000x1xi1> to vector<1000x128xi1>
      %broadcast_in_dim3A_556 = vector.broadcast %jit3A : f32 to vector<1000x128xf32>
      %select_n3A = arith.select %broadcast_in_dim3A_555, %max3A_22, %broadcast_in_dim3A_556 : vector<1000x128xi1>, vector<1000x128xf32>
      %reduce_max3A = arith.constant dense<0xFF800000> : vector<128xf32>
      %reduce_max3A_557 = vector.multi_reduction <maximumf>, %select_n3A, %reduce_max3A [0] : vector<1000x128xf32> to vector<128xf32>
      %broadcast_in_dim3A_558 = vector.shape_cast %reduce_max3A_557 : vector<128xf32> to vector<1x128xf32>
      %get3A_559 = arith.constant 31 : index
      %get3A_560 = arith.constant 0 : index
      %get3A_561 = vector.load %arg11[%get3A_559, %get3A_560] : memref<64x128xf32, #tpu.memory_space<vmem>>, vector<1x128xf32>
      %max3A_562 = arith.maximumf %get3A_561, %broadcast_in_dim3A_558 : vector<1x128xf32>
      %swap3A = arith.constant 31 : index
      %swap3A_563 = arith.constant 0 : index
      %swap3A_564 = vector.load %arg11[%swap3A, %swap3A_563] : memref<64x128xf32, #tpu.memory_space<vmem>>, vector<1x128xf32>
      tpu.vector_store %arg11[%swap3A, %swap3A_563], %max3A_562 {strides = array<i32>} : memref<64x128xf32, #tpu.memory_space<vmem>>, vector<1x128xf32>,
    } else {
    }
    %le3A_291 = arith.constant 32 : i32
    %le3A_292 = arith.cmpi sle, %get3A_27, %le3A_291 : i32
    %ge3A_293 = arith.constant 32 : i32
    %ge3A_294 = arith.cmpi sge, %get3A_34, %ge3A_293 : i32
    %and3A_295 = arith.andi %le3A_292, %ge3A_294 : i1
    %convert_element_type3A_296 = arith.extui %and3A_295 : i1 to i32
    %cond3A_297 = arith.constant 0 : i32
    %cond3A_298 = arith.cmpi ne, %convert_element_type3A_296, %cond3A_297 : i32
    scf.if %cond3A_298 {
      %eq3A_552 = arith.constant 32 : i32
      %eq3A_553 = vector.broadcast %eq3A_552 : i32 to vector<1000x1xi32>
      %eq3A_554 = arith.cmpi eq, %get3A_37, %eq3A_553 : vector<1000x1xi32>
      %jit3A = arith.constant 0xFF800000 : f32
      %broadcast_in_dim3A = vector.shape_cast %eq3A_554 : vector<1000x1xi1> to vector<1000x1xi1>
      %broadcast_in_dim3A_555 = vector.broadcast %broadcast_in_dim3A : vector<1000x1xi1> to vector<1000x128xi1>
      %broadcast_in_dim3A_556 = vector.broadcast %jit3A : f32 to vector<1000x128xf32>
      %select_n3A = arith.select %broadcast_in_dim3A_555, %max3A_22, %broadcast_in_dim3A_556 : vector<1000x128xi1>, vector<1000x128xf32>
      %reduce_max3A = arith.constant dense<0xFF800000> : vector<128xf32>
      %reduce_max3A_557 = vector.multi_reduction <maximumf>, %select_n3A, %reduce_max3A [0] : vector<1000x128xf32> to vector<128xf32>
      %broadcast_in_dim3A_558 = vector.shape_cast %reduce_max3A_557 : vector<128xf32> to vector<1x128xf32>
      %get3A_559 = arith.constant 32 : index
      %get3A_560 = arith.constant 0 : index
      %get3A_561 = vector.load %arg11[%get3A_559, %get3A_560] : memref<64x128xf32, #tpu.memory_space<vmem>>, vector<1x128xf32>
      %max3A_562 = arith.maximumf %get3A_561, %broadcast_in_dim3A_558 : vector<1x128xf32>
      %swap3A = arith.constant 32 : index
      %swap3A_563 = arith.constant 0 : index
      %swap3A_564 = vector.load %arg11[%swap3A, %swap3A_563] : memref<64x128xf32, #tpu.memory_space<vmem>>, vector<1x128xf32>
      tpu.vector_store %arg11[%swap3A, %swap3A_563], %max3A_562 {strides = array<i32>} : memref<64x128xf32, #tpu.memory_space<vmem>>, vector<1x128xf32>,
    } else {
    }
    %le3A_299 = arith.constant 33 : i32
    %le3A_300 = arith.cmpi sle, %get3A_27, %le3A_299 : i32
    %ge3A_301 = arith.constant 33 : i32
    %ge3A_302 = arith.cmpi sge, %get3A_34, %ge3A_301 : i32
    %and3A_303 = arith.andi %le3A_300, %ge3A_302 : i1
    %convert_element_type3A_304 = arith.extui %and3A_303 : i1 to i32
    %cond3A_305 = arith.constant 0 : i32
    %cond3A_306 = arith.cmpi ne, %convert_element_type3A_304, %cond3A_305 : i32
    scf.if %cond3A_306 {
      %eq3A_552 = arith.constant 33 : i32
      %eq3A_553 = vector.broadcast %eq3A_552 : i32 to vector<1000x1xi32>
      %eq3A_554 = arith.cmpi eq, %get3A_37, %eq3A_553 : vector<1000x1xi32>
      %jit3A = arith.constant 0xFF800000 : f32
      %broadcast_in_dim3A = vector.shape_cast %eq3A_554 : vector<1000x1xi1> to vector<1000x1xi1>
      %broadcast_in_dim3A_555 = vector.broadcast %broadcast_in_dim3A : vector<1000x1xi1> to vector<1000x128xi1>
      %broadcast_in_dim3A_556 = vector.broadcast %jit3A : f32 to vector<1000x128xf32>
      %select_n3A = arith.select %broadcast_in_dim3A_555, %max3A_22, %broadcast_in_dim3A_556 : vector<1000x128xi1>, vector<1000x128xf32>
      %reduce_max3A = arith.constant dense<0xFF800000> : vector<128xf32>
      %reduce_max3A_557 = vector.multi_reduction <maximumf>, %select_n3A, %reduce_max3A [0] : vector<1000x128xf32> to vector<128xf32>
      %broadcast_in_dim3A_558 = vector.shape_cast %reduce_max3A_557 : vector<128xf32> to vector<1x128xf32>
      %get3A_559 = arith.constant 33 : index
      %get3A_560 = arith.constant 0 : index
      %get3A_561 = vector.load %arg11[%get3A_559, %get3A_560] : memref<64x128xf32, #tpu.memory_space<vmem>>, vector<1x128xf32>
      %max3A_562 = arith.maximumf %get3A_561, %broadcast_in_dim3A_558 : vector<1x128xf32>
      %swap3A = arith.constant 33 : index
      %swap3A_563 = arith.constant 0 : index
      %swap3A_564 = vector.load %arg11[%swap3A, %swap3A_563] : memref<64x128xf32, #tpu.memory_space<vmem>>, vector<1x128xf32>
      tpu.vector_store %arg11[%swap3A, %swap3A_563], %max3A_562 {strides = array<i32>} : memref<64x128xf32, #tpu.memory_space<vmem>>, vector<1x128xf32>,
    } else {
    }
    %le3A_307 = arith.constant 34 : i32
    %le3A_308 = arith.cmpi sle, %get3A_27, %le3A_307 : i32
    %ge3A_309 = arith.constant 34 : i32
    %ge3A_310 = arith.cmpi sge, %get3A_34, %ge3A_309 : i32
    %and3A_311 = arith.andi %le3A_308, %ge3A_310 : i1
    %convert_element_type3A_312 = arith.extui %and3A_311 : i1 to i32
    %cond3A_313 = arith.constant 0 : i32
    %cond3A_314 = arith.cmpi ne, %convert_element_type3A_312, %cond3A_313 : i32
    scf.if %cond3A_314 {
      %eq3A_552 = arith.constant 34 : i32
      %eq3A_553 = vector.broadcast %eq3A_552 : i32 to vector<1000x1xi32>
      %eq3A_554 = arith.cmpi eq, %get3A_37, %eq3A_553 : vector<1000x1xi32>
      %jit3A = arith.constant 0xFF800000 : f32
      %broadcast_in_dim3A = vector.shape_cast %eq3A_554 : vector<1000x1xi1> to vector<1000x1xi1>
      %broadcast_in_dim3A_555 = vector.broadcast %broadcast_in_dim3A : vector<1000x1xi1> to vector<1000x128xi1>
      %broadcast_in_dim3A_556 = vector.broadcast %jit3A : f32 to vector<1000x128xf32>
      %select_n3A = arith.select %broadcast_in_dim3A_555, %max3A_22, %broadcast_in_dim3A_556 : vector<1000x128xi1>, vector<1000x128xf32>
      %reduce_max3A = arith.constant dense<0xFF800000> : vector<128xf32>
      %reduce_max3A_557 = vector.multi_reduction <maximumf>, %select_n3A, %reduce_max3A [0] : vector<1000x128xf32> to vector<128xf32>
      %broadcast_in_dim3A_558 = vector.shape_cast %reduce_max3A_557 : vector<128xf32> to vector<1x128xf32>
      %get3A_559 = arith.constant 34 : index
      %get3A_560 = arith.constant 0 : index
      %get3A_561 = vector.load %arg11[%get3A_559, %get3A_560] : memref<64x128xf32, #tpu.memory_space<vmem>>, vector<1x128xf32>
      %max3A_562 = arith.maximumf %get3A_561, %broadcast_in_dim3A_558 : vector<1x128xf32>
      %swap3A = arith.constant 34 : index
      %swap3A_563 = arith.constant 0 : index
      %swap3A_564 = vector.load %arg11[%swap3A, %swap3A_563] : memref<64x128xf32, #tpu.memory_space<vmem>>, vector<1x128xf32>
      tpu.vector_store %arg11[%swap3A, %swap3A_563], %max3A_562 {strides = array<i32>} : memref<64x128xf32, #tpu.memory_space<vmem>>, vector<1x128xf32>,
    } else {
    }
    %le3A_315 = arith.constant 35 : i32
    %le3A_316 = arith.cmpi sle, %get3A_27, %le3A_315 : i32
    %ge3A_317 = arith.constant 35 : i32
    %ge3A_318 = arith.cmpi sge, %get3A_34, %ge3A_317 : i32
    %and3A_319 = arith.andi %le3A_316, %ge3A_318 : i1
    %convert_element_type3A_320 = arith.extui %and3A_319 : i1 to i32
    %cond3A_321 = arith.constant 0 : i32
    %cond3A_322 = arith.cmpi ne, %convert_element_type3A_320, %cond3A_321 : i32
    scf.if %cond3A_322 {
      %eq3A_552 = arith.constant 35 : i32
      %eq3A_553 = vector.broadcast %eq3A_552 : i32 to vector<1000x1xi32>
      %eq3A_554 = arith.cmpi eq, %get3A_37, %eq3A_553 : vector<1000x1xi32>
      %jit3A = arith.constant 0xFF800000 : f32
      %broadcast_in_dim3A = vector.shape_cast %eq3A_554 : vector<1000x1xi1> to vector<1000x1xi1>
      %broadcast_in_dim3A_555 = vector.broadcast %broadcast_in_dim3A : vector<1000x1xi1> to vector<1000x128xi1>
      %broadcast_in_dim3A_556 = vector.broadcast %jit3A : f32 to vector<1000x128xf32>
      %select_n3A = arith.select %broadcast_in_dim3A_555, %max3A_22, %broadcast_in_dim3A_556 : vector<1000x128xi1>, vector<1000x128xf32>
      %reduce_max3A = arith.constant dense<0xFF800000> : vector<128xf32>
      %reduce_max3A_557 = vector.multi_reduction <maximumf>, %select_n3A, %reduce_max3A [0] : vector<1000x128xf32> to vector<128xf32>
      %broadcast_in_dim3A_558 = vector.shape_cast %reduce_max3A_557 : vector<128xf32> to vector<1x128xf32>
      %get3A_559 = arith.constant 35 : index
      %get3A_560 = arith.constant 0 : index
      %get3A_561 = vector.load %arg11[%get3A_559, %get3A_560] : memref<64x128xf32, #tpu.memory_space<vmem>>, vector<1x128xf32>
      %max3A_562 = arith.maximumf %get3A_561, %broadcast_in_dim3A_558 : vector<1x128xf32>
      %swap3A = arith.constant 35 : index
      %swap3A_563 = arith.constant 0 : index
      %swap3A_564 = vector.load %arg11[%swap3A, %swap3A_563] : memref<64x128xf32, #tpu.memory_space<vmem>>, vector<1x128xf32>
      tpu.vector_store %arg11[%swap3A, %swap3A_563], %max3A_562 {strides = array<i32>} : memref<64x128xf32, #tpu.memory_space<vmem>>, vector<1x128xf32>,
    } else {
    }
    %le3A_323 = arith.constant 36 : i32
    %le3A_324 = arith.cmpi sle, %get3A_27, %le3A_323 : i32
    %ge3A_325 = arith.constant 36 : i32
    %ge3A_326 = arith.cmpi sge, %get3A_34, %ge3A_325 : i32
    %and3A_327 = arith.andi %le3A_324, %ge3A_326 : i1
    %convert_element_type3A_328 = arith.extui %and3A_327 : i1 to i32
    %cond3A_329 = arith.constant 0 : i32
    %cond3A_330 = arith.cmpi ne, %convert_element_type3A_328, %cond3A_329 : i32
    scf.if %cond3A_330 {
      %eq3A_552 = arith.constant 36 : i32
      %eq3A_553 = vector.broadcast %eq3A_552 : i32 to vector<1000x1xi32>
      %eq3A_554 = arith.cmpi eq, %get3A_37, %eq3A_553 : vector<1000x1xi32>
      %jit3A = arith.constant 0xFF800000 : f32
      %broadcast_in_dim3A = vector.shape_cast %eq3A_554 : vector<1000x1xi1> to vector<1000x1xi1>
      %broadcast_in_dim3A_555 = vector.broadcast %broadcast_in_dim3A : vector<1000x1xi1> to vector<1000x128xi1>
      %broadcast_in_dim3A_556 = vector.broadcast %jit3A : f32 to vector<1000x128xf32>
      %select_n3A = arith.select %broadcast_in_dim3A_555, %max3A_22, %broadcast_in_dim3A_556 : vector<1000x128xi1>, vector<1000x128xf32>
      %reduce_max3A = arith.constant dense<0xFF800000> : vector<128xf32>
      %reduce_max3A_557 = vector.multi_reduction <maximumf>, %select_n3A, %reduce_max3A [0] : vector<1000x128xf32> to vector<128xf32>
      %broadcast_in_dim3A_558 = vector.shape_cast %reduce_max3A_557 : vector<128xf32> to vector<1x128xf32>
      %get3A_559 = arith.constant 36 : index
      %get3A_560 = arith.constant 0 : index
      %get3A_561 = vector.load %arg11[%get3A_559, %get3A_560] : memref<64x128xf32, #tpu.memory_space<vmem>>, vector<1x128xf32>
      %max3A_562 = arith.maximumf %get3A_561, %broadcast_in_dim3A_558 : vector<1x128xf32>
      %swap3A = arith.constant 36 : index
      %swap3A_563 = arith.constant 0 : index
      %swap3A_564 = vector.load %arg11[%swap3A, %swap3A_563] : memref<64x128xf32, #tpu.memory_space<vmem>>, vector<1x128xf32>
      tpu.vector_store %arg11[%swap3A, %swap3A_563], %max3A_562 {strides = array<i32>} : memref<64x128xf32, #tpu.memory_space<vmem>>, vector<1x128xf32>,
    } else {
    }
    %le3A_331 = arith.constant 37 : i32
    %le3A_332 = arith.cmpi sle, %get3A_27, %le3A_331 : i32
    %ge3A_333 = arith.constant 37 : i32
    %ge3A_334 = arith.cmpi sge, %get3A_34, %ge3A_333 : i32
    %and3A_335 = arith.andi %le3A_332, %ge3A_334 : i1
    %convert_element_type3A_336 = arith.extui %and3A_335 : i1 to i32
    %cond3A_337 = arith.constant 0 : i32
    %cond3A_338 = arith.cmpi ne, %convert_element_type3A_336, %cond3A_337 : i32
    scf.if %cond3A_338 {
      %eq3A_552 = arith.constant 37 : i32
      %eq3A_553 = vector.broadcast %eq3A_552 : i32 to vector<1000x1xi32>
      %eq3A_554 = arith.cmpi eq, %get3A_37, %eq3A_553 : vector<1000x1xi32>
      %jit3A = arith.constant 0xFF800000 : f32
      %broadcast_in_dim3A = vector.shape_cast %eq3A_554 : vector<1000x1xi1> to vector<1000x1xi1>
      %broadcast_in_dim3A_555 = vector.broadcast %broadcast_in_dim3A : vector<1000x1xi1> to vector<1000x128xi1>
      %broadcast_in_dim3A_556 = vector.broadcast %jit3A : f32 to vector<1000x128xf32>
      %select_n3A = arith.select %broadcast_in_dim3A_555, %max3A_22, %broadcast_in_dim3A_556 : vector<1000x128xi1>, vector<1000x128xf32>
      %reduce_max3A = arith.constant dense<0xFF800000> : vector<128xf32>
      %reduce_max3A_557 = vector.multi_reduction <maximumf>, %select_n3A, %reduce_max3A [0] : vector<1000x128xf32> to vector<128xf32>
      %broadcast_in_dim3A_558 = vector.shape_cast %reduce_max3A_557 : vector<128xf32> to vector<1x128xf32>
      %get3A_559 = arith.constant 37 : index
      %get3A_560 = arith.constant 0 : index
      %get3A_561 = vector.load %arg11[%get3A_559, %get3A_560] : memref<64x128xf32, #tpu.memory_space<vmem>>, vector<1x128xf32>
      %max3A_562 = arith.maximumf %get3A_561, %broadcast_in_dim3A_558 : vector<1x128xf32>
      %swap3A = arith.constant 37 : index
      %swap3A_563 = arith.constant 0 : index
      %swap3A_564 = vector.load %arg11[%swap3A, %swap3A_563] : memref<64x128xf32, #tpu.memory_space<vmem>>, vector<1x128xf32>
      tpu.vector_store %arg11[%swap3A, %swap3A_563], %max3A_562 {strides = array<i32>} : memref<64x128xf32, #tpu.memory_space<vmem>>, vector<1x128xf32>,
    } else {
    }
    %le3A_339 = arith.constant 38 : i32
    %le3A_340 = arith.cmpi sle, %get3A_27, %le3A_339 : i32
    %ge3A_341 = arith.constant 38 : i32
    %ge3A_342 = arith.cmpi sge, %get3A_34, %ge3A_341 : i32
    %and3A_343 = arith.andi %le3A_340, %ge3A_342 : i1
    %convert_element_type3A_344 = arith.extui %and3A_343 : i1 to i32
    %cond3A_345 = arith.constant 0 : i32
    %cond3A_346 = arith.cmpi ne, %convert_element_type3A_344, %cond3A_345 : i32
    scf.if %cond3A_346 {
      %eq3A_552 = arith.constant 38 : i32
      %eq3A_553 = vector.broadcast %eq3A_552 : i32 to vector<1000x1xi32>
      %eq3A_554 = arith.cmpi eq, %get3A_37, %eq3A_553 : vector<1000x1xi32>
      %jit3A = arith.constant 0xFF800000 : f32
      %broadcast_in_dim3A = vector.shape_cast %eq3A_554 : vector<1000x1xi1> to vector<1000x1xi1>
      %broadcast_in_dim3A_555 = vector.broadcast %broadcast_in_dim3A : vector<1000x1xi1> to vector<1000x128xi1>
      %broadcast_in_dim3A_556 = vector.broadcast %jit3A : f32 to vector<1000x128xf32>
      %select_n3A = arith.select %broadcast_in_dim3A_555, %max3A_22, %broadcast_in_dim3A_556 : vector<1000x128xi1>, vector<1000x128xf32>
      %reduce_max3A = arith.constant dense<0xFF800000> : vector<128xf32>
      %reduce_max3A_557 = vector.multi_reduction <maximumf>, %select_n3A, %reduce_max3A [0] : vector<1000x128xf32> to vector<128xf32>
      %broadcast_in_dim3A_558 = vector.shape_cast %reduce_max3A_557 : vector<128xf32> to vector<1x128xf32>
      %get3A_559 = arith.constant 38 : index
      %get3A_560 = arith.constant 0 : index
      %get3A_561 = vector.load %arg11[%get3A_559, %get3A_560] : memref<64x128xf32, #tpu.memory_space<vmem>>, vector<1x128xf32>
      %max3A_562 = arith.maximumf %get3A_561, %broadcast_in_dim3A_558 : vector<1x128xf32>
      %swap3A = arith.constant 38 : index
      %swap3A_563 = arith.constant 0 : index
      %swap3A_564 = vector.load %arg11[%swap3A, %swap3A_563] : memref<64x128xf32, #tpu.memory_space<vmem>>, vector<1x128xf32>
      tpu.vector_store %arg11[%swap3A, %swap3A_563], %max3A_562 {strides = array<i32>} : memref<64x128xf32, #tpu.memory_space<vmem>>, vector<1x128xf32>,
    } else {
    }
    %le3A_347 = arith.constant 39 : i32
    %le3A_348 = arith.cmpi sle, %get3A_27, %le3A_347 : i32
    %ge3A_349 = arith.constant 39 : i32
    %ge3A_350 = arith.cmpi sge, %get3A_34, %ge3A_349 : i32
    %and3A_351 = arith.andi %le3A_348, %ge3A_350 : i1
    %convert_element_type3A_352 = arith.extui %and3A_351 : i1 to i32
    %cond3A_353 = arith.constant 0 : i32
    %cond3A_354 = arith.cmpi ne, %convert_element_type3A_352, %cond3A_353 : i32
    scf.if %cond3A_354 {
      %eq3A_552 = arith.constant 39 : i32
      %eq3A_553 = vector.broadcast %eq3A_552 : i32 to vector<1000x1xi32>
      %eq3A_554 = arith.cmpi eq, %get3A_37, %eq3A_553 : vector<1000x1xi32>
      %jit3A = arith.constant 0xFF800000 : f32
      %broadcast_in_dim3A = vector.shape_cast %eq3A_554 : vector<1000x1xi1> to vector<1000x1xi1>
      %broadcast_in_dim3A_555 = vector.broadcast %broadcast_in_dim3A : vector<1000x1xi1> to vector<1000x128xi1>
      %broadcast_in_dim3A_556 = vector.broadcast %jit3A : f32 to vector<1000x128xf32>
      %select_n3A = arith.select %broadcast_in_dim3A_555, %max3A_22, %broadcast_in_dim3A_556 : vector<1000x128xi1>, vector<1000x128xf32>
      %reduce_max3A = arith.constant dense<0xFF800000> : vector<128xf32>
      %reduce_max3A_557 = vector.multi_reduction <maximumf>, %select_n3A, %reduce_max3A [0] : vector<1000x128xf32> to vector<128xf32>
      %broadcast_in_dim3A_558 = vector.shape_cast %reduce_max3A_557 : vector<128xf32> to vector<1x128xf32>
      %get3A_559 = arith.constant 39 : index
      %get3A_560 = arith.constant 0 : index
      %get3A_561 = vector.load %arg11[%get3A_559, %get3A_560] : memref<64x128xf32, #tpu.memory_space<vmem>>, vector<1x128xf32>
      %max3A_562 = arith.maximumf %get3A_561, %broadcast_in_dim3A_558 : vector<1x128xf32>
      %swap3A = arith.constant 39 : index
      %swap3A_563 = arith.constant 0 : index
      %swap3A_564 = vector.load %arg11[%swap3A, %swap3A_563] : memref<64x128xf32, #tpu.memory_space<vmem>>, vector<1x128xf32>
      tpu.vector_store %arg11[%swap3A, %swap3A_563], %max3A_562 {strides = array<i32>} : memref<64x128xf32, #tpu.memory_space<vmem>>, vector<1x128xf32>,
    } else {
    }
    %le3A_355 = arith.constant 40 : i32
    %le3A_356 = arith.cmpi sle, %get3A_27, %le3A_355 : i32
    %ge3A_357 = arith.constant 40 : i32
    %ge3A_358 = arith.cmpi sge, %get3A_34, %ge3A_357 : i32
    %and3A_359 = arith.andi %le3A_356, %ge3A_358 : i1
    %convert_element_type3A_360 = arith.extui %and3A_359 : i1 to i32
    %cond3A_361 = arith.constant 0 : i32
    %cond3A_362 = arith.cmpi ne, %convert_element_type3A_360, %cond3A_361 : i32
    scf.if %cond3A_362 {
      %eq3A_552 = arith.constant 40 : i32
      %eq3A_553 = vector.broadcast %eq3A_552 : i32 to vector<1000x1xi32>
      %eq3A_554 = arith.cmpi eq, %get3A_37, %eq3A_553 : vector<1000x1xi32>
      %jit3A = arith.constant 0xFF800000 : f32
      %broadcast_in_dim3A = vector.shape_cast %eq3A_554 : vector<1000x1xi1> to vector<1000x1xi1>
      %broadcast_in_dim3A_555 = vector.broadcast %broadcast_in_dim3A : vector<1000x1xi1> to vector<1000x128xi1>
      %broadcast_in_dim3A_556 = vector.broadcast %jit3A : f32 to vector<1000x128xf32>
      %select_n3A = arith.select %broadcast_in_dim3A_555, %max3A_22, %broadcast_in_dim3A_556 : vector<1000x128xi1>, vector<1000x128xf32>
      %reduce_max3A = arith.constant dense<0xFF800000> : vector<128xf32>
      %reduce_max3A_557 = vector.multi_reduction <maximumf>, %select_n3A, %reduce_max3A [0] : vector<1000x128xf32> to vector<128xf32>
      %broadcast_in_dim3A_558 = vector.shape_cast %reduce_max3A_557 : vector<128xf32> to vector<1x128xf32>
      %get3A_559 = arith.constant 40 : index
      %get3A_560 = arith.constant 0 : index
      %get3A_561 = vector.load %arg11[%get3A_559, %get3A_560] : memref<64x128xf32, #tpu.memory_space<vmem>>, vector<1x128xf32>
      %max3A_562 = arith.maximumf %get3A_561, %broadcast_in_dim3A_558 : vector<1x128xf32>
      %swap3A = arith.constant 40 : index
      %swap3A_563 = arith.constant 0 : index
      %swap3A_564 = vector.load %arg11[%swap3A, %swap3A_563] : memref<64x128xf32, #tpu.memory_space<vmem>>, vector<1x128xf32>
      tpu.vector_store %arg11[%swap3A, %swap3A_563], %max3A_562 {strides = array<i32>} : memref<64x128xf32, #tpu.memory_space<vmem>>, vector<1x128xf32>,
    } else {
    }
    %le3A_363 = arith.constant 41 : i32
    %le3A_364 = arith.cmpi sle, %get3A_27, %le3A_363 : i32
    %ge3A_365 = arith.constant 41 : i32
    %ge3A_366 = arith.cmpi sge, %get3A_34, %ge3A_365 : i32
    %and3A_367 = arith.andi %le3A_364, %ge3A_366 : i1
    %convert_element_type3A_368 = arith.extui %and3A_367 : i1 to i32
    %cond3A_369 = arith.constant 0 : i32
    %cond3A_370 = arith.cmpi ne, %convert_element_type3A_368, %cond3A_369 : i32
    scf.if %cond3A_370 {
      %eq3A_552 = arith.constant 41 : i32
      %eq3A_553 = vector.broadcast %eq3A_552 : i32 to vector<1000x1xi32>
      %eq3A_554 = arith.cmpi eq, %get3A_37, %eq3A_553 : vector<1000x1xi32>
      %jit3A = arith.constant 0xFF800000 : f32
      %broadcast_in_dim3A = vector.shape_cast %eq3A_554 : vector<1000x1xi1> to vector<1000x1xi1>
      %broadcast_in_dim3A_555 = vector.broadcast %broadcast_in_dim3A : vector<1000x1xi1> to vector<1000x128xi1>
      %broadcast_in_dim3A_556 = vector.broadcast %jit3A : f32 to vector<1000x128xf32>
      %select_n3A = arith.select %broadcast_in_dim3A_555, %max3A_22, %broadcast_in_dim3A_556 : vector<1000x128xi1>, vector<1000x128xf32>
      %reduce_max3A = arith.constant dense<0xFF800000> : vector<128xf32>
      %reduce_max3A_557 = vector.multi_reduction <maximumf>, %select_n3A, %reduce_max3A [0] : vector<1000x128xf32> to vector<128xf32>
      %broadcast_in_dim3A_558 = vector.shape_cast %reduce_max3A_557 : vector<128xf32> to vector<1x128xf32>
      %get3A_559 = arith.constant 41 : index
      %get3A_560 = arith.constant 0 : index
      %get3A_561 = vector.load %arg11[%get3A_559, %get3A_560] : memref<64x128xf32, #tpu.memory_space<vmem>>, vector<1x128xf32>
      %max3A_562 = arith.maximumf %get3A_561, %broadcast_in_dim3A_558 : vector<1x128xf32>
      %swap3A = arith.constant 41 : index
      %swap3A_563 = arith.constant 0 : index
      %swap3A_564 = vector.load %arg11[%swap3A, %swap3A_563] : memref<64x128xf32, #tpu.memory_space<vmem>>, vector<1x128xf32>
      tpu.vector_store %arg11[%swap3A, %swap3A_563], %max3A_562 {strides = array<i32>} : memref<64x128xf32, #tpu.memory_space<vmem>>, vector<1x128xf32>,
    } else {
    }
    %le3A_371 = arith.constant 42 : i32
    %le3A_372 = arith.cmpi sle, %get3A_27, %le3A_371 : i32
    %ge3A_373 = arith.constant 42 : i32
    %ge3A_374 = arith.cmpi sge, %get3A_34, %ge3A_373 : i32
    %and3A_375 = arith.andi %le3A_372, %ge3A_374 : i1
    %convert_element_type3A_376 = arith.extui %and3A_375 : i1 to i32
    %cond3A_377 = arith.constant 0 : i32
    %cond3A_378 = arith.cmpi ne, %convert_element_type3A_376, %cond3A_377 : i32
    scf.if %cond3A_378 {
      %eq3A_552 = arith.constant 42 : i32
      %eq3A_553 = vector.broadcast %eq3A_552 : i32 to vector<1000x1xi32>
      %eq3A_554 = arith.cmpi eq, %get3A_37, %eq3A_553 : vector<1000x1xi32>
      %jit3A = arith.constant 0xFF800000 : f32
      %broadcast_in_dim3A = vector.shape_cast %eq3A_554 : vector<1000x1xi1> to vector<1000x1xi1>
      %broadcast_in_dim3A_555 = vector.broadcast %broadcast_in_dim3A : vector<1000x1xi1> to vector<1000x128xi1>
      %broadcast_in_dim3A_556 = vector.broadcast %jit3A : f32 to vector<1000x128xf32>
      %select_n3A = arith.select %broadcast_in_dim3A_555, %max3A_22, %broadcast_in_dim3A_556 : vector<1000x128xi1>, vector<1000x128xf32>
      %reduce_max3A = arith.constant dense<0xFF800000> : vector<128xf32>
      %reduce_max3A_557 = vector.multi_reduction <maximumf>, %select_n3A, %reduce_max3A [0] : vector<1000x128xf32> to vector<128xf32>
      %broadcast_in_dim3A_558 = vector.shape_cast %reduce_max3A_557 : vector<128xf32> to vector<1x128xf32>
      %get3A_559 = arith.constant 42 : index
      %get3A_560 = arith.constant 0 : index
      %get3A_561 = vector.load %arg11[%get3A_559, %get3A_560] : memref<64x128xf32, #tpu.memory_space<vmem>>, vector<1x128xf32>
      %max3A_562 = arith.maximumf %get3A_561, %broadcast_in_dim3A_558 : vector<1x128xf32>
      %swap3A = arith.constant 42 : index
      %swap3A_563 = arith.constant 0 : index
      %swap3A_564 = vector.load %arg11[%swap3A, %swap3A_563] : memref<64x128xf32, #tpu.memory_space<vmem>>, vector<1x128xf32>
      tpu.vector_store %arg11[%swap3A, %swap3A_563], %max3A_562 {strides = array<i32>} : memref<64x128xf32, #tpu.memory_space<vmem>>, vector<1x128xf32>,
    } else {
    }
    %le3A_379 = arith.constant 43 : i32
    %le3A_380 = arith.cmpi sle, %get3A_27, %le3A_379 : i32
    %ge3A_381 = arith.constant 43 : i32
    %ge3A_382 = arith.cmpi sge, %get3A_34, %ge3A_381 : i32
    %and3A_383 = arith.andi %le3A_380, %ge3A_382 : i1
    %convert_element_type3A_384 = arith.extui %and3A_383 : i1 to i32
    %cond3A_385 = arith.constant 0 : i32
    %cond3A_386 = arith.cmpi ne, %convert_element_type3A_384, %cond3A_385 : i32
    scf.if %cond3A_386 {
      %eq3A_552 = arith.constant 43 : i32
      %eq3A_553 = vector.broadcast %eq3A_552 : i32 to vector<1000x1xi32>
      %eq3A_554 = arith.cmpi eq, %get3A_37, %eq3A_553 : vector<1000x1xi32>
      %jit3A = arith.constant 0xFF800000 : f32
      %broadcast_in_dim3A = vector.shape_cast %eq3A_554 : vector<1000x1xi1> to vector<1000x1xi1>
      %broadcast_in_dim3A_555 = vector.broadcast %broadcast_in_dim3A : vector<1000x1xi1> to vector<1000x128xi1>
      %broadcast_in_dim3A_556 = vector.broadcast %jit3A : f32 to vector<1000x128xf32>
      %select_n3A = arith.select %broadcast_in_dim3A_555, %max3A_22, %broadcast_in_dim3A_556 : vector<1000x128xi1>, vector<1000x128xf32>
      %reduce_max3A = arith.constant dense<0xFF800000> : vector<128xf32>
      %reduce_max3A_557 = vector.multi_reduction <maximumf>, %select_n3A, %reduce_max3A [0] : vector<1000x128xf32> to vector<128xf32>
      %broadcast_in_dim3A_558 = vector.shape_cast %reduce_max3A_557 : vector<128xf32> to vector<1x128xf32>
      %get3A_559 = arith.constant 43 : index
      %get3A_560 = arith.constant 0 : index
      %get3A_561 = vector.load %arg11[%get3A_559, %get3A_560] : memref<64x128xf32, #tpu.memory_space<vmem>>, vector<1x128xf32>
      %max3A_562 = arith.maximumf %get3A_561, %broadcast_in_dim3A_558 : vector<1x128xf32>
      %swap3A = arith.constant 43 : index
      %swap3A_563 = arith.constant 0 : index
      %swap3A_564 = vector.load %arg11[%swap3A, %swap3A_563] : memref<64x128xf32, #tpu.memory_space<vmem>>, vector<1x128xf32>
      tpu.vector_store %arg11[%swap3A, %swap3A_563], %max3A_562 {strides = array<i32>} : memref<64x128xf32, #tpu.memory_space<vmem>>, vector<1x128xf32>,
    } else {
    }
    %le3A_387 = arith.constant 44 : i32
    %le3A_388 = arith.cmpi sle, %get3A_27, %le3A_387 : i32
    %ge3A_389 = arith.constant 44 : i32
    %ge3A_390 = arith.cmpi sge, %get3A_34, %ge3A_389 : i32
    %and3A_391 = arith.andi %le3A_388, %ge3A_390 : i1
    %convert_element_type3A_392 = arith.extui %and3A_391 : i1 to i32
    %cond3A_393 = arith.constant 0 : i32
    %cond3A_394 = arith.cmpi ne, %convert_element_type3A_392, %cond3A_393 : i32
    scf.if %cond3A_394 {
      %eq3A_552 = arith.constant 44 : i32
      %eq3A_553 = vector.broadcast %eq3A_552 : i32 to vector<1000x1xi32>
      %eq3A_554 = arith.cmpi eq, %get3A_37, %eq3A_553 : vector<1000x1xi32>
      %jit3A = arith.constant 0xFF800000 : f32
      %broadcast_in_dim3A = vector.shape_cast %eq3A_554 : vector<1000x1xi1> to vector<1000x1xi1>
      %broadcast_in_dim3A_555 = vector.broadcast %broadcast_in_dim3A : vector<1000x1xi1> to vector<1000x128xi1>
      %broadcast_in_dim3A_556 = vector.broadcast %jit3A : f32 to vector<1000x128xf32>
      %select_n3A = arith.select %broadcast_in_dim3A_555, %max3A_22, %broadcast_in_dim3A_556 : vector<1000x128xi1>, vector<1000x128xf32>
      %reduce_max3A = arith.constant dense<0xFF800000> : vector<128xf32>
      %reduce_max3A_557 = vector.multi_reduction <maximumf>, %select_n3A, %reduce_max3A [0] : vector<1000x128xf32> to vector<128xf32>
      %broadcast_in_dim3A_558 = vector.shape_cast %reduce_max3A_557 : vector<128xf32> to vector<1x128xf32>
      %get3A_559 = arith.constant 44 : index
      %get3A_560 = arith.constant 0 : index
      %get3A_561 = vector.load %arg11[%get3A_559, %get3A_560] : memref<64x128xf32, #tpu.memory_space<vmem>>, vector<1x128xf32>
      %max3A_562 = arith.maximumf %get3A_561, %broadcast_in_dim3A_558 : vector<1x128xf32>
      %swap3A = arith.constant 44 : index
      %swap3A_563 = arith.constant 0 : index
      %swap3A_564 = vector.load %arg11[%swap3A, %swap3A_563] : memref<64x128xf32, #tpu.memory_space<vmem>>, vector<1x128xf32>
      tpu.vector_store %arg11[%swap3A, %swap3A_563], %max3A_562 {strides = array<i32>} : memref<64x128xf32, #tpu.memory_space<vmem>>, vector<1x128xf32>,
    } else {
    }
    %le3A_395 = arith.constant 45 : i32
    %le3A_396 = arith.cmpi sle, %get3A_27, %le3A_395 : i32
    %ge3A_397 = arith.constant 45 : i32
    %ge3A_398 = arith.cmpi sge, %get3A_34, %ge3A_397 : i32
    %and3A_399 = arith.andi %le3A_396, %ge3A_398 : i1
    %convert_element_type3A_400 = arith.extui %and3A_399 : i1 to i32
    %cond3A_401 = arith.constant 0 : i32
    %cond3A_402 = arith.cmpi ne, %convert_element_type3A_400, %cond3A_401 : i32
    scf.if %cond3A_402 {
      %eq3A_552 = arith.constant 45 : i32
      %eq3A_553 = vector.broadcast %eq3A_552 : i32 to vector<1000x1xi32>
      %eq3A_554 = arith.cmpi eq, %get3A_37, %eq3A_553 : vector<1000x1xi32>
      %jit3A = arith.constant 0xFF800000 : f32
      %broadcast_in_dim3A = vector.shape_cast %eq3A_554 : vector<1000x1xi1> to vector<1000x1xi1>
      %broadcast_in_dim3A_555 = vector.broadcast %broadcast_in_dim3A : vector<1000x1xi1> to vector<1000x128xi1>
      %broadcast_in_dim3A_556 = vector.broadcast %jit3A : f32 to vector<1000x128xf32>
      %select_n3A = arith.select %broadcast_in_dim3A_555, %max3A_22, %broadcast_in_dim3A_556 : vector<1000x128xi1>, vector<1000x128xf32>
      %reduce_max3A = arith.constant dense<0xFF800000> : vector<128xf32>
      %reduce_max3A_557 = vector.multi_reduction <maximumf>, %select_n3A, %reduce_max3A [0] : vector<1000x128xf32> to vector<128xf32>
      %broadcast_in_dim3A_558 = vector.shape_cast %reduce_max3A_557 : vector<128xf32> to vector<1x128xf32>
      %get3A_559 = arith.constant 45 : index
      %get3A_560 = arith.constant 0 : index
      %get3A_561 = vector.load %arg11[%get3A_559, %get3A_560] : memref<64x128xf32, #tpu.memory_space<vmem>>, vector<1x128xf32>
      %max3A_562 = arith.maximumf %get3A_561, %broadcast_in_dim3A_558 : vector<1x128xf32>
      %swap3A = arith.constant 45 : index
      %swap3A_563 = arith.constant 0 : index
      %swap3A_564 = vector.load %arg11[%swap3A, %swap3A_563] : memref<64x128xf32, #tpu.memory_space<vmem>>, vector<1x128xf32>
      tpu.vector_store %arg11[%swap3A, %swap3A_563], %max3A_562 {strides = array<i32>} : memref<64x128xf32, #tpu.memory_space<vmem>>, vector<1x128xf32>,
    } else {
    }
    %le3A_403 = arith.constant 46 : i32
    %le3A_404 = arith.cmpi sle, %get3A_27, %le3A_403 : i32
    %ge3A_405 = arith.constant 46 : i32
    %ge3A_406 = arith.cmpi sge, %get3A_34, %ge3A_405 : i32
    %and3A_407 = arith.andi %le3A_404, %ge3A_406 : i1
    %convert_element_type3A_408 = arith.extui %and3A_407 : i1 to i32
    %cond3A_409 = arith.constant 0 : i32
    %cond3A_410 = arith.cmpi ne, %convert_element_type3A_408, %cond3A_409 : i32
    scf.if %cond3A_410 {
      %eq3A_552 = arith.constant 46 : i32
      %eq3A_553 = vector.broadcast %eq3A_552 : i32 to vector<1000x1xi32>
      %eq3A_554 = arith.cmpi eq, %get3A_37, %eq3A_553 : vector<1000x1xi32>
      %jit3A = arith.constant 0xFF800000 : f32
      %broadcast_in_dim3A = vector.shape_cast %eq3A_554 : vector<1000x1xi1> to vector<1000x1xi1>
      %broadcast_in_dim3A_555 = vector.broadcast %broadcast_in_dim3A : vector<1000x1xi1> to vector<1000x128xi1>
      %broadcast_in_dim3A_556 = vector.broadcast %jit3A : f32 to vector<1000x128xf32>
      %select_n3A = arith.select %broadcast_in_dim3A_555, %max3A_22, %broadcast_in_dim3A_556 : vector<1000x128xi1>, vector<1000x128xf32>
      %reduce_max3A = arith.constant dense<0xFF800000> : vector<128xf32>
      %reduce_max3A_557 = vector.multi_reduction <maximumf>, %select_n3A, %reduce_max3A [0] : vector<1000x128xf32> to vector<128xf32>
      %broadcast_in_dim3A_558 = vector.shape_cast %reduce_max3A_557 : vector<128xf32> to vector<1x128xf32>
      %get3A_559 = arith.constant 46 : index
      %get3A_560 = arith.constant 0 : index
      %get3A_561 = vector.load %arg11[%get3A_559, %get3A_560] : memref<64x128xf32, #tpu.memory_space<vmem>>, vector<1x128xf32>
      %max3A_562 = arith.maximumf %get3A_561, %broadcast_in_dim3A_558 : vector<1x128xf32>
      %swap3A = arith.constant 46 : index
      %swap3A_563 = arith.constant 0 : index
      %swap3A_564 = vector.load %arg11[%swap3A, %swap3A_563] : memref<64x128xf32, #tpu.memory_space<vmem>>, vector<1x128xf32>
      tpu.vector_store %arg11[%swap3A, %swap3A_563], %max3A_562 {strides = array<i32>} : memref<64x128xf32, #tpu.memory_space<vmem>>, vector<1x128xf32>,
    } else {
    }
    %le3A_411 = arith.constant 47 : i32
    %le3A_412 = arith.cmpi sle, %get3A_27, %le3A_411 : i32
    %ge3A_413 = arith.constant 47 : i32
    %ge3A_414 = arith.cmpi sge, %get3A_34, %ge3A_413 : i32
    %and3A_415 = arith.andi %le3A_412, %ge3A_414 : i1
    %convert_element_type3A_416 = arith.extui %and3A_415 : i1 to i32
    %cond3A_417 = arith.constant 0 : i32
    %cond3A_418 = arith.cmpi ne, %convert_element_type3A_416, %cond3A_417 : i32
    scf.if %cond3A_418 {
      %eq3A_552 = arith.constant 47 : i32
      %eq3A_553 = vector.broadcast %eq3A_552 : i32 to vector<1000x1xi32>
      %eq3A_554 = arith.cmpi eq, %get3A_37, %eq3A_553 : vector<1000x1xi32>
      %jit3A = arith.constant 0xFF800000 : f32
      %broadcast_in_dim3A = vector.shape_cast %eq3A_554 : vector<1000x1xi1> to vector<1000x1xi1>
      %broadcast_in_dim3A_555 = vector.broadcast %broadcast_in_dim3A : vector<1000x1xi1> to vector<1000x128xi1>
      %broadcast_in_dim3A_556 = vector.broadcast %jit3A : f32 to vector<1000x128xf32>
      %select_n3A = arith.select %broadcast_in_dim3A_555, %max3A_22, %broadcast_in_dim3A_556 : vector<1000x128xi1>, vector<1000x128xf32>
      %reduce_max3A = arith.constant dense<0xFF800000> : vector<128xf32>
      %reduce_max3A_557 = vector.multi_reduction <maximumf>, %select_n3A, %reduce_max3A [0] : vector<1000x128xf32> to vector<128xf32>
      %broadcast_in_dim3A_558 = vector.shape_cast %reduce_max3A_557 : vector<128xf32> to vector<1x128xf32>
      %get3A_559 = arith.constant 47 : index
      %get3A_560 = arith.constant 0 : index
      %get3A_561 = vector.load %arg11[%get3A_559, %get3A_560] : memref<64x128xf32, #tpu.memory_space<vmem>>, vector<1x128xf32>
      %max3A_562 = arith.maximumf %get3A_561, %broadcast_in_dim3A_558 : vector<1x128xf32>
      %swap3A = arith.constant 47 : index
      %swap3A_563 = arith.constant 0 : index
      %swap3A_564 = vector.load %arg11[%swap3A, %swap3A_563] : memref<64x128xf32, #tpu.memory_space<vmem>>, vector<1x128xf32>
      tpu.vector_store %arg11[%swap3A, %swap3A_563], %max3A_562 {strides = array<i32>} : memref<64x128xf32, #tpu.memory_space<vmem>>, vector<1x128xf32>,
    } else {
    }
    %le3A_419 = arith.constant 48 : i32
    %le3A_420 = arith.cmpi sle, %get3A_27, %le3A_419 : i32
    %ge3A_421 = arith.constant 48 : i32
    %ge3A_422 = arith.cmpi sge, %get3A_34, %ge3A_421 : i32
    %and3A_423 = arith.andi %le3A_420, %ge3A_422 : i1
    %convert_element_type3A_424 = arith.extui %and3A_423 : i1 to i32
    %cond3A_425 = arith.constant 0 : i32
    %cond3A_426 = arith.cmpi ne, %convert_element_type3A_424, %cond3A_425 : i32
    scf.if %cond3A_426 {
      %eq3A_552 = arith.constant 48 : i32
      %eq3A_553 = vector.broadcast %eq3A_552 : i32 to vector<1000x1xi32>
      %eq3A_554 = arith.cmpi eq, %get3A_37, %eq3A_553 : vector<1000x1xi32>
      %jit3A = arith.constant 0xFF800000 : f32
      %broadcast_in_dim3A = vector.shape_cast %eq3A_554 : vector<1000x1xi1> to vector<1000x1xi1>
      %broadcast_in_dim3A_555 = vector.broadcast %broadcast_in_dim3A : vector<1000x1xi1> to vector<1000x128xi1>
      %broadcast_in_dim3A_556 = vector.broadcast %jit3A : f32 to vector<1000x128xf32>
      %select_n3A = arith.select %broadcast_in_dim3A_555, %max3A_22, %broadcast_in_dim3A_556 : vector<1000x128xi1>, vector<1000x128xf32>
      %reduce_max3A = arith.constant dense<0xFF800000> : vector<128xf32>
      %reduce_max3A_557 = vector.multi_reduction <maximumf>, %select_n3A, %reduce_max3A [0] : vector<1000x128xf32> to vector<128xf32>
      %broadcast_in_dim3A_558 = vector.shape_cast %reduce_max3A_557 : vector<128xf32> to vector<1x128xf32>
      %get3A_559 = arith.constant 48 : index
      %get3A_560 = arith.constant 0 : index
      %get3A_561 = vector.load %arg11[%get3A_559, %get3A_560] : memref<64x128xf32, #tpu.memory_space<vmem>>, vector<1x128xf32>
      %max3A_562 = arith.maximumf %get3A_561, %broadcast_in_dim3A_558 : vector<1x128xf32>
      %swap3A = arith.constant 48 : index
      %swap3A_563 = arith.constant 0 : index
      %swap3A_564 = vector.load %arg11[%swap3A, %swap3A_563] : memref<64x128xf32, #tpu.memory_space<vmem>>, vector<1x128xf32>
      tpu.vector_store %arg11[%swap3A, %swap3A_563], %max3A_562 {strides = array<i32>} : memref<64x128xf32, #tpu.memory_space<vmem>>, vector<1x128xf32>,
    } else {
    }
    %le3A_427 = arith.constant 49 : i32
    %le3A_428 = arith.cmpi sle, %get3A_27, %le3A_427 : i32
    %ge3A_429 = arith.constant 49 : i32
    %ge3A_430 = arith.cmpi sge, %get3A_34, %ge3A_429 : i32
    %and3A_431 = arith.andi %le3A_428, %ge3A_430 : i1
    %convert_element_type3A_432 = arith.extui %and3A_431 : i1 to i32
    %cond3A_433 = arith.constant 0 : i32
    %cond3A_434 = arith.cmpi ne, %convert_element_type3A_432, %cond3A_433 : i32
    scf.if %cond3A_434 {
      %eq3A_552 = arith.constant 49 : i32
      %eq3A_553 = vector.broadcast %eq3A_552 : i32 to vector<1000x1xi32>
      %eq3A_554 = arith.cmpi eq, %get3A_37, %eq3A_553 : vector<1000x1xi32>
      %jit3A = arith.constant 0xFF800000 : f32
      %broadcast_in_dim3A = vector.shape_cast %eq3A_554 : vector<1000x1xi1> to vector<1000x1xi1>
      %broadcast_in_dim3A_555 = vector.broadcast %broadcast_in_dim3A : vector<1000x1xi1> to vector<1000x128xi1>
      %broadcast_in_dim3A_556 = vector.broadcast %jit3A : f32 to vector<1000x128xf32>
      %select_n3A = arith.select %broadcast_in_dim3A_555, %max3A_22, %broadcast_in_dim3A_556 : vector<1000x128xi1>, vector<1000x128xf32>
      %reduce_max3A = arith.constant dense<0xFF800000> : vector<128xf32>
      %reduce_max3A_557 = vector.multi_reduction <maximumf>, %select_n3A, %reduce_max3A [0] : vector<1000x128xf32> to vector<128xf32>
      %broadcast_in_dim3A_558 = vector.shape_cast %reduce_max3A_557 : vector<128xf32> to vector<1x128xf32>
      %get3A_559 = arith.constant 49 : index
      %get3A_560 = arith.constant 0 : index
      %get3A_561 = vector.load %arg11[%get3A_559, %get3A_560] : memref<64x128xf32, #tpu.memory_space<vmem>>, vector<1x128xf32>
      %max3A_562 = arith.maximumf %get3A_561, %broadcast_in_dim3A_558 : vector<1x128xf32>
      %swap3A = arith.constant 49 : index
      %swap3A_563 = arith.constant 0 : index
      %swap3A_564 = vector.load %arg11[%swap3A, %swap3A_563] : memref<64x128xf32, #tpu.memory_space<vmem>>, vector<1x128xf32>
      tpu.vector_store %arg11[%swap3A, %swap3A_563], %max3A_562 {strides = array<i32>} : memref<64x128xf32, #tpu.memory_space<vmem>>, vector<1x128xf32>,
    } else {
    }
    %le3A_435 = arith.constant 50 : i32
    %le3A_436 = arith.cmpi sle, %get3A_27, %le3A_435 : i32
    %ge3A_437 = arith.constant 50 : i32
    %ge3A_438 = arith.cmpi sge, %get3A_34, %ge3A_437 : i32
    %and3A_439 = arith.andi %le3A_436, %ge3A_438 : i1
    %convert_element_type3A_440 = arith.extui %and3A_439 : i1 to i32
    %cond3A_441 = arith.constant 0 : i32
    %cond3A_442 = arith.cmpi ne, %convert_element_type3A_440, %cond3A_441 : i32
    scf.if %cond3A_442 {
      %eq3A_552 = arith.constant 50 : i32
      %eq3A_553 = vector.broadcast %eq3A_552 : i32 to vector<1000x1xi32>
      %eq3A_554 = arith.cmpi eq, %get3A_37, %eq3A_553 : vector<1000x1xi32>
      %jit3A = arith.constant 0xFF800000 : f32
      %broadcast_in_dim3A = vector.shape_cast %eq3A_554 : vector<1000x1xi1> to vector<1000x1xi1>
      %broadcast_in_dim3A_555 = vector.broadcast %broadcast_in_dim3A : vector<1000x1xi1> to vector<1000x128xi1>
      %broadcast_in_dim3A_556 = vector.broadcast %jit3A : f32 to vector<1000x128xf32>
      %select_n3A = arith.select %broadcast_in_dim3A_555, %max3A_22, %broadcast_in_dim3A_556 : vector<1000x128xi1>, vector<1000x128xf32>
      %reduce_max3A = arith.constant dense<0xFF800000> : vector<128xf32>
      %reduce_max3A_557 = vector.multi_reduction <maximumf>, %select_n3A, %reduce_max3A [0] : vector<1000x128xf32> to vector<128xf32>
      %broadcast_in_dim3A_558 = vector.shape_cast %reduce_max3A_557 : vector<128xf32> to vector<1x128xf32>
      %get3A_559 = arith.constant 50 : index
      %get3A_560 = arith.constant 0 : index
      %get3A_561 = vector.load %arg11[%get3A_559, %get3A_560] : memref<64x128xf32, #tpu.memory_space<vmem>>, vector<1x128xf32>
      %max3A_562 = arith.maximumf %get3A_561, %broadcast_in_dim3A_558 : vector<1x128xf32>
      %swap3A = arith.constant 50 : index
      %swap3A_563 = arith.constant 0 : index
      %swap3A_564 = vector.load %arg11[%swap3A, %swap3A_563] : memref<64x128xf32, #tpu.memory_space<vmem>>, vector<1x128xf32>
      tpu.vector_store %arg11[%swap3A, %swap3A_563], %max3A_562 {strides = array<i32>} : memref<64x128xf32, #tpu.memory_space<vmem>>, vector<1x128xf32>,
    } else {
    }
    %le3A_443 = arith.constant 51 : i32
    %le3A_444 = arith.cmpi sle, %get3A_27, %le3A_443 : i32
    %ge3A_445 = arith.constant 51 : i32
    %ge3A_446 = arith.cmpi sge, %get3A_34, %ge3A_445 : i32
    %and3A_447 = arith.andi %le3A_444, %ge3A_446 : i1
    %convert_element_type3A_448 = arith.extui %and3A_447 : i1 to i32
    %cond3A_449 = arith.constant 0 : i32
    %cond3A_450 = arith.cmpi ne, %convert_element_type3A_448, %cond3A_449 : i32
    scf.if %cond3A_450 {
      %eq3A_552 = arith.constant 51 : i32
      %eq3A_553 = vector.broadcast %eq3A_552 : i32 to vector<1000x1xi32>
      %eq3A_554 = arith.cmpi eq, %get3A_37, %eq3A_553 : vector<1000x1xi32>
      %jit3A = arith.constant 0xFF800000 : f32
      %broadcast_in_dim3A = vector.shape_cast %eq3A_554 : vector<1000x1xi1> to vector<1000x1xi1>
      %broadcast_in_dim3A_555 = vector.broadcast %broadcast_in_dim3A : vector<1000x1xi1> to vector<1000x128xi1>
      %broadcast_in_dim3A_556 = vector.broadcast %jit3A : f32 to vector<1000x128xf32>
      %select_n3A = arith.select %broadcast_in_dim3A_555, %max3A_22, %broadcast_in_dim3A_556 : vector<1000x128xi1>, vector<1000x128xf32>
      %reduce_max3A = arith.constant dense<0xFF800000> : vector<128xf32>
      %reduce_max3A_557 = vector.multi_reduction <maximumf>, %select_n3A, %reduce_max3A [0] : vector<1000x128xf32> to vector<128xf32>
      %broadcast_in_dim3A_558 = vector.shape_cast %reduce_max3A_557 : vector<128xf32> to vector<1x128xf32>
      %get3A_559 = arith.constant 51 : index
      %get3A_560 = arith.constant 0 : index
      %get3A_561 = vector.load %arg11[%get3A_559, %get3A_560] : memref<64x128xf32, #tpu.memory_space<vmem>>, vector<1x128xf32>
      %max3A_562 = arith.maximumf %get3A_561, %broadcast_in_dim3A_558 : vector<1x128xf32>
      %swap3A = arith.constant 51 : index
      %swap3A_563 = arith.constant 0 : index
      %swap3A_564 = vector.load %arg11[%swap3A, %swap3A_563] : memref<64x128xf32, #tpu.memory_space<vmem>>, vector<1x128xf32>
      tpu.vector_store %arg11[%swap3A, %swap3A_563], %max3A_562 {strides = array<i32>} : memref<64x128xf32, #tpu.memory_space<vmem>>, vector<1x128xf32>,
    } else {
    }
    %le3A_451 = arith.constant 52 : i32
    %le3A_452 = arith.cmpi sle, %get3A_27, %le3A_451 : i32
    %ge3A_453 = arith.constant 52 : i32
    %ge3A_454 = arith.cmpi sge, %get3A_34, %ge3A_453 : i32
    %and3A_455 = arith.andi %le3A_452, %ge3A_454 : i1
    %convert_element_type3A_456 = arith.extui %and3A_455 : i1 to i32
    %cond3A_457 = arith.constant 0 : i32
    %cond3A_458 = arith.cmpi ne, %convert_element_type3A_456, %cond3A_457 : i32
    scf.if %cond3A_458 {
      %eq3A_552 = arith.constant 52 : i32
      %eq3A_553 = vector.broadcast %eq3A_552 : i32 to vector<1000x1xi32>
      %eq3A_554 = arith.cmpi eq, %get3A_37, %eq3A_553 : vector<1000x1xi32>
      %jit3A = arith.constant 0xFF800000 : f32
      %broadcast_in_dim3A = vector.shape_cast %eq3A_554 : vector<1000x1xi1> to vector<1000x1xi1>
      %broadcast_in_dim3A_555 = vector.broadcast %broadcast_in_dim3A : vector<1000x1xi1> to vector<1000x128xi1>
      %broadcast_in_dim3A_556 = vector.broadcast %jit3A : f32 to vector<1000x128xf32>
      %select_n3A = arith.select %broadcast_in_dim3A_555, %max3A_22, %broadcast_in_dim3A_556 : vector<1000x128xi1>, vector<1000x128xf32>
      %reduce_max3A = arith.constant dense<0xFF800000> : vector<128xf32>
      %reduce_max3A_557 = vector.multi_reduction <maximumf>, %select_n3A, %reduce_max3A [0] : vector<1000x128xf32> to vector<128xf32>
      %broadcast_in_dim3A_558 = vector.shape_cast %reduce_max3A_557 : vector<128xf32> to vector<1x128xf32>
      %get3A_559 = arith.constant 52 : index
      %get3A_560 = arith.constant 0 : index
      %get3A_561 = vector.load %arg11[%get3A_559, %get3A_560] : memref<64x128xf32, #tpu.memory_space<vmem>>, vector<1x128xf32>
      %max3A_562 = arith.maximumf %get3A_561, %broadcast_in_dim3A_558 : vector<1x128xf32>
      %swap3A = arith.constant 52 : index
      %swap3A_563 = arith.constant 0 : index
      %swap3A_564 = vector.load %arg11[%swap3A, %swap3A_563] : memref<64x128xf32, #tpu.memory_space<vmem>>, vector<1x128xf32>
      tpu.vector_store %arg11[%swap3A, %swap3A_563], %max3A_562 {strides = array<i32>} : memref<64x128xf32, #tpu.memory_space<vmem>>, vector<1x128xf32>,
    } else {
    }
    %le3A_459 = arith.constant 53 : i32
    %le3A_460 = arith.cmpi sle, %get3A_27, %le3A_459 : i32
    %ge3A_461 = arith.constant 53 : i32
    %ge3A_462 = arith.cmpi sge, %get3A_34, %ge3A_461 : i32
    %and3A_463 = arith.andi %le3A_460, %ge3A_462 : i1
    %convert_element_type3A_464 = arith.extui %and3A_463 : i1 to i32
    %cond3A_465 = arith.constant 0 : i32
    %cond3A_466 = arith.cmpi ne, %convert_element_type3A_464, %cond3A_465 : i32
    scf.if %cond3A_466 {
      %eq3A_552 = arith.constant 53 : i32
      %eq3A_553 = vector.broadcast %eq3A_552 : i32 to vector<1000x1xi32>
      %eq3A_554 = arith.cmpi eq, %get3A_37, %eq3A_553 : vector<1000x1xi32>
      %jit3A = arith.constant 0xFF800000 : f32
      %broadcast_in_dim3A = vector.shape_cast %eq3A_554 : vector<1000x1xi1> to vector<1000x1xi1>
      %broadcast_in_dim3A_555 = vector.broadcast %broadcast_in_dim3A : vector<1000x1xi1> to vector<1000x128xi1>
      %broadcast_in_dim3A_556 = vector.broadcast %jit3A : f32 to vector<1000x128xf32>
      %select_n3A = arith.select %broadcast_in_dim3A_555, %max3A_22, %broadcast_in_dim3A_556 : vector<1000x128xi1>, vector<1000x128xf32>
      %reduce_max3A = arith.constant dense<0xFF800000> : vector<128xf32>
      %reduce_max3A_557 = vector.multi_reduction <maximumf>, %select_n3A, %reduce_max3A [0] : vector<1000x128xf32> to vector<128xf32>
      %broadcast_in_dim3A_558 = vector.shape_cast %reduce_max3A_557 : vector<128xf32> to vector<1x128xf32>
      %get3A_559 = arith.constant 53 : index
      %get3A_560 = arith.constant 0 : index
      %get3A_561 = vector.load %arg11[%get3A_559, %get3A_560] : memref<64x128xf32, #tpu.memory_space<vmem>>, vector<1x128xf32>
      %max3A_562 = arith.maximumf %get3A_561, %broadcast_in_dim3A_558 : vector<1x128xf32>
      %swap3A = arith.constant 53 : index
      %swap3A_563 = arith.constant 0 : index
      %swap3A_564 = vector.load %arg11[%swap3A, %swap3A_563] : memref<64x128xf32, #tpu.memory_space<vmem>>, vector<1x128xf32>
      tpu.vector_store %arg11[%swap3A, %swap3A_563], %max3A_562 {strides = array<i32>} : memref<64x128xf32, #tpu.memory_space<vmem>>, vector<1x128xf32>,
    } else {
    }
    %le3A_467 = arith.constant 54 : i32
    %le3A_468 = arith.cmpi sle, %get3A_27, %le3A_467 : i32
    %ge3A_469 = arith.constant 54 : i32
    %ge3A_470 = arith.cmpi sge, %get3A_34, %ge3A_469 : i32
    %and3A_471 = arith.andi %le3A_468, %ge3A_470 : i1
    %convert_element_type3A_472 = arith.extui %and3A_471 : i1 to i32
    %cond3A_473 = arith.constant 0 : i32
    %cond3A_474 = arith.cmpi ne, %convert_element_type3A_472, %cond3A_473 : i32
    scf.if %cond3A_474 {
      %eq3A_552 = arith.constant 54 : i32
      %eq3A_553 = vector.broadcast %eq3A_552 : i32 to vector<1000x1xi32>
      %eq3A_554 = arith.cmpi eq, %get3A_37, %eq3A_553 : vector<1000x1xi32>
      %jit3A = arith.constant 0xFF800000 : f32
      %broadcast_in_dim3A = vector.shape_cast %eq3A_554 : vector<1000x1xi1> to vector<1000x1xi1>
      %broadcast_in_dim3A_555 = vector.broadcast %broadcast_in_dim3A : vector<1000x1xi1> to vector<1000x128xi1>
      %broadcast_in_dim3A_556 = vector.broadcast %jit3A : f32 to vector<1000x128xf32>
      %select_n3A = arith.select %broadcast_in_dim3A_555, %max3A_22, %broadcast_in_dim3A_556 : vector<1000x128xi1>, vector<1000x128xf32>
      %reduce_max3A = arith.constant dense<0xFF800000> : vector<128xf32>
      %reduce_max3A_557 = vector.multi_reduction <maximumf>, %select_n3A, %reduce_max3A [0] : vector<1000x128xf32> to vector<128xf32>
      %broadcast_in_dim3A_558 = vector.shape_cast %reduce_max3A_557 : vector<128xf32> to vector<1x128xf32>
      %get3A_559 = arith.constant 54 : index
      %get3A_560 = arith.constant 0 : index
      %get3A_561 = vector.load %arg11[%get3A_559, %get3A_560] : memref<64x128xf32, #tpu.memory_space<vmem>>, vector<1x128xf32>
      %max3A_562 = arith.maximumf %get3A_561, %broadcast_in_dim3A_558 : vector<1x128xf32>
      %swap3A = arith.constant 54 : index
      %swap3A_563 = arith.constant 0 : index
      %swap3A_564 = vector.load %arg11[%swap3A, %swap3A_563] : memref<64x128xf32, #tpu.memory_space<vmem>>, vector<1x128xf32>
      tpu.vector_store %arg11[%swap3A, %swap3A_563], %max3A_562 {strides = array<i32>} : memref<64x128xf32, #tpu.memory_space<vmem>>, vector<1x128xf32>,
    } else {
    }
    %le3A_475 = arith.constant 55 : i32
    %le3A_476 = arith.cmpi sle, %get3A_27, %le3A_475 : i32
    %ge3A_477 = arith.constant 55 : i32
    %ge3A_478 = arith.cmpi sge, %get3A_34, %ge3A_477 : i32
    %and3A_479 = arith.andi %le3A_476, %ge3A_478 : i1
    %convert_element_type3A_480 = arith.extui %and3A_479 : i1 to i32
    %cond3A_481 = arith.constant 0 : i32
    %cond3A_482 = arith.cmpi ne, %convert_element_type3A_480, %cond3A_481 : i32
    scf.if %cond3A_482 {
      %eq3A_552 = arith.constant 55 : i32
      %eq3A_553 = vector.broadcast %eq3A_552 : i32 to vector<1000x1xi32>
      %eq3A_554 = arith.cmpi eq, %get3A_37, %eq3A_553 : vector<1000x1xi32>
      %jit3A = arith.constant 0xFF800000 : f32
      %broadcast_in_dim3A = vector.shape_cast %eq3A_554 : vector<1000x1xi1> to vector<1000x1xi1>
      %broadcast_in_dim3A_555 = vector.broadcast %broadcast_in_dim3A : vector<1000x1xi1> to vector<1000x128xi1>
      %broadcast_in_dim3A_556 = vector.broadcast %jit3A : f32 to vector<1000x128xf32>
      %select_n3A = arith.select %broadcast_in_dim3A_555, %max3A_22, %broadcast_in_dim3A_556 : vector<1000x128xi1>, vector<1000x128xf32>
      %reduce_max3A = arith.constant dense<0xFF800000> : vector<128xf32>
      %reduce_max3A_557 = vector.multi_reduction <maximumf>, %select_n3A, %reduce_max3A [0] : vector<1000x128xf32> to vector<128xf32>
      %broadcast_in_dim3A_558 = vector.shape_cast %reduce_max3A_557 : vector<128xf32> to vector<1x128xf32>
      %get3A_559 = arith.constant 55 : index
      %get3A_560 = arith.constant 0 : index
      %get3A_561 = vector.load %arg11[%get3A_559, %get3A_560] : memref<64x128xf32, #tpu.memory_space<vmem>>, vector<1x128xf32>
      %max3A_562 = arith.maximumf %get3A_561, %broadcast_in_dim3A_558 : vector<1x128xf32>
      %swap3A = arith.constant 55 : index
      %swap3A_563 = arith.constant 0 : index
      %swap3A_564 = vector.load %arg11[%swap3A, %swap3A_563] : memref<64x128xf32, #tpu.memory_space<vmem>>, vector<1x128xf32>
      tpu.vector_store %arg11[%swap3A, %swap3A_563], %max3A_562 {strides = array<i32>} : memref<64x128xf32, #tpu.memory_space<vmem>>, vector<1x128xf32>,
    } else {
    }
    %le3A_483 = arith.constant 56 : i32
    %le3A_484 = arith.cmpi sle, %get3A_27, %le3A_483 : i32
    %ge3A_485 = arith.constant 56 : i32
    %ge3A_486 = arith.cmpi sge, %get3A_34, %ge3A_485 : i32
    %and3A_487 = arith.andi %le3A_484, %ge3A_486 : i1
    %convert_element_type3A_488 = arith.extui %and3A_487 : i1 to i32
    %cond3A_489 = arith.constant 0 : i32
    %cond3A_490 = arith.cmpi ne, %convert_element_type3A_488, %cond3A_489 : i32
    scf.if %cond3A_490 {
      %eq3A_552 = arith.constant 56 : i32
      %eq3A_553 = vector.broadcast %eq3A_552 : i32 to vector<1000x1xi32>
      %eq3A_554 = arith.cmpi eq, %get3A_37, %eq3A_553 : vector<1000x1xi32>
      %jit3A = arith.constant 0xFF800000 : f32
      %broadcast_in_dim3A = vector.shape_cast %eq3A_554 : vector<1000x1xi1> to vector<1000x1xi1>
      %broadcast_in_dim3A_555 = vector.broadcast %broadcast_in_dim3A : vector<1000x1xi1> to vector<1000x128xi1>
      %broadcast_in_dim3A_556 = vector.broadcast %jit3A : f32 to vector<1000x128xf32>
      %select_n3A = arith.select %broadcast_in_dim3A_555, %max3A_22, %broadcast_in_dim3A_556 : vector<1000x128xi1>, vector<1000x128xf32>
      %reduce_max3A = arith.constant dense<0xFF800000> : vector<128xf32>
      %reduce_max3A_557 = vector.multi_reduction <maximumf>, %select_n3A, %reduce_max3A [0] : vector<1000x128xf32> to vector<128xf32>
      %broadcast_in_dim3A_558 = vector.shape_cast %reduce_max3A_557 : vector<128xf32> to vector<1x128xf32>
      %get3A_559 = arith.constant 56 : index
      %get3A_560 = arith.constant 0 : index
      %get3A_561 = vector.load %arg11[%get3A_559, %get3A_560] : memref<64x128xf32, #tpu.memory_space<vmem>>, vector<1x128xf32>
      %max3A_562 = arith.maximumf %get3A_561, %broadcast_in_dim3A_558 : vector<1x128xf32>
      %swap3A = arith.constant 56 : index
      %swap3A_563 = arith.constant 0 : index
      %swap3A_564 = vector.load %arg11[%swap3A, %swap3A_563] : memref<64x128xf32, #tpu.memory_space<vmem>>, vector<1x128xf32>
      tpu.vector_store %arg11[%swap3A, %swap3A_563], %max3A_562 {strides = array<i32>} : memref<64x128xf32, #tpu.memory_space<vmem>>, vector<1x128xf32>,
    } else {
    }
    %le3A_491 = arith.constant 57 : i32
    %le3A_492 = arith.cmpi sle, %get3A_27, %le3A_491 : i32
    %ge3A_493 = arith.constant 57 : i32
    %ge3A_494 = arith.cmpi sge, %get3A_34, %ge3A_493 : i32
    %and3A_495 = arith.andi %le3A_492, %ge3A_494 : i1
    %convert_element_type3A_496 = arith.extui %and3A_495 : i1 to i32
    %cond3A_497 = arith.constant 0 : i32
    %cond3A_498 = arith.cmpi ne, %convert_element_type3A_496, %cond3A_497 : i32
    scf.if %cond3A_498 {
      %eq3A_552 = arith.constant 57 : i32
      %eq3A_553 = vector.broadcast %eq3A_552 : i32 to vector<1000x1xi32>
      %eq3A_554 = arith.cmpi eq, %get3A_37, %eq3A_553 : vector<1000x1xi32>
      %jit3A = arith.constant 0xFF800000 : f32
      %broadcast_in_dim3A = vector.shape_cast %eq3A_554 : vector<1000x1xi1> to vector<1000x1xi1>
      %broadcast_in_dim3A_555 = vector.broadcast %broadcast_in_dim3A : vector<1000x1xi1> to vector<1000x128xi1>
      %broadcast_in_dim3A_556 = vector.broadcast %jit3A : f32 to vector<1000x128xf32>
      %select_n3A = arith.select %broadcast_in_dim3A_555, %max3A_22, %broadcast_in_dim3A_556 : vector<1000x128xi1>, vector<1000x128xf32>
      %reduce_max3A = arith.constant dense<0xFF800000> : vector<128xf32>
      %reduce_max3A_557 = vector.multi_reduction <maximumf>, %select_n3A, %reduce_max3A [0] : vector<1000x128xf32> to vector<128xf32>
      %broadcast_in_dim3A_558 = vector.shape_cast %reduce_max3A_557 : vector<128xf32> to vector<1x128xf32>
      %get3A_559 = arith.constant 57 : index
      %get3A_560 = arith.constant 0 : index
      %get3A_561 = vector.load %arg11[%get3A_559, %get3A_560] : memref<64x128xf32, #tpu.memory_space<vmem>>, vector<1x128xf32>
      %max3A_562 = arith.maximumf %get3A_561, %broadcast_in_dim3A_558 : vector<1x128xf32>
      %swap3A = arith.constant 57 : index
      %swap3A_563 = arith.constant 0 : index
      %swap3A_564 = vector.load %arg11[%swap3A, %swap3A_563] : memref<64x128xf32, #tpu.memory_space<vmem>>, vector<1x128xf32>
      tpu.vector_store %arg11[%swap3A, %swap3A_563], %max3A_562 {strides = array<i32>} : memref<64x128xf32, #tpu.memory_space<vmem>>, vector<1x128xf32>,
    } else {
    }
    %le3A_499 = arith.constant 58 : i32
    %le3A_500 = arith.cmpi sle, %get3A_27, %le3A_499 : i32
    %ge3A_501 = arith.constant 58 : i32
    %ge3A_502 = arith.cmpi sge, %get3A_34, %ge3A_501 : i32
    %and3A_503 = arith.andi %le3A_500, %ge3A_502 : i1
    %convert_element_type3A_504 = arith.extui %and3A_503 : i1 to i32
    %cond3A_505 = arith.constant 0 : i32
    %cond3A_506 = arith.cmpi ne, %convert_element_type3A_504, %cond3A_505 : i32
    scf.if %cond3A_506 {
      %eq3A_552 = arith.constant 58 : i32
      %eq3A_553 = vector.broadcast %eq3A_552 : i32 to vector<1000x1xi32>
      %eq3A_554 = arith.cmpi eq, %get3A_37, %eq3A_553 : vector<1000x1xi32>
      %jit3A = arith.constant 0xFF800000 : f32
      %broadcast_in_dim3A = vector.shape_cast %eq3A_554 : vector<1000x1xi1> to vector<1000x1xi1>
      %broadcast_in_dim3A_555 = vector.broadcast %broadcast_in_dim3A : vector<1000x1xi1> to vector<1000x128xi1>
      %broadcast_in_dim3A_556 = vector.broadcast %jit3A : f32 to vector<1000x128xf32>
      %select_n3A = arith.select %broadcast_in_dim3A_555, %max3A_22, %broadcast_in_dim3A_556 : vector<1000x128xi1>, vector<1000x128xf32>
      %reduce_max3A = arith.constant dense<0xFF800000> : vector<128xf32>
      %reduce_max3A_557 = vector.multi_reduction <maximumf>, %select_n3A, %reduce_max3A [0] : vector<1000x128xf32> to vector<128xf32>
      %broadcast_in_dim3A_558 = vector.shape_cast %reduce_max3A_557 : vector<128xf32> to vector<1x128xf32>
      %get3A_559 = arith.constant 58 : index
      %get3A_560 = arith.constant 0 : index
      %get3A_561 = vector.load %arg11[%get3A_559, %get3A_560] : memref<64x128xf32, #tpu.memory_space<vmem>>, vector<1x128xf32>
      %max3A_562 = arith.maximumf %get3A_561, %broadcast_in_dim3A_558 : vector<1x128xf32>
      %swap3A = arith.constant 58 : index
      %swap3A_563 = arith.constant 0 : index
      %swap3A_564 = vector.load %arg11[%swap3A, %swap3A_563] : memref<64x128xf32, #tpu.memory_space<vmem>>, vector<1x128xf32>
      tpu.vector_store %arg11[%swap3A, %swap3A_563], %max3A_562 {strides = array<i32>} : memref<64x128xf32, #tpu.memory_space<vmem>>, vector<1x128xf32>,
    } else {
    }
    %le3A_507 = arith.constant 59 : i32
    %le3A_508 = arith.cmpi sle, %get3A_27, %le3A_507 : i32
    %ge3A_509 = arith.constant 59 : i32
    %ge3A_510 = arith.cmpi sge, %get3A_34, %ge3A_509 : i32
    %and3A_511 = arith.andi %le3A_508, %ge3A_510 : i1
    %convert_element_type3A_512 = arith.extui %and3A_511 : i1 to i32
    %cond3A_513 = arith.constant 0 : i32
    %cond3A_514 = arith.cmpi ne, %convert_element_type3A_512, %cond3A_513 : i32
    scf.if %cond3A_514 {
      %eq3A_552 = arith.constant 59 : i32
      %eq3A_553 = vector.broadcast %eq3A_552 : i32 to vector<1000x1xi32>
      %eq3A_554 = arith.cmpi eq, %get3A_37, %eq3A_553 : vector<1000x1xi32>
      %jit3A = arith.constant 0xFF800000 : f32
      %broadcast_in_dim3A = vector.shape_cast %eq3A_554 : vector<1000x1xi1> to vector<1000x1xi1>
      %broadcast_in_dim3A_555 = vector.broadcast %broadcast_in_dim3A : vector<1000x1xi1> to vector<1000x128xi1>
      %broadcast_in_dim3A_556 = vector.broadcast %jit3A : f32 to vector<1000x128xf32>
      %select_n3A = arith.select %broadcast_in_dim3A_555, %max3A_22, %broadcast_in_dim3A_556 : vector<1000x128xi1>, vector<1000x128xf32>
      %reduce_max3A = arith.constant dense<0xFF800000> : vector<128xf32>
      %reduce_max3A_557 = vector.multi_reduction <maximumf>, %select_n3A, %reduce_max3A [0] : vector<1000x128xf32> to vector<128xf32>
      %broadcast_in_dim3A_558 = vector.shape_cast %reduce_max3A_557 : vector<128xf32> to vector<1x128xf32>
      %get3A_559 = arith.constant 59 : index
      %get3A_560 = arith.constant 0 : index
      %get3A_561 = vector.load %arg11[%get3A_559, %get3A_560] : memref<64x128xf32, #tpu.memory_space<vmem>>, vector<1x128xf32>
      %max3A_562 = arith.maximumf %get3A_561, %broadcast_in_dim3A_558 : vector<1x128xf32>
      %swap3A = arith.constant 59 : index
      %swap3A_563 = arith.constant 0 : index
      %swap3A_564 = vector.load %arg11[%swap3A, %swap3A_563] : memref<64x128xf32, #tpu.memory_space<vmem>>, vector<1x128xf32>
      tpu.vector_store %arg11[%swap3A, %swap3A_563], %max3A_562 {strides = array<i32>} : memref<64x128xf32, #tpu.memory_space<vmem>>, vector<1x128xf32>,
    } else {
    }
    %le3A_515 = arith.constant 60 : i32
    %le3A_516 = arith.cmpi sle, %get3A_27, %le3A_515 : i32
    %ge3A_517 = arith.constant 60 : i32
    %ge3A_518 = arith.cmpi sge, %get3A_34, %ge3A_517 : i32
    %and3A_519 = arith.andi %le3A_516, %ge3A_518 : i1
    %convert_element_type3A_520 = arith.extui %and3A_519 : i1 to i32
    %cond3A_521 = arith.constant 0 : i32
    %cond3A_522 = arith.cmpi ne, %convert_element_type3A_520, %cond3A_521 : i32
    scf.if %cond3A_522 {
      %eq3A_552 = arith.constant 60 : i32
      %eq3A_553 = vector.broadcast %eq3A_552 : i32 to vector<1000x1xi32>
      %eq3A_554 = arith.cmpi eq, %get3A_37, %eq3A_553 : vector<1000x1xi32>
      %jit3A = arith.constant 0xFF800000 : f32
      %broadcast_in_dim3A = vector.shape_cast %eq3A_554 : vector<1000x1xi1> to vector<1000x1xi1>
      %broadcast_in_dim3A_555 = vector.broadcast %broadcast_in_dim3A : vector<1000x1xi1> to vector<1000x128xi1>
      %broadcast_in_dim3A_556 = vector.broadcast %jit3A : f32 to vector<1000x128xf32>
      %select_n3A = arith.select %broadcast_in_dim3A_555, %max3A_22, %broadcast_in_dim3A_556 : vector<1000x128xi1>, vector<1000x128xf32>
      %reduce_max3A = arith.constant dense<0xFF800000> : vector<128xf32>
      %reduce_max3A_557 = vector.multi_reduction <maximumf>, %select_n3A, %reduce_max3A [0] : vector<1000x128xf32> to vector<128xf32>
      %broadcast_in_dim3A_558 = vector.shape_cast %reduce_max3A_557 : vector<128xf32> to vector<1x128xf32>
      %get3A_559 = arith.constant 60 : index
      %get3A_560 = arith.constant 0 : index
      %get3A_561 = vector.load %arg11[%get3A_559, %get3A_560] : memref<64x128xf32, #tpu.memory_space<vmem>>, vector<1x128xf32>
      %max3A_562 = arith.maximumf %get3A_561, %broadcast_in_dim3A_558 : vector<1x128xf32>
      %swap3A = arith.constant 60 : index
      %swap3A_563 = arith.constant 0 : index
      %swap3A_564 = vector.load %arg11[%swap3A, %swap3A_563] : memref<64x128xf32, #tpu.memory_space<vmem>>, vector<1x128xf32>
      tpu.vector_store %arg11[%swap3A, %swap3A_563], %max3A_562 {strides = array<i32>} : memref<64x128xf32, #tpu.memory_space<vmem>>, vector<1x128xf32>,
    } else {
    }
    %le3A_523 = arith.constant 61 : i32
    %le3A_524 = arith.cmpi sle, %get3A_27, %le3A_523 : i32
    %ge3A_525 = arith.constant 61 : i32
    %ge3A_526 = arith.cmpi sge, %get3A_34, %ge3A_525 : i32
    %and3A_527 = arith.andi %le3A_524, %ge3A_526 : i1
    %convert_element_type3A_528 = arith.extui %and3A_527 : i1 to i32
    %cond3A_529 = arith.constant 0 : i32
    %cond3A_530 = arith.cmpi ne, %convert_element_type3A_528, %cond3A_529 : i32
    scf.if %cond3A_530 {
      %eq3A_552 = arith.constant 61 : i32
      %eq3A_553 = vector.broadcast %eq3A_552 : i32 to vector<1000x1xi32>
      %eq3A_554 = arith.cmpi eq, %get3A_37, %eq3A_553 : vector<1000x1xi32>
      %jit3A = arith.constant 0xFF800000 : f32
      %broadcast_in_dim3A = vector.shape_cast %eq3A_554 : vector<1000x1xi1> to vector<1000x1xi1>
      %broadcast_in_dim3A_555 = vector.broadcast %broadcast_in_dim3A : vector<1000x1xi1> to vector<1000x128xi1>
      %broadcast_in_dim3A_556 = vector.broadcast %jit3A : f32 to vector<1000x128xf32>
      %select_n3A = arith.select %broadcast_in_dim3A_555, %max3A_22, %broadcast_in_dim3A_556 : vector<1000x128xi1>, vector<1000x128xf32>
      %reduce_max3A = arith.constant dense<0xFF800000> : vector<128xf32>
      %reduce_max3A_557 = vector.multi_reduction <maximumf>, %select_n3A, %reduce_max3A [0] : vector<1000x128xf32> to vector<128xf32>
      %broadcast_in_dim3A_558 = vector.shape_cast %reduce_max3A_557 : vector<128xf32> to vector<1x128xf32>
      %get3A_559 = arith.constant 61 : index
      %get3A_560 = arith.constant 0 : index
      %get3A_561 = vector.load %arg11[%get3A_559, %get3A_560] : memref<64x128xf32, #tpu.memory_space<vmem>>, vector<1x128xf32>
      %max3A_562 = arith.maximumf %get3A_561, %broadcast_in_dim3A_558 : vector<1x128xf32>
      %swap3A = arith.constant 61 : index
      %swap3A_563 = arith.constant 0 : index
      %swap3A_564 = vector.load %arg11[%swap3A, %swap3A_563] : memref<64x128xf32, #tpu.memory_space<vmem>>, vector<1x128xf32>
      tpu.vector_store %arg11[%swap3A, %swap3A_563], %max3A_562 {strides = array<i32>} : memref<64x128xf32, #tpu.memory_space<vmem>>, vector<1x128xf32>,
    } else {
    }
    %le3A_531 = arith.constant 62 : i32
    %le3A_532 = arith.cmpi sle, %get3A_27, %le3A_531 : i32
    %ge3A_533 = arith.constant 62 : i32
    %ge3A_534 = arith.cmpi sge, %get3A_34, %ge3A_533 : i32
    %and3A_535 = arith.andi %le3A_532, %ge3A_534 : i1
    %convert_element_type3A_536 = arith.extui %and3A_535 : i1 to i32
    %cond3A_537 = arith.constant 0 : i32
    %cond3A_538 = arith.cmpi ne, %convert_element_type3A_536, %cond3A_537 : i32
    scf.if %cond3A_538 {
      %eq3A_552 = arith.constant 62 : i32
      %eq3A_553 = vector.broadcast %eq3A_552 : i32 to vector<1000x1xi32>
      %eq3A_554 = arith.cmpi eq, %get3A_37, %eq3A_553 : vector<1000x1xi32>
      %jit3A = arith.constant 0xFF800000 : f32
      %broadcast_in_dim3A = vector.shape_cast %eq3A_554 : vector<1000x1xi1> to vector<1000x1xi1>
      %broadcast_in_dim3A_555 = vector.broadcast %broadcast_in_dim3A : vector<1000x1xi1> to vector<1000x128xi1>
      %broadcast_in_dim3A_556 = vector.broadcast %jit3A : f32 to vector<1000x128xf32>
      %select_n3A = arith.select %broadcast_in_dim3A_555, %max3A_22, %broadcast_in_dim3A_556 : vector<1000x128xi1>, vector<1000x128xf32>
      %reduce_max3A = arith.constant dense<0xFF800000> : vector<128xf32>
      %reduce_max3A_557 = vector.multi_reduction <maximumf>, %select_n3A, %reduce_max3A [0] : vector<1000x128xf32> to vector<128xf32>
      %broadcast_in_dim3A_558 = vector.shape_cast %reduce_max3A_557 : vector<128xf32> to vector<1x128xf32>
      %get3A_559 = arith.constant 62 : index
      %get3A_560 = arith.constant 0 : index
      %get3A_561 = vector.load %arg11[%get3A_559, %get3A_560] : memref<64x128xf32, #tpu.memory_space<vmem>>, vector<1x128xf32>
      %max3A_562 = arith.maximumf %get3A_561, %broadcast_in_dim3A_558 : vector<1x128xf32>
      %swap3A = arith.constant 62 : index
      %swap3A_563 = arith.constant 0 : index
      %swap3A_564 = vector.load %arg11[%swap3A, %swap3A_563] : memref<64x128xf32, #tpu.memory_space<vmem>>, vector<1x128xf32>
      tpu.vector_store %arg11[%swap3A, %swap3A_563], %max3A_562 {strides = array<i32>} : memref<64x128xf32, #tpu.memory_space<vmem>>, vector<1x128xf32>,
    } else {
    }
    %le3A_539 = arith.constant 63 : i32
    %le3A_540 = arith.cmpi sle, %get3A_27, %le3A_539 : i32
    %ge3A_541 = arith.constant 63 : i32
    %ge3A_542 = arith.cmpi sge, %get3A_34, %ge3A_541 : i32
    %and3A_543 = arith.andi %le3A_540, %ge3A_542 : i1
    %convert_element_type3A_544 = arith.extui %and3A_543 : i1 to i32
    %cond3A_545 = arith.constant 0 : i32
    %cond3A_546 = arith.cmpi ne, %convert_element_type3A_544, %cond3A_545 : i32
    scf.if %cond3A_546 {
      %eq3A_552 = arith.constant 63 : i32
      %eq3A_553 = vector.broadcast %eq3A_552 : i32 to vector<1000x1xi32>
      %eq3A_554 = arith.cmpi eq, %get3A_37, %eq3A_553 : vector<1000x1xi32>
      %jit3A = arith.constant 0xFF800000 : f32
      %broadcast_in_dim3A = vector.shape_cast %eq3A_554 : vector<1000x1xi1> to vector<1000x1xi1>
      %broadcast_in_dim3A_555 = vector.broadcast %broadcast_in_dim3A : vector<1000x1xi1> to vector<1000x128xi1>
      %broadcast_in_dim3A_556 = vector.broadcast %jit3A : f32 to vector<1000x128xf32>
      %select_n3A = arith.select %broadcast_in_dim3A_555, %max3A_22, %broadcast_in_dim3A_556 : vector<1000x128xi1>, vector<1000x128xf32>
      %reduce_max3A = arith.constant dense<0xFF800000> : vector<128xf32>
      %reduce_max3A_557 = vector.multi_reduction <maximumf>, %select_n3A, %reduce_max3A [0] : vector<1000x128xf32> to vector<128xf32>
      %broadcast_in_dim3A_558 = vector.shape_cast %reduce_max3A_557 : vector<128xf32> to vector<1x128xf32>
      %get3A_559 = arith.constant 63 : index
      %get3A_560 = arith.constant 0 : index
      %get3A_561 = vector.load %arg11[%get3A_559, %get3A_560] : memref<64x128xf32, #tpu.memory_space<vmem>>, vector<1x128xf32>
      %max3A_562 = arith.maximumf %get3A_561, %broadcast_in_dim3A_558 : vector<1x128xf32>
      %swap3A = arith.constant 63 : index
      %swap3A_563 = arith.constant 0 : index
      %swap3A_564 = vector.load %arg11[%swap3A, %swap3A_563] : memref<64x128xf32, #tpu.memory_space<vmem>>, vector<1x128xf32>
      tpu.vector_store %arg11[%swap3A, %swap3A_563], %max3A_562 {strides = array<i32>} : memref<64x128xf32, #tpu.memory_space<vmem>>, vector<1x128xf32>,
    } else {
    }
    %eq3A_547 = arith.constant 9 : i32
    %eq3A_548 = arith.cmpi eq, %arg0, %eq3A_547 : i32
    %convert_element_type3A_549 = arith.extui %eq3A_548 : i1 to i32
    %cond3A_550 = arith.constant 0 : i32
    %cond3A_551 = arith.cmpi ne, %convert_element_type3A_549, %cond3A_550 : i32
    scf.if %cond3A_551 {
      %get3A_552 = arith.constant 0 : index
      %get3A_553 = arith.constant 0 : index
      %get3A_554 = vector.load %arg11[%get3A_552, %get3A_553] : memref<64x128xf32, #tpu.memory_space<vmem>>, vector<64x128xf32>
      %get3A_555 = arith.constant 0 : index
      %get3A_556 = arith.constant 0 : index
      %get3A_557 = vector.load %arg8[%get3A_555, %get3A_556] : memref<16x128xf32, #tpu.memory_space<vmem>>, vector<16x128xf32>
      %dot_general3A = arith.constant dense<0.000000e+00> : vector<64x16xf32>
      %dot_general3A_558 = tpu.matmul %get3A_554, %get3A_557, %dot_general3A {dimension_numbers = #tpu.dot_dimension_numbers<[1], [1], [0], [0], [0, 0, 1, 0], [], []>, transpose_lhs_hint = false} : vector<64x128xf32>, vector<16x128xf32>, vector<64x16xf32> -> vector<64x16xf32>
      %get3A_559 = arith.constant 0 : index
      %get3A_560 = arith.constant 0 : index
      %get3A_561 = vector.load %arg9[%get3A_559, %get3A_560] : memref<1x16xf32, #tpu.memory_space<vmem>>, vector<1x16xf32>
      %add3A_562 = vector.broadcast %get3A_561 : vector<1x16xf32> to vector<64x16xf32>
      %add3A_563 = arith.addf %dot_general3A_558, %add3A_562 : vector<64x16xf32>
      %swap3A = arith.constant 0 : index
      %swap3A_564 = arith.constant 0 : index
      %swap3A_565 = vector.load %arg10[%swap3A, %swap3A_564] : memref<64x16xf32, #tpu.memory_space<vmem>>, vector<64x16xf32>
      tpu.vector_store %arg10[%swap3A, %swap3A_564], %add3A_563 {strides = array<i32>} : memref<64x16xf32, #tpu.memory_space<vmem>>, vector<64x16xf32>,
    } else {
    }
    return
  }
  func.func @transform_0(%arg0: i32, %arg1: memref<10000xi32, #tpu.memory_space<smem>>) -> (i32, i32) {
    %c0_i32 = arith.constant 0 : i32
    %c0_i32_0 = arith.constant 0 : i32
    return %arg0, %c0_i32 : i32, i32
  }
  func.func @transform_1(%arg0: i32, %arg1: memref<10000xi32, #tpu.memory_space<smem>>) -> (i32, i32) {
    %c0_i32 = arith.constant 0 : i32
    %c0_i32_0 = arith.constant 0 : i32
    return %arg0, %c0_i32 : i32, i32
  }
  func.func @transform_2(%arg0: i32, %arg1: memref<10000xi32, #tpu.memory_space<smem>>) -> (i32, i32) {
    %c0_i32 = arith.constant 0 : i32
    %c0_i32_0 = arith.constant 0 : i32
    return %arg0, %c0_i32 : i32, i32
  }
  func.func @transform_3(%arg0: i32, %arg1: memref<10000xi32, #tpu.memory_space<smem>>) -> (i32, i32) {
    %c0_i32 = arith.constant 0 : i32
    %c0_i32_0 = arith.constant 0 : i32
    return %arg0, %c0_i32 : i32, i32
  }
  func.func @transform_4(%arg0: i32, %arg1: memref<10000xi32, #tpu.memory_space<smem>>) -> (i32, i32) {
    %c0_i32 = arith.constant 0 : i32
    %c0_i32_0 = arith.constant 0 : i32
    %c0_i32_1 = arith.constant 0 : i32
    return %c0_i32, %c0_i32_0 : i32, i32
  }
  func.func @transform_5(%arg0: i32, %arg1: memref<10000xi32, #tpu.memory_space<smem>>) -> (i32, i32) {
    %c0_i32 = arith.constant 0 : i32
    %c0_i32_0 = arith.constant 0 : i32
    return %arg0, %c0_i32 : i32, i32
  }
  func.func @transform_6(%arg0: i32, %arg1: memref<10000xi32, #tpu.memory_space<smem>>) -> (i32, i32) {
    %c0_i32 = arith.constant 0 : i32
    %c0_i32_0 = arith.constant 0 : i32
    %c0_i32_1 = arith.constant 0 : i32
    return %c0_i32, %c0_i32_0 : i32, i32
  }
  func.func @transform_7(%arg0: i32, %arg1: memref<10000xi32, #tpu.memory_space<smem>>) -> (i32, i32) {
    %c0_i32 = arith.constant 0 : i32
    %c0_i32_0 = arith.constant 0 : i32
    %c0_i32_1 = arith.constant 0 : i32
    return %c0_i32, %c0_i32_0 : i32, i32
  }
  func.func @transform_8(%arg0: i32, %arg1: memref<10000xi32, #tpu.memory_space<smem>>) -> (i32, i32) {
    %c0_i32 = arith.constant 0 : i32
    %c0_i32_0 = arith.constant 0 : i32
    %c0_i32_1 = arith.constant 0 : i32
    return %c0_i32, %c0_i32_0 : i32, i32
  }
}

</mosaic_0001>

<sc_bundles>
// kernel: kernel.11.cloned.1.call-start
scs
__scs_entry_jumppad:
0x0: {  	(pc) =	sbr.rel $0x88, $3  }
0x1: {  	(tag) =	ssettag $0x0;
	lr =	simm.s32 $0x1  }
0x2: {  	[smem:$0x3F96] =	sst lr;
	_ =	strace $0xD0000000  }
0x3: {  	_ = 	snop  }
0x4: {  	_ = 	snop  }
0x5: {  	_ = 	snop  }
0x6: {  	_ = 	snop  }
0x7: {  	_ = 	snop  }
__scs_overlays_trampoline_lowered:
0x8: {  	[smem:$0x3FA5] =	sst s0  }
0x9: {  	[smem:$0x3FA6] =	sst s1  }
0xa: {  	[smem:$0x3FA7] =	sst s2  }
0xb: {  	[smem:$0x3FA8] =	sst s3  }
0xc: {  	[smem:$0x3FA9] =	sst s4  }
0xd: {  	[smem:$0x3FAA] =	sst s5  }
0xe: {  	[smem:$0x3FAB] =	sst s6  }
0xf: {  	[smem:$0x3FAC] =	sst s7  }
0x10: {  	[smem:$0x3FAD] =	sst s8  }
0x11: {  	[smem:$0x3FAE] =	sst s9;
	s0 =	simm.s32 @!p0 $0x0  }
0x12: {  	s1 =	sld [smem:$0x3F94];
	s0 =	simm.s32 @p0 $0x1  }
0x13: {  	[smem:$0x3FAF] =	sst s0;
	s0 =	simm.s32 @!p1 $0x0  }
0x14: {  	s2 =	sld [smem:$0x3F93];
	s0 =	simm.s32 @p1 $0x1  }
0x15: {  	[smem:$0x3FB0] =	sst s0;
	s0 =	simm.s32 @!p2 $0x0  }
0x16: {  	s3 =	sld [smem:$0x3FDB];
	s0 =	simm.s32 @p2 $0x1  }
0x17: {  	s4 =	simm.s32 $0x1BF5;
	[smem:$0x3FB2] =	sst s0  }
0x18: {  	s0 =	sld [smem:$0x3F95];
	_ =	swait.ge [sflag:s4], $0x0  }
0x19: {  	s7 =	sld [smem:$0x3F96]  }
0x1a: {  	s8 =	sadd.s32 $0xFFFFE003, lr  }
0x1b: {  	s9 =	sadd.s32 $0xFFFFFEF7, lr;
	s5 =	simm.s32 $0xFFFFFFFF;
	p2 =	slt.u32 s8, $0xFFFFF086  }
0x1c: {  	p1 =	slt.u32 s9, $0xF7A;
	s5 =	simm.s32 @!p2 $0x0  }
0x1d: {  	s5 =	simm.s32 @p1 $0x1;
	p0 =	seq.s32 s7, s2  }
0x1e: {  	s7 =	smul.u32 @!p0 $0xF7A, s2;
	p2 =	seq.s32 @!p0 s5, $0x0  }
0x1f: {  	s9 =	smul.u32 $0xF7A, s1;
	s8 =	simm.s32 @!p0 $0x1BF5;
	p2 =	por !p2, p0  }
0x20: {  	[sflag:s8] =	ssyncset.s32 @!p0 $0xFFFFF086;
	s6 =	sadd.s32 @!p0 s3, s7;
	s7 =	simm.s32 @!p0 $0x108  }
0x21: {  	s3 =	sadd.s32 s3, s9;
	s6 =	sadd.s32 @!p0 $0x88, s6;
	s7 =	simm.s32 @p2 $0x1082  }
0x22: {  	[simem:s7], [sflag:s8] =	dma.local @!p0 [hbm:s6], $0xF7A  }
0x23: {  	s9 =	sor.u32 $0xD0000000, s2;
	s6 =	simm.s32 $0x108;
	_ =	swait.ge @!p0 [sflag:s8], $0x0  }
0x24: {  	s3 =	sadd.s32 $0x88, s3;
	s6 =	simm.s32 @!p1 $0x1082;
	[sflag:s4] =	ssyncset.s32 $0xFFFFF086  }
0x25: {  	[simem:s6], [sflag:s4] =	dma.local [hbm:s3], $0xF7A  }
0x26: {  	[smem:$0x3F96] =	sst s1;
	(tag) =	ssettag s2;
	_ =	strace s9  }
0x27: {  	s1 =	sld [smem:$0x3FA6]  }
0x28: {  	s2 =	sld [smem:$0x3FA7]  }
0x29: {  	s4 =	sld [smem:$0x3FA9]  }
0x2a: {  	p0 =	seq.s32 s5, $0x0;
	s5 =	sld [smem:$0x3FAA]  }
0x2b: {  	s6 =	sld [smem:$0x3FAB]  }
0x2c: {  	s7 =	sld [smem:$0x3FAC]  }
0x2d: {  	s3 =	simm.s32 $0x108;
	s8 =	sld [smem:$0x3FAD]  }
0x2e: {  	s3 =	simm.s32 @!p0 $0x1082;
	s9 =	sld [smem:$0x3FAE]  }
0x2f: {  	lr =	sadd.s32 s0, s3;
	s0 =	sld [smem:$0x3FA5]  }
0x30: {  	s3 =	sld [smem:$0x3FA8]  }
0x31: {  	[smem:$0x3FB1] =	sst s10  }
0x32: {  	s10 =	sld [smem:$0x3FAF];
	_ =	sdelay $0x3  }
0x33: {  	p0 =	seq.s32 s10, $0x1;
	s10 =	sld [smem:$0x3FB1];
	_ =	sdelay $0x3  }
0x34: {  	[smem:$0x3FB1] =	sst s10  }
0x35: {  	s10 =	sld [smem:$0x3FB0];
	_ =	sdelay $0x3  }
0x36: {  	p1 =	seq.s32 s10, $0x1;
	s10 =	sld [smem:$0x3FB1];
	_ =	sdelay $0x3  }
0x37: {  	[smem:$0x3FB1] =	sst s10  }
0x38: {  	s10 =	sld [smem:$0x3FB2]  }
0x39: {  	_ = 	snop;
	(pc) =	sbr.ind lr, $3  }
0x3a: {  	_ = 	snop  }
0x3b: {  	_ = 	snop  }
0x3c: {  	p2 =	seq.s32 s10, $0x1;
	s10 =	sld [smem:$0x3FB1]  }
0x3d: {  	_ =	shalt  }
0x3e: {  	_ =	shalt  }
0x3f: {  	_ =	shalt  }
0x40: {  	_ =	shalt  }
0x41: {  	_ =	shalt  }
0x42: {  	_ =	shalt  }
0x43: {  	_ =	shalt  }
0x44: {  	_ =	shalt  }
0x45: {  	_ =	shalt  }
0x46: {  	_ =	shalt  }
0x47: {  	_ =	shalt  }
0x48: {  	_ =	shalt  }
0x49: {  	_ =	shalt  }
0x4a: {  	_ =	shalt  }
0x4b: {  	_ =	shalt  }
0x4c: {  	_ =	shalt  }
0x4d: {  	_ =	shalt  }
0x4e: {  	_ =	shalt  }
0x4f: {  	_ =	shalt  }
0x50: {  	_ =	shalt  }
0x51: {  	_ =	shalt  }
0x52: {  	_ =	shalt  }
0x53: {  	_ =	shalt  }
0x54: {  	_ =	shalt  }
0x55: {  	_ =	shalt  }
0x56: {  	_ =	shalt  }
0x57: {  	_ =	shalt  }
0x58: {  	_ =	shalt  }
0x59: {  	_ =	shalt  }
0x5a: {  	_ =	shalt  }
0x5b: {  	_ =	shalt  }
0x5c: {  	_ =	shalt  }
0x5d: {  	_ =	shalt  }
0x5e: {  	_ =	shalt  }
0x5f: {  	_ =	shalt  }
0x60: {  	_ =	shalt  }
0x61: {  	_ =	shalt  }
0x62: {  	_ =	shalt  }
0x63: {  	_ =	shalt  }
0x64: {  	_ =	shalt  }
0x65: {  	_ =	shalt  }
0x66: {  	_ =	shalt  }
0x67: {  	_ =	shalt  }
0x68: {  	_ =	shalt  }
0x69: {  	_ =	shalt  }
0x6a: {  	_ =	shalt  }
0x6b: {  	_ =	shalt  }
0x6c: {  	_ =	shalt  }
0x6d: {  	_ =	shalt  }
0x6e: {  	_ =	shalt  }
0x6f: {  	_ =	shalt  }
0x70: {  	_ =	shalt  }
0x71: {  	_ =	shalt  }
0x72: {  	_ =	shalt  }
0x73: {  	_ =	shalt  }
0x74: {  	_ =	shalt  }
0x75: {  	_ =	shalt  }
0x76: {  	_ =	shalt  }
0x77: {  	_ =	shalt  }
0x78: {  	_ =	shalt  }
0x79: {  	_ =	shalt  }
0x7a: {  	_ =	shalt  }
0x7b: {  	_ =	shalt  }
0x7c: {  	_ =	shalt  }
0x7d: {  	_ =	shalt  }
0x7e: {  	_ =	shalt  }
0x7f: {  	_ =	shalt  }
0x80: {  	_ =	shalt  }
0x81: {  	_ =	shalt  }
0x82: {  	_ =	shalt  }
0x83: {  	_ =	shalt  }
0x84: {  	_ =	shalt  }
0x85: {  	_ =	shalt  }
0x86: {  	_ =	shalt  }
0x87: {  	_ =	shalt  }
.Lfunc_end0:
.L_simem_size_0:
called_computation.1_lowered:
.L_overlay_start_0:
0x88: {  	s2 =	sld [smem:$0x3FD9]  }
0x89: {  	s3 =	sld [smem:$0x3FFE];
	_ =	sdelay $0x1  }
0x8a: {  	s1 =	srdreg.scid  }
0x8b: {  	s0 =	sand.u32 $0x1, s1  }
0x8c: {  	s16 =	sshll.u32 s0, $0xA;
	s2 =	sadd.s32 s3, s2  }
0x8d: {  	s2 =	sadd.s32 s2, s16  }
0x8e: {  	[smem:$0x3FBD] =	sst s2  }
0x8f: {  	_ = 	snop  }
0x90: {  	(tm) =	ssettm $0x1  }
0x91: {  	s17 =	sld [smem:$0x3FFB];
	_ =	sdelay $0x3  }
0x92: {  	_ =	strace s17  }
0x93: {  	s2 =	sld [smem:$0x3FFC];
	_ =	sdelay $0x3  }
0x94: {  	_ =	strace s2  }
0x95: {  	s2 =	sld [smem:$0x3FFD];
	_ =	sdelay $0x3  }
0x96: {  	_ =	strace s2  }
0x97: {  	_ =	strace $0x8FFFFFFF  }
0x98: {  	s18 =	sld [smem:$0x3FDB];
	_ =	sdelay $0x1  }
0x99: {  	s19 =	simm.s32 $_scs_section_size  }
0x9a: {  	s4 =	simm.s32 $_size__tile_overlayer_lowered;
	s5 =	simm.s32 $_tile_overlayer_lowered  }
0x9b: {  	s22 =	simm.s32 $0x1BFF;
	s21 =	sshll.u32 s5, $0x1;
	s2 =	sadd.s32 s19, s18  }
0x9c: {  	s6 =	simm.s32 $0x0;
	s20 =	sshll.u32 s4, $0x1;
	s4 =	sadd.s32 s21, s2  }
0x9d: {  	[timem:s6], [sflag:s22] =	dma.local [hbm:s4], s20  }
0x9e: {  	_ =	swait.ge [sflag:s22], s20  }
0x9f: {  	s3 =	ssub.s32 $0x0, s20;
	[sflag:s22] =	ssyncset.done $0x0  }
0xa0: {  	[sflag:s22] =	ssyncadd.s32 s3;
	_ =	sdelay $0x1  }
0xa1: {  	s23 =	simm.s32 $0x1B8B  }
0xa2: {  	_ =	swait.ge [sflag:s23], $0x1  }
0xa3: {  	[sflag:s23] =	ssyncset.done $0x0  }
0xa4: {  	s25 =	simm.s32 $0x1B8E;
	s24 =	sld [smem:$0x3FFE];
	[sflag:s23] =	ssyncadd.s32 $0xFFFFFFFF  }
0xa5: {  	s26 =	simm.s32 $execute0_lowered;
	[smem:$0x3FD2] =	sst s25  }
0xa6: {  	s4 =	sshll.u32 s26, $0x1;
	_ =	strace $0x80000049;
	[dreg:$0x1] =	wrdreg $0xFFFFFFFF  }
0xa7: {  	s28 =	simm.s32 $_size_execute0_lowered;
	s2 =	sadd.s32 s2, s4;
	[dreg:$0x0] =	wrdreg $0x0  }
0xa8: {  	s4 =	sshll.u32 s28, $0x1;
	[dreg:$0x2] =	wrdreg s2  }
0xa9: {  	[dreg:$0x3] =	wrdreg s4  }
0xaa: {  	[dreg:$0x4] =	wrdreg $0xC0  }
0xab: {  	_ =	task [dreg:s6], $0x5FFFF  }
0xac: {  	[dreg:$0x1] =	wrdreg $0xFFFFFFFF  }
0xad: {  	[dreg:$0x0] =	wrdreg $0x60  }
0xae: {  	[dreg:$0x2] =	wrdreg s24  }
0xaf: {  	[dreg:$0x3] =	wrdreg $0x2B800  }
0xb0: {  	[dreg:$0x4] =	wrdreg $0x9  }
0xb1: {  	_ =	task.clear_ibuf [dreg:s6], $0x5FFFF;
	_ =	strace $0x90000049  }
0xb2: {  	s29 =	simm.s32 $0x9;
	_ =	strace $0x8000004B  }
0xb3: {  	_ =	swait.ge [sflag:s29], $0x1  }
0xb4: {  	[sflag:s29] =	ssyncadd.s32 $0xFFFFFFFF  }
0xb5: {  	_ =	strace $0x9000004B  }
0xb6: {  	_ =	sfence  }
0xb7: {  	s30 =	sld [smem:$0x0];
	_ =	sdelay $0x2  }
0xb8: {  	s31 =	sshll.u32 s1, $0xD;
	s1 =	sshrl.u32 s1, $0x2  }
0xb9: {  	s3 =	sand.u32 $0x4000, s31;
	s1 =	sadd.s32 s1, s30  }
0xba: {  	s0 =	sor.u32 s3, s0;
	s1 =	sshll.u32 s1, $0x11  }
0xbb: {  	s0 =	sor.u32 s1, s0  }
0xbc: {  	s0 =	sadd.s32 $0x8F2B, s0  }
0xbd: {  	[sflag:s0] =	ssyncadd.remote.s32 $0x1  }
0xbe: {  	_ =	sfence.sel $0xFFFF  }
0xbf: {  	[dreg:$0x0] =	wrdreg $0xFFFFFFFF;
	(pc) =	sbr.abs _section_cstart, $3  }
0xc0: {  	[dreg:$0x1] =	wrdreg $0xFFFFFFFF  }
0xc1: {  	_ =	task.clear_ibuf [dreg:s6], $0x2FFFF;
	_ =	strace $0x9FFFFFFF  }
0xc2: {  	(tm) =	ssettm $0x7FFFFFFF  }
0xc3: {  	_ =	shalt  }
tec
execute0_lowered:
.L_overlay_start_1:
0x0: {  	(tag) =	ssettag $0x1  }
0x1: {  	s0 =	rddreg [dreg:$0x0]  }
0x2: {  	s1 =	srdreg.scid;
	s3 =	stileid.u32  }
0x3: {  	s2 =	rddreg [dreg:$0x1];
	s5 =	simm.s32 $0x0;
	s6 =	smul.u32 $0x4E000, s3  }
0x4: {  	s1 =	sand.u32 $0x1, s1;
	s4 =	sshll.u32 s3, $0x1;
	s26 =	smul.u32 $0x13800, s3  }
0x5: {  	[smem:$0x7FF] =	sst s5;
	s5 =	sadd.s32 $0xCE00, s0;
	s29 =	smul.u32 $0xFA00, s3  }
0x6: {  	p0 =	sne.s32 s3, $0x0;
	s3 =	simm.s32 $0x0;
	_ =	strace $0x8000004A  }
0x7: {  	s7 =	sor.u32 s1, s4;
	s4 =	sadd.s32 $0x53400, s0;
	s23 =	smul.u32 $0x138800, s1  }
0x8: {  	s9 =	ssub.s32 $0x2, s1;
	s1 =	smul.u32 $0x7D00, s1;
	s6 =	sshrl.u32 s6, $0x2  }
0x9: {  	s19 =	smul.u32 $0x4E2, s7;
	s10 =	sshrl.u32 s9, $0x1;
	s6 =	sadd.s32 s6, s2  }
0xa: {  	s7 =	smul.u32 $0x7D00, s7;
	s20 =	sadd.s32 $0x1400, s6;
	[dreg:$0x3] =	wrdreg s6  }
0xb: {  	s9 =	ssub.s32 s9, s10;
	s21 =	sadd.s32 $0x2800, s6;
	[dreg:$0x5] =	wrdreg s20  }
0xc: {  	s10 =	sadd.s32 s26, s23;
	s22 =	sadd.s32 $0x3C00, s6;
	[dreg:$0x6] =	wrdreg s21  }
0xd: {  	s1 =	sadd.s32 s1, s29;
	s24 =	sadd.s32 $0x5000, s6;
	[dreg:$0x7] =	wrdreg s22  }
0xe: {  	s8 =	sadd.s32 s19, s0;
	s25 =	sadd.s32 $0x6400, s6;
	[dreg:$0x8] =	wrdreg s24  }
0xf: {  	s0 =	sadd.s32 $0x7A600, s0;
	s11 =	sadd.s32 $0x7800, s6;
	[dreg:$0x9] =	wrdreg s25  }
0x10: {  	s28 =	sadd.s32 $0x8C00, s6;
	s12 =	sadd.s32 $0xA000, s6;
	[dreg:$0xa] =	wrdreg s11  }
0x11: {  	s7 =	sshrl.u32 s7, $0x3;
	s30 =	sadd.s32 $0xB400, s6;
	[dreg:$0xb] =	wrdreg s28  }
0x12: {  	s13 =	smax.u32 s9, $0x1;
	s15 =	sadd.s32 $0x400, s1;
	[dreg:$0xc] =	wrdreg s12  }
0x13: {  	s16 =	sadd.s32 $0x380, s1;
	s17 =	sadd.s32 $0x300, s1;
	[dreg:$0xd] =	wrdreg s30  }
0x14: {  	s26 =	sadd.s32 $0x12C00, s6;
	s8 =	sadd.s32 $0x3000, s8;
	[dreg:$0x11] =	wrdreg s13  }
0x15: {  	s31 =	sadd.s32 s5, s7;
	s7 =	sshrl.u32 s10, $0x3;
	[dreg:$0x1c] =	wrdreg s26  }
0x16: {  	s11 =	sadd.s32 $0x480, s1;
	s20 =	sadd.s32 $0x280, s1;
	[dreg:$0x4] =	wrdreg s8  }
0x17: {  	s19 =	sshrl.u32 s17, $0x3;
	s21 =	sadd.s32 $0xC800, s6;
	[dreg:$0x16] =	wrdreg s20  }
0x18: {  	s22 =	sadd.s32 $0xDC00, s6;
	s24 =	sadd.s32 $0x10400, s6;
	[dreg:$0x17] =	wrdreg s21  }
0x19: {  	s25 =	sadd.s32 $0x11800, s6;
	s12 =	simm.s32 $0x16400;
	[dreg:$0x18] =	wrdreg s22  }
0x1a: {  	s13 =	simm.s32 $0x28;
	s26 =	simm.s32 $0x5;
	[dreg:$0x1a] =	wrdreg s24  }
0x1b: {  	s8 =	sshrl.u32 s23, $0x3;
	s7 =	sadd.s32 s0, s7;
	[dreg:$0x1b] =	wrdreg s25  }
0x1c: {  	s14 =	sshrl.u32 s11, $0x3;
	s23 =	sadd.s32 $0xF000, s6;
	[dreg:$0xe] =	wrdreg s31  }
0x1d: {  	s28 =	sadd.s32 $0x10, s31;
	s29 =	sadd.s32 $0x20, s31;
	[dreg:$0xf] =	wrdreg s7  }
0x1e: {  	s30 =	sadd.s32 $0x30, s31;
	s31 =	sadd.s32 $0x40, s31;
	[dreg:$0x19] =	wrdreg s23  }
0x1f: {  	s11 =	simm.s32 $0xB;
	s20 =	simm.s32 $0x1;
	[dreg:$0x1e] =	wrdreg s28  }
0x20: {  	s21 =	simm.s32 $0x6;
	s22 =	simm.s32 $0x3;
	[dreg:$0x1f] =	wrdreg s29  }
0x21: {  	s24 =	simm.s32 $0xA;
	s0 =	sadd.s32 s0, s8;
	[smem:$0x7FC] =	sst s30  }
0x22: {  	s7 =	sshrl.u32 s16, $0x3;
	s8 =	sadd.s32 $0x138000, s2;
	[smem:$0x7FD] =	sst s31  }
0x23: {  	s16 =	simm.s32 $0x2880;
	s0 =	sadd.s32 $0x27000, s0;
	[dreg:$0x1d] =	wrdreg s8  }
.Ltmp0:
0x24: {  	[dreg:$0x10] =	wrdreg s0;
	s0 =	sadd.s32 s14, s5;
	(pc) =	sbr.rel .LBB2_1-.Ltmp0, $4  }
0x25: {  	s18 =	sadd.s32 s7, s5;
	[dreg:$0x12] =	wrdreg s0;
	s0 =	sshrl.u32 s15, $0x3  }
0x26: {  	s23 =	simm.s32 $0x8;
	[dreg:$0x14] =	wrdreg s18;
	s0 =	sadd.s32 s0, s5  }
0x27: {  	s18 =	simm.s32 $0x1B400;
	[dreg:$0x13] =	wrdreg s0;
	s0 =	sadd.s32 s19, s5  }
0x28: {  	v0 =	vimm.f32 $0.0e+00;
	s15 =	simm.s32 $0x18C00;
	s19 =	simm.s32 $0x2980;
	[dreg:$0x15] =	wrdreg s0  }
.LBB2_6:
0x29: {  	s0 =	stileid.u32;
	[bflag:$0x0] =	sbarrier.arrive $0xFFFF  }
0x2a: {  	s0 =	sshll.u32 s0, $0x6;
	s6 =	rddreg [dreg:$0x3]  }
0x2b: {  	s3 =	rddreg [dreg:$0xf];
	s0 =	sor.u32 $0x1C0B, s0;
	s1 =	sshrl.u32 s6, $0x3  }
0x2c: {  	[hbm:s3], [sflag:s0] =	dma.local [spmem:s1], $0x2700  }
0x2d: {  	_ =	swait.ge [sflag:s11], $0x2700  }
0x2e: {  	[sflag:s11] =	ssyncset.done $0x0;
	s8 =	rddreg [dreg:$0x1d]  }
0x2f: {  	s3 =	rddreg [dreg:$0x10];
	[sflag:s11] =	ssyncadd.s32 $0xFFFFD900;
	s1 =	sshrl.u32 @!p0 s8, $0x3  }
0x30: {  	[hbm:s3], [sflag:s0] =	dma.local @!p0 [spmem:s1], $0x100  }
0x31: {  	s0 =	simm.s32 @!p0 $0xB  }
0x32: {  	_ =	swait.ge @!p0 [sflag:s0], $0x100  }
0x33: {  	s30 =	sld [smem:$0x7FB];
	_ =	sdelay $0x2  }
0x34: {  	s31 =	rddreg [dreg:$0x11];
	s3 =	sadd.s32 $0x1, s30  }
0x35: {  	p1 =	sne.s32 s3, s31  }
.Ltmp1:
0x36: {  	_ = 	snop;
	(pc) =	sbr.rel @!p1 .LBB2_7-.Ltmp1, $3  }
0x37: {  	_ =	sdelay $0x1  }
0x38: {  	[sflag:s0] =	ssyncset.done @!p0 $0x0  }
0x39: {  	[sflag:s0] =	ssyncadd.s32 @!p0 $0xFFFFFF00  }
.LBB2_1:
0x3a: {  	[smem:$0x7FB] =	sst s3;
	s0 =	simm.s32 $0x0;
	s7 =	simm.s32 $0x200  }
.LBB2_2:
0x3b: {  	p1 =	sne.s32 s7, $0x4E00;
	[tilespmem:s0+$0x16470] =	vst v0  }
0x3c: {  	[tilespmem:s0+$0x16400] =	vst v0  }
0x3d: {  	[tilespmem:s0+$0x16410] =	vst v0  }
.Ltmp2:
0x3e: {  	[tilespmem:s0+$0x16420] =	vst v0;
	(pc) =	sbr.rel @p1 .LBB2_2-.Ltmp2, $4  }
0x3f: {  	[tilespmem:s0+$0x16430] =	vst v0  }
0x40: {  	[tilespmem:s0+$0x16440] =	vst v0  }
0x41: {  	[tilespmem:s0+$0x16450] =	vst v0  }
0x42: {  	[tilespmem:s0+$0x16460] =	vst v0;
	s0 =	sshra.s32 s7, $0x2;
	s7 =	sadd.s32 $0x200, s7  }
0x43: {  	[tilespmem:s0+$0x16470] =	vst v0  }
0x44: {  	[tilespmem:s0+$0x16400] =	vst v0  }
0x45: {  	[tilespmem:s0+$0x16410] =	vst v0  }
0x46: {  	[tilespmem:s0+$0x16420] =	vst v0  }
0x47: {  	[tilespmem:s0+$0x16430] =	vst v0  }
0x48: {  	[tilespmem:s0+$0x16440] =	vst v0  }
0x49: {  	[tilespmem:s0+$0x16450] =	vst v0  }
0x4a: {  	[tilespmem:s0+$0x16460] =	vst v0;
	s28 =	simm.s32 $0x0;
	s1 =	rddreg [dreg:$0x4]  }
0x4b: {  	[tilespmem:s28], [sflag:$0xB] =	stream.linear.gather [hbm4b:s1+s28], $0x2710, $0x38;
	[tilespmem:$0x1C800] =	vst v63  }
0x4c: {  	_ =	swait.ge [sflag:s11], $0x2710  }
0x4d: {  	[sflag:s11] =	ssyncset.done $0x0  }
0x4e: {  	[sflag:s11] =	ssyncadd.s32 $0xFFFFD8F0  }
0x4f: {  	[spmem:s6] =	stream.linear.scatter [tilespmem:s12], [sflag:$0xB], $0x1400, $0x38;
	[tilespmem:$0x1C800] =	vst v63  }
0x50: {  	_ =	swait.ge [sflag:s11], $0x1400  }
0x51: {  	[sflag:s11] =	ssyncset.done $0x0  }
0x52: {  	s3 =	rddreg [dreg:$0x5];
	[sflag:s11] =	ssyncadd.s32 $0xFFFFEC00  }
0x53: {  	[spmem:s3] =	stream.linear.scatter [tilespmem:s12], [sflag:$0xB], $0x1400, $0x38;
	[tilespmem:$0x1C800] =	vst v63  }
0x54: {  	_ =	swait.ge [sflag:s11], $0x1400  }
0x55: {  	[sflag:s11] =	ssyncset.done $0x0  }
0x56: {  	s6 =	rddreg [dreg:$0x6];
	[sflag:s11] =	ssyncadd.s32 $0xFFFFEC00  }
0x57: {  	[spmem:s6] =	stream.linear.scatter [tilespmem:s12], [sflag:$0xB], $0x1400, $0x38;
	[tilespmem:$0x1C800] =	vst v63  }
0x58: {  	_ =	swait.ge [sflag:s11], $0x1400  }
0x59: {  	[sflag:s11] =	ssyncset.done $0x0  }
0x5a: {  	s7 =	rddreg [dreg:$0x7];
	[sflag:s11] =	ssyncadd.s32 $0xFFFFEC00  }
0x5b: {  	[spmem:s7] =	stream.linear.scatter [tilespmem:s12], [sflag:$0xB], $0x1400, $0x38;
	[tilespmem:$0x1C800] =	vst v63  }
0x5c: {  	_ =	swait.ge [sflag:s11], $0x1400  }
0x5d: {  	[sflag:s11] =	ssyncset.done $0x0  }
0x5e: {  	s9 =	rddreg [dreg:$0x8];
	[sflag:s11] =	ssyncadd.s32 $0xFFFFEC00  }
0x5f: {  	[spmem:s9] =	stream.linear.scatter [tilespmem:s12], [sflag:$0xB], $0x1400, $0x38;
	[tilespmem:$0x1C800] =	vst v63  }
0x60: {  	_ =	swait.ge [sflag:s11], $0x1400  }
0x61: {  	[sflag:s11] =	ssyncset.done $0x0  }
0x62: {  	s10 =	rddreg [dreg:$0x9];
	[sflag:s11] =	ssyncadd.s32 $0xFFFFEC00  }
0x63: {  	[spmem:s10] =	stream.linear.scatter [tilespmem:s12], [sflag:$0xB], $0x1400, $0x38;
	[tilespmem:$0x1C800] =	vst v63  }
0x64: {  	_ =	swait.ge [sflag:s11], $0x1400  }
0x65: {  	[sflag:s11] =	ssyncset.done $0x0  }
0x66: {  	s14 =	rddreg [dreg:$0xa];
	[sflag:s11] =	ssyncadd.s32 $0xFFFFEC00  }
0x67: {  	[spmem:s14] =	stream.linear.scatter [tilespmem:s12], [sflag:$0xB], $0x1400, $0x38;
	[tilespmem:$0x1C800] =	vst v63  }
0x68: {  	_ =	swait.ge [sflag:s11], $0x1400  }
0x69: {  	[sflag:s11] =	ssyncset.done $0x0  }
0x6a: {  	s17 =	rddreg [dreg:$0xb];
	[sflag:s11] =	ssyncadd.s32 $0xFFFFEC00  }
0x6b: {  	[spmem:s17] =	stream.linear.scatter [tilespmem:s12], [sflag:$0xB], $0x1400, $0x38;
	[tilespmem:$0x1C800] =	vst v63  }
0x6c: {  	_ =	swait.ge [sflag:s11], $0x1400  }
0x6d: {  	[sflag:s11] =	ssyncset.done $0x0  }
0x6e: {  	s25 =	rddreg [dreg:$0xc];
	[sflag:s11] =	ssyncadd.s32 $0xFFFFEC00  }
0x6f: {  	[spmem:s25] =	stream.linear.scatter [tilespmem:s12], [sflag:$0xB], $0x1400, $0x38;
	[tilespmem:$0x1C800] =	vst v63  }
0x70: {  	_ =	swait.ge [sflag:s11], $0x1400  }
0x71: {  	[sflag:s11] =	ssyncset.done $0x0  }
0x72: {  	s28 =	rddreg [dreg:$0xd];
	[sflag:s11] =	ssyncadd.s32 $0xFFFFEC00  }
0x73: {  	[spmem:s28] =	stream.linear.scatter [tilespmem:s12], [sflag:$0xB], $0x1400, $0x38;
	[tilespmem:$0x1C800] =	vst v63  }
0x74: {  	_ =	swait.ge [sflag:s11], $0x1400  }
0x75: {  	[sflag:s11] =	ssyncset.done $0x0  }
0x76: {  	s1 =	rddreg [dreg:$0x17];
	[sflag:s11] =	ssyncadd.s32 $0xFFFFEC00  }
0x77: {  	[spmem:s1] =	stream.linear.scatter [tilespmem:s12], [sflag:$0xB], $0x1400, $0x38;
	[tilespmem:$0x1C800] =	vst v63  }
0x78: {  	_ =	swait.ge [sflag:s11], $0x1400  }
0x79: {  	[sflag:s11] =	ssyncset.done $0x0  }
0x7a: {  	s3 =	rddreg [dreg:$0x18];
	[sflag:s11] =	ssyncadd.s32 $0xFFFFEC00  }
0x7b: {  	[spmem:s3] =	stream.linear.scatter [tilespmem:s12], [sflag:$0xB], $0x1400, $0x38;
	[tilespmem:$0x1C800] =	vst v63  }
0x7c: {  	_ =	swait.ge [sflag:s11], $0x1400  }
0x7d: {  	[sflag:s11] =	ssyncset.done $0x0  }
0x7e: {  	s6 =	rddreg [dreg:$0x19];
	[sflag:s11] =	ssyncadd.s32 $0xFFFFEC00  }
0x7f: {  	[spmem:s6] =	stream.linear.scatter [tilespmem:s12], [sflag:$0xB], $0x1400, $0x38;
	[tilespmem:$0x1C800] =	vst v63  }
0x80: {  	_ =	swait.ge [sflag:s11], $0x1400  }
0x81: {  	[sflag:s11] =	ssyncset.done $0x0  }
0x82: {  	s7 =	rddreg [dreg:$0x1a];
	[sflag:s11] =	ssyncadd.s32 $0xFFFFEC00  }
0x83: {  	[spmem:s7] =	stream.linear.scatter [tilespmem:s12], [sflag:$0xB], $0x1400, $0x38;
	[tilespmem:$0x1C800] =	vst v63  }
0x84: {  	_ =	swait.ge [sflag:s11], $0x1400  }
0x85: {  	[sflag:s11] =	ssyncset.done $0x0  }
0x86: {  	s9 =	rddreg [dreg:$0x1b];
	[sflag:s11] =	ssyncadd.s32 $0xFFFFEC00  }
0x87: {  	[spmem:s9] =	stream.linear.scatter [tilespmem:s12], [sflag:$0xB], $0x1400, $0x38;
	[tilespmem:$0x1C800] =	vst v63  }
0x88: {  	_ =	swait.ge [sflag:s11], $0x1400  }
0x89: {  	[sflag:s11] =	ssyncset.done $0x0  }
0x8a: {  	s10 =	rddreg [dreg:$0x1c];
	[sflag:s11] =	ssyncadd.s32 $0xFFFFEC00  }
0x8b: {  	[spmem:s10] =	stream.linear.scatter [tilespmem:s12], [sflag:$0xB], $0xC00, $0x38;
	[tilespmem:$0x1C800] =	vst v63  }
0x8c: {  	_ =	swait.ge [sflag:s11], $0xC00  }
0x8d: {  	[sflag:s11] =	ssyncset.done $0x0  }
0x8e: {  	s0 =	simm.s32 @!p0 $0x16400;
	[sflag:s11] =	ssyncadd.s32 $0xFFFFF400  }
0x8f: {  	[spmem:s8] =	stream.linear.scatter @!p0 [tilespmem:s0], [sflag:$0xB], $0x800, $0x38;
	[tilespmem:$0x1C800] =	vst v63  }
0x90: {  	s0 =	simm.s32 @!p0 $0xB  }
0x91: {  	_ =	swait.ge @!p0 [sflag:s0], $0x800  }
0x92: {  	[sflag:s0] =	ssyncset.done @!p0 $0x0  }
0x93: {  	[sflag:s0] =	ssyncadd.s32 @!p0 $0xFFFFF800  }
0x94: {  	s25 =	simm.s32 $0x0;
	[bflag:$0x0] =	sbarrier.arrive $0xFFFF  }
0x95: {  	[tilespmem:s12], [sflag:$0x1] =	stream.indirect.gather [hbm4b:s4+s13], $0x80, s25, s13, $0xb8;
	[tilespmem:$0x1C800] =	vst v63  }
0x96: {  	s14 =	rddreg [dreg:$0xe]  }
0x97: {  	s17 =	simm.s32 $0x2780;
	s1 =	rddreg [dreg:$0x1e]  }
0x98: {  	[tilespmem:s17], [sflag:$0x6] =	stream.linear.gather [hbm4b:s14+s25], $0x80, $0x38;
	[tilespmem:$0x1C800] =	vst v63  }
0x99: {  	s28 =	simm.s32 $0x17800;
	s7 =	rddreg [dreg:$0x1f]  }
0x9a: {  	[tilespmem:s28], [sflag:$0x2] =	stream.indirect.gather [hbm4b:s4+s13], $0x80, s13, s13, $0xb8;
	[tilespmem:$0x1C800] =	vst v63  }
0x9b: {  	s3 =	simm.s32 $0x2800;
	s10 =	sld [smem:$0x7FC]  }
0x9c: {  	[tilespmem:s3], [sflag:$0x7] =	stream.linear.gather [hbm4b:s1+s25], $0x80, $0x38;
	[tilespmem:$0x1C800] =	vst v63  }
0x9d: {  	s6 =	simm.s32 $0x50;
	s29 =	rddreg [dreg:$0x16]  }
0x9e: {  	[tilespmem:s15], [sflag:$0x3] =	stream.indirect.gather [hbm4b:s4+s13], $0x80, s6, s13, $0xb8;
	[tilespmem:$0x1C800] =	vst v63  }
0x9f: {  	s30 =	rddreg [dreg:$0x15]  }
0xa0: {  	[tilespmem:s16], [sflag:$0x8] =	stream.linear.gather [hbm4b:s7+s25], $0x80, $0x38;
	[tilespmem:$0x1C800] =	vst v63  }
0xa1: {  	s9 =	simm.s32 $0x1A000;
	s8 =	simm.s32 $0x78;
	s31 =	rddreg [dreg:$0x14]  }
0xa2: {  	[tilespmem:s9], [sflag:$0x4] =	stream.indirect.gather [hbm4b:s4+s13], $0x80, s8, s13, $0xb8;
	[tilespmem:$0x1C800] =	vst v63  }
0xa3: {  	s0 =	rddreg [dreg:$0x13];
	s14 =	simm.s32 $0x2900  }
0xa4: {  	[tilespmem:s14], [sflag:$0x9] =	stream.linear.gather [hbm4b:s10+s25], $0x80, $0x38;
	[tilespmem:$0x1C800] =	vst v63  }
0xa5: {  	s17 =	simm.s32 $0xA0;
	s28 =	sld [smem:$0x7FD]  }
0xa6: {  	[tilespmem:s18], [sflag:$0x5] =	stream.indirect.gather [hbm4b:s4+s13], $0x80, s17, s13, $0xb8;
	[tilespmem:$0x1C800] =	vst v63  }
0xa7: {  	s7 =	rddreg [dreg:$0x12]  }
0xa8: {  	[tilespmem:s19], [sflag:$0xA] =	stream.linear.gather [hbm4b:s28+s25], $0x80, $0x38;
	[tilespmem:$0x1C800] =	vst v63  }
.LBB2_4:
0xa9: {  	_ =	swait.ge [sflag:s20], $0x1400  }
0xaa: {  	[sflag:s20] =	ssyncset.done $0x0  }
0xab: {  	[sflag:s20] =	ssyncadd.s32 $0xFFFFEC00  }
0xac: {  	_ =	swait.ge [sflag:s21], $0x80  }
0xad: {  	[sflag:s21] =	ssyncset.done $0x0  }
0xae: {  	s1 =	simm.s32 $0x2780;
	[sflag:s21] =	ssyncadd.s32 $0xFFFFFF80  }
0xaf: {  	[spmem:s2] =	stream.indirect.scatter.add.f32 [tilespmem:s12], [sflag:$0xB], $0x80, s1, s13, $0xb8;
	[tilespmem:$0x1C800] =	vst v63  }
0xb0: {  	_ =	swait.ge [sflag:s11], $0x1400  }
0xb1: {  	p1 =	seq.s32 s25, $0x9920;
	[sflag:s11] =	ssyncset.done $0x0  }
0xb2: {  	s8 =	simm.s32 @p1 $0x2;
	[sflag:s11] =	ssyncadd.s32 $0xFFFFEC00  }
0xb3: {  	_ =	swait.ge @p1 [sflag:s8], $0x1400  }
0xb4: {  	[sflag:s8] =	ssyncset.done @p1 $0x0  }
0xb5: {  	[sflag:s8] =	ssyncadd.s32 @p1 $0xFFFFEC00;
	s8 =	simm.s32 @p1 $0x7  }
0xb6: {  	_ =	swait.ge @p1 [sflag:s8], $0x80  }
0xb7: {  	s17 =	simm.s32 @p1 $0x28;
	s9 =	simm.s32 @p1 $0x17800;
	[sflag:s8] =	ssyncset.done @p1 $0x0  }
0xb8: {  	s1 =	simm.s32 @p1 $0xB;
	[sflag:s8] =	ssyncadd.s32 @p1 $0xFFFFFF80;
	s8 =	simm.s32 @p1 $0x2800  }
0xb9: {  	[spmem:s2] =	stream.indirect.scatter.add.f32 @p1 [tilespmem:s9], [sflag:$0xB], $0x80, s8, s17, $0xb8;
	[tilespmem:$0x1C800] =	vst v63  }
0xba: {  	_ =	swait.ge @p1 [sflag:s1], $0x1400  }
0xbb: {  	s6 =	simm.s32 @!p1 $0x16400;
	s8 =	sshra.s32 @!p1 s25, $0x2;
	[sflag:s1] =	ssyncset.done @p1 $0x0  }
0xbc: {  	s9 =	simm.s32 @!p1 $0x28;
	s10 =	sadd.s32 @!p1 $0xC8, s8;
	[sflag:s1] =	ssyncadd.s32 @p1 $0xFFFFEC00  }
0xbd: {  	[tilespmem:s6], [sflag:$0x1] =	stream.indirect.gather @!p1 [hbm4b:s4+s9], $0x80, s10, s9, $0xb8;
	[tilespmem:$0x1C800] =	vst v63  }
0xbe: {  	s6 =	sshrl.u32 @!p1 s29, $0x3  }
0xbf: {  	s28 =	simm.s32 @!p1 $0x2780;
	s10 =	simm.s32 @!p1 $0x0;
	s6 =	sadd.s32 @!p1 s5, s6  }
0xc0: {  	[tilespmem:s28], [sflag:$0x6] =	stream.linear.gather @!p1 [hbm4b:s6+s10], $0x80, $0x38;
	[tilespmem:$0x1C800] =	vst v63  }
0xc1: {  	s6 =	simm.s32 @!p1 $0x2  }
0xc2: {  	_ =	swait.ge @!p1 [sflag:s6], $0x1400  }
0xc3: {  	[sflag:s6] =	ssyncset.done @!p1 $0x0  }
0xc4: {  	[sflag:s6] =	ssyncadd.s32 @!p1 $0xFFFFEC00;
	s6 =	simm.s32 @!p1 $0x7  }
0xc5: {  	_ =	swait.ge @!p1 [sflag:s6], $0x80  }
0xc6: {  	s3 =	simm.s32 @!p1 $0xB;
	[sflag:s6] =	ssyncset.done @!p1 $0x0  }
0xc7: {  	s28 =	simm.s32 @!p1 $0x17800;
	[sflag:s6] =	ssyncadd.s32 @!p1 $0xFFFFFF80;
	s6 =	simm.s32 @!p1 $0x2800  }
0xc8: {  	[spmem:s2] =	stream.indirect.scatter.add.f32 @!p1 [tilespmem:s28], [sflag:$0xB], $0x80, s6, s9, $0xb8;
	[tilespmem:$0x1C800] =	vst v63  }
0xc9: {  	_ =	swait.ge @!p1 [sflag:s3], $0x1400  }
0xca: {  	[sflag:s3] =	ssyncset.done @!p1 $0x0  }
0xcb: {  	s14 =	sadd.s32 @!p1 $0xF0, s8;
	[sflag:s3] =	ssyncadd.s32 @!p1 $0xFFFFEC00  }
0xcc: {  	[tilespmem:s28], [sflag:$0x2] =	stream.indirect.gather @!p1 [hbm4b:s4+s9], $0x80, s14, s9, $0xb8;
	[tilespmem:$0x1C800] =	vst v63  }
0xcd: {  	_ = 	snop  }
0xce: {  	[tilespmem:s6], [sflag:$0x7] =	stream.linear.gather @!p1 [hbm4b:s30+s10], $0x80, $0x38;
	[tilespmem:$0x1C800] =	vst v63  }
0xcf: {  	_ =	swait.ge [sflag:s22], $0x1400  }
0xd0: {  	[sflag:s22] =	ssyncset.done $0x0  }
0xd1: {  	[sflag:s22] =	ssyncadd.s32 $0xFFFFEC00  }
0xd2: {  	_ =	swait.ge [sflag:s23], $0x80  }
0xd3: {  	[sflag:s23] =	ssyncset.done $0x0  }
0xd4: {  	[sflag:s23] =	ssyncadd.s32 $0xFFFFFF80  }
0xd5: {  	[spmem:s2] =	stream.indirect.scatter.add.f32 [tilespmem:s15], [sflag:$0xB], $0x80, s16, s13, $0xb8;
	[tilespmem:$0x1C800] =	vst v63  }
0xd6: {  	_ =	swait.ge [sflag:s11], $0x1400  }
0xd7: {  	[sflag:s11] =	ssyncset.done $0x0  }
0xd8: {  	s6 =	simm.s32 @p1 $0x4;
	[sflag:s11] =	ssyncadd.s32 $0xFFFFEC00  }
0xd9: {  	_ =	swait.ge @p1 [sflag:s6], $0x1400  }
0xda: {  	[sflag:s6] =	ssyncset.done @p1 $0x0  }
0xdb: {  	[sflag:s6] =	ssyncadd.s32 @p1 $0xFFFFEC00;
	s6 =	simm.s32 @p1 $0x9  }
0xdc: {  	_ =	swait.ge @p1 [sflag:s6], $0x80  }
0xdd: {  	[sflag:s6] =	ssyncset.done @p1 $0x0  }
0xde: {  	s14 =	simm.s32 @p1 $0x1A000;
	[sflag:s6] =	ssyncadd.s32 @p1 $0xFFFFFF80;
	s6 =	simm.s32 @p1 $0x2900  }
0xdf: {  	[spmem:s2] =	stream.indirect.scatter.add.f32 @p1 [tilespmem:s14], [sflag:$0xB], $0x80, s6, s17, $0xb8;
	[tilespmem:$0x1C800] =	vst v63  }
0xe0: {  	_ =	swait.ge @p1 [sflag:s1], $0x1400  }
0xe1: {  	[sflag:s1] =	ssyncset.done @p1 $0x0  }
0xe2: {  	s6 =	simm.s32 @!p1 $0x18C00;
	[sflag:s1] =	ssyncadd.s32 @p1 $0xFFFFEC00;
	s1 =	sadd.s32 @!p1 $0x118, s8  }
0xe3: {  	[tilespmem:s6], [sflag:$0x3] =	stream.indirect.gather @!p1 [hbm4b:s4+s9], $0x80, s1, s9, $0xb8;
	[tilespmem:$0x1C800] =	vst v63  }
0xe4: {  	s1 =	simm.s32 @!p1 $0x2880  }
0xe5: {  	[tilespmem:s1], [sflag:$0x8] =	stream.linear.gather @!p1 [hbm4b:s31+s10], $0x80, $0x38;
	[tilespmem:$0x1C800] =	vst v63  }
0xe6: {  	s1 =	simm.s32 @!p1 $0x4  }
0xe7: {  	_ =	swait.ge @!p1 [sflag:s1], $0x1400  }
0xe8: {  	[sflag:s1] =	ssyncset.done @!p1 $0x0  }
0xe9: {  	[sflag:s1] =	ssyncadd.s32 @!p1 $0xFFFFEC00;
	s1 =	simm.s32 @!p1 $0x9  }
0xea: {  	_ =	swait.ge @!p1 [sflag:s1], $0x80  }
0xeb: {  	[sflag:s1] =	ssyncset.done @!p1 $0x0  }
0xec: {  	s6 =	simm.s32 @!p1 $0x1A000;
	[sflag:s1] =	ssyncadd.s32 @!p1 $0xFFFFFF80;
	s1 =	simm.s32 @!p1 $0x2900  }
0xed: {  	[spmem:s2] =	stream.indirect.scatter.add.f32 @!p1 [tilespmem:s6], [sflag:$0xB], $0x80, s1, s9, $0xb8;
	[tilespmem:$0x1C800] =	vst v63  }
0xee: {  	_ =	swait.ge @!p1 [sflag:s3], $0x1400  }
0xef: {  	[sflag:s3] =	ssyncset.done @!p1 $0x0  }
0xf0: {  	[sflag:s3] =	ssyncadd.s32 @!p1 $0xFFFFEC00;
	s3 =	sadd.s32 @!p1 $0x140, s8  }
0xf1: {  	[tilespmem:s6], [sflag:$0x4] =	stream.indirect.gather @!p1 [hbm4b:s4+s9], $0x80, s3, s9, $0xb8;
	[tilespmem:$0x1C800] =	vst v63  }
0xf2: {  	_ = 	snop  }
0xf3: {  	[tilespmem:s1], [sflag:$0x9] =	stream.linear.gather @!p1 [hbm4b:s0+s10], $0x80, $0x38;
	[tilespmem:$0x1C800] =	vst v63  }
0xf4: {  	_ =	swait.ge [sflag:s26], $0x1400  }
0xf5: {  	[sflag:s26] =	ssyncset.done $0x0  }
0xf6: {  	[sflag:s26] =	ssyncadd.s32 $0xFFFFEC00  }
0xf7: {  	_ =	swait.ge [sflag:s24], $0x80  }
0xf8: {  	[sflag:s24] =	ssyncset.done $0x0  }
.Ltmp3:
0xf9: {  	[sflag:s24] =	ssyncadd.s32 $0xFFFFFF80;
	(pc) =	sbr.rel @p1 .LBB2_6-.Ltmp3, $4  }
0xfa: {  	[spmem:s2] =	stream.indirect.scatter.add.f32 [tilespmem:s18], [sflag:$0xB], $0x80, s19, s13, $0xb8;
	[tilespmem:$0x1C800] =	vst v63  }
0xfb: {  	_ =	swait.ge [sflag:s11], $0x1400  }
0xfc: {  	[sflag:s11] =	ssyncset.done $0x0  }
0xfd: {  	[sflag:s11] =	ssyncadd.s32 $0xFFFFEC00  }
0xfe: {  	s1 =	sshra.s32 s25, $0x2  }
.Ltmp4:
0xff: {  	s28 =	simm.s32 $0x0;
	s1 =	sadd.s32 $0x168, s1;
	(pc) =	sbr.rel .LBB2_4-.Ltmp4, $4  }
0x100: {  	[tilespmem:s18], [sflag:$0x5] =	stream.indirect.gather [hbm4b:s4+s13], $0x80, s1, s13, $0xb8;
	[tilespmem:$0x1C800] =	vst v63  }
0x101: {  	s25 =	sadd.s32 $0x320, s25;
	s0 =	sadd.s32 $0x50, s0;
	s31 =	sadd.s32 $0x50, s31  }
0x102: {  	[tilespmem:s19], [sflag:$0xA] =	stream.linear.gather [hbm4b:s7+s28], $0x80, $0x38;
	[tilespmem:$0x1C800] =	vst v63  }
0x103: {  	s30 =	sadd.s32 $0x50, s30;
	s29 =	sadd.s32 $0x280, s29;
	s7 =	sadd.s32 $0x50, s7  }
.LBB2_7:
0x104: {  	_ =	sfence.sel $0x180000  }
0x105: {  	[bflag:$0x0] =	sbarrier.arrive $0xFFFF  }
0x106: {  	_ =	strace $0x9000004A  }
0x107: {  	[bflag:$0x2] =	sbarrier.arrive $0xFFFF  }
0x108: {  	s0 =	rddreg [dreg:$0x2]  }
0x109: {  	s0 =	sadd.s32 @!p0 $0x100000, s0  }
0x10a: {  	[sflag:s0] =	ssyncadd.tile.s32 @!p0 $0x1;
	_ =	shalt  }
.Lfunc_end2:
_tile_overlayer_lowered:
.L_overlay_start_2:
0x10b: {  	(tag) =	ssettag $0x2  }
0x10c: {  	s0 =	rddreg [dreg:$0x0];
	s2 =	stileid.u32  }
0x10d: {  	s1 =	rddreg [dreg:$0x1];
	p0 =	sne.s32 s2, $0x0  }
0x10e: {  	s3 =	rddreg [dreg:$0x2];
	[bflag:$0x3] =	sbarrier.arrive $0xFFFF;
	s2 =	simm.s32 @!p0 $0x1C0B  }
0x10f: {  	[timem:s3], [sflag:s2] =	dma.local @!p0 [hbm:s0], s1  }
0x110: {  	s0 =	simm.s32 @!p0 $0xB  }
0x111: {  	_ =	swait.ge @!p0 [sflag:s0], s1  }
0x112: {  	s1 =	ssub.s32 @!p0 $0x0, s1;
	[sflag:s0] =	ssyncset.done @!p0 $0x0  }
0x113: {  	[sflag:s0] =	ssyncadd.s32 @!p0 s1  }
0x114: {  	[bflag:$0x3] =	sbarrier.arrive $0xFFFF  }
0x115: {  	_ =	shalt  }

// kernel: kernel.8.cloned.1.call-start
scs
__scs_entry_jumppad:
0x0: {  	(pc) =	sbr.rel $0x88, $3  }
0x1: {  	(tag) =	ssettag $0x0;
	lr =	simm.s32 $0x1  }
0x2: {  	[smem:$0x3F96] =	sst lr;
	_ =	strace $0xD0000000  }
0x3: {  	_ = 	snop  }
0x4: {  	_ = 	snop  }
0x5: {  	_ = 	snop  }
0x6: {  	_ = 	snop  }
0x7: {  	_ = 	snop  }
__scs_overlays_trampoline_lowered:
0x8: {  	[smem:$0x3FA5] =	sst s0  }
0x9: {  	[smem:$0x3FA6] =	sst s1  }
0xa: {  	[smem:$0x3FA7] =	sst s2  }
0xb: {  	[smem:$0x3FA8] =	sst s3  }
0xc: {  	[smem:$0x3FA9] =	sst s4  }
0xd: {  	[smem:$0x3FAA] =	sst s5  }
0xe: {  	[smem:$0x3FAB] =	sst s6  }
0xf: {  	[smem:$0x3FAC] =	sst s7  }
0x10: {  	[smem:$0x3FAD] =	sst s8  }
0x11: {  	[smem:$0x3FAE] =	sst s9;
	s0 =	simm.s32 @!p0 $0x0  }
0x12: {  	s1 =	sld [smem:$0x3F94];
	s0 =	simm.s32 @p0 $0x1  }
0x13: {  	[smem:$0x3FAF] =	sst s0;
	s0 =	simm.s32 @!p1 $0x0  }
0x14: {  	s2 =	sld [smem:$0x3F93];
	s0 =	simm.s32 @p1 $0x1  }
0x15: {  	[smem:$0x3FB0] =	sst s0;
	s0 =	simm.s32 @!p2 $0x0  }
0x16: {  	s3 =	sld [smem:$0x3FDB];
	s0 =	simm.s32 @p2 $0x1  }
0x17: {  	s4 =	simm.s32 $0x1BF5;
	[smem:$0x3FB2] =	sst s0  }
0x18: {  	s0 =	sld [smem:$0x3F95];
	_ =	swait.ge [sflag:s4], $0x0  }
0x19: {  	s7 =	sld [smem:$0x3F96]  }
0x1a: {  	s8 =	sadd.s32 $0xFFFFE003, lr  }
0x1b: {  	s9 =	sadd.s32 $0xFFFFFEF7, lr;
	s5 =	simm.s32 $0xFFFFFFFF;
	p2 =	slt.u32 s8, $0xFFFFF086  }
0x1c: {  	p1 =	slt.u32 s9, $0xF7A;
	s5 =	simm.s32 @!p2 $0x0  }
0x1d: {  	s5 =	simm.s32 @p1 $0x1;
	p0 =	seq.s32 s7, s2  }
0x1e: {  	s7 =	smul.u32 @!p0 $0xF7A, s2;
	p2 =	seq.s32 @!p0 s5, $0x0  }
0x1f: {  	s9 =	smul.u32 $0xF7A, s1;
	s8 =	simm.s32 @!p0 $0x1BF5;
	p2 =	por !p2, p0  }
0x20: {  	[sflag:s8] =	ssyncset.s32 @!p0 $0xFFFFF086;
	s6 =	sadd.s32 @!p0 s3, s7;
	s7 =	simm.s32 @!p0 $0x108  }
0x21: {  	s3 =	sadd.s32 s3, s9;
	s6 =	sadd.s32 @!p0 $0x88, s6;
	s7 =	simm.s32 @p2 $0x1082  }
0x22: {  	[simem:s7], [sflag:s8] =	dma.local @!p0 [hbm:s6], $0xF7A  }
0x23: {  	s9 =	sor.u32 $0xD0000000, s2;
	s6 =	simm.s32 $0x108;
	_ =	swait.ge @!p0 [sflag:s8], $0x0  }
0x24: {  	s3 =	sadd.s32 $0x88, s3;
	s6 =	simm.s32 @!p1 $0x1082;
	[sflag:s4] =	ssyncset.s32 $0xFFFFF086  }
0x25: {  	[simem:s6], [sflag:s4] =	dma.local [hbm:s3], $0xF7A  }
0x26: {  	[smem:$0x3F96] =	sst s1;
	(tag) =	ssettag s2;
	_ =	strace s9  }
0x27: {  	s1 =	sld [smem:$0x3FA6]  }
0x28: {  	s2 =	sld [smem:$0x3FA7]  }
0x29: {  	s4 =	sld [smem:$0x3FA9]  }
0x2a: {  	p0 =	seq.s32 s5, $0x0;
	s5 =	sld [smem:$0x3FAA]  }
0x2b: {  	s6 =	sld [smem:$0x3FAB]  }
0x2c: {  	s7 =	sld [smem:$0x3FAC]  }
0x2d: {  	s3 =	simm.s32 $0x108;
	s8 =	sld [smem:$0x3FAD]  }
0x2e: {  	s3 =	simm.s32 @!p0 $0x1082;
	s9 =	sld [smem:$0x3FAE]  }
0x2f: {  	lr =	sadd.s32 s0, s3;
	s0 =	sld [smem:$0x3FA5]  }
0x30: {  	s3 =	sld [smem:$0x3FA8]  }
0x31: {  	[smem:$0x3FB1] =	sst s10  }
0x32: {  	s10 =	sld [smem:$0x3FAF];
	_ =	sdelay $0x3  }
0x33: {  	p0 =	seq.s32 s10, $0x1;
	s10 =	sld [smem:$0x3FB1];
	_ =	sdelay $0x3  }
0x34: {  	[smem:$0x3FB1] =	sst s10  }
0x35: {  	s10 =	sld [smem:$0x3FB0];
	_ =	sdelay $0x3  }
0x36: {  	p1 =	seq.s32 s10, $0x1;
	s10 =	sld [smem:$0x3FB1];
	_ =	sdelay $0x3  }
0x37: {  	[smem:$0x3FB1] =	sst s10  }
0x38: {  	s10 =	sld [smem:$0x3FB2]  }
0x39: {  	_ = 	snop;
	(pc) =	sbr.ind lr, $3  }
0x3a: {  	_ = 	snop  }
0x3b: {  	_ = 	snop  }
0x3c: {  	p2 =	seq.s32 s10, $0x1;
	s10 =	sld [smem:$0x3FB1]  }
0x3d: {  	_ =	shalt  }
0x3e: {  	_ =	shalt  }
0x3f: {  	_ =	shalt  }
0x40: {  	_ =	shalt  }
0x41: {  	_ =	shalt  }
0x42: {  	_ =	shalt  }
0x43: {  	_ =	shalt  }
0x44: {  	_ =	shalt  }
0x45: {  	_ =	shalt  }
0x46: {  	_ =	shalt  }
0x47: {  	_ =	shalt  }
0x48: {  	_ =	shalt  }
0x49: {  	_ =	shalt  }
0x4a: {  	_ =	shalt  }
0x4b: {  	_ =	shalt  }
0x4c: {  	_ =	shalt  }
0x4d: {  	_ =	shalt  }
0x4e: {  	_ =	shalt  }
0x4f: {  	_ =	shalt  }
0x50: {  	_ =	shalt  }
0x51: {  	_ =	shalt  }
0x52: {  	_ =	shalt  }
0x53: {  	_ =	shalt  }
0x54: {  	_ =	shalt  }
0x55: {  	_ =	shalt  }
0x56: {  	_ =	shalt  }
0x57: {  	_ =	shalt  }
0x58: {  	_ =	shalt  }
0x59: {  	_ =	shalt  }
0x5a: {  	_ =	shalt  }
0x5b: {  	_ =	shalt  }
0x5c: {  	_ =	shalt  }
0x5d: {  	_ =	shalt  }
0x5e: {  	_ =	shalt  }
0x5f: {  	_ =	shalt  }
0x60: {  	_ =	shalt  }
0x61: {  	_ =	shalt  }
0x62: {  	_ =	shalt  }
0x63: {  	_ =	shalt  }
0x64: {  	_ =	shalt  }
0x65: {  	_ =	shalt  }
0x66: {  	_ =	shalt  }
0x67: {  	_ =	shalt  }
0x68: {  	_ =	shalt  }
0x69: {  	_ =	shalt  }
0x6a: {  	_ =	shalt  }
0x6b: {  	_ =	shalt  }
0x6c: {  	_ =	shalt  }
0x6d: {  	_ =	shalt  }
0x6e: {  	_ =	shalt  }
0x6f: {  	_ =	shalt  }
0x70: {  	_ =	shalt  }
0x71: {  	_ =	shalt  }
0x72: {  	_ =	shalt  }
0x73: {  	_ =	shalt  }
0x74: {  	_ =	shalt  }
0x75: {  	_ =	shalt  }
0x76: {  	_ =	shalt  }
0x77: {  	_ =	shalt  }
0x78: {  	_ =	shalt  }
0x79: {  	_ =	shalt  }
0x7a: {  	_ =	shalt  }
0x7b: {  	_ =	shalt  }
0x7c: {  	_ =	shalt  }
0x7d: {  	_ =	shalt  }
0x7e: {  	_ =	shalt  }
0x7f: {  	_ =	shalt  }
0x80: {  	_ =	shalt  }
0x81: {  	_ =	shalt  }
0x82: {  	_ =	shalt  }
0x83: {  	_ =	shalt  }
0x84: {  	_ =	shalt  }
0x85: {  	_ =	shalt  }
0x86: {  	_ =	shalt  }
0x87: {  	_ =	shalt  }
.Lfunc_end0:
.L_simem_size_0:
called_computation_lowered:
.L_overlay_start_0:
0x88: {  	s2 =	sld [smem:$0x3FD9]  }
0x89: {  	s3 =	sld [smem:$0x3FFE];
	_ =	sdelay $0x1  }
0x8a: {  	s1 =	srdreg.scid  }
0x8b: {  	s0 =	sand.u32 $0x1, s1  }
0x8c: {  	s16 =	sshll.u32 s0, $0xA;
	s2 =	sadd.s32 s3, s2  }
0x8d: {  	s2 =	sadd.s32 s2, s16  }
0x8e: {  	[smem:$0x3FBD] =	sst s2  }
0x8f: {  	_ = 	snop  }
0x90: {  	(tm) =	ssettm $0x1  }
0x91: {  	s17 =	sld [smem:$0x3FFB];
	_ =	sdelay $0x3  }
0x92: {  	_ =	strace s17  }
0x93: {  	s2 =	sld [smem:$0x3FFC];
	_ =	sdelay $0x3  }
0x94: {  	_ =	strace s2  }
0x95: {  	s2 =	sld [smem:$0x3FFD];
	_ =	sdelay $0x3  }
0x96: {  	_ =	strace s2  }
0x97: {  	_ =	strace $0x8FFFFFFF  }
0x98: {  	s18 =	sld [smem:$0x3FDB];
	_ =	sdelay $0x1  }
0x99: {  	s19 =	simm.s32 $_scs_section_size  }
0x9a: {  	s4 =	simm.s32 $_size__tile_overlayer_lowered;
	s5 =	simm.s32 $_tile_overlayer_lowered  }
0x9b: {  	s22 =	simm.s32 $0x1BFF;
	s21 =	sshll.u32 s5, $0x1;
	s2 =	sadd.s32 s19, s18  }
0x9c: {  	s6 =	simm.s32 $0x0;
	s20 =	sshll.u32 s4, $0x1;
	s4 =	sadd.s32 s21, s2  }
0x9d: {  	[timem:s6], [sflag:s22] =	dma.local [hbm:s4], s20  }
0x9e: {  	_ =	swait.ge [sflag:s22], s20  }
0x9f: {  	s3 =	ssub.s32 $0x0, s20;
	[sflag:s22] =	ssyncset.done $0x0  }
0xa0: {  	[sflag:s22] =	ssyncadd.s32 s3;
	_ =	sdelay $0x1  }
0xa1: {  	s23 =	simm.s32 $0x1B8B  }
0xa2: {  	_ =	swait.ge [sflag:s23], $0x1  }
0xa3: {  	[sflag:s23] =	ssyncset.done $0x0  }
0xa4: {  	s25 =	simm.s32 $0x1B8E;
	s24 =	sld [smem:$0x3FFE];
	[sflag:s23] =	ssyncadd.s32 $0xFFFFFFFF  }
0xa5: {  	s26 =	simm.s32 $execute0_lowered;
	[smem:$0x3FD2] =	sst s25  }
0xa6: {  	s4 =	sshll.u32 s26, $0x1;
	_ =	strace $0x80000046;
	[dreg:$0x1] =	wrdreg $0xFFFFFFFF  }
0xa7: {  	s28 =	simm.s32 $_size_execute0_lowered;
	s2 =	sadd.s32 s2, s4;
	[dreg:$0x0] =	wrdreg $0x0  }
0xa8: {  	s4 =	sshll.u32 s28, $0x1;
	[dreg:$0x2] =	wrdreg s2  }
0xa9: {  	[dreg:$0x3] =	wrdreg s4  }
0xaa: {  	[dreg:$0x4] =	wrdreg $0xC0  }
0xab: {  	_ =	task [dreg:s6], $0x5FFFF  }
0xac: {  	[dreg:$0x1] =	wrdreg $0xFFFFFFFF  }
0xad: {  	[dreg:$0x0] =	wrdreg $0x60  }
0xae: {  	[dreg:$0x2] =	wrdreg s24  }
0xaf: {  	[dreg:$0x3] =	wrdreg $0x2B800  }
0xb0: {  	[dreg:$0x4] =	wrdreg $0x1CC000  }
0xb1: {  	[dreg:$0x5] =	wrdreg $0x9  }
0xb2: {  	_ =	task.clear_ibuf [dreg:s6], $0x6FFFF;
	_ =	strace $0x90000046  }
0xb3: {  	s29 =	simm.s32 $0x9;
	_ =	strace $0x80000048  }
0xb4: {  	_ =	swait.ge [sflag:s29], $0x1  }
0xb5: {  	[sflag:s29] =	ssyncadd.s32 $0xFFFFFFFF  }
0xb6: {  	_ =	strace $0x90000048  }
0xb7: {  	_ =	sfence  }
0xb8: {  	s30 =	sld [smem:$0x0];
	_ =	sdelay $0x2  }
0xb9: {  	s31 =	sshll.u32 s1, $0xD;
	s1 =	sshrl.u32 s1, $0x2  }
0xba: {  	s3 =	sand.u32 $0x4000, s31;
	s1 =	sadd.s32 s1, s30  }
0xbb: {  	s0 =	sor.u32 s3, s0;
	s1 =	sshll.u32 s1, $0x11  }
0xbc: {  	s0 =	sor.u32 s1, s0  }
0xbd: {  	s0 =	sadd.s32 $0x8F2B, s0  }
0xbe: {  	[sflag:s0] =	ssyncadd.remote.s32 $0x1  }
0xbf: {  	_ =	sfence.sel $0xFFFF  }
0xc0: {  	[dreg:$0x0] =	wrdreg $0xFFFFFFFF;
	(pc) =	sbr.abs _section_cstart, $3  }
0xc1: {  	[dreg:$0x1] =	wrdreg $0xFFFFFFFF  }
0xc2: {  	_ =	task.clear_ibuf [dreg:s6], $0x2FFFF;
	_ =	strace $0x9FFFFFFF  }
0xc3: {  	(tm) =	ssettm $0x7FFFFFFF  }
tec
execute0_lowered:
.L_overlay_start_1:
0x0: {  	(tag) =	ssettag $0x1  }
0x1: {  	s1 =	rddreg [dreg:$0x0]  }
0x2: {  	s0 =	rddreg [dreg:$0x1]  }
0x3: {  	s2 =	srdreg.scid;
	s14 =	stileid.u32  }
0x4: {  	s3 =	rddreg [dreg:$0x2];
	s5 =	simm.s32 $0x0;
	s8 =	smul.u32 $0x4E000, s14  }
0x5: {  	s31 =	simm.s32 $0x2780;
	s29 =	simm.s32 $0x2900;
	s22 =	smul.u32 $0x270, s14  }
0x6: {  	s2 =	sand.u32 $0x1, s2;
	s4 =	sshll.u32 s14, $0x1;
	s12 =	smul.u32 $0x13800, s14  }
0x7: {  	[smem:$0x7FF] =	sst s5;
	s5 =	sadd.s32 $0x2C200, s1;
	s13 =	smul.u32 $0xFA00, s14  }
0x8: {  	s9 =	sadd.s32 $0x7A600, s1;
	p0 =	sne.s32 s14, $0x0;
	s26 =	smul.u32 $0x2710, s2  }
0x9: {  	s4 =	sor.u32 s2, s4;
	_ =	strace $0x80000047;
	s30 =	smul.u32 $0x138800, s2  }
0xa: {  	s10 =	ssub.s32 $0x2, s2;
	s2 =	smul.u32 $0x7D00, s2;
	s8 =	sshrl.u32 s8, $0x2  }
0xb: {  	s6 =	smul.u32 $0x4E2, s4;
	s11 =	sshrl.u32 s10, $0x1;
	s16 =	sadd.s32 s8, s0  }
0xc: {  	s4 =	smul.u32 $0x7D00, s4;
	s23 =	sadd.s32 $0x1400, s16;
	[dreg:$0x5] =	wrdreg s16  }
0xd: {  	s10 =	ssub.s32 s10, s11;
	s24 =	sadd.s32 $0x2800, s16;
	[dreg:$0x7] =	wrdreg s23  }
0xe: {  	s11 =	sadd.s32 s22, s26;
	s25 =	sadd.s32 $0x3C00, s16;
	[dreg:$0x8] =	wrdreg s24  }
0xf: {  	s17 =	sadd.s32 s12, s30;
	s8 =	sadd.s32 $0x5000, s16;
	[dreg:$0x9] =	wrdreg s25  }
0x10: {  	s18 =	sshrl.u32 s30, $0x3;
	s28 =	sadd.s32 $0x6400, s16;
	[dreg:$0xa] =	wrdreg s8  }
0x11: {  	s7 =	sadd.s32 s6, s1;
	s6 =	sadd.s32 $0xCE00, s1;
	[dreg:$0xb] =	wrdreg s28  }
0x12: {  	s2 =	sadd.s32 s2, s13;
	s12 =	sadd.s32 $0xB400, s16;
	[dreg:$0x4] =	wrdreg s6  }
0x13: {  	s1 =	sadd.s32 $0xC8800, s1;
	s13 =	sadd.s32 $0xC800, s16;
	[dreg:$0x1b] =	wrdreg s12  }
0x14: {  	s4 =	sshrl.u32 s4, $0x3;
	s14 =	sadd.s32 $0xDC00, s16;
	[dreg:$0x1c] =	wrdreg s13  }
0x15: {  	s11 =	sshrl.u32 s11, $0x3;
	s7 =	sadd.s32 $0x3000, s7;
	[dreg:$0x1d] =	wrdreg s14  }
0x16: {  	s23 =	sadd.s32 s22, s3;
	s22 =	smax.u32 s10, $0x1;
	[dreg:$0x6] =	wrdreg s7  }
0x17: {  	s19 =	sadd.s32 $0x480, s2;
	s8 =	sadd.s32 $0x280, s2;
	[dreg:$0x12] =	wrdreg s22  }
0x18: {  	s15 =	sadd.s32 s6, s4;
	s10 =	sadd.s32 $0x8C00, s16;
	[dreg:$0x17] =	wrdreg s8  }
0x19: {  	s4 =	sadd.s32 s9, s18;
	s18 =	sadd.s32 $0x10400, s16;
	[dreg:$0x19] =	wrdreg s10  }
0x1a: {  	s21 =	sshrl.u32 s19, $0x3;
	s19 =	sadd.s32 $0x11800, s16;
	[dreg:$0x1f] =	wrdreg s18  }
0x1b: {  	s24 =	sadd.s32 $0x400, s2;
	s25 =	sadd.s32 $0x380, s2;
	[smem:$0x7F4] =	sst s19  }
0x1c: {  	s13 =	simm.s32 $0x1C800;
	s14 =	simm.s32 $0x5;
	[dreg:$0xd] =	wrdreg s15  }
0x1d: {  	s7 =	sshrl.u32 s26, $0x3;
	s20 =	sadd.s32 $0x27000, s4;
	[dreg:$0xc] =	wrdreg s23  }
0x1e: {  	s26 =	sadd.s32 $0x300, s2;
	s22 =	sadd.s32 $0x1A0, s23;
	[dreg:$0x11] =	wrdreg s20  }
0x1f: {  	s28 =	sshrl.u32 s25, $0x3;
	s25 =	sadd.s32 $0x2700, s3;
	[smem:$0x7F7] =	sst s22  }
0x20: {  	s7 =	sadd.s32 s1, s7;
	s1 =	sadd.s32 s1, s11;
	[smem:$0x7FD] =	sst s25  }
0x21: {  	s2 =	simm.s32 $0x2800;
	s20 =	sadd.s32 $0x12C00, s16;
	[dreg:$0xe] =	wrdreg s1  }
0x22: {  	s30 =	sshrl.u32 s26, $0x3;
	s26 =	sadd.s32 $0x20, s15;
	[smem:$0x7F5] =	sst s20  }
0x23: {  	s8 =	simm.s32 $0x2880;
	s11 =	sadd.s32 $0x4E0, s7;
	[smem:$0x7F9] =	sst s26  }
0x24: {  	s10 =	simm.s32 $0x2980;
	s7 =	sadd.s32 s30, s6;
	[dreg:$0xf] =	wrdreg s11  }
0x25: {  	s1 =	sshrl.u32 s17, $0x3;
	s17 =	sadd.s32 $0xF000, s16;
	[dreg:$0x16] =	wrdreg s7  }
0x26: {  	s19 =	simm.s32 $0x7;
	s30 =	sadd.s32 $0x40, s15;
	[dreg:$0x1e] =	wrdreg s17  }
0x27: {  	s18 =	simm.s32 $0xA;
	s1 =	sadd.s32 s9, s1;
	[smem:$0x7FB] =	sst s30  }
0x28: {  	s22 =	simm.s32 $0xB;
	s9 =	sadd.s32 $0x7800, s16;
	[dreg:$0x10] =	wrdreg s1  }
0x29: {  	s20 =	simm.s32 $0x3;
	s11 =	sadd.s32 $0xA000, s16;
	[dreg:$0x18] =	wrdreg s9  }
0x2a: {  	s26 =	simm.s32 $0x9;
	s1 =	sadd.s32 s21, s6;
	[dreg:$0x1a] =	wrdreg s11  }
0x2b: {  	s17 =	simm.s32 $0x2;
	s21 =	sadd.s32 $0xD0, s23;
	[dreg:$0x13] =	wrdreg s1  }
0x2c: {  	s11 =	sadd.s32 $0x138000, s0;
	s1 =	sshrl.u32 s24, $0x3;
	[smem:$0x7F6] =	sst s21  }
.Ltmp0:
0x2d: {  	s24 =	sadd.s32 $0x10, s15;
	[smem:$0x7FC] =	sst s11;
	(pc) =	sbr.rel .LBB2_1-.Ltmp0, $4  }
0x2e: {  	s9 =	simm.s32 $0x1B400;
	s1 =	sadd.s32 s1, s6;
	[smem:$0x7F8] =	sst s24  }
0x2f: {  	s21 =	simm.s32 $0x8;
	[dreg:$0x14] =	wrdreg s1;
	s1 =	sadd.s32 s28, s6  }
0x30: {  	s24 =	simm.s32 $0x28;
	s28 =	sadd.s32 $0x30, s15;
	[dreg:$0x15] =	wrdreg s1  }
0x31: {  	v0 =	vimm.f32 $0.0e+00;
	v1 =	vimm.f32 $1.000000000e+00;
	s15 =	simm.s32 $0x4;
	s6 =	simm.s32 $0x0;
	[smem:$0x7FA] =	sst s28  }
.LBB2_6:
0x32: {  	[bflag:$0x0] =	sbarrier.arrive $0xFFFF  }
0x33: {  	s6 =	simm.s32 $0x1C980;
	s23 =	rddreg [dreg:$0xc]  }
0x34: {  	[tilespmem:s6], [sflag:$0xB] =	stream.linear.gather [spmem:s23], $0x270, $0x38;
	[tilespmem:$0x1CE78] =	vst v63  }
0x35: {  	_ =	swait.ge [sflag:s22], $0x270  }
0x36: {  	[sflag:s22] =	ssyncset.done $0x0  }
0x37: {  	s1 =	simm.s32 $0x0;
	s4 =	rddreg [dreg:$0xe];
	[sflag:s22] =	ssyncadd.s32 $0xFFFFFD90  }
0x38: {  	[hbm4b:s4+s1] =	stream.linear.scatter [tilespmem:s6], [sflag:$0xB], $0x270, $0x38;
	[tilespmem:$0x1CE78] =	vst v63  }
0x39: {  	s1 =	stileid.u32  }
0x3a: {  	_ =	swait.ge [sflag:s22], $0x270;
	s1 =	sshll.u32 @p0 s1, $0x6  }
0x3b: {  	[sflag:s22] =	ssyncset.done $0x0;
	s1 =	sor.u32 @p0 $0x1C0B, s1;
	s16 =	rddreg [dreg:$0x5]  }
0x3c: {  	s11 =	rddreg [dreg:$0x10];
	[sflag:s22] =	ssyncadd.s32 $0xFFFFFD90;
	s4 =	sshrl.u32 @p0 s16, $0x3  }
0x3d: {  	[hbm:s11], [sflag:s1] =	dma.local @p0 [spmem:s4], $0x2700  }
0x3e: {  	s1 =	simm.s32 @p0 $0xB  }
0x3f: {  	_ =	swait.ge @p0 [sflag:s1], $0x2700  }
0x40: {  	s25 =	sld [smem:$0x7FD]  }
0x41: {  	[sflag:s1] =	ssyncset.done @p0 $0x0  }
0x42: {  	s4 =	simm.s32 @!p0 $0xB;
	[sflag:s1] =	ssyncadd.s32 @p0 $0xFFFFD900;
	s1 =	simm.s32 @!p0 $0x1C980  }
0x43: {  	[tilespmem:s1], [sflag:$0xB] =	stream.linear.gather @!p0 [spmem:s25], $0x10, $0x38;
	[tilespmem:$0x1CE78] =	vst v63  }
0x44: {  	_ =	swait.ge @!p0 [sflag:s4], $0x10  }
0x45: {  	[sflag:s4] =	ssyncset.done @!p0 $0x0  }
0x46: {  	s6 =	simm.s32 @!p0 $0x0;
	s7 =	rddreg [dreg:$0xf];
	[sflag:s4] =	ssyncadd.s32 @!p0 $0xFFFFFFF0  }
0x47: {  	[hbm4b:s7+s6] =	stream.linear.scatter @!p0 [tilespmem:s1], [sflag:$0xB], $0x10, $0x38;
	[tilespmem:$0x1CE78] =	vst v63  }
0x48: {  	_ =	swait.ge @!p0 [sflag:s4], $0x10  }
0x49: {  	[sflag:s4] =	ssyncset.done @!p0 $0x0  }
0x4a: {  	s1 =	sshrl.u32 @!p0 s16, $0x3;
	s6 =	simm.s32 @!p0 $0x1C0B;
	[sflag:s4] =	ssyncadd.s32 @!p0 $0xFFFFFFF0  }
0x4b: {  	[hbm:s11], [sflag:s6] =	dma.local @!p0 [spmem:s1], $0x2700  }
0x4c: {  	_ =	swait.ge @!p0 [sflag:s4], $0x2700  }
0x4d: {  	s11 =	sld [smem:$0x7FC];
	_ =	sdelay $0x1  }
0x4e: {  	[sflag:s4] =	ssyncset.done @!p0 $0x0  }
0x4f: {  	s7 =	rddreg [dreg:$0x11];
	[sflag:s4] =	ssyncadd.s32 @!p0 $0xFFFFD900;
	s1 =	sshrl.u32 @!p0 s11, $0x3  }
0x50: {  	[hbm:s7], [sflag:s6] =	dma.local @!p0 [spmem:s1], $0x100  }
0x51: {  	_ =	swait.ge @!p0 [sflag:s4], $0x100  }
0x52: {  	s28 =	sld [smem:$0x7F3];
	_ =	sdelay $0x2  }
0x53: {  	s30 =	rddreg [dreg:$0x12];
	s6 =	sadd.s32 $0x1, s28  }
0x54: {  	p1 =	sne.s32 s6, s30  }
.Ltmp1:
0x55: {  	_ = 	snop;
	(pc) =	sbr.rel @!p1 .LBB2_7-.Ltmp1, $3  }
0x56: {  	_ =	sdelay $0x1  }
0x57: {  	[sflag:s4] =	ssyncset.done @!p0 $0x0  }
0x58: {  	[sflag:s4] =	ssyncadd.s32 @!p0 $0xFFFFFF00  }
.LBB2_1:
0x59: {  	[smem:$0x7F3] =	sst s6;
	s4 =	simm.s32 $0x0;
	s7 =	simm.s32 $0x200  }
.LBB2_2:
0x5a: {  	p1 =	sne.s32 s7, $0x4E00;
	[tilespmem:s4+$0x16470] =	vst v0  }
0x5b: {  	[tilespmem:s4+$0x16400] =	vst v0  }
0x5c: {  	[tilespmem:s4+$0x16410] =	vst v0  }
.Ltmp2:
0x5d: {  	[tilespmem:s4+$0x16420] =	vst v0;
	(pc) =	sbr.rel @p1 .LBB2_2-.Ltmp2, $4  }
0x5e: {  	[tilespmem:s4+$0x16430] =	vst v0  }
0x5f: {  	[tilespmem:s4+$0x16440] =	vst v0  }
0x60: {  	[tilespmem:s4+$0x16450] =	vst v0  }
0x61: {  	[tilespmem:s4+$0x16460] =	vst v0;
	s4 =	sshra.s32 s7, $0x2;
	s7 =	sadd.s32 $0x200, s7  }
0x62: {  	[tilespmem:s4+$0x16470] =	vst v0  }
0x63: {  	[tilespmem:s4+$0x16400] =	vst v0  }
0x64: {  	[tilespmem:s4+$0x16410] =	vst v0  }
0x65: {  	[tilespmem:s4+$0x16420] =	vst v0  }
0x66: {  	[tilespmem:s4+$0x16430] =	vst v0  }
0x67: {  	[tilespmem:s4+$0x16440] =	vst v0  }
0x68: {  	[tilespmem:s4+$0x16450] =	vst v0  }
0x69: {  	[tilespmem:s4+$0x16460] =	vst v0;
	s1 =	simm.s32 $0x0;
	s12 =	rddreg [dreg:$0x6]  }
0x6a: {  	[tilespmem:s1], [sflag:$0xB] =	stream.linear.gather [hbm4b:s12+s1], $0x2710, $0x38;
	[tilespmem:$0x1CE78] =	vst v63  }
0x6b: {  	_ =	swait.ge [sflag:s22], $0x2710  }
0x6c: {  	[sflag:s22] =	ssyncset.done $0x0  }
0x6d: {  	s6 =	simm.s32 $0x16400;
	[sflag:s22] =	ssyncadd.s32 $0xFFFFD8F0  }
0x6e: {  	[spmem:s16] =	stream.linear.scatter [tilespmem:s6], [sflag:$0xB], $0x1400, $0x38;
	[tilespmem:$0x1CE78] =	vst v63  }
0x6f: {  	_ =	swait.ge [sflag:s22], $0x1400  }
0x70: {  	[sflag:s22] =	ssyncset.done $0x0  }
0x71: {  	s16 =	rddreg [dreg:$0x7];
	[sflag:s22] =	ssyncadd.s32 $0xFFFFEC00  }
0x72: {  	[spmem:s16] =	stream.linear.scatter [tilespmem:s6], [sflag:$0xB], $0x1400, $0x38;
	[tilespmem:$0x1CE78] =	vst v63  }
0x73: {  	_ =	swait.ge [sflag:s22], $0x1400  }
0x74: {  	[sflag:s22] =	ssyncset.done $0x0  }
0x75: {  	s28 =	rddreg [dreg:$0x8];
	[sflag:s22] =	ssyncadd.s32 $0xFFFFEC00  }
0x76: {  	[spmem:s28] =	stream.linear.scatter [tilespmem:s6], [sflag:$0xB], $0x1400, $0x38;
	[tilespmem:$0x1CE78] =	vst v63  }
0x77: {  	_ =	swait.ge [sflag:s22], $0x1400  }
0x78: {  	[sflag:s22] =	ssyncset.done $0x0  }
0x79: {  	s4 =	rddreg [dreg:$0x9];
	[sflag:s22] =	ssyncadd.s32 $0xFFFFEC00  }
0x7a: {  	[spmem:s4] =	stream.linear.scatter [tilespmem:s6], [sflag:$0xB], $0x1400, $0x38;
	[tilespmem:$0x1CE78] =	vst v63  }
0x7b: {  	_ =	swait.ge [sflag:s22], $0x1400  }
0x7c: {  	[sflag:s22] =	ssyncset.done $0x0  }
0x7d: {  	s7 =	rddreg [dreg:$0xa];
	[sflag:s22] =	ssyncadd.s32 $0xFFFFEC00  }
0x7e: {  	[spmem:s7] =	stream.linear.scatter [tilespmem:s6], [sflag:$0xB], $0x1400, $0x38;
	[tilespmem:$0x1CE78] =	vst v63  }
0x7f: {  	_ =	swait.ge [sflag:s22], $0x1400  }
0x80: {  	[sflag:s22] =	ssyncset.done $0x0  }
0x81: {  	s12 =	rddreg [dreg:$0xb];
	[sflag:s22] =	ssyncadd.s32 $0xFFFFEC00  }
0x82: {  	[spmem:s12] =	stream.linear.scatter [tilespmem:s6], [sflag:$0xB], $0x1400, $0x38;
	[tilespmem:$0x1CE78] =	vst v63  }
0x83: {  	_ =	swait.ge [sflag:s22], $0x1400  }
0x84: {  	[sflag:s22] =	ssyncset.done $0x0  }
0x85: {  	s16 =	rddreg [dreg:$0x18];
	[sflag:s22] =	ssyncadd.s32 $0xFFFFEC00  }
0x86: {  	[spmem:s16] =	stream.linear.scatter [tilespmem:s6], [sflag:$0xB], $0x1400, $0x38;
	[tilespmem:$0x1CE78] =	vst v63  }
0x87: {  	_ =	swait.ge [sflag:s22], $0x1400  }
0x88: {  	[sflag:s22] =	ssyncset.done $0x0  }
0x89: {  	s28 =	rddreg [dreg:$0x19];
	[sflag:s22] =	ssyncadd.s32 $0xFFFFEC00  }
0x8a: {  	[spmem:s28] =	stream.linear.scatter [tilespmem:s6], [sflag:$0xB], $0x1400, $0x38;
	[tilespmem:$0x1CE78] =	vst v63  }
0x8b: {  	_ =	swait.ge [sflag:s22], $0x1400  }
0x8c: {  	[sflag:s22] =	ssyncset.done $0x0  }
0x8d: {  	s4 =	rddreg [dreg:$0x1a];
	[sflag:s22] =	ssyncadd.s32 $0xFFFFEC00  }
0x8e: {  	[spmem:s4] =	stream.linear.scatter [tilespmem:s6], [sflag:$0xB], $0x1400, $0x38;
	[tilespmem:$0x1CE78] =	vst v63  }
0x8f: {  	_ =	swait.ge [sflag:s22], $0x1400  }
0x90: {  	[sflag:s22] =	ssyncset.done $0x0  }
0x91: {  	s7 =	rddreg [dreg:$0x1b];
	[sflag:s22] =	ssyncadd.s32 $0xFFFFEC00  }
0x92: {  	[spmem:s7] =	stream.linear.scatter [tilespmem:s6], [sflag:$0xB], $0x1400, $0x38;
	[tilespmem:$0x1CE78] =	vst v63  }
0x93: {  	_ =	swait.ge [sflag:s22], $0x1400  }
0x94: {  	[sflag:s22] =	ssyncset.done $0x0  }
0x95: {  	s12 =	rddreg [dreg:$0x1c];
	[sflag:s22] =	ssyncadd.s32 $0xFFFFEC00  }
0x96: {  	[spmem:s12] =	stream.linear.scatter [tilespmem:s6], [sflag:$0xB], $0x1400, $0x38;
	[tilespmem:$0x1CE78] =	vst v63  }
0x97: {  	_ =	swait.ge [sflag:s22], $0x1400  }
0x98: {  	[sflag:s22] =	ssyncset.done $0x0  }
0x99: {  	s16 =	rddreg [dreg:$0x1d];
	[sflag:s22] =	ssyncadd.s32 $0xFFFFEC00  }
0x9a: {  	[spmem:s16] =	stream.linear.scatter [tilespmem:s6], [sflag:$0xB], $0x1400, $0x38;
	[tilespmem:$0x1CE78] =	vst v63  }
0x9b: {  	_ =	swait.ge [sflag:s22], $0x1400  }
0x9c: {  	[sflag:s22] =	ssyncset.done $0x0  }
0x9d: {  	s28 =	rddreg [dreg:$0x1e];
	[sflag:s22] =	ssyncadd.s32 $0xFFFFEC00  }
0x9e: {  	[spmem:s28] =	stream.linear.scatter [tilespmem:s6], [sflag:$0xB], $0x1400, $0x38;
	[tilespmem:$0x1CE78] =	vst v63  }
0x9f: {  	_ =	swait.ge [sflag:s22], $0x1400  }
0xa0: {  	[sflag:s22] =	ssyncset.done $0x0  }
0xa1: {  	s4 =	rddreg [dreg:$0x1f];
	[sflag:s22] =	ssyncadd.s32 $0xFFFFEC00  }
0xa2: {  	[spmem:s4] =	stream.linear.scatter [tilespmem:s6], [sflag:$0xB], $0x1400, $0x38;
	[tilespmem:$0x1CE78] =	vst v63  }
0xa3: {  	_ =	swait.ge [sflag:s22], $0x1400  }
0xa4: {  	s7 =	sld [smem:$0x7F4]  }
0xa5: {  	[sflag:s22] =	ssyncset.done $0x0  }
0xa6: {  	[sflag:s22] =	ssyncadd.s32 $0xFFFFEC00  }
0xa7: {  	[spmem:s7] =	stream.linear.scatter [tilespmem:s6], [sflag:$0xB], $0x1400, $0x38;
	[tilespmem:$0x1CE78] =	vst v63  }
0xa8: {  	_ =	swait.ge [sflag:s22], $0x1400  }
0xa9: {  	s12 =	sld [smem:$0x7F5]  }
0xaa: {  	[sflag:s22] =	ssyncset.done $0x0  }
0xab: {  	[sflag:s22] =	ssyncadd.s32 $0xFFFFEC00  }
0xac: {  	[spmem:s12] =	stream.linear.scatter [tilespmem:s6], [sflag:$0xB], $0xC00, $0x38;
	[tilespmem:$0x1CE78] =	vst v63  }
0xad: {  	_ =	swait.ge [sflag:s22], $0xC00  }
0xae: {  	[sflag:s22] =	ssyncset.done $0x0  }
0xaf: {  	s4 =	simm.s32 @!p0 $0x16400;
	[sflag:s22] =	ssyncadd.s32 $0xFFFFF400  }
0xb0: {  	[spmem:s11] =	stream.linear.scatter @!p0 [tilespmem:s4], [sflag:$0xB], $0x800, $0x38;
	[tilespmem:$0x1CE78] =	vst v63  }
0xb1: {  	s4 =	simm.s32 @!p0 $0xB  }
0xb2: {  	_ =	swait.ge @!p0 [sflag:s4], $0x800  }
0xb3: {  	[sflag:s4] =	ssyncset.done @!p0 $0x0  }
0xb4: {  	[sflag:s4] =	ssyncadd.s32 @!p0 $0xFFFFF800  }
0xb5: {  	[tilespmem:$0x1C800] =	vst v1  }
0xb6: {  	[tilespmem:$0x1C810] =	vst v1  }
0xb7: {  	[tilespmem:$0x1C880] =	vst v0  }
0xb8: {  	[tilespmem:$0x1C890] =	vst v0  }
0xb9: {  	[tilespmem:$0x1C8A0] =	vst v0  }
0xba: {  	[tilespmem:$0x1C8B0] =	vst v0  }
0xbb: {  	[tilespmem:$0x1C8C0] =	vst v0  }
0xbc: {  	[tilespmem:$0x1C8D0] =	vst v0  }
0xbd: {  	[tilespmem:$0x1C8E0] =	vst v0  }
0xbe: {  	[tilespmem:$0x1C8F0] =	vst v0  }
0xbf: {  	[tilespmem:$0x1C900] =	vst v0  }
0xc0: {  	[tilespmem:$0x1C910] =	vst v0  }
0xc1: {  	[tilespmem:$0x1C920] =	vst v0  }
0xc2: {  	[tilespmem:$0x1C930] =	vst v0  }
0xc3: {  	[tilespmem:$0x1C940] =	vst v0  }
0xc4: {  	s7 =	simm.s32 $0x1C880;
	[tilespmem:$0x1C818] =	vst v1  }
0xc5: {  	[spmem:s23] =	stream.linear.scatter [tilespmem:s7], [sflag:$0xB], $0xD0, $0x38;
	[tilespmem:$0x1CE78] =	vst v63  }
0xc6: {  	_ =	swait.ge [sflag:s22], $0xD0  }
0xc7: {  	s16 =	sld [smem:$0x7F6]  }
0xc8: {  	[sflag:s22] =	ssyncset.done $0x0  }
0xc9: {  	[sflag:s22] =	ssyncadd.s32 $0xFFFFFF30  }
0xca: {  	[spmem:s16] =	stream.linear.scatter [tilespmem:s7], [sflag:$0xB], $0xD0, $0x38;
	[tilespmem:$0x1CE78] =	vst v63  }
0xcb: {  	_ =	swait.ge [sflag:s22], $0xD0  }
0xcc: {  	s23 =	sld [smem:$0x7F7]  }
0xcd: {  	[sflag:s22] =	ssyncset.done $0x0  }
0xce: {  	[sflag:s22] =	ssyncadd.s32 $0xFFFFFF30  }
0xcf: {  	[spmem:s23] =	stream.linear.scatter [tilespmem:s7], [sflag:$0xB], $0xD0, $0x38;
	[tilespmem:$0x1CE78] =	vst v63  }
0xd0: {  	_ =	swait.ge [sflag:s22], $0xD0  }
0xd1: {  	[sflag:s22] =	ssyncset.done $0x0  }
0xd2: {  	s7 =	simm.s32 @!p0 $0x1C880;
	[sflag:s22] =	ssyncadd.s32 $0xFFFFFF30  }
0xd3: {  	[spmem:s25] =	stream.linear.scatter @!p0 [tilespmem:s7], [sflag:$0xB], $0x10, $0x38;
	[tilespmem:$0x1CE78] =	vst v63  }
0xd4: {  	_ =	swait.ge @!p0 [sflag:s4], $0x10  }
0xd5: {  	[sflag:s4] =	ssyncset.done @!p0 $0x0  }
0xd6: {  	[sflag:s4] =	ssyncadd.s32 @!p0 $0xFFFFFFF0  }
0xd7: {  	s16 =	simm.s32 $0x0;
	[bflag:$0x0] =	sbarrier.arrive $0xFFFF  }
0xd8: {  	[tilespmem:s6], [sflag:$0x1] =	stream.indirect.gather [hbm4b:s5+s24], $0x80, s16, s24, $0xb8;
	[tilespmem:$0x1CE78] =	vst v63  }
0xd9: {  	s28 =	rddreg [dreg:$0xd]  }
0xda: {  	[tilespmem:s31], [sflag:$0x6] =	stream.linear.gather [hbm4b:s28+s16], $0x80, $0x38;
	[tilespmem:$0x1CE78] =	vst v63  }
0xdb: {  	s4 =	simm.s32 $0x17800;
	s6 =	sld [smem:$0x7F8]  }
0xdc: {  	[tilespmem:s4], [sflag:$0x2] =	stream.indirect.gather [hbm4b:s5+s24], $0x80, s24, s24, $0xb8;
	[tilespmem:$0x1CE78] =	vst v63  }
0xdd: {  	s12 =	sld [smem:$0x7F9]  }
0xde: {  	[tilespmem:s2], [sflag:$0x7] =	stream.linear.gather [hbm4b:s6+s16], $0x80, $0x38;
	[tilespmem:$0x1CE78] =	vst v63  }
0xdf: {  	s11 =	simm.s32 $0x18C00;
	s7 =	simm.s32 $0x50;
	s30 =	rddreg [dreg:$0x13]  }
0xe0: {  	[tilespmem:s11], [sflag:$0x3] =	stream.indirect.gather [hbm4b:s5+s24], $0x80, s7, s24, $0xb8;
	[tilespmem:$0x1CE78] =	vst v63  }
0xe1: {  	s28 =	sld [smem:$0x7FA]  }
0xe2: {  	[tilespmem:s8], [sflag:$0x8] =	stream.linear.gather [hbm4b:s12+s16], $0x80, $0x38;
	[tilespmem:$0x1CE78] =	vst v63  }
0xe3: {  	s23 =	simm.s32 $0x78;
	s25 =	simm.s32 $0x1A000;
	s31 =	sld [smem:$0x7FB]  }
0xe4: {  	[tilespmem:s25], [sflag:$0x4] =	stream.indirect.gather [hbm4b:s5+s24], $0x80, s23, s24, $0xb8;
	[tilespmem:$0x1CE78] =	vst v63  }
0xe5: {  	s4 =	rddreg [dreg:$0x15]  }
0xe6: {  	[tilespmem:s29], [sflag:$0x9] =	stream.linear.gather [hbm4b:s28+s16], $0x80, $0x38;
	[tilespmem:$0x1CE78] =	vst v63  }
0xe7: {  	s7 =	rddreg [dreg:$0x17];
	s29 =	simm.s32 $0xA0  }
0xe8: {  	[tilespmem:s9], [sflag:$0x5] =	stream.indirect.gather [hbm4b:s5+s24], $0x80, s29, s24, $0xb8;
	[tilespmem:$0x1CE78] =	vst v63  }
0xe9: {  	s11 =	rddreg [dreg:$0x16]  }
0xea: {  	[tilespmem:s10], [sflag:$0xA] =	stream.linear.gather [hbm4b:s31+s16], $0x80, $0x38;
	[tilespmem:$0x1CE78] =	vst v63  }
0xeb: {  	s12 =	simm.s32 $0x2980;
	s25 =	rddreg [dreg:$0x14];
	s10 =	simm.s32 $0x1B400  }
.LBB2_4:
0xec: {  	s1 =	simm.s32 $0x1  }
0xed: {  	_ =	swait.ge [sflag:s1], $0x1400  }
0xee: {  	[sflag:s1] =	ssyncset.done $0x0  }
0xef: {  	s2 =	simm.s32 $0x6;
	[sflag:s1] =	ssyncadd.s32 $0xFFFFEC00  }
0xf0: {  	_ =	swait.ge [sflag:s2], $0x80  }
0xf1: {  	[sflag:s2] =	ssyncset.done $0x0  }
0xf2: {  	s6 =	simm.s32 $0x2780;
	[sflag:s2] =	ssyncadd.s32 $0xFFFFFF80;
	s2 =	simm.s32 $0x16400  }
0xf3: {  	[spmem:s0] =	stream.indirect.scatter.add.f32 [tilespmem:s2], [sflag:$0xB], $0x80, s6, s24, $0xb8;
	[tilespmem:$0x1CE78] =	vst v63  }
0xf4: {  	_ =	swait.ge [sflag:s22], $0x1400  }
0xf5: {  	[sflag:s22] =	ssyncset.done $0x0  }
0xf6: {  	[sflag:s22] =	ssyncadd.s32 $0xFFFFEC00  }
0xf7: {  	[spmem:s3] =	stream.indirect.scatter.add.f32 [tilespmem:s13], [sflag:$0xB], $0x1, s6, s24, $0xb8;
	[tilespmem:$0x1CE78] =	vst v63  }
0xf8: {  	p1 =	seq.s32 s16, $0x9920;
	_ =	swait.ge [sflag:s22], $0x28  }
0xf9: {  	s28 =	simm.s32 @!p1 $0x16400;
	s1 =	sshra.s32 @!p1 s16, $0x2;
	[sflag:s22] =	ssyncset.done $0x0  }
0xfa: {  	s23 =	sadd.s32 @!p1 $0xC8, s1;
	s6 =	simm.s32 @!p1 $0x28;
	[sflag:s22] =	ssyncadd.s32 $0xFFFFFFD8  }
0xfb: {  	[tilespmem:s28], [sflag:$0x1] =	stream.indirect.gather @!p1 [hbm4b:s5+s6], $0x80, s23, s6, $0xb8;
	[tilespmem:$0x1CE78] =	vst v63  }
0xfc: {  	s23 =	sshrl.u32 @!p1 s7, $0x3;
	s28 =	rddreg [dreg:$0x4]  }
0xfd: {  	s29 =	simm.s32 @!p1 $0x2780;
	s23 =	sadd.s32 @!p1 s28, s23;
	s28 =	simm.s32 @!p1 $0x0  }
0xfe: {  	[tilespmem:s29], [sflag:$0x6] =	stream.linear.gather @!p1 [hbm4b:s23+s28], $0x80, $0x38;
	[tilespmem:$0x1CE78] =	vst v63  }
0xff: {  	_ =	swait.ge [sflag:s17], $0x1400  }
0x100: {  	[sflag:s17] =	ssyncset.done $0x0  }
0x101: {  	[sflag:s17] =	ssyncadd.s32 $0xFFFFEC00  }
0x102: {  	_ =	swait.ge [sflag:s19], $0x80  }
0x103: {  	[sflag:s19] =	ssyncset.done $0x0  }
0x104: {  	s8 =	simm.s32 $0x17800;
	s29 =	simm.s32 $0x2800;
	[sflag:s19] =	ssyncadd.s32 $0xFFFFFF80  }
0x105: {  	[spmem:s0] =	stream.indirect.scatter.add.f32 [tilespmem:s8], [sflag:$0xB], $0x80, s29, s24, $0xb8;
	[tilespmem:$0x1CE78] =	vst v63  }
0x106: {  	_ =	swait.ge [sflag:s22], $0x1400  }
0x107: {  	[sflag:s22] =	ssyncset.done $0x0  }
0x108: {  	[sflag:s22] =	ssyncadd.s32 $0xFFFFEC00  }
0x109: {  	[spmem:s3] =	stream.indirect.scatter.add.f32 [tilespmem:s13], [sflag:$0xB], $0x1, s29, s24, $0xb8;
	[tilespmem:$0x1CE78] =	vst v63  }
0x10a: {  	_ =	swait.ge [sflag:s22], $0x28  }
0x10b: {  	[sflag:s22] =	ssyncset.done $0x0  }
0x10c: {  	s23 =	sadd.s32 @!p1 $0xF0, s1;
	s29 =	simm.s32 @!p1 $0x17800;
	[sflag:s22] =	ssyncadd.s32 $0xFFFFFFD8  }
0x10d: {  	[tilespmem:s29], [sflag:$0x2] =	stream.indirect.gather @!p1 [hbm4b:s5+s6], $0x80, s23, s6, $0xb8;
	[tilespmem:$0x1CE78] =	vst v63  }
0x10e: {  	s23 =	simm.s32 @!p1 $0x2800  }
0x10f: {  	[tilespmem:s23], [sflag:$0x7] =	stream.linear.gather @!p1 [hbm4b:s11+s28], $0x80, $0x38;
	[tilespmem:$0x1CE78] =	vst v63  }
0x110: {  	_ =	swait.ge [sflag:s20], $0x1400  }
0x111: {  	[sflag:s20] =	ssyncset.done $0x0  }
0x112: {  	[sflag:s20] =	ssyncadd.s32 $0xFFFFEC00  }
0x113: {  	_ =	swait.ge [sflag:s21], $0x80  }
0x114: {  	[sflag:s21] =	ssyncset.done $0x0  }
0x115: {  	s9 =	simm.s32 $0x18C00;
	s29 =	simm.s32 $0x2880;
	[sflag:s21] =	ssyncadd.s32 $0xFFFFFF80  }
0x116: {  	[spmem:s0] =	stream.indirect.scatter.add.f32 [tilespmem:s9], [sflag:$0xB], $0x80, s29, s24, $0xb8;
	[tilespmem:$0x1CE78] =	vst v63  }
0x117: {  	_ =	swait.ge [sflag:s22], $0x1400  }
0x118: {  	[sflag:s22] =	ssyncset.done $0x0  }
0x119: {  	[sflag:s22] =	ssyncadd.s32 $0xFFFFEC00  }
0x11a: {  	[spmem:s3] =	stream.indirect.scatter.add.f32 [tilespmem:s13], [sflag:$0xB], $0x1, s29, s24, $0xb8;
	[tilespmem:$0x1CE78] =	vst v63  }
0x11b: {  	_ =	swait.ge [sflag:s22], $0x28  }
0x11c: {  	[sflag:s22] =	ssyncset.done $0x0  }
0x11d: {  	s23 =	sadd.s32 @!p1 $0x118, s1;
	s29 =	simm.s32 @!p1 $0x18C00;
	[sflag:s22] =	ssyncadd.s32 $0xFFFFFFD8  }
0x11e: {  	[tilespmem:s29], [sflag:$0x3] =	stream.indirect.gather @!p1 [hbm4b:s5+s6], $0x80, s23, s6, $0xb8;
	[tilespmem:$0x1CE78] =	vst v63  }
0x11f: {  	s23 =	simm.s32 @!p1 $0x2880  }
0x120: {  	[tilespmem:s23], [sflag:$0x8] =	stream.linear.gather @!p1 [hbm4b:s4+s28], $0x80, $0x38;
	[tilespmem:$0x1CE78] =	vst v63  }
0x121: {  	_ =	swait.ge [sflag:s15], $0x1400  }
0x122: {  	[sflag:s15] =	ssyncset.done $0x0  }
0x123: {  	[sflag:s15] =	ssyncadd.s32 $0xFFFFEC00  }
0x124: {  	_ =	swait.ge [sflag:s26], $0x80  }
0x125: {  	[sflag:s26] =	ssyncset.done $0x0  }
0x126: {  	s9 =	simm.s32 $0x2900;
	s23 =	simm.s32 $0x1A000;
	[sflag:s26] =	ssyncadd.s32 $0xFFFFFF80  }
0x127: {  	[spmem:s0] =	stream.indirect.scatter.add.f32 [tilespmem:s23], [sflag:$0xB], $0x80, s9, s24, $0xb8;
	[tilespmem:$0x1CE78] =	vst v63  }
0x128: {  	_ =	swait.ge [sflag:s22], $0x1400  }
0x129: {  	[sflag:s22] =	ssyncset.done $0x0  }
0x12a: {  	[sflag:s22] =	ssyncadd.s32 $0xFFFFEC00  }
0x12b: {  	[spmem:s3] =	stream.indirect.scatter.add.f32 [tilespmem:s13], [sflag:$0xB], $0x1, s9, s24, $0xb8;
	[tilespmem:$0x1CE78] =	vst v63  }
0x12c: {  	_ =	swait.ge [sflag:s22], $0x28  }
0x12d: {  	[sflag:s22] =	ssyncset.done $0x0  }
0x12e: {  	s1 =	sadd.s32 @!p1 $0x140, s1;
	s23 =	simm.s32 @!p1 $0x1A000;
	[sflag:s22] =	ssyncadd.s32 $0xFFFFFFD8  }
0x12f: {  	[tilespmem:s23], [sflag:$0x4] =	stream.indirect.gather @!p1 [hbm4b:s5+s6], $0x80, s1, s6, $0xb8;
	[tilespmem:$0x1CE78] =	vst v63  }
0x130: {  	s1 =	simm.s32 @!p1 $0x2900  }
0x131: {  	[tilespmem:s1], [sflag:$0x9] =	stream.linear.gather @!p1 [hbm4b:s25+s28], $0x80, $0x38;
	[tilespmem:$0x1CE78] =	vst v63  }
0x132: {  	_ =	swait.ge [sflag:s14], $0x1400  }
0x133: {  	[sflag:s14] =	ssyncset.done $0x0  }
0x134: {  	[sflag:s14] =	ssyncadd.s32 $0xFFFFEC00  }
0x135: {  	_ =	swait.ge [sflag:s18], $0x80  }
0x136: {  	[sflag:s18] =	ssyncset.done $0x0  }
0x137: {  	[sflag:s18] =	ssyncadd.s32 $0xFFFFFF80  }
0x138: {  	[spmem:s0] =	stream.indirect.scatter.add.f32 [tilespmem:s10], [sflag:$0xB], $0x80, s12, s24, $0xb8;
	[tilespmem:$0x1CE78] =	vst v63  }
0x139: {  	_ =	swait.ge [sflag:s22], $0x1400  }
0x13a: {  	[sflag:s22] =	ssyncset.done $0x0  }
.Ltmp3:
0x13b: {  	[sflag:s22] =	ssyncadd.s32 $0xFFFFEC00;
	(pc) =	sbr.rel @p1 .LBB2_6-.Ltmp3, $4  }
0x13c: {  	[spmem:s3] =	stream.indirect.scatter.add.f32 [tilespmem:s13], [sflag:$0xB], $0x1, s12, s24, $0xb8;
	[tilespmem:$0x1CE78] =	vst v63  }
0x13d: {  	s31 =	simm.s32 $0x2780;
	s2 =	simm.s32 $0x2800;
	_ =	swait.ge [sflag:s22], $0x28  }
0x13e: {  	s8 =	simm.s32 $0x2880;
	s29 =	simm.s32 $0x2900;
	[sflag:s22] =	ssyncset.done $0x0  }
0x13f: {  	s9 =	simm.s32 $0x1B400;
	s10 =	simm.s32 $0x2980;
	[sflag:s22] =	ssyncadd.s32 $0xFFFFFFD8  }
0x140: {  	s1 =	sshra.s32 s16, $0x2;
	s31 =	simm.s32 $0x0;
	s16 =	sadd.s32 $0x320, s16  }
.Ltmp4:
0x141: {  	s25 =	sadd.s32 $0x50, s25;
	s1 =	sadd.s32 $0x168, s1;
	(pc) =	sbr.rel .LBB2_4-.Ltmp4, $4  }
0x142: {  	[tilespmem:s9], [sflag:$0x5] =	stream.indirect.gather [hbm4b:s5+s24], $0x80, s1, s24, $0xb8;
	[tilespmem:$0x1CE78] =	vst v63  }
0x143: {  	s4 =	sadd.s32 $0x50, s4;
	s11 =	sadd.s32 $0x50, s11;
	s7 =	sadd.s32 $0x280, s7  }
0x144: {  	[tilespmem:s10], [sflag:$0xA] =	stream.linear.gather [hbm4b:s30+s31], $0x80, $0x38;
	[tilespmem:$0x1CE78] =	vst v63  }
0x145: {  	s12 =	simm.s32 $0x2980;
	s30 =	sadd.s32 $0x50, s30;
	s10 =	simm.s32 $0x1B400  }
.LBB2_7:
0x146: {  	_ =	sfence.sel $0x180000  }
0x147: {  	[bflag:$0x0] =	sbarrier.arrive $0xFFFF  }
0x148: {  	_ =	strace $0x90000047  }
0x149: {  	[bflag:$0x2] =	sbarrier.arrive $0xFFFF  }
0x14a: {  	s0 =	rddreg [dreg:$0x3]  }
0x14b: {  	s0 =	sadd.s32 @!p0 $0x100000, s0  }
0x14c: {  	[sflag:s0] =	ssyncadd.tile.s32 @!p0 $0x1;
	_ =	shalt  }
.Lfunc_end2:
_tile_overlayer_lowered:
.L_overlay_start_2:
0x14d: {  	(tag) =	ssettag $0x2  }
0x14e: {  	s0 =	rddreg [dreg:$0x0];
	s2 =	stileid.u32  }
0x14f: {  	s1 =	rddreg [dreg:$0x1];
	p0 =	sne.s32 s2, $0x0  }
0x150: {  	s3 =	rddreg [dreg:$0x2];
	[bflag:$0x3] =	sbarrier.arrive $0xFFFF;
	s2 =	simm.s32 @!p0 $0x1C0B  }
0x151: {  	[timem:s3], [sflag:s2] =	dma.local @!p0 [hbm:s0], s1  }
0x152: {  	s0 =	simm.s32 @!p0 $0xB  }
0x153: {  	_ =	swait.ge @!p0 [sflag:s0], s1  }
0x154: {  	s1 =	ssub.s32 @!p0 $0x0, s1;
	[sflag:s0] =	ssyncset.done @!p0 $0x0  }
0x155: {  	[sflag:s0] =	ssyncadd.s32 @!p0 s1  }
0x156: {  	[bflag:$0x3] =	sbarrier.arrive $0xFFFF  }
0x157: {  	_ =	shalt  }

</sc_bundles>
